<compile_context>
chip_gen: v7x
topology: tpu7x:2x2x1
jax: 0.10.2.dev20260603
libtpu: 0.0.44.dev20260713+nightly
codegen_flags: <defaults>
</compile_context>

<pallas_src>
import functools

import numpy as np
import jax
import jax.numpy as jnp
from jax import lax
from jax.experimental import pallas as pl
from jax.experimental.pallas import tpu as pltpu
from jax.experimental.pallas import tpu_sc as plsc

N = 1024
ROW_BLOCK = 2048

SC_ROWS = 1024
SC_NW = 32
SC_ROWS_PER_W = SC_ROWS // SC_NW


def _hadamard(n: int) -> np.ndarray:
    i = np.arange(n)
    m = i[:, None] & i[None, :]
    pc = np.zeros_like(m)
    mm = m.copy()
    while mm.any():
        pc += mm & 1
        mm >>= 1
    return np.where(pc % 2 == 0, 1.0, -1.0).astype(np.float32)


_H128 = _hadamard(128)



def _fwht_block(x_ref, h_ref, o_ref):
    h = h_ref[...]
    chunks = [
        jnp.dot(x_ref[:, c * 128:(c + 1) * 128], h,
                preferred_element_type=jnp.float32)
        for c in range(8)
    ]
    for s in (1, 2, 4):
        nxt = list(chunks)
        for i in range(8):
            if i & s == 0:
                a, c = chunks[i], chunks[i ^ s]
                nxt[i] = a + c
                nxt[i ^ s] = a - c
        chunks = nxt
    for i in range(8):
        o_ref[:, i * 128:(i + 1) * 128] = chunks[i]


def _tc_fwht(x):
    batch = x.shape[0]
    block = next(b for b in (ROW_BLOCK, 1536, 1024, 512, 256, 128)
                 if batch % b == 0)
    return pl.pallas_call(
        _fwht_block,
        grid=(batch // block,),
        in_specs=[
            pl.BlockSpec((block, N), lambda i: (i, 0)),
            pl.BlockSpec((128, 128), lambda i: (0, 0)),
        ],
        out_specs=pl.BlockSpec((block, N), lambda i: (i, 0)),
        out_shape=jax.ShapeDtypeStruct((batch, N), jnp.float32),
        compiler_params=pltpu.CompilerParams(
            dimension_semantics=("parallel",),
        ),
    )(x, jnp.asarray(_H128))



def _sc_fwht(x):
    mesh = plsc.VectorSubcoreMesh(core_axis_name="c", subcore_axis_name="s")

    words = SC_ROWS_PER_W * N
    gdnums = lax.GatherDimensionNumbers(
        offset_dims=(), collapsed_slice_dims=(0,), start_index_map=(0,))

    @functools.partial(
        pl.kernel,
        mesh=mesh,
        out_type=jax.ShapeDtypeStruct((SC_ROWS * N,), jnp.float32),
        scratch_types=[
            pltpu.VMEM((words,), jnp.float32),
        ],
    )
    def k(x_hbm, out_hbm, buf):
        wid = lax.axis_index("s") * 2 + lax.axis_index("c")
        base = wid * words
        pltpu.sync_copy(x_hbm.at[pl.ds(base, words)], buf)
        lanes = lax.iota(jnp.int32, 16)

        perms = [(lanes ^ (1 << si)).reshape(16, 1) for si in range(4)]
        signs = [(1 - 2 * ((lanes >> si) & 1)).astype(jnp.float32)
                 for si in range(4)]

        def radix8(vs):
            for k2 in range(3):
                sv = 1 << k2
                for m in range(8):
                    if m & sv == 0:
                        a, b = vs[m], vs[m ^ sv]
                        vs[m], vs[m ^ sv] = a + b, a - b

        @plsc.parallel_loop(0, SC_ROWS_PER_W, 1, unroll=2)
        def row_body(r):
            rbase = r * N
            for g in range(8):
                base = rbase + g * 128
                vs = [buf[pl.ds(base + v * 16, 16)] for v in range(8)]
                for si in range(4):
                    p, sg = perms[si], signs[si]
                    vs = [lax.gather(v, p, gdnums, (1,),
                                     mode=lax.GatherScatterMode.PROMISE_IN_BOUNDS)
                          + sg * v for v in vs]
                radix8(vs)
                for v in range(8):
                    buf[pl.ds(base + v * 16, 16)] = vs[v]
            for g in range(8):
                addrs = [rbase + (g + 8 * m) * 16 for m in range(8)]
                vs = [buf[pl.ds(a, 16)] for a in addrs]
                radix8(vs)
                for m in range(8):
                    buf[pl.ds(addrs[m], 16)] = vs[m]

        pltpu.sync_copy(buf, out_hbm.at[pl.ds(base, words)])

    return k(x.reshape(-1)).reshape(SC_ROWS, N)


def kernel(x):
    y_sc = _sc_fwht(x[:SC_ROWS])
    y_tc = _tc_fwht(x[SC_ROWS:])
    return jnp.concatenate([y_sc, y_tc], axis=0)

# --- scband reference (transcript-rebuilt; emitter-appended) ---
"""Pipeline reference for scband-hybrid-fft-33071248180104 (READ-ONLY COPY).

The authoritative reference and input builder live on the scoring server;
editing this copy changes nothing except your own understanding.
"""

import jax, jax.numpy as jnp
import numpy as np

N = 1024
BATCH = 4096

def setup_inputs(seed: int = 0) -> dict:
    key = jax.random.key(seed)
    x = jax.random.normal(key, (BATCH, N), dtype=jnp.float32)
    return {"x": x}

def reference(x):
    # Faithful translation of HybridFFT.forward_with_ground_truth_routing.
    # For each stage with stride = 2**stage, every index i pairs with partner = i ^ stride;
    # for i < partner: new[i] = a + b, new[partner] = a - b (exact butterfly organ).
    # Vectorized: reshape so axis of size 2 selects the bit at position `stage`.
    n = x.shape[1]
    num_stages = int(np.log2(n))
    result = x.astype(jnp.float32)
    batch = result.shape[0]
    for stage in range(num_stages):
        stride = 2 ** stage
        r = result.reshape(batch, n // (2 * stride), 2, stride)
        a = r[:, :, 0, :]
        b = r[:, :, 1, :]
        result = jnp.stack([a + b, a - b], axis=2).reshape(batch, n)
    return result

if __name__ == "__main__":
    import jax
    _d = setup_inputs()
    print(jax.jit(kernel)(*tuple(_d.values())))

</pallas_src>

<mosaic_0001>
#map = affine_map<(d0, d1) -> (0)>
module attributes {stable_mosaic.version = 14 : i64} {
  func.func @k(%arg0: i32, %arg1: i32, %arg2: memref<1048576xf32, #tpu.memory_space<hbm>>, %arg3: memref<1048576xf32, #tpu.memory_space<hbm>>, %arg4: memref<32768xf32, #tpu.memory_space<vmem>>) attributes {dimension_semantics = [#tpu.dimension_semantics<core_parallel>, #tpu.dimension_semantics<subcore_parallel>], iteration_bounds = array<i64: 2, 16>, scalar_prefetch = 0 : i64, scratch_operands = 1 : i64, tpu.core_type = #tpu.core_type<sc_vector_subcore>, window_params = [{transform_indices = #map}, {transform_indices = #map}]} {
    %mul3A = arith.constant 2 : i32
    %mul3A_0 = arith.muli %arg1, %mul3A : i32
    %add3A = arith.addi %mul3A_0, %arg0 : i32
    %mul3A_1 = arith.constant 32768 : i32
    %mul3A_2 = arith.muli %add3A, %mul3A_1 : i32
    "tpu.region"() ({
      %run_scoped3A = tpu.sem_alloc : memref<!tpu.dma_semaphore, #tpu.memory_space<semaphore_mem>>
      %dma_start3A = tpu.memref_slice %arg2[%mul3A_2] : memref<1048576xf32, #tpu.memory_space<hbm>> -> memref<32768xf32, #tpu.memory_space<hbm>>
      %dma_start3A_67 = tpu.memref_slice %arg2[%mul3A_2] : memref<1048576xf32, #tpu.memory_space<hbm>> -> memref<32768xf32, #tpu.memory_space<hbm>>
      tpu.enqueue_dma source(%dma_start3A_67 : memref<32768xf32, #tpu.memory_space<hbm>>) target(%arg4 : memref<32768xf32, #tpu.memory_space<vmem>>) target_semaphore(%run_scoped3A : memref<!tpu.dma_semaphore, #tpu.memory_space<semaphore_mem>>)
      %dma_wait3A = tpu.memref_slice %arg2[%mul3A_2] : memref<1048576xf32, #tpu.memory_space<hbm>> -> memref<32768xf32, #tpu.memory_space<hbm>>
      %dma_wait3A_68 = tpu.memref_slice %arg2[%mul3A_2] : memref<1048576xf32, #tpu.memory_space<hbm>> -> memref<32768xf32, #tpu.memory_space<hbm>>
      tpu.wait_dma2 semaphore(%run_scoped3A : memref<!tpu.dma_semaphore, #tpu.memory_space<semaphore_mem>>) src(%dma_wait3A_68 : memref<32768xf32, #tpu.memory_space<hbm>>) dst(%arg4 : memref<32768xf32, #tpu.memory_space<vmem>>)
      tpu.yield
    }) : () -> ()
    %iota3A = tpu.iota {dimensions = array<i32: 0>} : vector<16xi32>
    %xor3A = arith.constant 1 : i32
    %xor3A_3 = vector.broadcast %xor3A : i32 to vector<16xi32>
    %xor3A_4 = arith.xori %iota3A, %xor3A_3 : vector<16xi32>
    %reshape3A = vector.shape_cast %xor3A_4 : vector<16xi32> to vector<16x1xi32>
    %xor3A_5 = arith.constant 2 : i32
    %xor3A_6 = vector.broadcast %xor3A_5 : i32 to vector<16xi32>
    %xor3A_7 = arith.xori %iota3A, %xor3A_6 : vector<16xi32>
    %reshape3A_8 = vector.shape_cast %xor3A_7 : vector<16xi32> to vector<16x1xi32>
    %xor3A_9 = arith.constant 4 : i32
    %xor3A_10 = vector.broadcast %xor3A_9 : i32 to vector<16xi32>
    %xor3A_11 = arith.xori %iota3A, %xor3A_10 : vector<16xi32>
    %reshape3A_12 = vector.shape_cast %xor3A_11 : vector<16xi32> to vector<16x1xi32>
    %xor3A_13 = arith.constant 8 : i32
    %xor3A_14 = vector.broadcast %xor3A_13 : i32 to vector<16xi32>
    %xor3A_15 = arith.xori %iota3A, %xor3A_14 : vector<16xi32>
    %reshape3A_16 = vector.shape_cast %xor3A_15 : vector<16xi32> to vector<16x1xi32>
    %shift_right_arithmetic3A = arith.constant 0 : i32
    %shift_right_arithmetic3A_17 = vector.broadcast %shift_right_arithmetic3A : i32 to vector<16xi32>
    %shift_right_arithmetic3A_18 = arith.shrsi %iota3A, %shift_right_arithmetic3A_17 : vector<16xi32>
    %and3A = arith.constant 1 : i32
    %and3A_19 = vector.broadcast %and3A : i32 to vector<16xi32>
    %and3A_20 = arith.andi %shift_right_arithmetic3A_18, %and3A_19 : vector<16xi32>
    %mul3A_21 = arith.constant 2 : i32
    %mul3A_22 = vector.broadcast %mul3A_21 : i32 to vector<16xi32>
    %mul3A_23 = arith.muli %mul3A_22, %and3A_20 : vector<16xi32>
    %sub3A = arith.constant 1 : i32
    %sub3A_24 = vector.broadcast %sub3A : i32 to vector<16xi32>
    %sub3A_25 = arith.subi %sub3A_24, %mul3A_23 : vector<16xi32>
    %convert_element_type3A = arith.sitofp %sub3A_25 : vector<16xi32> to vector<16xf32>
    %shift_right_arithmetic3A_26 = arith.constant 1 : i32
    %shift_right_arithmetic3A_27 = vector.broadcast %shift_right_arithmetic3A_26 : i32 to vector<16xi32>
    %shift_right_arithmetic3A_28 = arith.shrsi %iota3A, %shift_right_arithmetic3A_27 : vector<16xi32>
    %and3A_29 = arith.constant 1 : i32
    %and3A_30 = vector.broadcast %and3A_29 : i32 to vector<16xi32>
    %and3A_31 = arith.andi %shift_right_arithmetic3A_28, %and3A_30 : vector<16xi32>
    %mul3A_32 = arith.constant 2 : i32
    %mul3A_33 = vector.broadcast %mul3A_32 : i32 to vector<16xi32>
    %mul3A_34 = arith.muli %mul3A_33, %and3A_31 : vector<16xi32>
    %sub3A_35 = arith.constant 1 : i32
    %sub3A_36 = vector.broadcast %sub3A_35 : i32 to vector<16xi32>
    %sub3A_37 = arith.subi %sub3A_36, %mul3A_34 : vector<16xi32>
    %convert_element_type3A_38 = arith.sitofp %sub3A_37 : vector<16xi32> to vector<16xf32>
    %shift_right_arithmetic3A_39 = arith.constant 2 : i32
    %shift_right_arithmetic3A_40 = vector.broadcast %shift_right_arithmetic3A_39 : i32 to vector<16xi32>
    %shift_right_arithmetic3A_41 = arith.shrsi %iota3A, %shift_right_arithmetic3A_40 : vector<16xi32>
    %and3A_42 = arith.constant 1 : i32
    %and3A_43 = vector.broadcast %and3A_42 : i32 to vector<16xi32>
    %and3A_44 = arith.andi %shift_right_arithmetic3A_41, %and3A_43 : vector<16xi32>
    %mul3A_45 = arith.constant 2 : i32
    %mul3A_46 = vector.broadcast %mul3A_45 : i32 to vector<16xi32>
    %mul3A_47 = arith.muli %mul3A_46, %and3A_44 : vector<16xi32>
    %sub3A_48 = arith.constant 1 : i32
    %sub3A_49 = vector.broadcast %sub3A_48 : i32 to vector<16xi32>
    %sub3A_50 = arith.subi %sub3A_49, %mul3A_47 : vector<16xi32>
    %convert_element_type3A_51 = arith.sitofp %sub3A_50 : vector<16xi32> to vector<16xf32>
    %shift_right_arithmetic3A_52 = arith.constant 3 : i32
    %shift_right_arithmetic3A_53 = vector.broadcast %shift_right_arithmetic3A_52 : i32 to vector<16xi32>
    %shift_right_arithmetic3A_54 = arith.shrsi %iota3A, %shift_right_arithmetic3A_53 : vector<16xi32>
    %and3A_55 = arith.constant 1 : i32
    %and3A_56 = vector.broadcast %and3A_55 : i32 to vector<16xi32>
    %and3A_57 = arith.andi %shift_right_arithmetic3A_54, %and3A_56 : vector<16xi32>
    %mul3A_58 = arith.constant 2 : i32
    %mul3A_59 = vector.broadcast %mul3A_58 : i32 to vector<16xi32>
    %mul3A_60 = arith.muli %mul3A_59, %and3A_57 : vector<16xi32>
    %sub3A_61 = arith.constant 1 : i32
    %sub3A_62 = vector.broadcast %sub3A_61 : i32 to vector<16xi32>
    %sub3A_63 = arith.subi %sub3A_62, %mul3A_60 : vector<16xi32>
    %convert_element_type3A_64 = arith.sitofp %sub3A_63 : vector<16xi32> to vector<16xf32>
    %parallel_loop3A = arith.constant 0 : i32
    %parallel_loop3A_65 = arith.constant 32 : i32
    %parallel_loop3A_66 = arith.constant 1 : i32
    scf.for %parallel_loop3A_67 = %parallel_loop3A to %parallel_loop3A_65 step %parallel_loop3A_66  : i32 {
      %parallel_loop3A_68 = arith.constant 1024 : i32
      %parallel_loop3A_69 = arith.muli %parallel_loop3A_67, %parallel_loop3A_68 : i32
      %parallel_loop3A_70 = arith.constant 0 : i32
      %parallel_loop3A_71 = arith.addi %parallel_loop3A_69, %parallel_loop3A_70 : i32
      %parallel_loop3A_72 = arith.constant 0 : i32
      %parallel_loop3A_73 = arith.addi %parallel_loop3A_71, %parallel_loop3A_72 : i32
      %parallel_loop3A_74 = arith.index_cast %parallel_loop3A_73 : i32 to index
      %parallel_loop3A_75 = tpu.vector_load %arg4[%parallel_loop3A_74] {strides = array<i32>} : memref<32768xf32, #tpu.memory_space<vmem>>, vector<16xf32>,
      %parallel_loop3A_76 = vector.shape_cast %parallel_loop3A_75 : vector<16xf32> to vector<16xf32>
      %parallel_loop3A_77 = arith.constant 16 : i32
      %parallel_loop3A_78 = arith.addi %parallel_loop3A_71, %parallel_loop3A_77 : i32
      %parallel_loop3A_79 = arith.index_cast %parallel_loop3A_78 : i32 to index
      %parallel_loop3A_80 = tpu.vector_load %arg4[%parallel_loop3A_79] {strides = array<i32>} : memref<32768xf32, #tpu.memory_space<vmem>>, vector<16xf32>,
      %parallel_loop3A_81 = vector.shape_cast %parallel_loop3A_80 : vector<16xf32> to vector<16xf32>
      %parallel_loop3A_82 = arith.constant 32 : i32
      %parallel_loop3A_83 = arith.addi %parallel_loop3A_71, %parallel_loop3A_82 : i32
      %parallel_loop3A_84 = arith.index_cast %parallel_loop3A_83 : i32 to index
      %parallel_loop3A_85 = tpu.vector_load %arg4[%parallel_loop3A_84] {strides = array<i32>} : memref<32768xf32, #tpu.memory_space<vmem>>, vector<16xf32>,
      %parallel_loop3A_86 = vector.shape_cast %parallel_loop3A_85 : vector<16xf32> to vector<16xf32>
      %parallel_loop3A_87 = arith.constant 48 : i32
      %parallel_loop3A_88 = arith.addi %parallel_loop3A_71, %parallel_loop3A_87 : i32
      %parallel_loop3A_89 = arith.index_cast %parallel_loop3A_88 : i32 to index
      %parallel_loop3A_90 = tpu.vector_load %arg4[%parallel_loop3A_89] {strides = array<i32>} : memref<32768xf32, #tpu.memory_space<vmem>>, vector<16xf32>,
      %parallel_loop3A_91 = vector.shape_cast %parallel_loop3A_90 : vector<16xf32> to vector<16xf32>
      %parallel_loop3A_92 = arith.constant 64 : i32
      %parallel_loop3A_93 = arith.addi %parallel_loop3A_71, %parallel_loop3A_92 : i32
      %parallel_loop3A_94 = arith.index_cast %parallel_loop3A_93 : i32 to index
      %parallel_loop3A_95 = tpu.vector_load %arg4[%parallel_loop3A_94] {strides = array<i32>} : memref<32768xf32, #tpu.memory_space<vmem>>, vector<16xf32>,
      %parallel_loop3A_96 = vector.shape_cast %parallel_loop3A_95 : vector<16xf32> to vector<16xf32>
      %parallel_loop3A_97 = arith.constant 80 : i32
      %parallel_loop3A_98 = arith.addi %parallel_loop3A_71, %parallel_loop3A_97 : i32
      %parallel_loop3A_99 = arith.index_cast %parallel_loop3A_98 : i32 to index
      %parallel_loop3A_100 = tpu.vector_load %arg4[%parallel_loop3A_99] {strides = array<i32>} : memref<32768xf32, #tpu.memory_space<vmem>>, vector<16xf32>,
      %parallel_loop3A_101 = vector.shape_cast %parallel_loop3A_100 : vector<16xf32> to vector<16xf32>
      %parallel_loop3A_102 = arith.constant 96 : i32
      %parallel_loop3A_103 = arith.addi %parallel_loop3A_71, %parallel_loop3A_102 : i32
      %parallel_loop3A_104 = arith.index_cast %parallel_loop3A_103 : i32 to index
      %parallel_loop3A_105 = tpu.vector_load %arg4[%parallel_loop3A_104] {strides = array<i32>} : memref<32768xf32, #tpu.memory_space<vmem>>, vector<16xf32>,
      %parallel_loop3A_106 = vector.shape_cast %parallel_loop3A_105 : vector<16xf32> to vector<16xf32>
      %parallel_loop3A_107 = arith.constant 112 : i32
      %parallel_loop3A_108 = arith.addi %parallel_loop3A_71, %parallel_loop3A_107 : i32
      %parallel_loop3A_109 = arith.index_cast %parallel_loop3A_108 : i32 to index
      %parallel_loop3A_110 = tpu.vector_load %arg4[%parallel_loop3A_109] {strides = array<i32>} : memref<32768xf32, #tpu.memory_space<vmem>>, vector<16xf32>,
      %parallel_loop3A_111 = vector.shape_cast %parallel_loop3A_110 : vector<16xf32> to vector<16xf32>
      %parallel_loop3A_112 = vector.shape_cast %reshape3A : vector<16x1xi32> to vector<16xi32>
      %parallel_loop3A_113 = tpu.dynamic_gather %parallel_loop3A_76[%parallel_loop3A_112] in [0] : vector<16xf32>, vector<16xi32> -> vector<16xf32>
      %parallel_loop3A_114 = arith.mulf %convert_element_type3A, %parallel_loop3A_76 : vector<16xf32>
      %parallel_loop3A_115 = arith.addf %parallel_loop3A_113, %parallel_loop3A_114 : vector<16xf32>
      %parallel_loop3A_116 = vector.shape_cast %reshape3A : vector<16x1xi32> to vector<16xi32>
      %parallel_loop3A_117 = tpu.dynamic_gather %parallel_loop3A_81[%parallel_loop3A_116] in [0] : vector<16xf32>, vector<16xi32> -> vector<16xf32>
      %parallel_loop3A_118 = arith.mulf %convert_element_type3A, %parallel_loop3A_81 : vector<16xf32>
      %parallel_loop3A_119 = arith.addf %parallel_loop3A_117, %parallel_loop3A_118 : vector<16xf32>
      %parallel_loop3A_120 = vector.shape_cast %reshape3A : vector<16x1xi32> to vector<16xi32>
      %parallel_loop3A_121 = tpu.dynamic_gather %parallel_loop3A_86[%parallel_loop3A_120] in [0] : vector<16xf32>, vector<16xi32> -> vector<16xf32>
      %parallel_loop3A_122 = arith.mulf %convert_element_type3A, %parallel_loop3A_86 : vector<16xf32>
      %parallel_loop3A_123 = arith.addf %parallel_loop3A_121, %parallel_loop3A_122 : vector<16xf32>
      %parallel_loop3A_124 = vector.shape_cast %reshape3A : vector<16x1xi32> to vector<16xi32>
      %parallel_loop3A_125 = tpu.dynamic_gather %parallel_loop3A_91[%parallel_loop3A_124] in [0] : vector<16xf32>, vector<16xi32> -> vector<16xf32>
      %parallel_loop3A_126 = arith.mulf %convert_element_type3A, %parallel_loop3A_91 : vector<16xf32>
      %parallel_loop3A_127 = arith.addf %parallel_loop3A_125, %parallel_loop3A_126 : vector<16xf32>
      %parallel_loop3A_128 = vector.shape_cast %reshape3A : vector<16x1xi32> to vector<16xi32>
      %parallel_loop3A_129 = tpu.dynamic_gather %parallel_loop3A_96[%parallel_loop3A_128] in [0] : vector<16xf32>, vector<16xi32> -> vector<16xf32>
      %parallel_loop3A_130 = arith.mulf %convert_element_type3A, %parallel_loop3A_96 : vector<16xf32>
      %parallel_loop3A_131 = arith.addf %parallel_loop3A_129, %parallel_loop3A_130 : vector<16xf32>
      %parallel_loop3A_132 = vector.shape_cast %reshape3A : vector<16x1xi32> to vector<16xi32>
      %parallel_loop3A_133 = tpu.dynamic_gather %parallel_loop3A_101[%parallel_loop3A_132] in [0] : vector<16xf32>, vector<16xi32> -> vector<16xf32>
      %parallel_loop3A_134 = arith.mulf %convert_element_type3A, %parallel_loop3A_101 : vector<16xf32>
      %parallel_loop3A_135 = arith.addf %parallel_loop3A_133, %parallel_loop3A_134 : vector<16xf32>
      %parallel_loop3A_136 = vector.shape_cast %reshape3A : vector<16x1xi32> to vector<16xi32>
      %parallel_loop3A_137 = tpu.dynamic_gather %parallel_loop3A_106[%parallel_loop3A_136] in [0] : vector<16xf32>, vector<16xi32> -> vector<16xf32>
      %parallel_loop3A_138 = arith.mulf %convert_element_type3A, %parallel_loop3A_106 : vector<16xf32>
      %parallel_loop3A_139 = arith.addf %parallel_loop3A_137, %parallel_loop3A_138 : vector<16xf32>
      %parallel_loop3A_140 = vector.shape_cast %reshape3A : vector<16x1xi32> to vector<16xi32>
      %parallel_loop3A_141 = tpu.dynamic_gather %parallel_loop3A_111[%parallel_loop3A_140] in [0] : vector<16xf32>, vector<16xi32> -> vector<16xf32>
      %parallel_loop3A_142 = arith.mulf %convert_element_type3A, %parallel_loop3A_111 : vector<16xf32>
      %parallel_loop3A_143 = arith.addf %parallel_loop3A_141, %parallel_loop3A_142 : vector<16xf32>
      %parallel_loop3A_144 = vector.shape_cast %reshape3A_8 : vector<16x1xi32> to vector<16xi32>
      %parallel_loop3A_145 = tpu.dynamic_gather %parallel_loop3A_115[%parallel_loop3A_144] in [0] : vector<16xf32>, vector<16xi32> -> vector<16xf32>
      %parallel_loop3A_146 = arith.mulf %convert_element_type3A_38, %parallel_loop3A_115 : vector<16xf32>
      %parallel_loop3A_147 = arith.addf %parallel_loop3A_145, %parallel_loop3A_146 : vector<16xf32>
      %parallel_loop3A_148 = vector.shape_cast %reshape3A_8 : vector<16x1xi32> to vector<16xi32>
      %parallel_loop3A_149 = tpu.dynamic_gather %parallel_loop3A_119[%parallel_loop3A_148] in [0] : vector<16xf32>, vector<16xi32> -> vector<16xf32>
      %parallel_loop3A_150 = arith.mulf %convert_element_type3A_38, %parallel_loop3A_119 : vector<16xf32>
      %parallel_loop3A_151 = arith.addf %parallel_loop3A_149, %parallel_loop3A_150 : vector<16xf32>
      %parallel_loop3A_152 = vector.shape_cast %reshape3A_8 : vector<16x1xi32> to vector<16xi32>
      %parallel_loop3A_153 = tpu.dynamic_gather %parallel_loop3A_123[%parallel_loop3A_152] in [0] : vector<16xf32>, vector<16xi32> -> vector<16xf32>
      %parallel_loop3A_154 = arith.mulf %convert_element_type3A_38, %parallel_loop3A_123 : vector<16xf32>
      %parallel_loop3A_155 = arith.addf %parallel_loop3A_153, %parallel_loop3A_154 : vector<16xf32>
      %parallel_loop3A_156 = vector.shape_cast %reshape3A_8 : vector<16x1xi32> to vector<16xi32>
      %parallel_loop3A_157 = tpu.dynamic_gather %parallel_loop3A_127[%parallel_loop3A_156] in [0] : vector<16xf32>, vector<16xi32> -> vector<16xf32>
      %parallel_loop3A_158 = arith.mulf %convert_element_type3A_38, %parallel_loop3A_127 : vector<16xf32>
      %parallel_loop3A_159 = arith.addf %parallel_loop3A_157, %parallel_loop3A_158 : vector<16xf32>
      %parallel_loop3A_160 = vector.shape_cast %reshape3A_8 : vector<16x1xi32> to vector<16xi32>
      %parallel_loop3A_161 = tpu.dynamic_gather %parallel_loop3A_131[%parallel_loop3A_160] in [0] : vector<16xf32>, vector<16xi32> -> vector<16xf32>
      %parallel_loop3A_162 = arith.mulf %convert_element_type3A_38, %parallel_loop3A_131 : vector<16xf32>
      %parallel_loop3A_163 = arith.addf %parallel_loop3A_161, %parallel_loop3A_162 : vector<16xf32>
      %parallel_loop3A_164 = vector.shape_cast %reshape3A_8 : vector<16x1xi32> to vector<16xi32>
      %parallel_loop3A_165 = tpu.dynamic_gather %parallel_loop3A_135[%parallel_loop3A_164] in [0] : vector<16xf32>, vector<16xi32> -> vector<16xf32>
      %parallel_loop3A_166 = arith.mulf %convert_element_type3A_38, %parallel_loop3A_135 : vector<16xf32>
      %parallel_loop3A_167 = arith.addf %parallel_loop3A_165, %parallel_loop3A_166 : vector<16xf32>
      %parallel_loop3A_168 = vector.shape_cast %reshape3A_8 : vector<16x1xi32> to vector<16xi32>
      %parallel_loop3A_169 = tpu.dynamic_gather %parallel_loop3A_139[%parallel_loop3A_168] in [0] : vector<16xf32>, vector<16xi32> -> vector<16xf32>
      %parallel_loop3A_170 = arith.mulf %convert_element_type3A_38, %parallel_loop3A_139 : vector<16xf32>
      %parallel_loop3A_171 = arith.addf %parallel_loop3A_169, %parallel_loop3A_170 : vector<16xf32>
      %parallel_loop3A_172 = vector.shape_cast %reshape3A_8 : vector<16x1xi32> to vector<16xi32>
      %parallel_loop3A_173 = tpu.dynamic_gather %parallel_loop3A_143[%parallel_loop3A_172] in [0] : vector<16xf32>, vector<16xi32> -> vector<16xf32>
      %parallel_loop3A_174 = arith.mulf %convert_element_type3A_38, %parallel_loop3A_143 : vector<16xf32>
      %parallel_loop3A_175 = arith.addf %parallel_loop3A_173, %parallel_loop3A_174 : vector<16xf32>
      %parallel_loop3A_176 = vector.shape_cast %reshape3A_12 : vector<16x1xi32> to vector<16xi32>
      %parallel_loop3A_177 = tpu.dynamic_gather %parallel_loop3A_147[%parallel_loop3A_176] in [0] : vector<16xf32>, vector<16xi32> -> vector<16xf32>
      %parallel_loop3A_178 = arith.mulf %convert_element_type3A_51, %parallel_loop3A_147 : vector<16xf32>
      %parallel_loop3A_179 = arith.addf %parallel_loop3A_177, %parallel_loop3A_178 : vector<16xf32>
      %parallel_loop3A_180 = vector.shape_cast %reshape3A_12 : vector<16x1xi32> to vector<16xi32>
      %parallel_loop3A_181 = tpu.dynamic_gather %parallel_loop3A_151[%parallel_loop3A_180] in [0] : vector<16xf32>, vector<16xi32> -> vector<16xf32>
      %parallel_loop3A_182 = arith.mulf %convert_element_type3A_51, %parallel_loop3A_151 : vector<16xf32>
      %parallel_loop3A_183 = arith.addf %parallel_loop3A_181, %parallel_loop3A_182 : vector<16xf32>
      %parallel_loop3A_184 = vector.shape_cast %reshape3A_12 : vector<16x1xi32> to vector<16xi32>
      %parallel_loop3A_185 = tpu.dynamic_gather %parallel_loop3A_155[%parallel_loop3A_184] in [0] : vector<16xf32>, vector<16xi32> -> vector<16xf32>
      %parallel_loop3A_186 = arith.mulf %convert_element_type3A_51, %parallel_loop3A_155 : vector<16xf32>
      %parallel_loop3A_187 = arith.addf %parallel_loop3A_185, %parallel_loop3A_186 : vector<16xf32>
      %parallel_loop3A_188 = vector.shape_cast %reshape3A_12 : vector<16x1xi32> to vector<16xi32>
      %parallel_loop3A_189 = tpu.dynamic_gather %parallel_loop3A_159[%parallel_loop3A_188] in [0] : vector<16xf32>, vector<16xi32> -> vector<16xf32>
      %parallel_loop3A_190 = arith.mulf %convert_element_type3A_51, %parallel_loop3A_159 : vector<16xf32>
      %parallel_loop3A_191 = arith.addf %parallel_loop3A_189, %parallel_loop3A_190 : vector<16xf32>
      %parallel_loop3A_192 = vector.shape_cast %reshape3A_12 : vector<16x1xi32> to vector<16xi32>
      %parallel_loop3A_193 = tpu.dynamic_gather %parallel_loop3A_163[%parallel_loop3A_192] in [0] : vector<16xf32>, vector<16xi32> -> vector<16xf32>
      %parallel_loop3A_194 = arith.mulf %convert_element_type3A_51, %parallel_loop3A_163 : vector<16xf32>
      %parallel_loop3A_195 = arith.addf %parallel_loop3A_193, %parallel_loop3A_194 : vector<16xf32>
      %parallel_loop3A_196 = vector.shape_cast %reshape3A_12 : vector<16x1xi32> to vector<16xi32>
      %parallel_loop3A_197 = tpu.dynamic_gather %parallel_loop3A_167[%parallel_loop3A_196] in [0] : vector<16xf32>, vector<16xi32> -> vector<16xf32>
      %parallel_loop3A_198 = arith.mulf %convert_element_type3A_51, %parallel_loop3A_167 : vector<16xf32>
      %parallel_loop3A_199 = arith.addf %parallel_loop3A_197, %parallel_loop3A_198 : vector<16xf32>
      %parallel_loop3A_200 = vector.shape_cast %reshape3A_12 : vector<16x1xi32> to vector<16xi32>
      %parallel_loop3A_201 = tpu.dynamic_gather %parallel_loop3A_171[%parallel_loop3A_200] in [0] : vector<16xf32>, vector<16xi32> -> vector<16xf32>
      %parallel_loop3A_202 = arith.mulf %convert_element_type3A_51, %parallel_loop3A_171 : vector<16xf32>
      %parallel_loop3A_203 = arith.addf %parallel_loop3A_201, %parallel_loop3A_202 : vector<16xf32>
      %parallel_loop3A_204 = vector.shape_cast %reshape3A_12 : vector<16x1xi32> to vector<16xi32>
      %parallel_loop3A_205 = tpu.dynamic_gather %parallel_loop3A_175[%parallel_loop3A_204] in [0] : vector<16xf32>, vector<16xi32> -> vector<16xf32>
      %parallel_loop3A_206 = arith.mulf %convert_element_type3A_51, %parallel_loop3A_175 : vector<16xf32>
      %parallel_loop3A_207 = arith.addf %parallel_loop3A_205, %parallel_loop3A_206 : vector<16xf32>
      %parallel_loop3A_208 = vector.shape_cast %reshape3A_16 : vector<16x1xi32> to vector<16xi32>
      %parallel_loop3A_209 = tpu.dynamic_gather %parallel_loop3A_179[%parallel_loop3A_208] in [0] : vector<16xf32>, vector<16xi32> -> vector<16xf32>
      %parallel_loop3A_210 = arith.mulf %convert_element_type3A_64, %parallel_loop3A_179 : vector<16xf32>
      %parallel_loop3A_211 = arith.addf %parallel_loop3A_209, %parallel_loop3A_210 : vector<16xf32>
      %parallel_loop3A_212 = vector.shape_cast %reshape3A_16 : vector<16x1xi32> to vector<16xi32>
      %parallel_loop3A_213 = tpu.dynamic_gather %parallel_loop3A_183[%parallel_loop3A_212] in [0] : vector<16xf32>, vector<16xi32> -> vector<16xf32>
      %parallel_loop3A_214 = arith.mulf %convert_element_type3A_64, %parallel_loop3A_183 : vector<16xf32>
      %parallel_loop3A_215 = arith.addf %parallel_loop3A_213, %parallel_loop3A_214 : vector<16xf32>
      %parallel_loop3A_216 = vector.shape_cast %reshape3A_16 : vector<16x1xi32> to vector<16xi32>
      %parallel_loop3A_217 = tpu.dynamic_gather %parallel_loop3A_187[%parallel_loop3A_216] in [0] : vector<16xf32>, vector<16xi32> -> vector<16xf32>
      %parallel_loop3A_218 = arith.mulf %convert_element_type3A_64, %parallel_loop3A_187 : vector<16xf32>
      %parallel_loop3A_219 = arith.addf %parallel_loop3A_217, %parallel_loop3A_218 : vector<16xf32>
      %parallel_loop3A_220 = vector.shape_cast %reshape3A_16 : vector<16x1xi32> to vector<16xi32>
      %parallel_loop3A_221 = tpu.dynamic_gather %parallel_loop3A_191[%parallel_loop3A_220] in [0] : vector<16xf32>, vector<16xi32> -> vector<16xf32>
      %parallel_loop3A_222 = arith.mulf %convert_element_type3A_64, %parallel_loop3A_191 : vector<16xf32>
      %parallel_loop3A_223 = arith.addf %parallel_loop3A_221, %parallel_loop3A_222 : vector<16xf32>
      %parallel_loop3A_224 = vector.shape_cast %reshape3A_16 : vector<16x1xi32> to vector<16xi32>
      %parallel_loop3A_225 = tpu.dynamic_gather %parallel_loop3A_195[%parallel_loop3A_224] in [0] : vector<16xf32>, vector<16xi32> -> vector<16xf32>
      %parallel_loop3A_226 = arith.mulf %convert_element_type3A_64, %parallel_loop3A_195 : vector<16xf32>
      %parallel_loop3A_227 = arith.addf %parallel_loop3A_225, %parallel_loop3A_226 : vector<16xf32>
      %parallel_loop3A_228 = vector.shape_cast %reshape3A_16 : vector<16x1xi32> to vector<16xi32>
      %parallel_loop3A_229 = tpu.dynamic_gather %parallel_loop3A_199[%parallel_loop3A_228] in [0] : vector<16xf32>, vector<16xi32> -> vector<16xf32>
      %parallel_loop3A_230 = arith.mulf %convert_element_type3A_64, %parallel_loop3A_199 : vector<16xf32>
      %parallel_loop3A_231 = arith.addf %parallel_loop3A_229, %parallel_loop3A_230 : vector<16xf32>
      %parallel_loop3A_232 = vector.shape_cast %reshape3A_16 : vector<16x1xi32> to vector<16xi32>
      %parallel_loop3A_233 = tpu.dynamic_gather %parallel_loop3A_203[%parallel_loop3A_232] in [0] : vector<16xf32>, vector<16xi32> -> vector<16xf32>
      %parallel_loop3A_234 = arith.mulf %convert_element_type3A_64, %parallel_loop3A_203 : vector<16xf32>
      %parallel_loop3A_235 = arith.addf %parallel_loop3A_233, %parallel_loop3A_234 : vector<16xf32>
      %parallel_loop3A_236 = vector.shape_cast %reshape3A_16 : vector<16x1xi32> to vector<16xi32>
      %parallel_loop3A_237 = tpu.dynamic_gather %parallel_loop3A_207[%parallel_loop3A_236] in [0] : vector<16xf32>, vector<16xi32> -> vector<16xf32>
      %parallel_loop3A_238 = arith.mulf %convert_element_type3A_64, %parallel_loop3A_207 : vector<16xf32>
      %parallel_loop3A_239 = arith.addf %parallel_loop3A_237, %parallel_loop3A_238 : vector<16xf32>
      %parallel_loop3A_240 = arith.addf %parallel_loop3A_211, %parallel_loop3A_215 : vector<16xf32>
      %parallel_loop3A_241 = arith.subf %parallel_loop3A_211, %parallel_loop3A_215 : vector<16xf32>
      %parallel_loop3A_242 = arith.addf %parallel_loop3A_219, %parallel_loop3A_223 : vector<16xf32>
      %parallel_loop3A_243 = arith.subf %parallel_loop3A_219, %parallel_loop3A_223 : vector<16xf32>
      %parallel_loop3A_244 = arith.addf %parallel_loop3A_227, %parallel_loop3A_231 : vector<16xf32>
      %parallel_loop3A_245 = arith.subf %parallel_loop3A_227, %parallel_loop3A_231 : vector<16xf32>
      %parallel_loop3A_246 = arith.addf %parallel_loop3A_235, %parallel_loop3A_239 : vector<16xf32>
      %parallel_loop3A_247 = arith.subf %parallel_loop3A_235, %parallel_loop3A_239 : vector<16xf32>
      %parallel_loop3A_248 = arith.addf %parallel_loop3A_240, %parallel_loop3A_242 : vector<16xf32>
      %parallel_loop3A_249 = arith.subf %parallel_loop3A_240, %parallel_loop3A_242 : vector<16xf32>
      %parallel_loop3A_250 = arith.addf %parallel_loop3A_241, %parallel_loop3A_243 : vector<16xf32>
      %parallel_loop3A_251 = arith.subf %parallel_loop3A_241, %parallel_loop3A_243 : vector<16xf32>
      %parallel_loop3A_252 = arith.addf %parallel_loop3A_244, %parallel_loop3A_246 : vector<16xf32>
      %parallel_loop3A_253 = arith.subf %parallel_loop3A_244, %parallel_loop3A_246 : vector<16xf32>
      %parallel_loop3A_254 = arith.addf %parallel_loop3A_245, %parallel_loop3A_247 : vector<16xf32>
      %parallel_loop3A_255 = arith.subf %parallel_loop3A_245, %parallel_loop3A_247 : vector<16xf32>
      %parallel_loop3A_256 = arith.addf %parallel_loop3A_248, %parallel_loop3A_252 : vector<16xf32>
      %parallel_loop3A_257 = arith.subf %parallel_loop3A_248, %parallel_loop3A_252 : vector<16xf32>
      %parallel_loop3A_258 = arith.addf %parallel_loop3A_250, %parallel_loop3A_254 : vector<16xf32>
      %parallel_loop3A_259 = arith.subf %parallel_loop3A_250, %parallel_loop3A_254 : vector<16xf32>
      %parallel_loop3A_260 = arith.addf %parallel_loop3A_249, %parallel_loop3A_253 : vector<16xf32>
      %parallel_loop3A_261 = arith.subf %parallel_loop3A_249, %parallel_loop3A_253 : vector<16xf32>
      %parallel_loop3A_262 = arith.addf %parallel_loop3A_251, %parallel_loop3A_255 : vector<16xf32>
      %parallel_loop3A_263 = arith.subf %parallel_loop3A_251, %parallel_loop3A_255 : vector<16xf32>
      %parallel_loop3A_264 = arith.constant 0 : i32
      %parallel_loop3A_265 = arith.addi %parallel_loop3A_71, %parallel_loop3A_264 : i32
      %parallel_loop3A_266 = arith.index_cast %parallel_loop3A_265 : i32 to index
      %parallel_loop3A_267 = tpu.vector_load %arg4[%parallel_loop3A_266] {strides = array<i32>} : memref<32768xf32, #tpu.memory_space<vmem>>, vector<16xf32>,
      %parallel_loop3A_268 = vector.shape_cast %parallel_loop3A_267 : vector<16xf32> to vector<16xf32>
      %parallel_loop3A_269 = vector.shape_cast %parallel_loop3A_256 : vector<16xf32> to vector<16xf32>
      tpu.vector_store %arg4[%parallel_loop3A_266], %parallel_loop3A_269 {strides = array<i32>} : memref<32768xf32, #tpu.memory_space<vmem>>, vector<16xf32>,
      %parallel_loop3A_270 = arith.constant 16 : i32
      %parallel_loop3A_271 = arith.addi %parallel_loop3A_71, %parallel_loop3A_270 : i32
      %parallel_loop3A_272 = arith.index_cast %parallel_loop3A_271 : i32 to index
      %parallel_loop3A_273 = tpu.vector_load %arg4[%parallel_loop3A_272] {strides = array<i32>} : memref<32768xf32, #tpu.memory_space<vmem>>, vector<16xf32>,
      %parallel_loop3A_274 = vector.shape_cast %parallel_loop3A_273 : vector<16xf32> to vector<16xf32>
      %parallel_loop3A_275 = vector.shape_cast %parallel_loop3A_258 : vector<16xf32> to vector<16xf32>
      tpu.vector_store %arg4[%parallel_loop3A_272], %parallel_loop3A_275 {strides = array<i32>} : memref<32768xf32, #tpu.memory_space<vmem>>, vector<16xf32>,
      %parallel_loop3A_276 = arith.constant 32 : i32
      %parallel_loop3A_277 = arith.addi %parallel_loop3A_71, %parallel_loop3A_276 : i32
      %parallel_loop3A_278 = arith.index_cast %parallel_loop3A_277 : i32 to index
      %parallel_loop3A_279 = tpu.vector_load %arg4[%parallel_loop3A_278] {strides = array<i32>} : memref<32768xf32, #tpu.memory_space<vmem>>, vector<16xf32>,
      %parallel_loop3A_280 = vector.shape_cast %parallel_loop3A_279 : vector<16xf32> to vector<16xf32>
      %parallel_loop3A_281 = vector.shape_cast %parallel_loop3A_260 : vector<16xf32> to vector<16xf32>
      tpu.vector_store %arg4[%parallel_loop3A_278], %parallel_loop3A_281 {strides = array<i32>} : memref<32768xf32, #tpu.memory_space<vmem>>, vector<16xf32>,
      %parallel_loop3A_282 = arith.constant 48 : i32
      %parallel_loop3A_283 = arith.addi %parallel_loop3A_71, %parallel_loop3A_282 : i32
      %parallel_loop3A_284 = arith.index_cast %parallel_loop3A_283 : i32 to index
      %parallel_loop3A_285 = tpu.vector_load %arg4[%parallel_loop3A_284] {strides = array<i32>} : memref<32768xf32, #tpu.memory_space<vmem>>, vector<16xf32>,
      %parallel_loop3A_286 = vector.shape_cast %parallel_loop3A_285 : vector<16xf32> to vector<16xf32>
      %parallel_loop3A_287 = vector.shape_cast %parallel_loop3A_262 : vector<16xf32> to vector<16xf32>
      tpu.vector_store %arg4[%parallel_loop3A_284], %parallel_loop3A_287 {strides = array<i32>} : memref<32768xf32, #tpu.memory_space<vmem>>, vector<16xf32>,
      %parallel_loop3A_288 = arith.constant 64 : i32
      %parallel_loop3A_289 = arith.addi %parallel_loop3A_71, %parallel_loop3A_288 : i32
      %parallel_loop3A_290 = arith.index_cast %parallel_loop3A_289 : i32 to index
      %parallel_loop3A_291 = tpu.vector_load %arg4[%parallel_loop3A_290] {strides = array<i32>} : memref<32768xf32, #tpu.memory_space<vmem>>, vector<16xf32>,
      %parallel_loop3A_292 = vector.shape_cast %parallel_loop3A_291 : vector<16xf32> to vector<16xf32>
      %parallel_loop3A_293 = vector.shape_cast %parallel_loop3A_257 : vector<16xf32> to vector<16xf32>
      tpu.vector_store %arg4[%parallel_loop3A_290], %parallel_loop3A_293 {strides = array<i32>} : memref<32768xf32, #tpu.memory_space<vmem>>, vector<16xf32>,
      %parallel_loop3A_294 = arith.constant 80 : i32
      %parallel_loop3A_295 = arith.addi %parallel_loop3A_71, %parallel_loop3A_294 : i32
      %parallel_loop3A_296 = arith.index_cast %parallel_loop3A_295 : i32 to index
      %parallel_loop3A_297 = tpu.vector_load %arg4[%parallel_loop3A_296] {strides = array<i32>} : memref<32768xf32, #tpu.memory_space<vmem>>, vector<16xf32>,
      %parallel_loop3A_298 = vector.shape_cast %parallel_loop3A_297 : vector<16xf32> to vector<16xf32>
      %parallel_loop3A_299 = vector.shape_cast %parallel_loop3A_259 : vector<16xf32> to vector<16xf32>
      tpu.vector_store %arg4[%parallel_loop3A_296], %parallel_loop3A_299 {strides = array<i32>} : memref<32768xf32, #tpu.memory_space<vmem>>, vector<16xf32>,
      %parallel_loop3A_300 = arith.constant 96 : i32
      %parallel_loop3A_301 = arith.addi %parallel_loop3A_71, %parallel_loop3A_300 : i32
      %parallel_loop3A_302 = arith.index_cast %parallel_loop3A_301 : i32 to index
      %parallel_loop3A_303 = tpu.vector_load %arg4[%parallel_loop3A_302] {strides = array<i32>} : memref<32768xf32, #tpu.memory_space<vmem>>, vector<16xf32>,
      %parallel_loop3A_304 = vector.shape_cast %parallel_loop3A_303 : vector<16xf32> to vector<16xf32>
      %parallel_loop3A_305 = vector.shape_cast %parallel_loop3A_261 : vector<16xf32> to vector<16xf32>
      tpu.vector_store %arg4[%parallel_loop3A_302], %parallel_loop3A_305 {strides = array<i32>} : memref<32768xf32, #tpu.memory_space<vmem>>, vector<16xf32>,
      %parallel_loop3A_306 = arith.constant 112 : i32
      %parallel_loop3A_307 = arith.addi %parallel_loop3A_71, %parallel_loop3A_306 : i32
      %parallel_loop3A_308 = arith.index_cast %parallel_loop3A_307 : i32 to index
      %parallel_loop3A_309 = tpu.vector_load %arg4[%parallel_loop3A_308] {strides = array<i32>} : memref<32768xf32, #tpu.memory_space<vmem>>, vector<16xf32>,
      %parallel_loop3A_310 = vector.shape_cast %parallel_loop3A_309 : vector<16xf32> to vector<16xf32>
      %parallel_loop3A_311 = vector.shape_cast %parallel_loop3A_263 : vector<16xf32> to vector<16xf32>
      tpu.vector_store %arg4[%parallel_loop3A_308], %parallel_loop3A_311 {strides = array<i32>} : memref<32768xf32, #tpu.memory_space<vmem>>, vector<16xf32>,
      %parallel_loop3A_312 = arith.constant 128 : i32
      %parallel_loop3A_313 = arith.addi %parallel_loop3A_69, %parallel_loop3A_312 : i32
      %parallel_loop3A_314 = arith.constant 0 : i32
      %parallel_loop3A_315 = arith.addi %parallel_loop3A_313, %parallel_loop3A_314 : i32
      %parallel_loop3A_316 = arith.index_cast %parallel_loop3A_315 : i32 to index
      %parallel_loop3A_317 = tpu.vector_load %arg4[%parallel_loop3A_316] {strides = array<i32>} : memref<32768xf32, #tpu.memory_space<vmem>>, vector<16xf32>,
      %parallel_loop3A_318 = vector.shape_cast %parallel_loop3A_317 : vector<16xf32> to vector<16xf32>
      %parallel_loop3A_319 = arith.constant 16 : i32
      %parallel_loop3A_320 = arith.addi %parallel_loop3A_313, %parallel_loop3A_319 : i32
      %parallel_loop3A_321 = arith.index_cast %parallel_loop3A_320 : i32 to index
      %parallel_loop3A_322 = tpu.vector_load %arg4[%parallel_loop3A_321] {strides = array<i32>} : memref<32768xf32, #tpu.memory_space<vmem>>, vector<16xf32>,
      %parallel_loop3A_323 = vector.shape_cast %parallel_loop3A_322 : vector<16xf32> to vector<16xf32>
      %parallel_loop3A_324 = arith.constant 32 : i32
      %parallel_loop3A_325 = arith.addi %parallel_loop3A_313, %parallel_loop3A_324 : i32
      %parallel_loop3A_326 = arith.index_cast %parallel_loop3A_325 : i32 to index
      %parallel_loop3A_327 = tpu.vector_load %arg4[%parallel_loop3A_326] {strides = array<i32>} : memref<32768xf32, #tpu.memory_space<vmem>>, vector<16xf32>,
      %parallel_loop3A_328 = vector.shape_cast %parallel_loop3A_327 : vector<16xf32> to vector<16xf32>
      %parallel_loop3A_329 = arith.constant 48 : i32
      %parallel_loop3A_330 = arith.addi %parallel_loop3A_313, %parallel_loop3A_329 : i32
      %parallel_loop3A_331 = arith.index_cast %parallel_loop3A_330 : i32 to index
      %parallel_loop3A_332 = tpu.vector_load %arg4[%parallel_loop3A_331] {strides = array<i32>} : memref<32768xf32, #tpu.memory_space<vmem>>, vector<16xf32>,
      %parallel_loop3A_333 = vector.shape_cast %parallel_loop3A_332 : vector<16xf32> to vector<16xf32>
      %parallel_loop3A_334 = arith.constant 64 : i32
      %parallel_loop3A_335 = arith.addi %parallel_loop3A_313, %parallel_loop3A_334 : i32
      %parallel_loop3A_336 = arith.index_cast %parallel_loop3A_335 : i32 to index
      %parallel_loop3A_337 = tpu.vector_load %arg4[%parallel_loop3A_336] {strides = array<i32>} : memref<32768xf32, #tpu.memory_space<vmem>>, vector<16xf32>,
      %parallel_loop3A_338 = vector.shape_cast %parallel_loop3A_337 : vector<16xf32> to vector<16xf32>
      %parallel_loop3A_339 = arith.constant 80 : i32
      %parallel_loop3A_340 = arith.addi %parallel_loop3A_313, %parallel_loop3A_339 : i32
      %parallel_loop3A_341 = arith.index_cast %parallel_loop3A_340 : i32 to index
      %parallel_loop3A_342 = tpu.vector_load %arg4[%parallel_loop3A_341] {strides = array<i32>} : memref<32768xf32, #tpu.memory_space<vmem>>, vector<16xf32>,
      %parallel_loop3A_343 = vector.shape_cast %parallel_loop3A_342 : vector<16xf32> to vector<16xf32>
      %parallel_loop3A_344 = arith.constant 96 : i32
      %parallel_loop3A_345 = arith.addi %parallel_loop3A_313, %parallel_loop3A_344 : i32
      %parallel_loop3A_346 = arith.index_cast %parallel_loop3A_345 : i32 to index
      %parallel_loop3A_347 = tpu.vector_load %arg4[%parallel_loop3A_346] {strides = array<i32>} : memref<32768xf32, #tpu.memory_space<vmem>>, vector<16xf32>,
      %parallel_loop3A_348 = vector.shape_cast %parallel_loop3A_347 : vector<16xf32> to vector<16xf32>
      %parallel_loop3A_349 = arith.constant 112 : i32
      %parallel_loop3A_350 = arith.addi %parallel_loop3A_313, %parallel_loop3A_349 : i32
      %parallel_loop3A_351 = arith.index_cast %parallel_loop3A_350 : i32 to index
      %parallel_loop3A_352 = tpu.vector_load %arg4[%parallel_loop3A_351] {strides = array<i32>} : memref<32768xf32, #tpu.memory_space<vmem>>, vector<16xf32>,
      %parallel_loop3A_353 = vector.shape_cast %parallel_loop3A_352 : vector<16xf32> to vector<16xf32>
      %parallel_loop3A_354 = vector.shape_cast %reshape3A : vector<16x1xi32> to vector<16xi32>
      %parallel_loop3A_355 = tpu.dynamic_gather %parallel_loop3A_318[%parallel_loop3A_354] in [0] : vector<16xf32>, vector<16xi32> -> vector<16xf32>
      %parallel_loop3A_356 = arith.mulf %convert_element_type3A, %parallel_loop3A_318 : vector<16xf32>
      %parallel_loop3A_357 = arith.addf %parallel_loop3A_355, %parallel_loop3A_356 : vector<16xf32>
      %parallel_loop3A_358 = vector.shape_cast %reshape3A : vector<16x1xi32> to vector<16xi32>
      %parallel_loop3A_359 = tpu.dynamic_gather %parallel_loop3A_323[%parallel_loop3A_358] in [0] : vector<16xf32>, vector<16xi32> -> vector<16xf32>
      %parallel_loop3A_360 = arith.mulf %convert_element_type3A, %parallel_loop3A_323 : vector<16xf32>
      %parallel_loop3A_361 = arith.addf %parallel_loop3A_359, %parallel_loop3A_360 : vector<16xf32>
      %parallel_loop3A_362 = vector.shape_cast %reshape3A : vector<16x1xi32> to vector<16xi32>
      %parallel_loop3A_363 = tpu.dynamic_gather %parallel_loop3A_328[%parallel_loop3A_362] in [0] : vector<16xf32>, vector<16xi32> -> vector<16xf32>
      %parallel_loop3A_364 = arith.mulf %convert_element_type3A, %parallel_loop3A_328 : vector<16xf32>
      %parallel_loop3A_365 = arith.addf %parallel_loop3A_363, %parallel_loop3A_364 : vector<16xf32>
      %parallel_loop3A_366 = vector.shape_cast %reshape3A : vector<16x1xi32> to vector<16xi32>
      %parallel_loop3A_367 = tpu.dynamic_gather %parallel_loop3A_333[%parallel_loop3A_366] in [0] : vector<16xf32>, vector<16xi32> -> vector<16xf32>
      %parallel_loop3A_368 = arith.mulf %convert_element_type3A, %parallel_loop3A_333 : vector<16xf32>
      %parallel_loop3A_369 = arith.addf %parallel_loop3A_367, %parallel_loop3A_368 : vector<16xf32>
      %parallel_loop3A_370 = vector.shape_cast %reshape3A : vector<16x1xi32> to vector<16xi32>
      %parallel_loop3A_371 = tpu.dynamic_gather %parallel_loop3A_338[%parallel_loop3A_370] in [0] : vector<16xf32>, vector<16xi32> -> vector<16xf32>
      %parallel_loop3A_372 = arith.mulf %convert_element_type3A, %parallel_loop3A_338 : vector<16xf32>
      %parallel_loop3A_373 = arith.addf %parallel_loop3A_371, %parallel_loop3A_372 : vector<16xf32>
      %parallel_loop3A_374 = vector.shape_cast %reshape3A : vector<16x1xi32> to vector<16xi32>
      %parallel_loop3A_375 = tpu.dynamic_gather %parallel_loop3A_343[%parallel_loop3A_374] in [0] : vector<16xf32>, vector<16xi32> -> vector<16xf32>
      %parallel_loop3A_376 = arith.mulf %convert_element_type3A, %parallel_loop3A_343 : vector<16xf32>
      %parallel_loop3A_377 = arith.addf %parallel_loop3A_375, %parallel_loop3A_376 : vector<16xf32>
      %parallel_loop3A_378 = vector.shape_cast %reshape3A : vector<16x1xi32> to vector<16xi32>
      %parallel_loop3A_379 = tpu.dynamic_gather %parallel_loop3A_348[%parallel_loop3A_378] in [0] : vector<16xf32>, vector<16xi32> -> vector<16xf32>
      %parallel_loop3A_380 = arith.mulf %convert_element_type3A, %parallel_loop3A_348 : vector<16xf32>
      %parallel_loop3A_381 = arith.addf %parallel_loop3A_379, %parallel_loop3A_380 : vector<16xf32>
      %parallel_loop3A_382 = vector.shape_cast %reshape3A : vector<16x1xi32> to vector<16xi32>
      %parallel_loop3A_383 = tpu.dynamic_gather %parallel_loop3A_353[%parallel_loop3A_382] in [0] : vector<16xf32>, vector<16xi32> -> vector<16xf32>
      %parallel_loop3A_384 = arith.mulf %convert_element_type3A, %parallel_loop3A_353 : vector<16xf32>
      %parallel_loop3A_385 = arith.addf %parallel_loop3A_383, %parallel_loop3A_384 : vector<16xf32>
      %parallel_loop3A_386 = vector.shape_cast %reshape3A_8 : vector<16x1xi32> to vector<16xi32>
      %parallel_loop3A_387 = tpu.dynamic_gather %parallel_loop3A_357[%parallel_loop3A_386] in [0] : vector<16xf32>, vector<16xi32> -> vector<16xf32>
      %parallel_loop3A_388 = arith.mulf %convert_element_type3A_38, %parallel_loop3A_357 : vector<16xf32>
      %parallel_loop3A_389 = arith.addf %parallel_loop3A_387, %parallel_loop3A_388 : vector<16xf32>
      %parallel_loop3A_390 = vector.shape_cast %reshape3A_8 : vector<16x1xi32> to vector<16xi32>
      %parallel_loop3A_391 = tpu.dynamic_gather %parallel_loop3A_361[%parallel_loop3A_390] in [0] : vector<16xf32>, vector<16xi32> -> vector<16xf32>
      %parallel_loop3A_392 = arith.mulf %convert_element_type3A_38, %parallel_loop3A_361 : vector<16xf32>
      %parallel_loop3A_393 = arith.addf %parallel_loop3A_391, %parallel_loop3A_392 : vector<16xf32>
      %parallel_loop3A_394 = vector.shape_cast %reshape3A_8 : vector<16x1xi32> to vector<16xi32>
      %parallel_loop3A_395 = tpu.dynamic_gather %parallel_loop3A_365[%parallel_loop3A_394] in [0] : vector<16xf32>, vector<16xi32> -> vector<16xf32>
      %parallel_loop3A_396 = arith.mulf %convert_element_type3A_38, %parallel_loop3A_365 : vector<16xf32>
      %parallel_loop3A_397 = arith.addf %parallel_loop3A_395, %parallel_loop3A_396 : vector<16xf32>
      %parallel_loop3A_398 = vector.shape_cast %reshape3A_8 : vector<16x1xi32> to vector<16xi32>
      %parallel_loop3A_399 = tpu.dynamic_gather %parallel_loop3A_369[%parallel_loop3A_398] in [0] : vector<16xf32>, vector<16xi32> -> vector<16xf32>
      %parallel_loop3A_400 = arith.mulf %convert_element_type3A_38, %parallel_loop3A_369 : vector<16xf32>
      %parallel_loop3A_401 = arith.addf %parallel_loop3A_399, %parallel_loop3A_400 : vector<16xf32>
      %parallel_loop3A_402 = vector.shape_cast %reshape3A_8 : vector<16x1xi32> to vector<16xi32>
      %parallel_loop3A_403 = tpu.dynamic_gather %parallel_loop3A_373[%parallel_loop3A_402] in [0] : vector<16xf32>, vector<16xi32> -> vector<16xf32>
      %parallel_loop3A_404 = arith.mulf %convert_element_type3A_38, %parallel_loop3A_373 : vector<16xf32>
      %parallel_loop3A_405 = arith.addf %parallel_loop3A_403, %parallel_loop3A_404 : vector<16xf32>
      %parallel_loop3A_406 = vector.shape_cast %reshape3A_8 : vector<16x1xi32> to vector<16xi32>
      %parallel_loop3A_407 = tpu.dynamic_gather %parallel_loop3A_377[%parallel_loop3A_406] in [0] : vector<16xf32>, vector<16xi32> -> vector<16xf32>
      %parallel_loop3A_408 = arith.mulf %convert_element_type3A_38, %parallel_loop3A_377 : vector<16xf32>
      %parallel_loop3A_409 = arith.addf %parallel_loop3A_407, %parallel_loop3A_408 : vector<16xf32>
      %parallel_loop3A_410 = vector.shape_cast %reshape3A_8 : vector<16x1xi32> to vector<16xi32>
      %parallel_loop3A_411 = tpu.dynamic_gather %parallel_loop3A_381[%parallel_loop3A_410] in [0] : vector<16xf32>, vector<16xi32> -> vector<16xf32>
      %parallel_loop3A_412 = arith.mulf %convert_element_type3A_38, %parallel_loop3A_381 : vector<16xf32>
      %parallel_loop3A_413 = arith.addf %parallel_loop3A_411, %parallel_loop3A_412 : vector<16xf32>
      %parallel_loop3A_414 = vector.shape_cast %reshape3A_8 : vector<16x1xi32> to vector<16xi32>
      %parallel_loop3A_415 = tpu.dynamic_gather %parallel_loop3A_385[%parallel_loop3A_414] in [0] : vector<16xf32>, vector<16xi32> -> vector<16xf32>
      %parallel_loop3A_416 = arith.mulf %convert_element_type3A_38, %parallel_loop3A_385 : vector<16xf32>
      %parallel_loop3A_417 = arith.addf %parallel_loop3A_415, %parallel_loop3A_416 : vector<16xf32>
      %parallel_loop3A_418 = vector.shape_cast %reshape3A_12 : vector<16x1xi32> to vector<16xi32>
      %parallel_loop3A_419 = tpu.dynamic_gather %parallel_loop3A_389[%parallel_loop3A_418] in [0] : vector<16xf32>, vector<16xi32> -> vector<16xf32>
      %parallel_loop3A_420 = arith.mulf %convert_element_type3A_51, %parallel_loop3A_389 : vector<16xf32>
      %parallel_loop3A_421 = arith.addf %parallel_loop3A_419, %parallel_loop3A_420 : vector<16xf32>
      %parallel_loop3A_422 = vector.shape_cast %reshape3A_12 : vector<16x1xi32> to vector<16xi32>
      %parallel_loop3A_423 = tpu.dynamic_gather %parallel_loop3A_393[%parallel_loop3A_422] in [0] : vector<16xf32>, vector<16xi32> -> vector<16xf32>
      %parallel_loop3A_424 = arith.mulf %convert_element_type3A_51, %parallel_loop3A_393 : vector<16xf32>
      %parallel_loop3A_425 = arith.addf %parallel_loop3A_423, %parallel_loop3A_424 : vector<16xf32>
      %parallel_loop3A_426 = vector.shape_cast %reshape3A_12 : vector<16x1xi32> to vector<16xi32>
      %parallel_loop3A_427 = tpu.dynamic_gather %parallel_loop3A_397[%parallel_loop3A_426] in [0] : vector<16xf32>, vector<16xi32> -> vector<16xf32>
      %parallel_loop3A_428 = arith.mulf %convert_element_type3A_51, %parallel_loop3A_397 : vector<16xf32>
      %parallel_loop3A_429 = arith.addf %parallel_loop3A_427, %parallel_loop3A_428 : vector<16xf32>
      %parallel_loop3A_430 = vector.shape_cast %reshape3A_12 : vector<16x1xi32> to vector<16xi32>
      %parallel_loop3A_431 = tpu.dynamic_gather %parallel_loop3A_401[%parallel_loop3A_430] in [0] : vector<16xf32>, vector<16xi32> -> vector<16xf32>
      %parallel_loop3A_432 = arith.mulf %convert_element_type3A_51, %parallel_loop3A_401 : vector<16xf32>
      %parallel_loop3A_433 = arith.addf %parallel_loop3A_431, %parallel_loop3A_432 : vector<16xf32>
      %parallel_loop3A_434 = vector.shape_cast %reshape3A_12 : vector<16x1xi32> to vector<16xi32>
      %parallel_loop3A_435 = tpu.dynamic_gather %parallel_loop3A_405[%parallel_loop3A_434] in [0] : vector<16xf32>, vector<16xi32> -> vector<16xf32>
      %parallel_loop3A_436 = arith.mulf %convert_element_type3A_51, %parallel_loop3A_405 : vector<16xf32>
      %parallel_loop3A_437 = arith.addf %parallel_loop3A_435, %parallel_loop3A_436 : vector<16xf32>
      %parallel_loop3A_438 = vector.shape_cast %reshape3A_12 : vector<16x1xi32> to vector<16xi32>
      %parallel_loop3A_439 = tpu.dynamic_gather %parallel_loop3A_409[%parallel_loop3A_438] in [0] : vector<16xf32>, vector<16xi32> -> vector<16xf32>
      %parallel_loop3A_440 = arith.mulf %convert_element_type3A_51, %parallel_loop3A_409 : vector<16xf32>
      %parallel_loop3A_441 = arith.addf %parallel_loop3A_439, %parallel_loop3A_440 : vector<16xf32>
      %parallel_loop3A_442 = vector.shape_cast %reshape3A_12 : vector<16x1xi32> to vector<16xi32>
      %parallel_loop3A_443 = tpu.dynamic_gather %parallel_loop3A_413[%parallel_loop3A_442] in [0] : vector<16xf32>, vector<16xi32> -> vector<16xf32>
      %parallel_loop3A_444 = arith.mulf %convert_element_type3A_51, %parallel_loop3A_413 : vector<16xf32>
      %parallel_loop3A_445 = arith.addf %parallel_loop3A_443, %parallel_loop3A_444 : vector<16xf32>
      %parallel_loop3A_446 = vector.shape_cast %reshape3A_12 : vector<16x1xi32> to vector<16xi32>
      %parallel_loop3A_447 = tpu.dynamic_gather %parallel_loop3A_417[%parallel_loop3A_446] in [0] : vector<16xf32>, vector<16xi32> -> vector<16xf32>
      %parallel_loop3A_448 = arith.mulf %convert_element_type3A_51, %parallel_loop3A_417 : vector<16xf32>
      %parallel_loop3A_449 = arith.addf %parallel_loop3A_447, %parallel_loop3A_448 : vector<16xf32>
      %parallel_loop3A_450 = vector.shape_cast %reshape3A_16 : vector<16x1xi32> to vector<16xi32>
      %parallel_loop3A_451 = tpu.dynamic_gather %parallel_loop3A_421[%parallel_loop3A_450] in [0] : vector<16xf32>, vector<16xi32> -> vector<16xf32>
      %parallel_loop3A_452 = arith.mulf %convert_element_type3A_64, %parallel_loop3A_421 : vector<16xf32>
      %parallel_loop3A_453 = arith.addf %parallel_loop3A_451, %parallel_loop3A_452 : vector<16xf32>
      %parallel_loop3A_454 = vector.shape_cast %reshape3A_16 : vector<16x1xi32> to vector<16xi32>
      %parallel_loop3A_455 = tpu.dynamic_gather %parallel_loop3A_425[%parallel_loop3A_454] in [0] : vector<16xf32>, vector<16xi32> -> vector<16xf32>
      %parallel_loop3A_456 = arith.mulf %convert_element_type3A_64, %parallel_loop3A_425 : vector<16xf32>
      %parallel_loop3A_457 = arith.addf %parallel_loop3A_455, %parallel_loop3A_456 : vector<16xf32>
      %parallel_loop3A_458 = vector.shape_cast %reshape3A_16 : vector<16x1xi32> to vector<16xi32>
      %parallel_loop3A_459 = tpu.dynamic_gather %parallel_loop3A_429[%parallel_loop3A_458] in [0] : vector<16xf32>, vector<16xi32> -> vector<16xf32>
      %parallel_loop3A_460 = arith.mulf %convert_element_type3A_64, %parallel_loop3A_429 : vector<16xf32>
      %parallel_loop3A_461 = arith.addf %parallel_loop3A_459, %parallel_loop3A_460 : vector<16xf32>
      %parallel_loop3A_462 = vector.shape_cast %reshape3A_16 : vector<16x1xi32> to vector<16xi32>
      %parallel_loop3A_463 = tpu.dynamic_gather %parallel_loop3A_433[%parallel_loop3A_462] in [0] : vector<16xf32>, vector<16xi32> -> vector<16xf32>
      %parallel_loop3A_464 = arith.mulf %convert_element_type3A_64, %parallel_loop3A_433 : vector<16xf32>
      %parallel_loop3A_465 = arith.addf %parallel_loop3A_463, %parallel_loop3A_464 : vector<16xf32>
      %parallel_loop3A_466 = vector.shape_cast %reshape3A_16 : vector<16x1xi32> to vector<16xi32>
      %parallel_loop3A_467 = tpu.dynamic_gather %parallel_loop3A_437[%parallel_loop3A_466] in [0] : vector<16xf32>, vector<16xi32> -> vector<16xf32>
      %parallel_loop3A_468 = arith.mulf %convert_element_type3A_64, %parallel_loop3A_437 : vector<16xf32>
      %parallel_loop3A_469 = arith.addf %parallel_loop3A_467, %parallel_loop3A_468 : vector<16xf32>
      %parallel_loop3A_470 = vector.shape_cast %reshape3A_16 : vector<16x1xi32> to vector<16xi32>
      %parallel_loop3A_471 = tpu.dynamic_gather %parallel_loop3A_441[%parallel_loop3A_470] in [0] : vector<16xf32>, vector<16xi32> -> vector<16xf32>
      %parallel_loop3A_472 = arith.mulf %convert_element_type3A_64, %parallel_loop3A_441 : vector<16xf32>
      %parallel_loop3A_473 = arith.addf %parallel_loop3A_471, %parallel_loop3A_472 : vector<16xf32>
      %parallel_loop3A_474 = vector.shape_cast %reshape3A_16 : vector<16x1xi32> to vector<16xi32>
      %parallel_loop3A_475 = tpu.dynamic_gather %parallel_loop3A_445[%parallel_loop3A_474] in [0] : vector<16xf32>, vector<16xi32> -> vector<16xf32>
      %parallel_loop3A_476 = arith.mulf %convert_element_type3A_64, %parallel_loop3A_445 : vector<16xf32>
      %parallel_loop3A_477 = arith.addf %parallel_loop3A_475, %parallel_loop3A_476 : vector<16xf32>
      %parallel_loop3A_478 = vector.shape_cast %reshape3A_16 : vector<16x1xi32> to vector<16xi32>
      %parallel_loop3A_479 = tpu.dynamic_gather %parallel_loop3A_449[%parallel_loop3A_478] in [0] : vector<16xf32>, vector<16xi32> -> vector<16xf32>
      %parallel_loop3A_480 = arith.mulf %convert_element_type3A_64, %parallel_loop3A_449 : vector<16xf32>
      %parallel_loop3A_481 = arith.addf %parallel_loop3A_479, %parallel_loop3A_480 : vector<16xf32>
      %parallel_loop3A_482 = arith.addf %parallel_loop3A_453, %parallel_loop3A_457 : vector<16xf32>
      %parallel_loop3A_483 = arith.subf %parallel_loop3A_453, %parallel_loop3A_457 : vector<16xf32>
      %parallel_loop3A_484 = arith.addf %parallel_loop3A_461, %parallel_loop3A_465 : vector<16xf32>
      %parallel_loop3A_485 = arith.subf %parallel_loop3A_461, %parallel_loop3A_465 : vector<16xf32>
      %parallel_loop3A_486 = arith.addf %parallel_loop3A_469, %parallel_loop3A_473 : vector<16xf32>
      %parallel_loop3A_487 = arith.subf %parallel_loop3A_469, %parallel_loop3A_473 : vector<16xf32>
      %parallel_loop3A_488 = arith.addf %parallel_loop3A_477, %parallel_loop3A_481 : vector<16xf32>
      %parallel_loop3A_489 = arith.subf %parallel_loop3A_477, %parallel_loop3A_481 : vector<16xf32>
      %parallel_loop3A_490 = arith.addf %parallel_loop3A_482, %parallel_loop3A_484 : vector<16xf32>
      %parallel_loop3A_491 = arith.subf %parallel_loop3A_482, %parallel_loop3A_484 : vector<16xf32>
      %parallel_loop3A_492 = arith.addf %parallel_loop3A_483, %parallel_loop3A_485 : vector<16xf32>
      %parallel_loop3A_493 = arith.subf %parallel_loop3A_483, %parallel_loop3A_485 : vector<16xf32>
      %parallel_loop3A_494 = arith.addf %parallel_loop3A_486, %parallel_loop3A_488 : vector<16xf32>
      %parallel_loop3A_495 = arith.subf %parallel_loop3A_486, %parallel_loop3A_488 : vector<16xf32>
      %parallel_loop3A_496 = arith.addf %parallel_loop3A_487, %parallel_loop3A_489 : vector<16xf32>
      %parallel_loop3A_497 = arith.subf %parallel_loop3A_487, %parallel_loop3A_489 : vector<16xf32>
      %parallel_loop3A_498 = arith.addf %parallel_loop3A_490, %parallel_loop3A_494 : vector<16xf32>
      %parallel_loop3A_499 = arith.subf %parallel_loop3A_490, %parallel_loop3A_494 : vector<16xf32>
      %parallel_loop3A_500 = arith.addf %parallel_loop3A_492, %parallel_loop3A_496 : vector<16xf32>
      %parallel_loop3A_501 = arith.subf %parallel_loop3A_492, %parallel_loop3A_496 : vector<16xf32>
      %parallel_loop3A_502 = arith.addf %parallel_loop3A_491, %parallel_loop3A_495 : vector<16xf32>
      %parallel_loop3A_503 = arith.subf %parallel_loop3A_491, %parallel_loop3A_495 : vector<16xf32>
      %parallel_loop3A_504 = arith.addf %parallel_loop3A_493, %parallel_loop3A_497 : vector<16xf32>
      %parallel_loop3A_505 = arith.subf %parallel_loop3A_493, %parallel_loop3A_497 : vector<16xf32>
      %parallel_loop3A_506 = arith.constant 0 : i32
      %parallel_loop3A_507 = arith.addi %parallel_loop3A_313, %parallel_loop3A_506 : i32
      %parallel_loop3A_508 = arith.index_cast %parallel_loop3A_507 : i32 to index
      %parallel_loop3A_509 = tpu.vector_load %arg4[%parallel_loop3A_508] {strides = array<i32>} : memref<32768xf32, #tpu.memory_space<vmem>>, vector<16xf32>,
      %parallel_loop3A_510 = vector.shape_cast %parallel_loop3A_509 : vector<16xf32> to vector<16xf32>
      %parallel_loop3A_511 = vector.shape_cast %parallel_loop3A_498 : vector<16xf32> to vector<16xf32>
      tpu.vector_store %arg4[%parallel_loop3A_508], %parallel_loop3A_511 {strides = array<i32>} : memref<32768xf32, #tpu.memory_space<vmem>>, vector<16xf32>,
      %parallel_loop3A_512 = arith.constant 16 : i32
      %parallel_loop3A_513 = arith.addi %parallel_loop3A_313, %parallel_loop3A_512 : i32
      %parallel_loop3A_514 = arith.index_cast %parallel_loop3A_513 : i32 to index
      %parallel_loop3A_515 = tpu.vector_load %arg4[%parallel_loop3A_514] {strides = array<i32>} : memref<32768xf32, #tpu.memory_space<vmem>>, vector<16xf32>,
      %parallel_loop3A_516 = vector.shape_cast %parallel_loop3A_515 : vector<16xf32> to vector<16xf32>
      %parallel_loop3A_517 = vector.shape_cast %parallel_loop3A_500 : vector<16xf32> to vector<16xf32>
      tpu.vector_store %arg4[%parallel_loop3A_514], %parallel_loop3A_517 {strides = array<i32>} : memref<32768xf32, #tpu.memory_space<vmem>>, vector<16xf32>,
      %parallel_loop3A_518 = arith.constant 32 : i32
      %parallel_loop3A_519 = arith.addi %parallel_loop3A_313, %parallel_loop3A_518 : i32
      %parallel_loop3A_520 = arith.index_cast %parallel_loop3A_519 : i32 to index
      %parallel_loop3A_521 = tpu.vector_load %arg4[%parallel_loop3A_520] {strides = array<i32>} : memref<32768xf32, #tpu.memory_space<vmem>>, vector<16xf32>,
      %parallel_loop3A_522 = vector.shape_cast %parallel_loop3A_521 : vector<16xf32> to vector<16xf32>
      %parallel_loop3A_523 = vector.shape_cast %parallel_loop3A_502 : vector<16xf32> to vector<16xf32>
      tpu.vector_store %arg4[%parallel_loop3A_520], %parallel_loop3A_523 {strides = array<i32>} : memref<32768xf32, #tpu.memory_space<vmem>>, vector<16xf32>,
      %parallel_loop3A_524 = arith.constant 48 : i32
      %parallel_loop3A_525 = arith.addi %parallel_loop3A_313, %parallel_loop3A_524 : i32
      %parallel_loop3A_526 = arith.index_cast %parallel_loop3A_525 : i32 to index
      %parallel_loop3A_527 = tpu.vector_load %arg4[%parallel_loop3A_526] {strides = array<i32>} : memref<32768xf32, #tpu.memory_space<vmem>>, vector<16xf32>,
      %parallel_loop3A_528 = vector.shape_cast %parallel_loop3A_527 : vector<16xf32> to vector<16xf32>
      %parallel_loop3A_529 = vector.shape_cast %parallel_loop3A_504 : vector<16xf32> to vector<16xf32>
      tpu.vector_store %arg4[%parallel_loop3A_526], %parallel_loop3A_529 {strides = array<i32>} : memref<32768xf32, #tpu.memory_space<vmem>>, vector<16xf32>,
      %parallel_loop3A_530 = arith.constant 64 : i32
      %parallel_loop3A_531 = arith.addi %parallel_loop3A_313, %parallel_loop3A_530 : i32
      %parallel_loop3A_532 = arith.index_cast %parallel_loop3A_531 : i32 to index
      %parallel_loop3A_533 = tpu.vector_load %arg4[%parallel_loop3A_532] {strides = array<i32>} : memref<32768xf32, #tpu.memory_space<vmem>>, vector<16xf32>,
      %parallel_loop3A_534 = vector.shape_cast %parallel_loop3A_533 : vector<16xf32> to vector<16xf32>
      %parallel_loop3A_535 = vector.shape_cast %parallel_loop3A_499 : vector<16xf32> to vector<16xf32>
      tpu.vector_store %arg4[%parallel_loop3A_532], %parallel_loop3A_535 {strides = array<i32>} : memref<32768xf32, #tpu.memory_space<vmem>>, vector<16xf32>,
      %parallel_loop3A_536 = arith.constant 80 : i32
      %parallel_loop3A_537 = arith.addi %parallel_loop3A_313, %parallel_loop3A_536 : i32
      %parallel_loop3A_538 = arith.index_cast %parallel_loop3A_537 : i32 to index
      %parallel_loop3A_539 = tpu.vector_load %arg4[%parallel_loop3A_538] {strides = array<i32>} : memref<32768xf32, #tpu.memory_space<vmem>>, vector<16xf32>,
      %parallel_loop3A_540 = vector.shape_cast %parallel_loop3A_539 : vector<16xf32> to vector<16xf32>
      %parallel_loop3A_541 = vector.shape_cast %parallel_loop3A_501 : vector<16xf32> to vector<16xf32>
      tpu.vector_store %arg4[%parallel_loop3A_538], %parallel_loop3A_541 {strides = array<i32>} : memref<32768xf32, #tpu.memory_space<vmem>>, vector<16xf32>,
      %parallel_loop3A_542 = arith.constant 96 : i32
      %parallel_loop3A_543 = arith.addi %parallel_loop3A_313, %parallel_loop3A_542 : i32
      %parallel_loop3A_544 = arith.index_cast %parallel_loop3A_543 : i32 to index
      %parallel_loop3A_545 = tpu.vector_load %arg4[%parallel_loop3A_544] {strides = array<i32>} : memref<32768xf32, #tpu.memory_space<vmem>>, vector<16xf32>,
      %parallel_loop3A_546 = vector.shape_cast %parallel_loop3A_545 : vector<16xf32> to vector<16xf32>
      %parallel_loop3A_547 = vector.shape_cast %parallel_loop3A_503 : vector<16xf32> to vector<16xf32>
      tpu.vector_store %arg4[%parallel_loop3A_544], %parallel_loop3A_547 {strides = array<i32>} : memref<32768xf32, #tpu.memory_space<vmem>>, vector<16xf32>,
      %parallel_loop3A_548 = arith.constant 112 : i32
      %parallel_loop3A_549 = arith.addi %parallel_loop3A_313, %parallel_loop3A_548 : i32
      %parallel_loop3A_550 = arith.index_cast %parallel_loop3A_549 : i32 to index
      %parallel_loop3A_551 = tpu.vector_load %arg4[%parallel_loop3A_550] {strides = array<i32>} : memref<32768xf32, #tpu.memory_space<vmem>>, vector<16xf32>,
      %parallel_loop3A_552 = vector.shape_cast %parallel_loop3A_551 : vector<16xf32> to vector<16xf32>
      %parallel_loop3A_553 = vector.shape_cast %parallel_loop3A_505 : vector<16xf32> to vector<16xf32>
      tpu.vector_store %arg4[%parallel_loop3A_550], %parallel_loop3A_553 {strides = array<i32>} : memref<32768xf32, #tpu.memory_space<vmem>>, vector<16xf32>,
      %parallel_loop3A_554 = arith.constant 256 : i32
      %parallel_loop3A_555 = arith.addi %parallel_loop3A_69, %parallel_loop3A_554 : i32
      %parallel_loop3A_556 = arith.constant 0 : i32
      %parallel_loop3A_557 = arith.addi %parallel_loop3A_555, %parallel_loop3A_556 : i32
      %parallel_loop3A_558 = arith.index_cast %parallel_loop3A_557 : i32 to index
      %parallel_loop3A_559 = tpu.vector_load %arg4[%parallel_loop3A_558] {strides = array<i32>} : memref<32768xf32, #tpu.memory_space<vmem>>, vector<16xf32>,
      %parallel_loop3A_560 = vector.shape_cast %parallel_loop3A_559 : vector<16xf32> to vector<16xf32>
      %parallel_loop3A_561 = arith.constant 16 : i32
      %parallel_loop3A_562 = arith.addi %parallel_loop3A_555, %parallel_loop3A_561 : i32
      %parallel_loop3A_563 = arith.index_cast %parallel_loop3A_562 : i32 to index
      %parallel_loop3A_564 = tpu.vector_load %arg4[%parallel_loop3A_563] {strides = array<i32>} : memref<32768xf32, #tpu.memory_space<vmem>>, vector<16xf32>,
      %parallel_loop3A_565 = vector.shape_cast %parallel_loop3A_564 : vector<16xf32> to vector<16xf32>
      %parallel_loop3A_566 = arith.constant 32 : i32
      %parallel_loop3A_567 = arith.addi %parallel_loop3A_555, %parallel_loop3A_566 : i32
      %parallel_loop3A_568 = arith.index_cast %parallel_loop3A_567 : i32 to index
      %parallel_loop3A_569 = tpu.vector_load %arg4[%parallel_loop3A_568] {strides = array<i32>} : memref<32768xf32, #tpu.memory_space<vmem>>, vector<16xf32>,
      %parallel_loop3A_570 = vector.shape_cast %parallel_loop3A_569 : vector<16xf32> to vector<16xf32>
      %parallel_loop3A_571 = arith.constant 48 : i32
      %parallel_loop3A_572 = arith.addi %parallel_loop3A_555, %parallel_loop3A_571 : i32
      %parallel_loop3A_573 = arith.index_cast %parallel_loop3A_572 : i32 to index
      %parallel_loop3A_574 = tpu.vector_load %arg4[%parallel_loop3A_573] {strides = array<i32>} : memref<32768xf32, #tpu.memory_space<vmem>>, vector<16xf32>,
      %parallel_loop3A_575 = vector.shape_cast %parallel_loop3A_574 : vector<16xf32> to vector<16xf32>
      %parallel_loop3A_576 = arith.constant 64 : i32
      %parallel_loop3A_577 = arith.addi %parallel_loop3A_555, %parallel_loop3A_576 : i32
      %parallel_loop3A_578 = arith.index_cast %parallel_loop3A_577 : i32 to index
      %parallel_loop3A_579 = tpu.vector_load %arg4[%parallel_loop3A_578] {strides = array<i32>} : memref<32768xf32, #tpu.memory_space<vmem>>, vector<16xf32>,
      %parallel_loop3A_580 = vector.shape_cast %parallel_loop3A_579 : vector<16xf32> to vector<16xf32>
      %parallel_loop3A_581 = arith.constant 80 : i32
      %parallel_loop3A_582 = arith.addi %parallel_loop3A_555, %parallel_loop3A_581 : i32
      %parallel_loop3A_583 = arith.index_cast %parallel_loop3A_582 : i32 to index
      %parallel_loop3A_584 = tpu.vector_load %arg4[%parallel_loop3A_583] {strides = array<i32>} : memref<32768xf32, #tpu.memory_space<vmem>>, vector<16xf32>,
      %parallel_loop3A_585 = vector.shape_cast %parallel_loop3A_584 : vector<16xf32> to vector<16xf32>
      %parallel_loop3A_586 = arith.constant 96 : i32
      %parallel_loop3A_587 = arith.addi %parallel_loop3A_555, %parallel_loop3A_586 : i32
      %parallel_loop3A_588 = arith.index_cast %parallel_loop3A_587 : i32 to index
      %parallel_loop3A_589 = tpu.vector_load %arg4[%parallel_loop3A_588] {strides = array<i32>} : memref<32768xf32, #tpu.memory_space<vmem>>, vector<16xf32>,
      %parallel_loop3A_590 = vector.shape_cast %parallel_loop3A_589 : vector<16xf32> to vector<16xf32>
      %parallel_loop3A_591 = arith.constant 112 : i32
      %parallel_loop3A_592 = arith.addi %parallel_loop3A_555, %parallel_loop3A_591 : i32
      %parallel_loop3A_593 = arith.index_cast %parallel_loop3A_592 : i32 to index
      %parallel_loop3A_594 = tpu.vector_load %arg4[%parallel_loop3A_593] {strides = array<i32>} : memref<32768xf32, #tpu.memory_space<vmem>>, vector<16xf32>,
      %parallel_loop3A_595 = vector.shape_cast %parallel_loop3A_594 : vector<16xf32> to vector<16xf32>
      %parallel_loop3A_596 = vector.shape_cast %reshape3A : vector<16x1xi32> to vector<16xi32>
      %parallel_loop3A_597 = tpu.dynamic_gather %parallel_loop3A_560[%parallel_loop3A_596] in [0] : vector<16xf32>, vector<16xi32> -> vector<16xf32>
      %parallel_loop3A_598 = arith.mulf %convert_element_type3A, %parallel_loop3A_560 : vector<16xf32>
      %parallel_loop3A_599 = arith.addf %parallel_loop3A_597, %parallel_loop3A_598 : vector<16xf32>
      %parallel_loop3A_600 = vector.shape_cast %reshape3A : vector<16x1xi32> to vector<16xi32>
      %parallel_loop3A_601 = tpu.dynamic_gather %parallel_loop3A_565[%parallel_loop3A_600] in [0] : vector<16xf32>, vector<16xi32> -> vector<16xf32>
      %parallel_loop3A_602 = arith.mulf %convert_element_type3A, %parallel_loop3A_565 : vector<16xf32>
      %parallel_loop3A_603 = arith.addf %parallel_loop3A_601, %parallel_loop3A_602 : vector<16xf32>
      %parallel_loop3A_604 = vector.shape_cast %reshape3A : vector<16x1xi32> to vector<16xi32>
      %parallel_loop3A_605 = tpu.dynamic_gather %parallel_loop3A_570[%parallel_loop3A_604] in [0] : vector<16xf32>, vector<16xi32> -> vector<16xf32>
      %parallel_loop3A_606 = arith.mulf %convert_element_type3A, %parallel_loop3A_570 : vector<16xf32>
      %parallel_loop3A_607 = arith.addf %parallel_loop3A_605, %parallel_loop3A_606 : vector<16xf32>
      %parallel_loop3A_608 = vector.shape_cast %reshape3A : vector<16x1xi32> to vector<16xi32>
      %parallel_loop3A_609 = tpu.dynamic_gather %parallel_loop3A_575[%parallel_loop3A_608] in [0] : vector<16xf32>, vector<16xi32> -> vector<16xf32>
      %parallel_loop3A_610 = arith.mulf %convert_element_type3A, %parallel_loop3A_575 : vector<16xf32>
      %parallel_loop3A_611 = arith.addf %parallel_loop3A_609, %parallel_loop3A_610 : vector<16xf32>
      %parallel_loop3A_612 = vector.shape_cast %reshape3A : vector<16x1xi32> to vector<16xi32>
      %parallel_loop3A_613 = tpu.dynamic_gather %parallel_loop3A_580[%parallel_loop3A_612] in [0] : vector<16xf32>, vector<16xi32> -> vector<16xf32>
      %parallel_loop3A_614 = arith.mulf %convert_element_type3A, %parallel_loop3A_580 : vector<16xf32>
      %parallel_loop3A_615 = arith.addf %parallel_loop3A_613, %parallel_loop3A_614 : vector<16xf32>
      %parallel_loop3A_616 = vector.shape_cast %reshape3A : vector<16x1xi32> to vector<16xi32>
      %parallel_loop3A_617 = tpu.dynamic_gather %parallel_loop3A_585[%parallel_loop3A_616] in [0] : vector<16xf32>, vector<16xi32> -> vector<16xf32>
      %parallel_loop3A_618 = arith.mulf %convert_element_type3A, %parallel_loop3A_585 : vector<16xf32>
      %parallel_loop3A_619 = arith.addf %parallel_loop3A_617, %parallel_loop3A_618 : vector<16xf32>
      %parallel_loop3A_620 = vector.shape_cast %reshape3A : vector<16x1xi32> to vector<16xi32>
      %parallel_loop3A_621 = tpu.dynamic_gather %parallel_loop3A_590[%parallel_loop3A_620] in [0] : vector<16xf32>, vector<16xi32> -> vector<16xf32>
      %parallel_loop3A_622 = arith.mulf %convert_element_type3A, %parallel_loop3A_590 : vector<16xf32>
      %parallel_loop3A_623 = arith.addf %parallel_loop3A_621, %parallel_loop3A_622 : vector<16xf32>
      %parallel_loop3A_624 = vector.shape_cast %reshape3A : vector<16x1xi32> to vector<16xi32>
      %parallel_loop3A_625 = tpu.dynamic_gather %parallel_loop3A_595[%parallel_loop3A_624] in [0] : vector<16xf32>, vector<16xi32> -> vector<16xf32>
      %parallel_loop3A_626 = arith.mulf %convert_element_type3A, %parallel_loop3A_595 : vector<16xf32>
      %parallel_loop3A_627 = arith.addf %parallel_loop3A_625, %parallel_loop3A_626 : vector<16xf32>
      %parallel_loop3A_628 = vector.shape_cast %reshape3A_8 : vector<16x1xi32> to vector<16xi32>
      %parallel_loop3A_629 = tpu.dynamic_gather %parallel_loop3A_599[%parallel_loop3A_628] in [0] : vector<16xf32>, vector<16xi32> -> vector<16xf32>
      %parallel_loop3A_630 = arith.mulf %convert_element_type3A_38, %parallel_loop3A_599 : vector<16xf32>
      %parallel_loop3A_631 = arith.addf %parallel_loop3A_629, %parallel_loop3A_630 : vector<16xf32>
      %parallel_loop3A_632 = vector.shape_cast %reshape3A_8 : vector<16x1xi32> to vector<16xi32>
      %parallel_loop3A_633 = tpu.dynamic_gather %parallel_loop3A_603[%parallel_loop3A_632] in [0] : vector<16xf32>, vector<16xi32> -> vector<16xf32>
      %parallel_loop3A_634 = arith.mulf %convert_element_type3A_38, %parallel_loop3A_603 : vector<16xf32>
      %parallel_loop3A_635 = arith.addf %parallel_loop3A_633, %parallel_loop3A_634 : vector<16xf32>
      %parallel_loop3A_636 = vector.shape_cast %reshape3A_8 : vector<16x1xi32> to vector<16xi32>
      %parallel_loop3A_637 = tpu.dynamic_gather %parallel_loop3A_607[%parallel_loop3A_636] in [0] : vector<16xf32>, vector<16xi32> -> vector<16xf32>
      %parallel_loop3A_638 = arith.mulf %convert_element_type3A_38, %parallel_loop3A_607 : vector<16xf32>
      %parallel_loop3A_639 = arith.addf %parallel_loop3A_637, %parallel_loop3A_638 : vector<16xf32>
      %parallel_loop3A_640 = vector.shape_cast %reshape3A_8 : vector<16x1xi32> to vector<16xi32>
      %parallel_loop3A_641 = tpu.dynamic_gather %parallel_loop3A_611[%parallel_loop3A_640] in [0] : vector<16xf32>, vector<16xi32> -> vector<16xf32>
      %parallel_loop3A_642 = arith.mulf %convert_element_type3A_38, %parallel_loop3A_611 : vector<16xf32>
      %parallel_loop3A_643 = arith.addf %parallel_loop3A_641, %parallel_loop3A_642 : vector<16xf32>
      %parallel_loop3A_644 = vector.shape_cast %reshape3A_8 : vector<16x1xi32> to vector<16xi32>
      %parallel_loop3A_645 = tpu.dynamic_gather %parallel_loop3A_615[%parallel_loop3A_644] in [0] : vector<16xf32>, vector<16xi32> -> vector<16xf32>
      %parallel_loop3A_646 = arith.mulf %convert_element_type3A_38, %parallel_loop3A_615 : vector<16xf32>
      %parallel_loop3A_647 = arith.addf %parallel_loop3A_645, %parallel_loop3A_646 : vector<16xf32>
      %parallel_loop3A_648 = vector.shape_cast %reshape3A_8 : vector<16x1xi32> to vector<16xi32>
      %parallel_loop3A_649 = tpu.dynamic_gather %parallel_loop3A_619[%parallel_loop3A_648] in [0] : vector<16xf32>, vector<16xi32> -> vector<16xf32>
      %parallel_loop3A_650 = arith.mulf %convert_element_type3A_38, %parallel_loop3A_619 : vector<16xf32>
      %parallel_loop3A_651 = arith.addf %parallel_loop3A_649, %parallel_loop3A_650 : vector<16xf32>
      %parallel_loop3A_652 = vector.shape_cast %reshape3A_8 : vector<16x1xi32> to vector<16xi32>
      %parallel_loop3A_653 = tpu.dynamic_gather %parallel_loop3A_623[%parallel_loop3A_652] in [0] : vector<16xf32>, vector<16xi32> -> vector<16xf32>
      %parallel_loop3A_654 = arith.mulf %convert_element_type3A_38, %parallel_loop3A_623 : vector<16xf32>
      %parallel_loop3A_655 = arith.addf %parallel_loop3A_653, %parallel_loop3A_654 : vector<16xf32>
      %parallel_loop3A_656 = vector.shape_cast %reshape3A_8 : vector<16x1xi32> to vector<16xi32>
      %parallel_loop3A_657 = tpu.dynamic_gather %parallel_loop3A_627[%parallel_loop3A_656] in [0] : vector<16xf32>, vector<16xi32> -> vector<16xf32>
      %parallel_loop3A_658 = arith.mulf %convert_element_type3A_38, %parallel_loop3A_627 : vector<16xf32>
      %parallel_loop3A_659 = arith.addf %parallel_loop3A_657, %parallel_loop3A_658 : vector<16xf32>
      %parallel_loop3A_660 = vector.shape_cast %reshape3A_12 : vector<16x1xi32> to vector<16xi32>
      %parallel_loop3A_661 = tpu.dynamic_gather %parallel_loop3A_631[%parallel_loop3A_660] in [0] : vector<16xf32>, vector<16xi32> -> vector<16xf32>
      %parallel_loop3A_662 = arith.mulf %convert_element_type3A_51, %parallel_loop3A_631 : vector<16xf32>
      %parallel_loop3A_663 = arith.addf %parallel_loop3A_661, %parallel_loop3A_662 : vector<16xf32>
      %parallel_loop3A_664 = vector.shape_cast %reshape3A_12 : vector<16x1xi32> to vector<16xi32>
      %parallel_loop3A_665 = tpu.dynamic_gather %parallel_loop3A_635[%parallel_loop3A_664] in [0] : vector<16xf32>, vector<16xi32> -> vector<16xf32>
      %parallel_loop3A_666 = arith.mulf %convert_element_type3A_51, %parallel_loop3A_635 : vector<16xf32>
      %parallel_loop3A_667 = arith.addf %parallel_loop3A_665, %parallel_loop3A_666 : vector<16xf32>
      %parallel_loop3A_668 = vector.shape_cast %reshape3A_12 : vector<16x1xi32> to vector<16xi32>
      %parallel_loop3A_669 = tpu.dynamic_gather %parallel_loop3A_639[%parallel_loop3A_668] in [0] : vector<16xf32>, vector<16xi32> -> vector<16xf32>
      %parallel_loop3A_670 = arith.mulf %convert_element_type3A_51, %parallel_loop3A_639 : vector<16xf32>
      %parallel_loop3A_671 = arith.addf %parallel_loop3A_669, %parallel_loop3A_670 : vector<16xf32>
      %parallel_loop3A_672 = vector.shape_cast %reshape3A_12 : vector<16x1xi32> to vector<16xi32>
      %parallel_loop3A_673 = tpu.dynamic_gather %parallel_loop3A_643[%parallel_loop3A_672] in [0] : vector<16xf32>, vector<16xi32> -> vector<16xf32>
      %parallel_loop3A_674 = arith.mulf %convert_element_type3A_51, %parallel_loop3A_643 : vector<16xf32>
      %parallel_loop3A_675 = arith.addf %parallel_loop3A_673, %parallel_loop3A_674 : vector<16xf32>
      %parallel_loop3A_676 = vector.shape_cast %reshape3A_12 : vector<16x1xi32> to vector<16xi32>
      %parallel_loop3A_677 = tpu.dynamic_gather %parallel_loop3A_647[%parallel_loop3A_676] in [0] : vector<16xf32>, vector<16xi32> -> vector<16xf32>
      %parallel_loop3A_678 = arith.mulf %convert_element_type3A_51, %parallel_loop3A_647 : vector<16xf32>
      %parallel_loop3A_679 = arith.addf %parallel_loop3A_677, %parallel_loop3A_678 : vector<16xf32>
      %parallel_loop3A_680 = vector.shape_cast %reshape3A_12 : vector<16x1xi32> to vector<16xi32>
      %parallel_loop3A_681 = tpu.dynamic_gather %parallel_loop3A_651[%parallel_loop3A_680] in [0] : vector<16xf32>, vector<16xi32> -> vector<16xf32>
      %parallel_loop3A_682 = arith.mulf %convert_element_type3A_51, %parallel_loop3A_651 : vector<16xf32>
      %parallel_loop3A_683 = arith.addf %parallel_loop3A_681, %parallel_loop3A_682 : vector<16xf32>
      %parallel_loop3A_684 = vector.shape_cast %reshape3A_12 : vector<16x1xi32> to vector<16xi32>
      %parallel_loop3A_685 = tpu.dynamic_gather %parallel_loop3A_655[%parallel_loop3A_684] in [0] : vector<16xf32>, vector<16xi32> -> vector<16xf32>
      %parallel_loop3A_686 = arith.mulf %convert_element_type3A_51, %parallel_loop3A_655 : vector<16xf32>
      %parallel_loop3A_687 = arith.addf %parallel_loop3A_685, %parallel_loop3A_686 : vector<16xf32>
      %parallel_loop3A_688 = vector.shape_cast %reshape3A_12 : vector<16x1xi32> to vector<16xi32>
      %parallel_loop3A_689 = tpu.dynamic_gather %parallel_loop3A_659[%parallel_loop3A_688] in [0] : vector<16xf32>, vector<16xi32> -> vector<16xf32>
      %parallel_loop3A_690 = arith.mulf %convert_element_type3A_51, %parallel_loop3A_659 : vector<16xf32>
      %parallel_loop3A_691 = arith.addf %parallel_loop3A_689, %parallel_loop3A_690 : vector<16xf32>
      %parallel_loop3A_692 = vector.shape_cast %reshape3A_16 : vector<16x1xi32> to vector<16xi32>
      %parallel_loop3A_693 = tpu.dynamic_gather %parallel_loop3A_663[%parallel_loop3A_692] in [0] : vector<16xf32>, vector<16xi32> -> vector<16xf32>
      %parallel_loop3A_694 = arith.mulf %convert_element_type3A_64, %parallel_loop3A_663 : vector<16xf32>
      %parallel_loop3A_695 = arith.addf %parallel_loop3A_693, %parallel_loop3A_694 : vector<16xf32>
      %parallel_loop3A_696 = vector.shape_cast %reshape3A_16 : vector<16x1xi32> to vector<16xi32>
      %parallel_loop3A_697 = tpu.dynamic_gather %parallel_loop3A_667[%parallel_loop3A_696] in [0] : vector<16xf32>, vector<16xi32> -> vector<16xf32>
      %parallel_loop3A_698 = arith.mulf %convert_element_type3A_64, %parallel_loop3A_667 : vector<16xf32>
      %parallel_loop3A_699 = arith.addf %parallel_loop3A_697, %parallel_loop3A_698 : vector<16xf32>
      %parallel_loop3A_700 = vector.shape_cast %reshape3A_16 : vector<16x1xi32> to vector<16xi32>
      %parallel_loop3A_701 = tpu.dynamic_gather %parallel_loop3A_671[%parallel_loop3A_700] in [0] : vector<16xf32>, vector<16xi32> -> vector<16xf32>
      %parallel_loop3A_702 = arith.mulf %convert_element_type3A_64, %parallel_loop3A_671 : vector<16xf32>
      %parallel_loop3A_703 = arith.addf %parallel_loop3A_701, %parallel_loop3A_702 : vector<16xf32>
      %parallel_loop3A_704 = vector.shape_cast %reshape3A_16 : vector<16x1xi32> to vector<16xi32>
      %parallel_loop3A_705 = tpu.dynamic_gather %parallel_loop3A_675[%parallel_loop3A_704] in [0] : vector<16xf32>, vector<16xi32> -> vector<16xf32>
      %parallel_loop3A_706 = arith.mulf %convert_element_type3A_64, %parallel_loop3A_675 : vector<16xf32>
      %parallel_loop3A_707 = arith.addf %parallel_loop3A_705, %parallel_loop3A_706 : vector<16xf32>
      %parallel_loop3A_708 = vector.shape_cast %reshape3A_16 : vector<16x1xi32> to vector<16xi32>
      %parallel_loop3A_709 = tpu.dynamic_gather %parallel_loop3A_679[%parallel_loop3A_708] in [0] : vector<16xf32>, vector<16xi32> -> vector<16xf32>
      %parallel_loop3A_710 = arith.mulf %convert_element_type3A_64, %parallel_loop3A_679 : vector<16xf32>
      %parallel_loop3A_711 = arith.addf %parallel_loop3A_709, %parallel_loop3A_710 : vector<16xf32>
      %parallel_loop3A_712 = vector.shape_cast %reshape3A_16 : vector<16x1xi32> to vector<16xi32>
      %parallel_loop3A_713 = tpu.dynamic_gather %parallel_loop3A_683[%parallel_loop3A_712] in [0] : vector<16xf32>, vector<16xi32> -> vector<16xf32>
      %parallel_loop3A_714 = arith.mulf %convert_element_type3A_64, %parallel_loop3A_683 : vector<16xf32>
      %parallel_loop3A_715 = arith.addf %parallel_loop3A_713, %parallel_loop3A_714 : vector<16xf32>
      %parallel_loop3A_716 = vector.shape_cast %reshape3A_16 : vector<16x1xi32> to vector<16xi32>
      %parallel_loop3A_717 = tpu.dynamic_gather %parallel_loop3A_687[%parallel_loop3A_716] in [0] : vector<16xf32>, vector<16xi32> -> vector<16xf32>
      %parallel_loop3A_718 = arith.mulf %convert_element_type3A_64, %parallel_loop3A_687 : vector<16xf32>
      %parallel_loop3A_719 = arith.addf %parallel_loop3A_717, %parallel_loop3A_718 : vector<16xf32>
      %parallel_loop3A_720 = vector.shape_cast %reshape3A_16 : vector<16x1xi32> to vector<16xi32>
      %parallel_loop3A_721 = tpu.dynamic_gather %parallel_loop3A_691[%parallel_loop3A_720] in [0] : vector<16xf32>, vector<16xi32> -> vector<16xf32>
      %parallel_loop3A_722 = arith.mulf %convert_element_type3A_64, %parallel_loop3A_691 : vector<16xf32>
      %parallel_loop3A_723 = arith.addf %parallel_loop3A_721, %parallel_loop3A_722 : vector<16xf32>
      %parallel_loop3A_724 = arith.addf %parallel_loop3A_695, %parallel_loop3A_699 : vector<16xf32>
      %parallel_loop3A_725 = arith.subf %parallel_loop3A_695, %parallel_loop3A_699 : vector<16xf32>
      %parallel_loop3A_726 = arith.addf %parallel_loop3A_703, %parallel_loop3A_707 : vector<16xf32>
      %parallel_loop3A_727 = arith.subf %parallel_loop3A_703, %parallel_loop3A_707 : vector<16xf32>
      %parallel_loop3A_728 = arith.addf %parallel_loop3A_711, %parallel_loop3A_715 : vector<16xf32>
      %parallel_loop3A_729 = arith.subf %parallel_loop3A_711, %parallel_loop3A_715 : vector<16xf32>
      %parallel_loop3A_730 = arith.addf %parallel_loop3A_719, %parallel_loop3A_723 : vector<16xf32>
      %parallel_loop3A_731 = arith.subf %parallel_loop3A_719, %parallel_loop3A_723 : vector<16xf32>
      %parallel_loop3A_732 = arith.addf %parallel_loop3A_724, %parallel_loop3A_726 : vector<16xf32>
      %parallel_loop3A_733 = arith.subf %parallel_loop3A_724, %parallel_loop3A_726 : vector<16xf32>
      %parallel_loop3A_734 = arith.addf %parallel_loop3A_725, %parallel_loop3A_727 : vector<16xf32>
      %parallel_loop3A_735 = arith.subf %parallel_loop3A_725, %parallel_loop3A_727 : vector<16xf32>
      %parallel_loop3A_736 = arith.addf %parallel_loop3A_728, %parallel_loop3A_730 : vector<16xf32>
      %parallel_loop3A_737 = arith.subf %parallel_loop3A_728, %parallel_loop3A_730 : vector<16xf32>
      %parallel_loop3A_738 = arith.addf %parallel_loop3A_729, %parallel_loop3A_731 : vector<16xf32>
      %parallel_loop3A_739 = arith.subf %parallel_loop3A_729, %parallel_loop3A_731 : vector<16xf32>
      %parallel_loop3A_740 = arith.addf %parallel_loop3A_732, %parallel_loop3A_736 : vector<16xf32>
      %parallel_loop3A_741 = arith.subf %parallel_loop3A_732, %parallel_loop3A_736 : vector<16xf32>
      %parallel_loop3A_742 = arith.addf %parallel_loop3A_734, %parallel_loop3A_738 : vector<16xf32>
      %parallel_loop3A_743 = arith.subf %parallel_loop3A_734, %parallel_loop3A_738 : vector<16xf32>
      %parallel_loop3A_744 = arith.addf %parallel_loop3A_733, %parallel_loop3A_737 : vector<16xf32>
      %parallel_loop3A_745 = arith.subf %parallel_loop3A_733, %parallel_loop3A_737 : vector<16xf32>
      %parallel_loop3A_746 = arith.addf %parallel_loop3A_735, %parallel_loop3A_739 : vector<16xf32>
      %parallel_loop3A_747 = arith.subf %parallel_loop3A_735, %parallel_loop3A_739 : vector<16xf32>
      %parallel_loop3A_748 = arith.constant 0 : i32
      %parallel_loop3A_749 = arith.addi %parallel_loop3A_555, %parallel_loop3A_748 : i32
      %parallel_loop3A_750 = arith.index_cast %parallel_loop3A_749 : i32 to index
      %parallel_loop3A_751 = tpu.vector_load %arg4[%parallel_loop3A_750] {strides = array<i32>} : memref<32768xf32, #tpu.memory_space<vmem>>, vector<16xf32>,
      %parallel_loop3A_752 = vector.shape_cast %parallel_loop3A_751 : vector<16xf32> to vector<16xf32>
      %parallel_loop3A_753 = vector.shape_cast %parallel_loop3A_740 : vector<16xf32> to vector<16xf32>
      tpu.vector_store %arg4[%parallel_loop3A_750], %parallel_loop3A_753 {strides = array<i32>} : memref<32768xf32, #tpu.memory_space<vmem>>, vector<16xf32>,
      %parallel_loop3A_754 = arith.constant 16 : i32
      %parallel_loop3A_755 = arith.addi %parallel_loop3A_555, %parallel_loop3A_754 : i32
      %parallel_loop3A_756 = arith.index_cast %parallel_loop3A_755 : i32 to index
      %parallel_loop3A_757 = tpu.vector_load %arg4[%parallel_loop3A_756] {strides = array<i32>} : memref<32768xf32, #tpu.memory_space<vmem>>, vector<16xf32>,
      %parallel_loop3A_758 = vector.shape_cast %parallel_loop3A_757 : vector<16xf32> to vector<16xf32>
      %parallel_loop3A_759 = vector.shape_cast %parallel_loop3A_742 : vector<16xf32> to vector<16xf32>
      tpu.vector_store %arg4[%parallel_loop3A_756], %parallel_loop3A_759 {strides = array<i32>} : memref<32768xf32, #tpu.memory_space<vmem>>, vector<16xf32>,
      %parallel_loop3A_760 = arith.constant 32 : i32
      %parallel_loop3A_761 = arith.addi %parallel_loop3A_555, %parallel_loop3A_760 : i32
      %parallel_loop3A_762 = arith.index_cast %parallel_loop3A_761 : i32 to index
      %parallel_loop3A_763 = tpu.vector_load %arg4[%parallel_loop3A_762] {strides = array<i32>} : memref<32768xf32, #tpu.memory_space<vmem>>, vector<16xf32>,
      %parallel_loop3A_764 = vector.shape_cast %parallel_loop3A_763 : vector<16xf32> to vector<16xf32>
      %parallel_loop3A_765 = vector.shape_cast %parallel_loop3A_744 : vector<16xf32> to vector<16xf32>
      tpu.vector_store %arg4[%parallel_loop3A_762], %parallel_loop3A_765 {strides = array<i32>} : memref<32768xf32, #tpu.memory_space<vmem>>, vector<16xf32>,
      %parallel_loop3A_766 = arith.constant 48 : i32
      %parallel_loop3A_767 = arith.addi %parallel_loop3A_555, %parallel_loop3A_766 : i32
      %parallel_loop3A_768 = arith.index_cast %parallel_loop3A_767 : i32 to index
      %parallel_loop3A_769 = tpu.vector_load %arg4[%parallel_loop3A_768] {strides = array<i32>} : memref<32768xf32, #tpu.memory_space<vmem>>, vector<16xf32>,
      %parallel_loop3A_770 = vector.shape_cast %parallel_loop3A_769 : vector<16xf32> to vector<16xf32>
      %parallel_loop3A_771 = vector.shape_cast %parallel_loop3A_746 : vector<16xf32> to vector<16xf32>
      tpu.vector_store %arg4[%parallel_loop3A_768], %parallel_loop3A_771 {strides = array<i32>} : memref<32768xf32, #tpu.memory_space<vmem>>, vector<16xf32>,
      %parallel_loop3A_772 = arith.constant 64 : i32
      %parallel_loop3A_773 = arith.addi %parallel_loop3A_555, %parallel_loop3A_772 : i32
      %parallel_loop3A_774 = arith.index_cast %parallel_loop3A_773 : i32 to index
      %parallel_loop3A_775 = tpu.vector_load %arg4[%parallel_loop3A_774] {strides = array<i32>} : memref<32768xf32, #tpu.memory_space<vmem>>, vector<16xf32>,
      %parallel_loop3A_776 = vector.shape_cast %parallel_loop3A_775 : vector<16xf32> to vector<16xf32>
      %parallel_loop3A_777 = vector.shape_cast %parallel_loop3A_741 : vector<16xf32> to vector<16xf32>
      tpu.vector_store %arg4[%parallel_loop3A_774], %parallel_loop3A_777 {strides = array<i32>} : memref<32768xf32, #tpu.memory_space<vmem>>, vector<16xf32>,
      %parallel_loop3A_778 = arith.constant 80 : i32
      %parallel_loop3A_779 = arith.addi %parallel_loop3A_555, %parallel_loop3A_778 : i32
      %parallel_loop3A_780 = arith.index_cast %parallel_loop3A_779 : i32 to index
      %parallel_loop3A_781 = tpu.vector_load %arg4[%parallel_loop3A_780] {strides = array<i32>} : memref<32768xf32, #tpu.memory_space<vmem>>, vector<16xf32>,
      %parallel_loop3A_782 = vector.shape_cast %parallel_loop3A_781 : vector<16xf32> to vector<16xf32>
      %parallel_loop3A_783 = vector.shape_cast %parallel_loop3A_743 : vector<16xf32> to vector<16xf32>
      tpu.vector_store %arg4[%parallel_loop3A_780], %parallel_loop3A_783 {strides = array<i32>} : memref<32768xf32, #tpu.memory_space<vmem>>, vector<16xf32>,
      %parallel_loop3A_784 = arith.constant 96 : i32
      %parallel_loop3A_785 = arith.addi %parallel_loop3A_555, %parallel_loop3A_784 : i32
      %parallel_loop3A_786 = arith.index_cast %parallel_loop3A_785 : i32 to index
      %parallel_loop3A_787 = tpu.vector_load %arg4[%parallel_loop3A_786] {strides = array<i32>} : memref<32768xf32, #tpu.memory_space<vmem>>, vector<16xf32>,
      %parallel_loop3A_788 = vector.shape_cast %parallel_loop3A_787 : vector<16xf32> to vector<16xf32>
      %parallel_loop3A_789 = vector.shape_cast %parallel_loop3A_745 : vector<16xf32> to vector<16xf32>
      tpu.vector_store %arg4[%parallel_loop3A_786], %parallel_loop3A_789 {strides = array<i32>} : memref<32768xf32, #tpu.memory_space<vmem>>, vector<16xf32>,
      %parallel_loop3A_790 = arith.constant 112 : i32
      %parallel_loop3A_791 = arith.addi %parallel_loop3A_555, %parallel_loop3A_790 : i32
      %parallel_loop3A_792 = arith.index_cast %parallel_loop3A_791 : i32 to index
      %parallel_loop3A_793 = tpu.vector_load %arg4[%parallel_loop3A_792] {strides = array<i32>} : memref<32768xf32, #tpu.memory_space<vmem>>, vector<16xf32>,
      %parallel_loop3A_794 = vector.shape_cast %parallel_loop3A_793 : vector<16xf32> to vector<16xf32>
      %parallel_loop3A_795 = vector.shape_cast %parallel_loop3A_747 : vector<16xf32> to vector<16xf32>
      tpu.vector_store %arg4[%parallel_loop3A_792], %parallel_loop3A_795 {strides = array<i32>} : memref<32768xf32, #tpu.memory_space<vmem>>, vector<16xf32>,
      %parallel_loop3A_796 = arith.constant 384 : i32
      %parallel_loop3A_797 = arith.addi %parallel_loop3A_69, %parallel_loop3A_796 : i32
      %parallel_loop3A_798 = arith.constant 0 : i32
      %parallel_loop3A_799 = arith.addi %parallel_loop3A_797, %parallel_loop3A_798 : i32
      %parallel_loop3A_800 = arith.index_cast %parallel_loop3A_799 : i32 to index
      %parallel_loop3A_801 = tpu.vector_load %arg4[%parallel_loop3A_800] {strides = array<i32>} : memref<32768xf32, #tpu.memory_space<vmem>>, vector<16xf32>,
      %parallel_loop3A_802 = vector.shape_cast %parallel_loop3A_801 : vector<16xf32> to vector<16xf32>
      %parallel_loop3A_803 = arith.constant 16 : i32
      %parallel_loop3A_804 = arith.addi %parallel_loop3A_797, %parallel_loop3A_803 : i32
      %parallel_loop3A_805 = arith.index_cast %parallel_loop3A_804 : i32 to index
      %parallel_loop3A_806 = tpu.vector_load %arg4[%parallel_loop3A_805] {strides = array<i32>} : memref<32768xf32, #tpu.memory_space<vmem>>, vector<16xf32>,
      %parallel_loop3A_807 = vector.shape_cast %parallel_loop3A_806 : vector<16xf32> to vector<16xf32>
      %parallel_loop3A_808 = arith.constant 32 : i32
      %parallel_loop3A_809 = arith.addi %parallel_loop3A_797, %parallel_loop3A_808 : i32
      %parallel_loop3A_810 = arith.index_cast %parallel_loop3A_809 : i32 to index
      %parallel_loop3A_811 = tpu.vector_load %arg4[%parallel_loop3A_810] {strides = array<i32>} : memref<32768xf32, #tpu.memory_space<vmem>>, vector<16xf32>,
      %parallel_loop3A_812 = vector.shape_cast %parallel_loop3A_811 : vector<16xf32> to vector<16xf32>
      %parallel_loop3A_813 = arith.constant 48 : i32
      %parallel_loop3A_814 = arith.addi %parallel_loop3A_797, %parallel_loop3A_813 : i32
      %parallel_loop3A_815 = arith.index_cast %parallel_loop3A_814 : i32 to index
      %parallel_loop3A_816 = tpu.vector_load %arg4[%parallel_loop3A_815] {strides = array<i32>} : memref<32768xf32, #tpu.memory_space<vmem>>, vector<16xf32>,
      %parallel_loop3A_817 = vector.shape_cast %parallel_loop3A_816 : vector<16xf32> to vector<16xf32>
      %parallel_loop3A_818 = arith.constant 64 : i32
      %parallel_loop3A_819 = arith.addi %parallel_loop3A_797, %parallel_loop3A_818 : i32
      %parallel_loop3A_820 = arith.index_cast %parallel_loop3A_819 : i32 to index
      %parallel_loop3A_821 = tpu.vector_load %arg4[%parallel_loop3A_820] {strides = array<i32>} : memref<32768xf32, #tpu.memory_space<vmem>>, vector<16xf32>,
      %parallel_loop3A_822 = vector.shape_cast %parallel_loop3A_821 : vector<16xf32> to vector<16xf32>
      %parallel_loop3A_823 = arith.constant 80 : i32
      %parallel_loop3A_824 = arith.addi %parallel_loop3A_797, %parallel_loop3A_823 : i32
      %parallel_loop3A_825 = arith.index_cast %parallel_loop3A_824 : i32 to index
      %parallel_loop3A_826 = tpu.vector_load %arg4[%parallel_loop3A_825] {strides = array<i32>} : memref<32768xf32, #tpu.memory_space<vmem>>, vector<16xf32>,
      %parallel_loop3A_827 = vector.shape_cast %parallel_loop3A_826 : vector<16xf32> to vector<16xf32>
      %parallel_loop3A_828 = arith.constant 96 : i32
      %parallel_loop3A_829 = arith.addi %parallel_loop3A_797, %parallel_loop3A_828 : i32
      %parallel_loop3A_830 = arith.index_cast %parallel_loop3A_829 : i32 to index
      %parallel_loop3A_831 = tpu.vector_load %arg4[%parallel_loop3A_830] {strides = array<i32>} : memref<32768xf32, #tpu.memory_space<vmem>>, vector<16xf32>,
      %parallel_loop3A_832 = vector.shape_cast %parallel_loop3A_831 : vector<16xf32> to vector<16xf32>
      %parallel_loop3A_833 = arith.constant 112 : i32
      %parallel_loop3A_834 = arith.addi %parallel_loop3A_797, %parallel_loop3A_833 : i32
      %parallel_loop3A_835 = arith.index_cast %parallel_loop3A_834 : i32 to index
      %parallel_loop3A_836 = tpu.vector_load %arg4[%parallel_loop3A_835] {strides = array<i32>} : memref<32768xf32, #tpu.memory_space<vmem>>, vector<16xf32>,
      %parallel_loop3A_837 = vector.shape_cast %parallel_loop3A_836 : vector<16xf32> to vector<16xf32>
      %parallel_loop3A_838 = vector.shape_cast %reshape3A : vector<16x1xi32> to vector<16xi32>
      %parallel_loop3A_839 = tpu.dynamic_gather %parallel_loop3A_802[%parallel_loop3A_838] in [0] : vector<16xf32>, vector<16xi32> -> vector<16xf32>
      %parallel_loop3A_840 = arith.mulf %convert_element_type3A, %parallel_loop3A_802 : vector<16xf32>
      %parallel_loop3A_841 = arith.addf %parallel_loop3A_839, %parallel_loop3A_840 : vector<16xf32>
      %parallel_loop3A_842 = vector.shape_cast %reshape3A : vector<16x1xi32> to vector<16xi32>
      %parallel_loop3A_843 = tpu.dynamic_gather %parallel_loop3A_807[%parallel_loop3A_842] in [0] : vector<16xf32>, vector<16xi32> -> vector<16xf32>
      %parallel_loop3A_844 = arith.mulf %convert_element_type3A, %parallel_loop3A_807 : vector<16xf32>
      %parallel_loop3A_845 = arith.addf %parallel_loop3A_843, %parallel_loop3A_844 : vector<16xf32>
      %parallel_loop3A_846 = vector.shape_cast %reshape3A : vector<16x1xi32> to vector<16xi32>
      %parallel_loop3A_847 = tpu.dynamic_gather %parallel_loop3A_812[%parallel_loop3A_846] in [0] : vector<16xf32>, vector<16xi32> -> vector<16xf32>
      %parallel_loop3A_848 = arith.mulf %convert_element_type3A, %parallel_loop3A_812 : vector<16xf32>
      %parallel_loop3A_849 = arith.addf %parallel_loop3A_847, %parallel_loop3A_848 : vector<16xf32>
      %parallel_loop3A_850 = vector.shape_cast %reshape3A : vector<16x1xi32> to vector<16xi32>
      %parallel_loop3A_851 = tpu.dynamic_gather %parallel_loop3A_817[%parallel_loop3A_850] in [0] : vector<16xf32>, vector<16xi32> -> vector<16xf32>
      %parallel_loop3A_852 = arith.mulf %convert_element_type3A, %parallel_loop3A_817 : vector<16xf32>
      %parallel_loop3A_853 = arith.addf %parallel_loop3A_851, %parallel_loop3A_852 : vector<16xf32>
      %parallel_loop3A_854 = vector.shape_cast %reshape3A : vector<16x1xi32> to vector<16xi32>
      %parallel_loop3A_855 = tpu.dynamic_gather %parallel_loop3A_822[%parallel_loop3A_854] in [0] : vector<16xf32>, vector<16xi32> -> vector<16xf32>
      %parallel_loop3A_856 = arith.mulf %convert_element_type3A, %parallel_loop3A_822 : vector<16xf32>
      %parallel_loop3A_857 = arith.addf %parallel_loop3A_855, %parallel_loop3A_856 : vector<16xf32>
      %parallel_loop3A_858 = vector.shape_cast %reshape3A : vector<16x1xi32> to vector<16xi32>
      %parallel_loop3A_859 = tpu.dynamic_gather %parallel_loop3A_827[%parallel_loop3A_858] in [0] : vector<16xf32>, vector<16xi32> -> vector<16xf32>
      %parallel_loop3A_860 = arith.mulf %convert_element_type3A, %parallel_loop3A_827 : vector<16xf32>
      %parallel_loop3A_861 = arith.addf %parallel_loop3A_859, %parallel_loop3A_860 : vector<16xf32>
      %parallel_loop3A_862 = vector.shape_cast %reshape3A : vector<16x1xi32> to vector<16xi32>
      %parallel_loop3A_863 = tpu.dynamic_gather %parallel_loop3A_832[%parallel_loop3A_862] in [0] : vector<16xf32>, vector<16xi32> -> vector<16xf32>
      %parallel_loop3A_864 = arith.mulf %convert_element_type3A, %parallel_loop3A_832 : vector<16xf32>
      %parallel_loop3A_865 = arith.addf %parallel_loop3A_863, %parallel_loop3A_864 : vector<16xf32>
      %parallel_loop3A_866 = vector.shape_cast %reshape3A : vector<16x1xi32> to vector<16xi32>
      %parallel_loop3A_867 = tpu.dynamic_gather %parallel_loop3A_837[%parallel_loop3A_866] in [0] : vector<16xf32>, vector<16xi32> -> vector<16xf32>
      %parallel_loop3A_868 = arith.mulf %convert_element_type3A, %parallel_loop3A_837 : vector<16xf32>
      %parallel_loop3A_869 = arith.addf %parallel_loop3A_867, %parallel_loop3A_868 : vector<16xf32>
      %parallel_loop3A_870 = vector.shape_cast %reshape3A_8 : vector<16x1xi32> to vector<16xi32>
      %parallel_loop3A_871 = tpu.dynamic_gather %parallel_loop3A_841[%parallel_loop3A_870] in [0] : vector<16xf32>, vector<16xi32> -> vector<16xf32>
      %parallel_loop3A_872 = arith.mulf %convert_element_type3A_38, %parallel_loop3A_841 : vector<16xf32>
      %parallel_loop3A_873 = arith.addf %parallel_loop3A_871, %parallel_loop3A_872 : vector<16xf32>
      %parallel_loop3A_874 = vector.shape_cast %reshape3A_8 : vector<16x1xi32> to vector<16xi32>
      %parallel_loop3A_875 = tpu.dynamic_gather %parallel_loop3A_845[%parallel_loop3A_874] in [0] : vector<16xf32>, vector<16xi32> -> vector<16xf32>
      %parallel_loop3A_876 = arith.mulf %convert_element_type3A_38, %parallel_loop3A_845 : vector<16xf32>
      %parallel_loop3A_877 = arith.addf %parallel_loop3A_875, %parallel_loop3A_876 : vector<16xf32>
      %parallel_loop3A_878 = vector.shape_cast %reshape3A_8 : vector<16x1xi32> to vector<16xi32>
      %parallel_loop3A_879 = tpu.dynamic_gather %parallel_loop3A_849[%parallel_loop3A_878] in [0] : vector<16xf32>, vector<16xi32> -> vector<16xf32>
      %parallel_loop3A_880 = arith.mulf %convert_element_type3A_38, %parallel_loop3A_849 : vector<16xf32>
      %parallel_loop3A_881 = arith.addf %parallel_loop3A_879, %parallel_loop3A_880 : vector<16xf32>
      %parallel_loop3A_882 = vector.shape_cast %reshape3A_8 : vector<16x1xi32> to vector<16xi32>
      %parallel_loop3A_883 = tpu.dynamic_gather %parallel_loop3A_853[%parallel_loop3A_882] in [0] : vector<16xf32>, vector<16xi32> -> vector<16xf32>
      %parallel_loop3A_884 = arith.mulf %convert_element_type3A_38, %parallel_loop3A_853 : vector<16xf32>
      %parallel_loop3A_885 = arith.addf %parallel_loop3A_883, %parallel_loop3A_884 : vector<16xf32>
      %parallel_loop3A_886 = vector.shape_cast %reshape3A_8 : vector<16x1xi32> to vector<16xi32>
      %parallel_loop3A_887 = tpu.dynamic_gather %parallel_loop3A_857[%parallel_loop3A_886] in [0] : vector<16xf32>, vector<16xi32> -> vector<16xf32>
      %parallel_loop3A_888 = arith.mulf %convert_element_type3A_38, %parallel_loop3A_857 : vector<16xf32>
      %parallel_loop3A_889 = arith.addf %parallel_loop3A_887, %parallel_loop3A_888 : vector<16xf32>
      %parallel_loop3A_890 = vector.shape_cast %reshape3A_8 : vector<16x1xi32> to vector<16xi32>
      %parallel_loop3A_891 = tpu.dynamic_gather %parallel_loop3A_861[%parallel_loop3A_890] in [0] : vector<16xf32>, vector<16xi32> -> vector<16xf32>
      %parallel_loop3A_892 = arith.mulf %convert_element_type3A_38, %parallel_loop3A_861 : vector<16xf32>
      %parallel_loop3A_893 = arith.addf %parallel_loop3A_891, %parallel_loop3A_892 : vector<16xf32>
      %parallel_loop3A_894 = vector.shape_cast %reshape3A_8 : vector<16x1xi32> to vector<16xi32>
      %parallel_loop3A_895 = tpu.dynamic_gather %parallel_loop3A_865[%parallel_loop3A_894] in [0] : vector<16xf32>, vector<16xi32> -> vector<16xf32>
      %parallel_loop3A_896 = arith.mulf %convert_element_type3A_38, %parallel_loop3A_865 : vector<16xf32>
      %parallel_loop3A_897 = arith.addf %parallel_loop3A_895, %parallel_loop3A_896 : vector<16xf32>
      %parallel_loop3A_898 = vector.shape_cast %reshape3A_8 : vector<16x1xi32> to vector<16xi32>
      %parallel_loop3A_899 = tpu.dynamic_gather %parallel_loop3A_869[%parallel_loop3A_898] in [0] : vector<16xf32>, vector<16xi32> -> vector<16xf32>
      %parallel_loop3A_900 = arith.mulf %convert_element_type3A_38, %parallel_loop3A_869 : vector<16xf32>
      %parallel_loop3A_901 = arith.addf %parallel_loop3A_899, %parallel_loop3A_900 : vector<16xf32>
      %parallel_loop3A_902 = vector.shape_cast %reshape3A_12 : vector<16x1xi32> to vector<16xi32>
      %parallel_loop3A_903 = tpu.dynamic_gather %parallel_loop3A_873[%parallel_loop3A_902] in [0] : vector<16xf32>, vector<16xi32> -> vector<16xf32>
      %parallel_loop3A_904 = arith.mulf %convert_element_type3A_51, %parallel_loop3A_873 : vector<16xf32>
      %parallel_loop3A_905 = arith.addf %parallel_loop3A_903, %parallel_loop3A_904 : vector<16xf32>
      %parallel_loop3A_906 = vector.shape_cast %reshape3A_12 : vector<16x1xi32> to vector<16xi32>
      %parallel_loop3A_907 = tpu.dynamic_gather %parallel_loop3A_877[%parallel_loop3A_906] in [0] : vector<16xf32>, vector<16xi32> -> vector<16xf32>
      %parallel_loop3A_908 = arith.mulf %convert_element_type3A_51, %parallel_loop3A_877 : vector<16xf32>
      %parallel_loop3A_909 = arith.addf %parallel_loop3A_907, %parallel_loop3A_908 : vector<16xf32>
      %parallel_loop3A_910 = vector.shape_cast %reshape3A_12 : vector<16x1xi32> to vector<16xi32>
      %parallel_loop3A_911 = tpu.dynamic_gather %parallel_loop3A_881[%parallel_loop3A_910] in [0] : vector<16xf32>, vector<16xi32> -> vector<16xf32>
      %parallel_loop3A_912 = arith.mulf %convert_element_type3A_51, %parallel_loop3A_881 : vector<16xf32>
      %parallel_loop3A_913 = arith.addf %parallel_loop3A_911, %parallel_loop3A_912 : vector<16xf32>
      %parallel_loop3A_914 = vector.shape_cast %reshape3A_12 : vector<16x1xi32> to vector<16xi32>
      %parallel_loop3A_915 = tpu.dynamic_gather %parallel_loop3A_885[%parallel_loop3A_914] in [0] : vector<16xf32>, vector<16xi32> -> vector<16xf32>
      %parallel_loop3A_916 = arith.mulf %convert_element_type3A_51, %parallel_loop3A_885 : vector<16xf32>
      %parallel_loop3A_917 = arith.addf %parallel_loop3A_915, %parallel_loop3A_916 : vector<16xf32>
      %parallel_loop3A_918 = vector.shape_cast %reshape3A_12 : vector<16x1xi32> to vector<16xi32>
      %parallel_loop3A_919 = tpu.dynamic_gather %parallel_loop3A_889[%parallel_loop3A_918] in [0] : vector<16xf32>, vector<16xi32> -> vector<16xf32>
      %parallel_loop3A_920 = arith.mulf %convert_element_type3A_51, %parallel_loop3A_889 : vector<16xf32>
      %parallel_loop3A_921 = arith.addf %parallel_loop3A_919, %parallel_loop3A_920 : vector<16xf32>
      %parallel_loop3A_922 = vector.shape_cast %reshape3A_12 : vector<16x1xi32> to vector<16xi32>
      %parallel_loop3A_923 = tpu.dynamic_gather %parallel_loop3A_893[%parallel_loop3A_922] in [0] : vector<16xf32>, vector<16xi32> -> vector<16xf32>
      %parallel_loop3A_924 = arith.mulf %convert_element_type3A_51, %parallel_loop3A_893 : vector<16xf32>
      %parallel_loop3A_925 = arith.addf %parallel_loop3A_923, %parallel_loop3A_924 : vector<16xf32>
      %parallel_loop3A_926 = vector.shape_cast %reshape3A_12 : vector<16x1xi32> to vector<16xi32>
      %parallel_loop3A_927 = tpu.dynamic_gather %parallel_loop3A_897[%parallel_loop3A_926] in [0] : vector<16xf32>, vector<16xi32> -> vector<16xf32>
      %parallel_loop3A_928 = arith.mulf %convert_element_type3A_51, %parallel_loop3A_897 : vector<16xf32>
      %parallel_loop3A_929 = arith.addf %parallel_loop3A_927, %parallel_loop3A_928 : vector<16xf32>
      %parallel_loop3A_930 = vector.shape_cast %reshape3A_12 : vector<16x1xi32> to vector<16xi32>
      %parallel_loop3A_931 = tpu.dynamic_gather %parallel_loop3A_901[%parallel_loop3A_930] in [0] : vector<16xf32>, vector<16xi32> -> vector<16xf32>
      %parallel_loop3A_932 = arith.mulf %convert_element_type3A_51, %parallel_loop3A_901 : vector<16xf32>
      %parallel_loop3A_933 = arith.addf %parallel_loop3A_931, %parallel_loop3A_932 : vector<16xf32>
      %parallel_loop3A_934 = vector.shape_cast %reshape3A_16 : vector<16x1xi32> to vector<16xi32>
      %parallel_loop3A_935 = tpu.dynamic_gather %parallel_loop3A_905[%parallel_loop3A_934] in [0] : vector<16xf32>, vector<16xi32> -> vector<16xf32>
      %parallel_loop3A_936 = arith.mulf %convert_element_type3A_64, %parallel_loop3A_905 : vector<16xf32>
      %parallel_loop3A_937 = arith.addf %parallel_loop3A_935, %parallel_loop3A_936 : vector<16xf32>
      %parallel_loop3A_938 = vector.shape_cast %reshape3A_16 : vector<16x1xi32> to vector<16xi32>
      %parallel_loop3A_939 = tpu.dynamic_gather %parallel_loop3A_909[%parallel_loop3A_938] in [0] : vector<16xf32>, vector<16xi32> -> vector<16xf32>
      %parallel_loop3A_940 = arith.mulf %convert_element_type3A_64, %parallel_loop3A_909 : vector<16xf32>
      %parallel_loop3A_941 = arith.addf %parallel_loop3A_939, %parallel_loop3A_940 : vector<16xf32>
      %parallel_loop3A_942 = vector.shape_cast %reshape3A_16 : vector<16x1xi32> to vector<16xi32>
      %parallel_loop3A_943 = tpu.dynamic_gather %parallel_loop3A_913[%parallel_loop3A_942] in [0] : vector<16xf32>, vector<16xi32> -> vector<16xf32>
      %parallel_loop3A_944 = arith.mulf %convert_element_type3A_64, %parallel_loop3A_913 : vector<16xf32>
      %parallel_loop3A_945 = arith.addf %parallel_loop3A_943, %parallel_loop3A_944 : vector<16xf32>
      %parallel_loop3A_946 = vector.shape_cast %reshape3A_16 : vector<16x1xi32> to vector<16xi32>
      %parallel_loop3A_947 = tpu.dynamic_gather %parallel_loop3A_917[%parallel_loop3A_946] in [0] : vector<16xf32>, vector<16xi32> -> vector<16xf32>
      %parallel_loop3A_948 = arith.mulf %convert_element_type3A_64, %parallel_loop3A_917 : vector<16xf32>
      %parallel_loop3A_949 = arith.addf %parallel_loop3A_947, %parallel_loop3A_948 : vector<16xf32>
      %parallel_loop3A_950 = vector.shape_cast %reshape3A_16 : vector<16x1xi32> to vector<16xi32>
      %parallel_loop3A_951 = tpu.dynamic_gather %parallel_loop3A_921[%parallel_loop3A_950] in [0] : vector<16xf32>, vector<16xi32> -> vector<16xf32>
      %parallel_loop3A_952 = arith.mulf %convert_element_type3A_64, %parallel_loop3A_921 : vector<16xf32>
      %parallel_loop3A_953 = arith.addf %parallel_loop3A_951, %parallel_loop3A_952 : vector<16xf32>
      %parallel_loop3A_954 = vector.shape_cast %reshape3A_16 : vector<16x1xi32> to vector<16xi32>
      %parallel_loop3A_955 = tpu.dynamic_gather %parallel_loop3A_925[%parallel_loop3A_954] in [0] : vector<16xf32>, vector<16xi32> -> vector<16xf32>
      %parallel_loop3A_956 = arith.mulf %convert_element_type3A_64, %parallel_loop3A_925 : vector<16xf32>
      %parallel_loop3A_957 = arith.addf %parallel_loop3A_955, %parallel_loop3A_956 : vector<16xf32>
      %parallel_loop3A_958 = vector.shape_cast %reshape3A_16 : vector<16x1xi32> to vector<16xi32>
      %parallel_loop3A_959 = tpu.dynamic_gather %parallel_loop3A_929[%parallel_loop3A_958] in [0] : vector<16xf32>, vector<16xi32> -> vector<16xf32>
      %parallel_loop3A_960 = arith.mulf %convert_element_type3A_64, %parallel_loop3A_929 : vector<16xf32>
      %parallel_loop3A_961 = arith.addf %parallel_loop3A_959, %parallel_loop3A_960 : vector<16xf32>
      %parallel_loop3A_962 = vector.shape_cast %reshape3A_16 : vector<16x1xi32> to vector<16xi32>
      %parallel_loop3A_963 = tpu.dynamic_gather %parallel_loop3A_933[%parallel_loop3A_962] in [0] : vector<16xf32>, vector<16xi32> -> vector<16xf32>
      %parallel_loop3A_964 = arith.mulf %convert_element_type3A_64, %parallel_loop3A_933 : vector<16xf32>
      %parallel_loop3A_965 = arith.addf %parallel_loop3A_963, %parallel_loop3A_964 : vector<16xf32>
      %parallel_loop3A_966 = arith.addf %parallel_loop3A_937, %parallel_loop3A_941 : vector<16xf32>
      %parallel_loop3A_967 = arith.subf %parallel_loop3A_937, %parallel_loop3A_941 : vector<16xf32>
      %parallel_loop3A_968 = arith.addf %parallel_loop3A_945, %parallel_loop3A_949 : vector<16xf32>
      %parallel_loop3A_969 = arith.subf %parallel_loop3A_945, %parallel_loop3A_949 : vector<16xf32>
      %parallel_loop3A_970 = arith.addf %parallel_loop3A_953, %parallel_loop3A_957 : vector<16xf32>
      %parallel_loop3A_971 = arith.subf %parallel_loop3A_953, %parallel_loop3A_957 : vector<16xf32>
      %parallel_loop3A_972 = arith.addf %parallel_loop3A_961, %parallel_loop3A_965 : vector<16xf32>
      %parallel_loop3A_973 = arith.subf %parallel_loop3A_961, %parallel_loop3A_965 : vector<16xf32>
      %parallel_loop3A_974 = arith.addf %parallel_loop3A_966, %parallel_loop3A_968 : vector<16xf32>
      %parallel_loop3A_975 = arith.subf %parallel_loop3A_966, %parallel_loop3A_968 : vector<16xf32>
      %parallel_loop3A_976 = arith.addf %parallel_loop3A_967, %parallel_loop3A_969 : vector<16xf32>
      %parallel_loop3A_977 = arith.subf %parallel_loop3A_967, %parallel_loop3A_969 : vector<16xf32>
      %parallel_loop3A_978 = arith.addf %parallel_loop3A_970, %parallel_loop3A_972 : vector<16xf32>
      %parallel_loop3A_979 = arith.subf %parallel_loop3A_970, %parallel_loop3A_972 : vector<16xf32>
      %parallel_loop3A_980 = arith.addf %parallel_loop3A_971, %parallel_loop3A_973 : vector<16xf32>
      %parallel_loop3A_981 = arith.subf %parallel_loop3A_971, %parallel_loop3A_973 : vector<16xf32>
      %parallel_loop3A_982 = arith.addf %parallel_loop3A_974, %parallel_loop3A_978 : vector<16xf32>
      %parallel_loop3A_983 = arith.subf %parallel_loop3A_974, %parallel_loop3A_978 : vector<16xf32>
      %parallel_loop3A_984 = arith.addf %parallel_loop3A_976, %parallel_loop3A_980 : vector<16xf32>
      %parallel_loop3A_985 = arith.subf %parallel_loop3A_976, %parallel_loop3A_980 : vector<16xf32>
      %parallel_loop3A_986 = arith.addf %parallel_loop3A_975, %parallel_loop3A_979 : vector<16xf32>
      %parallel_loop3A_987 = arith.subf %parallel_loop3A_975, %parallel_loop3A_979 : vector<16xf32>
      %parallel_loop3A_988 = arith.addf %parallel_loop3A_977, %parallel_loop3A_981 : vector<16xf32>
      %parallel_loop3A_989 = arith.subf %parallel_loop3A_977, %parallel_loop3A_981 : vector<16xf32>
      %parallel_loop3A_990 = arith.constant 0 : i32
      %parallel_loop3A_991 = arith.addi %parallel_loop3A_797, %parallel_loop3A_990 : i32
      %parallel_loop3A_992 = arith.index_cast %parallel_loop3A_991 : i32 to index
      %parallel_loop3A_993 = tpu.vector_load %arg4[%parallel_loop3A_992] {strides = array<i32>} : memref<32768xf32, #tpu.memory_space<vmem>>, vector<16xf32>,
      %parallel_loop3A_994 = vector.shape_cast %parallel_loop3A_993 : vector<16xf32> to vector<16xf32>
      %parallel_loop3A_995 = vector.shape_cast %parallel_loop3A_982 : vector<16xf32> to vector<16xf32>
      tpu.vector_store %arg4[%parallel_loop3A_992], %parallel_loop3A_995 {strides = array<i32>} : memref<32768xf32, #tpu.memory_space<vmem>>, vector<16xf32>,
      %parallel_loop3A_996 = arith.constant 16 : i32
      %parallel_loop3A_997 = arith.addi %parallel_loop3A_797, %parallel_loop3A_996 : i32
      %parallel_loop3A_998 = arith.index_cast %parallel_loop3A_997 : i32 to index
      %parallel_loop3A_999 = tpu.vector_load %arg4[%parallel_loop3A_998] {strides = array<i32>} : memref<32768xf32, #tpu.memory_space<vmem>>, vector<16xf32>,
      %parallel_loop3A_1000 = vector.shape_cast %parallel_loop3A_999 : vector<16xf32> to vector<16xf32>
      %parallel_loop3A_1001 = vector.shape_cast %parallel_loop3A_984 : vector<16xf32> to vector<16xf32>
      tpu.vector_store %arg4[%parallel_loop3A_998], %parallel_loop3A_1001 {strides = array<i32>} : memref<32768xf32, #tpu.memory_space<vmem>>, vector<16xf32>,
      %parallel_loop3A_1002 = arith.constant 32 : i32
      %parallel_loop3A_1003 = arith.addi %parallel_loop3A_797, %parallel_loop3A_1002 : i32
      %parallel_loop3A_1004 = arith.index_cast %parallel_loop3A_1003 : i32 to index
      %parallel_loop3A_1005 = tpu.vector_load %arg4[%parallel_loop3A_1004] {strides = array<i32>} : memref<32768xf32, #tpu.memory_space<vmem>>, vector<16xf32>,
      %parallel_loop3A_1006 = vector.shape_cast %parallel_loop3A_1005 : vector<16xf32> to vector<16xf32>
      %parallel_loop3A_1007 = vector.shape_cast %parallel_loop3A_986 : vector<16xf32> to vector<16xf32>
      tpu.vector_store %arg4[%parallel_loop3A_1004], %parallel_loop3A_1007 {strides = array<i32>} : memref<32768xf32, #tpu.memory_space<vmem>>, vector<16xf32>,
      %parallel_loop3A_1008 = arith.constant 48 : i32
      %parallel_loop3A_1009 = arith.addi %parallel_loop3A_797, %parallel_loop3A_1008 : i32
      %parallel_loop3A_1010 = arith.index_cast %parallel_loop3A_1009 : i32 to index
      %parallel_loop3A_1011 = tpu.vector_load %arg4[%parallel_loop3A_1010] {strides = array<i32>} : memref<32768xf32, #tpu.memory_space<vmem>>, vector<16xf32>,
      %parallel_loop3A_1012 = vector.shape_cast %parallel_loop3A_1011 : vector<16xf32> to vector<16xf32>
      %parallel_loop3A_1013 = vector.shape_cast %parallel_loop3A_988 : vector<16xf32> to vector<16xf32>
      tpu.vector_store %arg4[%parallel_loop3A_1010], %parallel_loop3A_1013 {strides = array<i32>} : memref<32768xf32, #tpu.memory_space<vmem>>, vector<16xf32>,
      %parallel_loop3A_1014 = arith.constant 64 : i32
      %parallel_loop3A_1015 = arith.addi %parallel_loop3A_797, %parallel_loop3A_1014 : i32
      %parallel_loop3A_1016 = arith.index_cast %parallel_loop3A_1015 : i32 to index
      %parallel_loop3A_1017 = tpu.vector_load %arg4[%parallel_loop3A_1016] {strides = array<i32>} : memref<32768xf32, #tpu.memory_space<vmem>>, vector<16xf32>,
      %parallel_loop3A_1018 = vector.shape_cast %parallel_loop3A_1017 : vector<16xf32> to vector<16xf32>
      %parallel_loop3A_1019 = vector.shape_cast %parallel_loop3A_983 : vector<16xf32> to vector<16xf32>
      tpu.vector_store %arg4[%parallel_loop3A_1016], %parallel_loop3A_1019 {strides = array<i32>} : memref<32768xf32, #tpu.memory_space<vmem>>, vector<16xf32>,
      %parallel_loop3A_1020 = arith.constant 80 : i32
      %parallel_loop3A_1021 = arith.addi %parallel_loop3A_797, %parallel_loop3A_1020 : i32
      %parallel_loop3A_1022 = arith.index_cast %parallel_loop3A_1021 : i32 to index
      %parallel_loop3A_1023 = tpu.vector_load %arg4[%parallel_loop3A_1022] {strides = array<i32>} : memref<32768xf32, #tpu.memory_space<vmem>>, vector<16xf32>,
      %parallel_loop3A_1024 = vector.shape_cast %parallel_loop3A_1023 : vector<16xf32> to vector<16xf32>
      %parallel_loop3A_1025 = vector.shape_cast %parallel_loop3A_985 : vector<16xf32> to vector<16xf32>
      tpu.vector_store %arg4[%parallel_loop3A_1022], %parallel_loop3A_1025 {strides = array<i32>} : memref<32768xf32, #tpu.memory_space<vmem>>, vector<16xf32>,
      %parallel_loop3A_1026 = arith.constant 96 : i32
      %parallel_loop3A_1027 = arith.addi %parallel_loop3A_797, %parallel_loop3A_1026 : i32
      %parallel_loop3A_1028 = arith.index_cast %parallel_loop3A_1027 : i32 to index
      %parallel_loop3A_1029 = tpu.vector_load %arg4[%parallel_loop3A_1028] {strides = array<i32>} : memref<32768xf32, #tpu.memory_space<vmem>>, vector<16xf32>,
      %parallel_loop3A_1030 = vector.shape_cast %parallel_loop3A_1029 : vector<16xf32> to vector<16xf32>
      %parallel_loop3A_1031 = vector.shape_cast %parallel_loop3A_987 : vector<16xf32> to vector<16xf32>
      tpu.vector_store %arg4[%parallel_loop3A_1028], %parallel_loop3A_1031 {strides = array<i32>} : memref<32768xf32, #tpu.memory_space<vmem>>, vector<16xf32>,
      %parallel_loop3A_1032 = arith.constant 112 : i32
      %parallel_loop3A_1033 = arith.addi %parallel_loop3A_797, %parallel_loop3A_1032 : i32
      %parallel_loop3A_1034 = arith.index_cast %parallel_loop3A_1033 : i32 to index
      %parallel_loop3A_1035 = tpu.vector_load %arg4[%parallel_loop3A_1034] {strides = array<i32>} : memref<32768xf32, #tpu.memory_space<vmem>>, vector<16xf32>,
      %parallel_loop3A_1036 = vector.shape_cast %parallel_loop3A_1035 : vector<16xf32> to vector<16xf32>
      %parallel_loop3A_1037 = vector.shape_cast %parallel_loop3A_989 : vector<16xf32> to vector<16xf32>
      tpu.vector_store %arg4[%parallel_loop3A_1034], %parallel_loop3A_1037 {strides = array<i32>} : memref<32768xf32, #tpu.memory_space<vmem>>, vector<16xf32>,
      %parallel_loop3A_1038 = arith.constant 512 : i32
      %parallel_loop3A_1039 = arith.addi %parallel_loop3A_69, %parallel_loop3A_1038 : i32
      %parallel_loop3A_1040 = arith.constant 0 : i32
      %parallel_loop3A_1041 = arith.addi %parallel_loop3A_1039, %parallel_loop3A_1040 : i32
      %parallel_loop3A_1042 = arith.index_cast %parallel_loop3A_1041 : i32 to index
      %parallel_loop3A_1043 = tpu.vector_load %arg4[%parallel_loop3A_1042] {strides = array<i32>} : memref<32768xf32, #tpu.memory_space<vmem>>, vector<16xf32>,
      %parallel_loop3A_1044 = vector.shape_cast %parallel_loop3A_1043 : vector<16xf32> to vector<16xf32>
      %parallel_loop3A_1045 = arith.constant 16 : i32
      %parallel_loop3A_1046 = arith.addi %parallel_loop3A_1039, %parallel_loop3A_1045 : i32
      %parallel_loop3A_1047 = arith.index_cast %parallel_loop3A_1046 : i32 to index
      %parallel_loop3A_1048 = tpu.vector_load %arg4[%parallel_loop3A_1047] {strides = array<i32>} : memref<32768xf32, #tpu.memory_space<vmem>>, vector<16xf32>,
      %parallel_loop3A_1049 = vector.shape_cast %parallel_loop3A_1048 : vector<16xf32> to vector<16xf32>
      %parallel_loop3A_1050 = arith.constant 32 : i32
      %parallel_loop3A_1051 = arith.addi %parallel_loop3A_1039, %parallel_loop3A_1050 : i32
      %parallel_loop3A_1052 = arith.index_cast %parallel_loop3A_1051 : i32 to index
      %parallel_loop3A_1053 = tpu.vector_load %arg4[%parallel_loop3A_1052] {strides = array<i32>} : memref<32768xf32, #tpu.memory_space<vmem>>, vector<16xf32>,
      %parallel_loop3A_1054 = vector.shape_cast %parallel_loop3A_1053 : vector<16xf32> to vector<16xf32>
      %parallel_loop3A_1055 = arith.constant 48 : i32
      %parallel_loop3A_1056 = arith.addi %parallel_loop3A_1039, %parallel_loop3A_1055 : i32
      %parallel_loop3A_1057 = arith.index_cast %parallel_loop3A_1056 : i32 to index
      %parallel_loop3A_1058 = tpu.vector_load %arg4[%parallel_loop3A_1057] {strides = array<i32>} : memref<32768xf32, #tpu.memory_space<vmem>>, vector<16xf32>,
      %parallel_loop3A_1059 = vector.shape_cast %parallel_loop3A_1058 : vector<16xf32> to vector<16xf32>
      %parallel_loop3A_1060 = arith.constant 64 : i32
      %parallel_loop3A_1061 = arith.addi %parallel_loop3A_1039, %parallel_loop3A_1060 : i32
      %parallel_loop3A_1062 = arith.index_cast %parallel_loop3A_1061 : i32 to index
      %parallel_loop3A_1063 = tpu.vector_load %arg4[%parallel_loop3A_1062] {strides = array<i32>} : memref<32768xf32, #tpu.memory_space<vmem>>, vector<16xf32>,
      %parallel_loop3A_1064 = vector.shape_cast %parallel_loop3A_1063 : vector<16xf32> to vector<16xf32>
      %parallel_loop3A_1065 = arith.constant 80 : i32
      %parallel_loop3A_1066 = arith.addi %parallel_loop3A_1039, %parallel_loop3A_1065 : i32
      %parallel_loop3A_1067 = arith.index_cast %parallel_loop3A_1066 : i32 to index
      %parallel_loop3A_1068 = tpu.vector_load %arg4[%parallel_loop3A_1067] {strides = array<i32>} : memref<32768xf32, #tpu.memory_space<vmem>>, vector<16xf32>,
      %parallel_loop3A_1069 = vector.shape_cast %parallel_loop3A_1068 : vector<16xf32> to vector<16xf32>
      %parallel_loop3A_1070 = arith.constant 96 : i32
      %parallel_loop3A_1071 = arith.addi %parallel_loop3A_1039, %parallel_loop3A_1070 : i32
      %parallel_loop3A_1072 = arith.index_cast %parallel_loop3A_1071 : i32 to index
      %parallel_loop3A_1073 = tpu.vector_load %arg4[%parallel_loop3A_1072] {strides = array<i32>} : memref<32768xf32, #tpu.memory_space<vmem>>, vector<16xf32>,
      %parallel_loop3A_1074 = vector.shape_cast %parallel_loop3A_1073 : vector<16xf32> to vector<16xf32>
      %parallel_loop3A_1075 = arith.constant 112 : i32
      %parallel_loop3A_1076 = arith.addi %parallel_loop3A_1039, %parallel_loop3A_1075 : i32
      %parallel_loop3A_1077 = arith.index_cast %parallel_loop3A_1076 : i32 to index
      %parallel_loop3A_1078 = tpu.vector_load %arg4[%parallel_loop3A_1077] {strides = array<i32>} : memref<32768xf32, #tpu.memory_space<vmem>>, vector<16xf32>,
      %parallel_loop3A_1079 = vector.shape_cast %parallel_loop3A_1078 : vector<16xf32> to vector<16xf32>
      %parallel_loop3A_1080 = vector.shape_cast %reshape3A : vector<16x1xi32> to vector<16xi32>
      %parallel_loop3A_1081 = tpu.dynamic_gather %parallel_loop3A_1044[%parallel_loop3A_1080] in [0] : vector<16xf32>, vector<16xi32> -> vector<16xf32>
      %parallel_loop3A_1082 = arith.mulf %convert_element_type3A, %parallel_loop3A_1044 : vector<16xf32>
      %parallel_loop3A_1083 = arith.addf %parallel_loop3A_1081, %parallel_loop3A_1082 : vector<16xf32>
      %parallel_loop3A_1084 = vector.shape_cast %reshape3A : vector<16x1xi32> to vector<16xi32>
      %parallel_loop3A_1085 = tpu.dynamic_gather %parallel_loop3A_1049[%parallel_loop3A_1084] in [0] : vector<16xf32>, vector<16xi32> -> vector<16xf32>
      %parallel_loop3A_1086 = arith.mulf %convert_element_type3A, %parallel_loop3A_1049 : vector<16xf32>
      %parallel_loop3A_1087 = arith.addf %parallel_loop3A_1085, %parallel_loop3A_1086 : vector<16xf32>
      %parallel_loop3A_1088 = vector.shape_cast %reshape3A : vector<16x1xi32> to vector<16xi32>
      %parallel_loop3A_1089 = tpu.dynamic_gather %parallel_loop3A_1054[%parallel_loop3A_1088] in [0] : vector<16xf32>, vector<16xi32> -> vector<16xf32>
      %parallel_loop3A_1090 = arith.mulf %convert_element_type3A, %parallel_loop3A_1054 : vector<16xf32>
      %parallel_loop3A_1091 = arith.addf %parallel_loop3A_1089, %parallel_loop3A_1090 : vector<16xf32>
      %parallel_loop3A_1092 = vector.shape_cast %reshape3A : vector<16x1xi32> to vector<16xi32>
      %parallel_loop3A_1093 = tpu.dynamic_gather %parallel_loop3A_1059[%parallel_loop3A_1092] in [0] : vector<16xf32>, vector<16xi32> -> vector<16xf32>
      %parallel_loop3A_1094 = arith.mulf %convert_element_type3A, %parallel_loop3A_1059 : vector<16xf32>
      %parallel_loop3A_1095 = arith.addf %parallel_loop3A_1093, %parallel_loop3A_1094 : vector<16xf32>
      %parallel_loop3A_1096 = vector.shape_cast %reshape3A : vector<16x1xi32> to vector<16xi32>
      %parallel_loop3A_1097 = tpu.dynamic_gather %parallel_loop3A_1064[%parallel_loop3A_1096] in [0] : vector<16xf32>, vector<16xi32> -> vector<16xf32>
      %parallel_loop3A_1098 = arith.mulf %convert_element_type3A, %parallel_loop3A_1064 : vector<16xf32>
      %parallel_loop3A_1099 = arith.addf %parallel_loop3A_1097, %parallel_loop3A_1098 : vector<16xf32>
      %parallel_loop3A_1100 = vector.shape_cast %reshape3A : vector<16x1xi32> to vector<16xi32>
      %parallel_loop3A_1101 = tpu.dynamic_gather %parallel_loop3A_1069[%parallel_loop3A_1100] in [0] : vector<16xf32>, vector<16xi32> -> vector<16xf32>
      %parallel_loop3A_1102 = arith.mulf %convert_element_type3A, %parallel_loop3A_1069 : vector<16xf32>
      %parallel_loop3A_1103 = arith.addf %parallel_loop3A_1101, %parallel_loop3A_1102 : vector<16xf32>
      %parallel_loop3A_1104 = vector.shape_cast %reshape3A : vector<16x1xi32> to vector<16xi32>
      %parallel_loop3A_1105 = tpu.dynamic_gather %parallel_loop3A_1074[%parallel_loop3A_1104] in [0] : vector<16xf32>, vector<16xi32> -> vector<16xf32>
      %parallel_loop3A_1106 = arith.mulf %convert_element_type3A, %parallel_loop3A_1074 : vector<16xf32>
      %parallel_loop3A_1107 = arith.addf %parallel_loop3A_1105, %parallel_loop3A_1106 : vector<16xf32>
      %parallel_loop3A_1108 = vector.shape_cast %reshape3A : vector<16x1xi32> to vector<16xi32>
      %parallel_loop3A_1109 = tpu.dynamic_gather %parallel_loop3A_1079[%parallel_loop3A_1108] in [0] : vector<16xf32>, vector<16xi32> -> vector<16xf32>
      %parallel_loop3A_1110 = arith.mulf %convert_element_type3A, %parallel_loop3A_1079 : vector<16xf32>
      %parallel_loop3A_1111 = arith.addf %parallel_loop3A_1109, %parallel_loop3A_1110 : vector<16xf32>
      %parallel_loop3A_1112 = vector.shape_cast %reshape3A_8 : vector<16x1xi32> to vector<16xi32>
      %parallel_loop3A_1113 = tpu.dynamic_gather %parallel_loop3A_1083[%parallel_loop3A_1112] in [0] : vector<16xf32>, vector<16xi32> -> vector<16xf32>
      %parallel_loop3A_1114 = arith.mulf %convert_element_type3A_38, %parallel_loop3A_1083 : vector<16xf32>
      %parallel_loop3A_1115 = arith.addf %parallel_loop3A_1113, %parallel_loop3A_1114 : vector<16xf32>
      %parallel_loop3A_1116 = vector.shape_cast %reshape3A_8 : vector<16x1xi32> to vector<16xi32>
      %parallel_loop3A_1117 = tpu.dynamic_gather %parallel_loop3A_1087[%parallel_loop3A_1116] in [0] : vector<16xf32>, vector<16xi32> -> vector<16xf32>
      %parallel_loop3A_1118 = arith.mulf %convert_element_type3A_38, %parallel_loop3A_1087 : vector<16xf32>
      %parallel_loop3A_1119 = arith.addf %parallel_loop3A_1117, %parallel_loop3A_1118 : vector<16xf32>
      %parallel_loop3A_1120 = vector.shape_cast %reshape3A_8 : vector<16x1xi32> to vector<16xi32>
      %parallel_loop3A_1121 = tpu.dynamic_gather %parallel_loop3A_1091[%parallel_loop3A_1120] in [0] : vector<16xf32>, vector<16xi32> -> vector<16xf32>
      %parallel_loop3A_1122 = arith.mulf %convert_element_type3A_38, %parallel_loop3A_1091 : vector<16xf32>
      %parallel_loop3A_1123 = arith.addf %parallel_loop3A_1121, %parallel_loop3A_1122 : vector<16xf32>
      %parallel_loop3A_1124 = vector.shape_cast %reshape3A_8 : vector<16x1xi32> to vector<16xi32>
      %parallel_loop3A_1125 = tpu.dynamic_gather %parallel_loop3A_1095[%parallel_loop3A_1124] in [0] : vector<16xf32>, vector<16xi32> -> vector<16xf32>
      %parallel_loop3A_1126 = arith.mulf %convert_element_type3A_38, %parallel_loop3A_1095 : vector<16xf32>
      %parallel_loop3A_1127 = arith.addf %parallel_loop3A_1125, %parallel_loop3A_1126 : vector<16xf32>
      %parallel_loop3A_1128 = vector.shape_cast %reshape3A_8 : vector<16x1xi32> to vector<16xi32>
      %parallel_loop3A_1129 = tpu.dynamic_gather %parallel_loop3A_1099[%parallel_loop3A_1128] in [0] : vector<16xf32>, vector<16xi32> -> vector<16xf32>
      %parallel_loop3A_1130 = arith.mulf %convert_element_type3A_38, %parallel_loop3A_1099 : vector<16xf32>
      %parallel_loop3A_1131 = arith.addf %parallel_loop3A_1129, %parallel_loop3A_1130 : vector<16xf32>
      %parallel_loop3A_1132 = vector.shape_cast %reshape3A_8 : vector<16x1xi32> to vector<16xi32>
      %parallel_loop3A_1133 = tpu.dynamic_gather %parallel_loop3A_1103[%parallel_loop3A_1132] in [0] : vector<16xf32>, vector<16xi32> -> vector<16xf32>
      %parallel_loop3A_1134 = arith.mulf %convert_element_type3A_38, %parallel_loop3A_1103 : vector<16xf32>
      %parallel_loop3A_1135 = arith.addf %parallel_loop3A_1133, %parallel_loop3A_1134 : vector<16xf32>
      %parallel_loop3A_1136 = vector.shape_cast %reshape3A_8 : vector<16x1xi32> to vector<16xi32>
      %parallel_loop3A_1137 = tpu.dynamic_gather %parallel_loop3A_1107[%parallel_loop3A_1136] in [0] : vector<16xf32>, vector<16xi32> -> vector<16xf32>
      %parallel_loop3A_1138 = arith.mulf %convert_element_type3A_38, %parallel_loop3A_1107 : vector<16xf32>
      %parallel_loop3A_1139 = arith.addf %parallel_loop3A_1137, %parallel_loop3A_1138 : vector<16xf32>
      %parallel_loop3A_1140 = vector.shape_cast %reshape3A_8 : vector<16x1xi32> to vector<16xi32>
      %parallel_loop3A_1141 = tpu.dynamic_gather %parallel_loop3A_1111[%parallel_loop3A_1140] in [0] : vector<16xf32>, vector<16xi32> -> vector<16xf32>
      %parallel_loop3A_1142 = arith.mulf %convert_element_type3A_38, %parallel_loop3A_1111 : vector<16xf32>
      %parallel_loop3A_1143 = arith.addf %parallel_loop3A_1141, %parallel_loop3A_1142 : vector<16xf32>
      %parallel_loop3A_1144 = vector.shape_cast %reshape3A_12 : vector<16x1xi32> to vector<16xi32>
      %parallel_loop3A_1145 = tpu.dynamic_gather %parallel_loop3A_1115[%parallel_loop3A_1144] in [0] : vector<16xf32>, vector<16xi32> -> vector<16xf32>
      %parallel_loop3A_1146 = arith.mulf %convert_element_type3A_51, %parallel_loop3A_1115 : vector<16xf32>
      %parallel_loop3A_1147 = arith.addf %parallel_loop3A_1145, %parallel_loop3A_1146 : vector<16xf32>
      %parallel_loop3A_1148 = vector.shape_cast %reshape3A_12 : vector<16x1xi32> to vector<16xi32>
      %parallel_loop3A_1149 = tpu.dynamic_gather %parallel_loop3A_1119[%parallel_loop3A_1148] in [0] : vector<16xf32>, vector<16xi32> -> vector<16xf32>
      %parallel_loop3A_1150 = arith.mulf %convert_element_type3A_51, %parallel_loop3A_1119 : vector<16xf32>
      %parallel_loop3A_1151 = arith.addf %parallel_loop3A_1149, %parallel_loop3A_1150 : vector<16xf32>
      %parallel_loop3A_1152 = vector.shape_cast %reshape3A_12 : vector<16x1xi32> to vector<16xi32>
      %parallel_loop3A_1153 = tpu.dynamic_gather %parallel_loop3A_1123[%parallel_loop3A_1152] in [0] : vector<16xf32>, vector<16xi32> -> vector<16xf32>
      %parallel_loop3A_1154 = arith.mulf %convert_element_type3A_51, %parallel_loop3A_1123 : vector<16xf32>
      %parallel_loop3A_1155 = arith.addf %parallel_loop3A_1153, %parallel_loop3A_1154 : vector<16xf32>
      %parallel_loop3A_1156 = vector.shape_cast %reshape3A_12 : vector<16x1xi32> to vector<16xi32>
      %parallel_loop3A_1157 = tpu.dynamic_gather %parallel_loop3A_1127[%parallel_loop3A_1156] in [0] : vector<16xf32>, vector<16xi32> -> vector<16xf32>
      %parallel_loop3A_1158 = arith.mulf %convert_element_type3A_51, %parallel_loop3A_1127 : vector<16xf32>
      %parallel_loop3A_1159 = arith.addf %parallel_loop3A_1157, %parallel_loop3A_1158 : vector<16xf32>
      %parallel_loop3A_1160 = vector.shape_cast %reshape3A_12 : vector<16x1xi32> to vector<16xi32>
      %parallel_loop3A_1161 = tpu.dynamic_gather %parallel_loop3A_1131[%parallel_loop3A_1160] in [0] : vector<16xf32>, vector<16xi32> -> vector<16xf32>
      %parallel_loop3A_1162 = arith.mulf %convert_element_type3A_51, %parallel_loop3A_1131 : vector<16xf32>
      %parallel_loop3A_1163 = arith.addf %parallel_loop3A_1161, %parallel_loop3A_1162 : vector<16xf32>
      %parallel_loop3A_1164 = vector.shape_cast %reshape3A_12 : vector<16x1xi32> to vector<16xi32>
      %parallel_loop3A_1165 = tpu.dynamic_gather %parallel_loop3A_1135[%parallel_loop3A_1164] in [0] : vector<16xf32>, vector<16xi32> -> vector<16xf32>
      %parallel_loop3A_1166 = arith.mulf %convert_element_type3A_51, %parallel_loop3A_1135 : vector<16xf32>
      %parallel_loop3A_1167 = arith.addf %parallel_loop3A_1165, %parallel_loop3A_1166 : vector<16xf32>
      %parallel_loop3A_1168 = vector.shape_cast %reshape3A_12 : vector<16x1xi32> to vector<16xi32>
      %parallel_loop3A_1169 = tpu.dynamic_gather %parallel_loop3A_1139[%parallel_loop3A_1168] in [0] : vector<16xf32>, vector<16xi32> -> vector<16xf32>
      %parallel_loop3A_1170 = arith.mulf %convert_element_type3A_51, %parallel_loop3A_1139 : vector<16xf32>
      %parallel_loop3A_1171 = arith.addf %parallel_loop3A_1169, %parallel_loop3A_1170 : vector<16xf32>
      %parallel_loop3A_1172 = vector.shape_cast %reshape3A_12 : vector<16x1xi32> to vector<16xi32>
      %parallel_loop3A_1173 = tpu.dynamic_gather %parallel_loop3A_1143[%parallel_loop3A_1172] in [0] : vector<16xf32>, vector<16xi32> -> vector<16xf32>
      %parallel_loop3A_1174 = arith.mulf %convert_element_type3A_51, %parallel_loop3A_1143 : vector<16xf32>
      %parallel_loop3A_1175 = arith.addf %parallel_loop3A_1173, %parallel_loop3A_1174 : vector<16xf32>
      %parallel_loop3A_1176 = vector.shape_cast %reshape3A_16 : vector<16x1xi32> to vector<16xi32>
      %parallel_loop3A_1177 = tpu.dynamic_gather %parallel_loop3A_1147[%parallel_loop3A_1176] in [0] : vector<16xf32>, vector<16xi32> -> vector<16xf32>
      %parallel_loop3A_1178 = arith.mulf %convert_element_type3A_64, %parallel_loop3A_1147 : vector<16xf32>
      %parallel_loop3A_1179 = arith.addf %parallel_loop3A_1177, %parallel_loop3A_1178 : vector<16xf32>
      %parallel_loop3A_1180 = vector.shape_cast %reshape3A_16 : vector<16x1xi32> to vector<16xi32>
      %parallel_loop3A_1181 = tpu.dynamic_gather %parallel_loop3A_1151[%parallel_loop3A_1180] in [0] : vector<16xf32>, vector<16xi32> -> vector<16xf32>
      %parallel_loop3A_1182 = arith.mulf %convert_element_type3A_64, %parallel_loop3A_1151 : vector<16xf32>
      %parallel_loop3A_1183 = arith.addf %parallel_loop3A_1181, %parallel_loop3A_1182 : vector<16xf32>
      %parallel_loop3A_1184 = vector.shape_cast %reshape3A_16 : vector<16x1xi32> to vector<16xi32>
      %parallel_loop3A_1185 = tpu.dynamic_gather %parallel_loop3A_1155[%parallel_loop3A_1184] in [0] : vector<16xf32>, vector<16xi32> -> vector<16xf32>
      %parallel_loop3A_1186 = arith.mulf %convert_element_type3A_64, %parallel_loop3A_1155 : vector<16xf32>
      %parallel_loop3A_1187 = arith.addf %parallel_loop3A_1185, %parallel_loop3A_1186 : vector<16xf32>
      %parallel_loop3A_1188 = vector.shape_cast %reshape3A_16 : vector<16x1xi32> to vector<16xi32>
      %parallel_loop3A_1189 = tpu.dynamic_gather %parallel_loop3A_1159[%parallel_loop3A_1188] in [0] : vector<16xf32>, vector<16xi32> -> vector<16xf32>
      %parallel_loop3A_1190 = arith.mulf %convert_element_type3A_64, %parallel_loop3A_1159 : vector<16xf32>
      %parallel_loop3A_1191 = arith.addf %parallel_loop3A_1189, %parallel_loop3A_1190 : vector<16xf32>
      %parallel_loop3A_1192 = vector.shape_cast %reshape3A_16 : vector<16x1xi32> to vector<16xi32>
      %parallel_loop3A_1193 = tpu.dynamic_gather %parallel_loop3A_1163[%parallel_loop3A_1192] in [0] : vector<16xf32>, vector<16xi32> -> vector<16xf32>
      %parallel_loop3A_1194 = arith.mulf %convert_element_type3A_64, %parallel_loop3A_1163 : vector<16xf32>
      %parallel_loop3A_1195 = arith.addf %parallel_loop3A_1193, %parallel_loop3A_1194 : vector<16xf32>
      %parallel_loop3A_1196 = vector.shape_cast %reshape3A_16 : vector<16x1xi32> to vector<16xi32>
      %parallel_loop3A_1197 = tpu.dynamic_gather %parallel_loop3A_1167[%parallel_loop3A_1196] in [0] : vector<16xf32>, vector<16xi32> -> vector<16xf32>
      %parallel_loop3A_1198 = arith.mulf %convert_element_type3A_64, %parallel_loop3A_1167 : vector<16xf32>
      %parallel_loop3A_1199 = arith.addf %parallel_loop3A_1197, %parallel_loop3A_1198 : vector<16xf32>
      %parallel_loop3A_1200 = vector.shape_cast %reshape3A_16 : vector<16x1xi32> to vector<16xi32>
      %parallel_loop3A_1201 = tpu.dynamic_gather %parallel_loop3A_1171[%parallel_loop3A_1200] in [0] : vector<16xf32>, vector<16xi32> -> vector<16xf32>
      %parallel_loop3A_1202 = arith.mulf %convert_element_type3A_64, %parallel_loop3A_1171 : vector<16xf32>
      %parallel_loop3A_1203 = arith.addf %parallel_loop3A_1201, %parallel_loop3A_1202 : vector<16xf32>
      %parallel_loop3A_1204 = vector.shape_cast %reshape3A_16 : vector<16x1xi32> to vector<16xi32>
      %parallel_loop3A_1205 = tpu.dynamic_gather %parallel_loop3A_1175[%parallel_loop3A_1204] in [0] : vector<16xf32>, vector<16xi32> -> vector<16xf32>
      %parallel_loop3A_1206 = arith.mulf %convert_element_type3A_64, %parallel_loop3A_1175 : vector<16xf32>
      %parallel_loop3A_1207 = arith.addf %parallel_loop3A_1205, %parallel_loop3A_1206 : vector<16xf32>
      %parallel_loop3A_1208 = arith.addf %parallel_loop3A_1179, %parallel_loop3A_1183 : vector<16xf32>
      %parallel_loop3A_1209 = arith.subf %parallel_loop3A_1179, %parallel_loop3A_1183 : vector<16xf32>
      %parallel_loop3A_1210 = arith.addf %parallel_loop3A_1187, %parallel_loop3A_1191 : vector<16xf32>
      %parallel_loop3A_1211 = arith.subf %parallel_loop3A_1187, %parallel_loop3A_1191 : vector<16xf32>
      %parallel_loop3A_1212 = arith.addf %parallel_loop3A_1195, %parallel_loop3A_1199 : vector<16xf32>
      %parallel_loop3A_1213 = arith.subf %parallel_loop3A_1195, %parallel_loop3A_1199 : vector<16xf32>
      %parallel_loop3A_1214 = arith.addf %parallel_loop3A_1203, %parallel_loop3A_1207 : vector<16xf32>
      %parallel_loop3A_1215 = arith.subf %parallel_loop3A_1203, %parallel_loop3A_1207 : vector<16xf32>
      %parallel_loop3A_1216 = arith.addf %parallel_loop3A_1208, %parallel_loop3A_1210 : vector<16xf32>
      %parallel_loop3A_1217 = arith.subf %parallel_loop3A_1208, %parallel_loop3A_1210 : vector<16xf32>
      %parallel_loop3A_1218 = arith.addf %parallel_loop3A_1209, %parallel_loop3A_1211 : vector<16xf32>
      %parallel_loop3A_1219 = arith.subf %parallel_loop3A_1209, %parallel_loop3A_1211 : vector<16xf32>
      %parallel_loop3A_1220 = arith.addf %parallel_loop3A_1212, %parallel_loop3A_1214 : vector<16xf32>
      %parallel_loop3A_1221 = arith.subf %parallel_loop3A_1212, %parallel_loop3A_1214 : vector<16xf32>
      %parallel_loop3A_1222 = arith.addf %parallel_loop3A_1213, %parallel_loop3A_1215 : vector<16xf32>
      %parallel_loop3A_1223 = arith.subf %parallel_loop3A_1213, %parallel_loop3A_1215 : vector<16xf32>
      %parallel_loop3A_1224 = arith.addf %parallel_loop3A_1216, %parallel_loop3A_1220 : vector<16xf32>
      %parallel_loop3A_1225 = arith.subf %parallel_loop3A_1216, %parallel_loop3A_1220 : vector<16xf32>
      %parallel_loop3A_1226 = arith.addf %parallel_loop3A_1218, %parallel_loop3A_1222 : vector<16xf32>
      %parallel_loop3A_1227 = arith.subf %parallel_loop3A_1218, %parallel_loop3A_1222 : vector<16xf32>
      %parallel_loop3A_1228 = arith.addf %parallel_loop3A_1217, %parallel_loop3A_1221 : vector<16xf32>
      %parallel_loop3A_1229 = arith.subf %parallel_loop3A_1217, %parallel_loop3A_1221 : vector<16xf32>
      %parallel_loop3A_1230 = arith.addf %parallel_loop3A_1219, %parallel_loop3A_1223 : vector<16xf32>
      %parallel_loop3A_1231 = arith.subf %parallel_loop3A_1219, %parallel_loop3A_1223 : vector<16xf32>
      %parallel_loop3A_1232 = arith.constant 0 : i32
      %parallel_loop3A_1233 = arith.addi %parallel_loop3A_1039, %parallel_loop3A_1232 : i32
      %parallel_loop3A_1234 = arith.index_cast %parallel_loop3A_1233 : i32 to index
      %parallel_loop3A_1235 = tpu.vector_load %arg4[%parallel_loop3A_1234] {strides = array<i32>} : memref<32768xf32, #tpu.memory_space<vmem>>, vector<16xf32>,
      %parallel_loop3A_1236 = vector.shape_cast %parallel_loop3A_1235 : vector<16xf32> to vector<16xf32>
      %parallel_loop3A_1237 = vector.shape_cast %parallel_loop3A_1224 : vector<16xf32> to vector<16xf32>
      tpu.vector_store %arg4[%parallel_loop3A_1234], %parallel_loop3A_1237 {strides = array<i32>} : memref<32768xf32, #tpu.memory_space<vmem>>, vector<16xf32>,
      %parallel_loop3A_1238 = arith.constant 16 : i32
      %parallel_loop3A_1239 = arith.addi %parallel_loop3A_1039, %parallel_loop3A_1238 : i32
      %parallel_loop3A_1240 = arith.index_cast %parallel_loop3A_1239 : i32 to index
      %parallel_loop3A_1241 = tpu.vector_load %arg4[%parallel_loop3A_1240] {strides = array<i32>} : memref<32768xf32, #tpu.memory_space<vmem>>, vector<16xf32>,
      %parallel_loop3A_1242 = vector.shape_cast %parallel_loop3A_1241 : vector<16xf32> to vector<16xf32>
      %parallel_loop3A_1243 = vector.shape_cast %parallel_loop3A_1226 : vector<16xf32> to vector<16xf32>
      tpu.vector_store %arg4[%parallel_loop3A_1240], %parallel_loop3A_1243 {strides = array<i32>} : memref<32768xf32, #tpu.memory_space<vmem>>, vector<16xf32>,
      %parallel_loop3A_1244 = arith.constant 32 : i32
      %parallel_loop3A_1245 = arith.addi %parallel_loop3A_1039, %parallel_loop3A_1244 : i32
      %parallel_loop3A_1246 = arith.index_cast %parallel_loop3A_1245 : i32 to index
      %parallel_loop3A_1247 = tpu.vector_load %arg4[%parallel_loop3A_1246] {strides = array<i32>} : memref<32768xf32, #tpu.memory_space<vmem>>, vector<16xf32>,
      %parallel_loop3A_1248 = vector.shape_cast %parallel_loop3A_1247 : vector<16xf32> to vector<16xf32>
      %parallel_loop3A_1249 = vector.shape_cast %parallel_loop3A_1228 : vector<16xf32> to vector<16xf32>
      tpu.vector_store %arg4[%parallel_loop3A_1246], %parallel_loop3A_1249 {strides = array<i32>} : memref<32768xf32, #tpu.memory_space<vmem>>, vector<16xf32>,
      %parallel_loop3A_1250 = arith.constant 48 : i32
      %parallel_loop3A_1251 = arith.addi %parallel_loop3A_1039, %parallel_loop3A_1250 : i32
      %parallel_loop3A_1252 = arith.index_cast %parallel_loop3A_1251 : i32 to index
      %parallel_loop3A_1253 = tpu.vector_load %arg4[%parallel_loop3A_1252] {strides = array<i32>} : memref<32768xf32, #tpu.memory_space<vmem>>, vector<16xf32>,
      %parallel_loop3A_1254 = vector.shape_cast %parallel_loop3A_1253 : vector<16xf32> to vector<16xf32>
      %parallel_loop3A_1255 = vector.shape_cast %parallel_loop3A_1230 : vector<16xf32> to vector<16xf32>
      tpu.vector_store %arg4[%parallel_loop3A_1252], %parallel_loop3A_1255 {strides = array<i32>} : memref<32768xf32, #tpu.memory_space<vmem>>, vector<16xf32>,
      %parallel_loop3A_1256 = arith.constant 64 : i32
      %parallel_loop3A_1257 = arith.addi %parallel_loop3A_1039, %parallel_loop3A_1256 : i32
      %parallel_loop3A_1258 = arith.index_cast %parallel_loop3A_1257 : i32 to index
      %parallel_loop3A_1259 = tpu.vector_load %arg4[%parallel_loop3A_1258] {strides = array<i32>} : memref<32768xf32, #tpu.memory_space<vmem>>, vector<16xf32>,
      %parallel_loop3A_1260 = vector.shape_cast %parallel_loop3A_1259 : vector<16xf32> to vector<16xf32>
      %parallel_loop3A_1261 = vector.shape_cast %parallel_loop3A_1225 : vector<16xf32> to vector<16xf32>
      tpu.vector_store %arg4[%parallel_loop3A_1258], %parallel_loop3A_1261 {strides = array<i32>} : memref<32768xf32, #tpu.memory_space<vmem>>, vector<16xf32>,
      %parallel_loop3A_1262 = arith.constant 80 : i32
      %parallel_loop3A_1263 = arith.addi %parallel_loop3A_1039, %parallel_loop3A_1262 : i32
      %parallel_loop3A_1264 = arith.index_cast %parallel_loop3A_1263 : i32 to index
      %parallel_loop3A_1265 = tpu.vector_load %arg4[%parallel_loop3A_1264] {strides = array<i32>} : memref<32768xf32, #tpu.memory_space<vmem>>, vector<16xf32>,
      %parallel_loop3A_1266 = vector.shape_cast %parallel_loop3A_1265 : vector<16xf32> to vector<16xf32>
      %parallel_loop3A_1267 = vector.shape_cast %parallel_loop3A_1227 : vector<16xf32> to vector<16xf32>
      tpu.vector_store %arg4[%parallel_loop3A_1264], %parallel_loop3A_1267 {strides = array<i32>} : memref<32768xf32, #tpu.memory_space<vmem>>, vector<16xf32>,
      %parallel_loop3A_1268 = arith.constant 96 : i32
      %parallel_loop3A_1269 = arith.addi %parallel_loop3A_1039, %parallel_loop3A_1268 : i32
      %parallel_loop3A_1270 = arith.index_cast %parallel_loop3A_1269 : i32 to index
      %parallel_loop3A_1271 = tpu.vector_load %arg4[%parallel_loop3A_1270] {strides = array<i32>} : memref<32768xf32, #tpu.memory_space<vmem>>, vector<16xf32>,
      %parallel_loop3A_1272 = vector.shape_cast %parallel_loop3A_1271 : vector<16xf32> to vector<16xf32>
      %parallel_loop3A_1273 = vector.shape_cast %parallel_loop3A_1229 : vector<16xf32> to vector<16xf32>
      tpu.vector_store %arg4[%parallel_loop3A_1270], %parallel_loop3A_1273 {strides = array<i32>} : memref<32768xf32, #tpu.memory_space<vmem>>, vector<16xf32>,
      %parallel_loop3A_1274 = arith.constant 112 : i32
      %parallel_loop3A_1275 = arith.addi %parallel_loop3A_1039, %parallel_loop3A_1274 : i32
      %parallel_loop3A_1276 = arith.index_cast %parallel_loop3A_1275 : i32 to index
      %parallel_loop3A_1277 = tpu.vector_load %arg4[%parallel_loop3A_1276] {strides = array<i32>} : memref<32768xf32, #tpu.memory_space<vmem>>, vector<16xf32>,
      %parallel_loop3A_1278 = vector.shape_cast %parallel_loop3A_1277 : vector<16xf32> to vector<16xf32>
      %parallel_loop3A_1279 = vector.shape_cast %parallel_loop3A_1231 : vector<16xf32> to vector<16xf32>
      tpu.vector_store %arg4[%parallel_loop3A_1276], %parallel_loop3A_1279 {strides = array<i32>} : memref<32768xf32, #tpu.memory_space<vmem>>, vector<16xf32>,
      %parallel_loop3A_1280 = arith.constant 640 : i32
      %parallel_loop3A_1281 = arith.addi %parallel_loop3A_69, %parallel_loop3A_1280 : i32
      %parallel_loop3A_1282 = arith.constant 0 : i32
      %parallel_loop3A_1283 = arith.addi %parallel_loop3A_1281, %parallel_loop3A_1282 : i32
      %parallel_loop3A_1284 = arith.index_cast %parallel_loop3A_1283 : i32 to index
      %parallel_loop3A_1285 = tpu.vector_load %arg4[%parallel_loop3A_1284] {strides = array<i32>} : memref<32768xf32, #tpu.memory_space<vmem>>, vector<16xf32>,
      %parallel_loop3A_1286 = vector.shape_cast %parallel_loop3A_1285 : vector<16xf32> to vector<16xf32>
      %parallel_loop3A_1287 = arith.constant 16 : i32
      %parallel_loop3A_1288 = arith.addi %parallel_loop3A_1281, %parallel_loop3A_1287 : i32
      %parallel_loop3A_1289 = arith.index_cast %parallel_loop3A_1288 : i32 to index
      %parallel_loop3A_1290 = tpu.vector_load %arg4[%parallel_loop3A_1289] {strides = array<i32>} : memref<32768xf32, #tpu.memory_space<vmem>>, vector<16xf32>,
      %parallel_loop3A_1291 = vector.shape_cast %parallel_loop3A_1290 : vector<16xf32> to vector<16xf32>
      %parallel_loop3A_1292 = arith.constant 32 : i32
      %parallel_loop3A_1293 = arith.addi %parallel_loop3A_1281, %parallel_loop3A_1292 : i32
      %parallel_loop3A_1294 = arith.index_cast %parallel_loop3A_1293 : i32 to index
      %parallel_loop3A_1295 = tpu.vector_load %arg4[%parallel_loop3A_1294] {strides = array<i32>} : memref<32768xf32, #tpu.memory_space<vmem>>, vector<16xf32>,
      %parallel_loop3A_1296 = vector.shape_cast %parallel_loop3A_1295 : vector<16xf32> to vector<16xf32>
      %parallel_loop3A_1297 = arith.constant 48 : i32
      %parallel_loop3A_1298 = arith.addi %parallel_loop3A_1281, %parallel_loop3A_1297 : i32
      %parallel_loop3A_1299 = arith.index_cast %parallel_loop3A_1298 : i32 to index
      %parallel_loop3A_1300 = tpu.vector_load %arg4[%parallel_loop3A_1299] {strides = array<i32>} : memref<32768xf32, #tpu.memory_space<vmem>>, vector<16xf32>,
      %parallel_loop3A_1301 = vector.shape_cast %parallel_loop3A_1300 : vector<16xf32> to vector<16xf32>
      %parallel_loop3A_1302 = arith.constant 64 : i32
      %parallel_loop3A_1303 = arith.addi %parallel_loop3A_1281, %parallel_loop3A_1302 : i32
      %parallel_loop3A_1304 = arith.index_cast %parallel_loop3A_1303 : i32 to index
      %parallel_loop3A_1305 = tpu.vector_load %arg4[%parallel_loop3A_1304] {strides = array<i32>} : memref<32768xf32, #tpu.memory_space<vmem>>, vector<16xf32>,
      %parallel_loop3A_1306 = vector.shape_cast %parallel_loop3A_1305 : vector<16xf32> to vector<16xf32>
      %parallel_loop3A_1307 = arith.constant 80 : i32
      %parallel_loop3A_1308 = arith.addi %parallel_loop3A_1281, %parallel_loop3A_1307 : i32
      %parallel_loop3A_1309 = arith.index_cast %parallel_loop3A_1308 : i32 to index
      %parallel_loop3A_1310 = tpu.vector_load %arg4[%parallel_loop3A_1309] {strides = array<i32>} : memref<32768xf32, #tpu.memory_space<vmem>>, vector<16xf32>,
      %parallel_loop3A_1311 = vector.shape_cast %parallel_loop3A_1310 : vector<16xf32> to vector<16xf32>
      %parallel_loop3A_1312 = arith.constant 96 : i32
      %parallel_loop3A_1313 = arith.addi %parallel_loop3A_1281, %parallel_loop3A_1312 : i32
      %parallel_loop3A_1314 = arith.index_cast %parallel_loop3A_1313 : i32 to index
      %parallel_loop3A_1315 = tpu.vector_load %arg4[%parallel_loop3A_1314] {strides = array<i32>} : memref<32768xf32, #tpu.memory_space<vmem>>, vector<16xf32>,
      %parallel_loop3A_1316 = vector.shape_cast %parallel_loop3A_1315 : vector<16xf32> to vector<16xf32>
      %parallel_loop3A_1317 = arith.constant 112 : i32
      %parallel_loop3A_1318 = arith.addi %parallel_loop3A_1281, %parallel_loop3A_1317 : i32
      %parallel_loop3A_1319 = arith.index_cast %parallel_loop3A_1318 : i32 to index
      %parallel_loop3A_1320 = tpu.vector_load %arg4[%parallel_loop3A_1319] {strides = array<i32>} : memref<32768xf32, #tpu.memory_space<vmem>>, vector<16xf32>,
      %parallel_loop3A_1321 = vector.shape_cast %parallel_loop3A_1320 : vector<16xf32> to vector<16xf32>
      %parallel_loop3A_1322 = vector.shape_cast %reshape3A : vector<16x1xi32> to vector<16xi32>
      %parallel_loop3A_1323 = tpu.dynamic_gather %parallel_loop3A_1286[%parallel_loop3A_1322] in [0] : vector<16xf32>, vector<16xi32> -> vector<16xf32>
      %parallel_loop3A_1324 = arith.mulf %convert_element_type3A, %parallel_loop3A_1286 : vector<16xf32>
      %parallel_loop3A_1325 = arith.addf %parallel_loop3A_1323, %parallel_loop3A_1324 : vector<16xf32>
      %parallel_loop3A_1326 = vector.shape_cast %reshape3A : vector<16x1xi32> to vector<16xi32>
      %parallel_loop3A_1327 = tpu.dynamic_gather %parallel_loop3A_1291[%parallel_loop3A_1326] in [0] : vector<16xf32>, vector<16xi32> -> vector<16xf32>
      %parallel_loop3A_1328 = arith.mulf %convert_element_type3A, %parallel_loop3A_1291 : vector<16xf32>
      %parallel_loop3A_1329 = arith.addf %parallel_loop3A_1327, %parallel_loop3A_1328 : vector<16xf32>
      %parallel_loop3A_1330 = vector.shape_cast %reshape3A : vector<16x1xi32> to vector<16xi32>
      %parallel_loop3A_1331 = tpu.dynamic_gather %parallel_loop3A_1296[%parallel_loop3A_1330] in [0] : vector<16xf32>, vector<16xi32> -> vector<16xf32>
      %parallel_loop3A_1332 = arith.mulf %convert_element_type3A, %parallel_loop3A_1296 : vector<16xf32>
      %parallel_loop3A_1333 = arith.addf %parallel_loop3A_1331, %parallel_loop3A_1332 : vector<16xf32>
      %parallel_loop3A_1334 = vector.shape_cast %reshape3A : vector<16x1xi32> to vector<16xi32>
      %parallel_loop3A_1335 = tpu.dynamic_gather %parallel_loop3A_1301[%parallel_loop3A_1334] in [0] : vector<16xf32>, vector<16xi32> -> vector<16xf32>
      %parallel_loop3A_1336 = arith.mulf %convert_element_type3A, %parallel_loop3A_1301 : vector<16xf32>
      %parallel_loop3A_1337 = arith.addf %parallel_loop3A_1335, %parallel_loop3A_1336 : vector<16xf32>
      %parallel_loop3A_1338 = vector.shape_cast %reshape3A : vector<16x1xi32> to vector<16xi32>
      %parallel_loop3A_1339 = tpu.dynamic_gather %parallel_loop3A_1306[%parallel_loop3A_1338] in [0] : vector<16xf32>, vector<16xi32> -> vector<16xf32>
      %parallel_loop3A_1340 = arith.mulf %convert_element_type3A, %parallel_loop3A_1306 : vector<16xf32>
      %parallel_loop3A_1341 = arith.addf %parallel_loop3A_1339, %parallel_loop3A_1340 : vector<16xf32>
      %parallel_loop3A_1342 = vector.shape_cast %reshape3A : vector<16x1xi32> to vector<16xi32>
      %parallel_loop3A_1343 = tpu.dynamic_gather %parallel_loop3A_1311[%parallel_loop3A_1342] in [0] : vector<16xf32>, vector<16xi32> -> vector<16xf32>
      %parallel_loop3A_1344 = arith.mulf %convert_element_type3A, %parallel_loop3A_1311 : vector<16xf32>
      %parallel_loop3A_1345 = arith.addf %parallel_loop3A_1343, %parallel_loop3A_1344 : vector<16xf32>
      %parallel_loop3A_1346 = vector.shape_cast %reshape3A : vector<16x1xi32> to vector<16xi32>
      %parallel_loop3A_1347 = tpu.dynamic_gather %parallel_loop3A_1316[%parallel_loop3A_1346] in [0] : vector<16xf32>, vector<16xi32> -> vector<16xf32>
      %parallel_loop3A_1348 = arith.mulf %convert_element_type3A, %parallel_loop3A_1316 : vector<16xf32>
      %parallel_loop3A_1349 = arith.addf %parallel_loop3A_1347, %parallel_loop3A_1348 : vector<16xf32>
      %parallel_loop3A_1350 = vector.shape_cast %reshape3A : vector<16x1xi32> to vector<16xi32>
      %parallel_loop3A_1351 = tpu.dynamic_gather %parallel_loop3A_1321[%parallel_loop3A_1350] in [0] : vector<16xf32>, vector<16xi32> -> vector<16xf32>
      %parallel_loop3A_1352 = arith.mulf %convert_element_type3A, %parallel_loop3A_1321 : vector<16xf32>
      %parallel_loop3A_1353 = arith.addf %parallel_loop3A_1351, %parallel_loop3A_1352 : vector<16xf32>
      %parallel_loop3A_1354 = vector.shape_cast %reshape3A_8 : vector<16x1xi32> to vector<16xi32>
      %parallel_loop3A_1355 = tpu.dynamic_gather %parallel_loop3A_1325[%parallel_loop3A_1354] in [0] : vector<16xf32>, vector<16xi32> -> vector<16xf32>
      %parallel_loop3A_1356 = arith.mulf %convert_element_type3A_38, %parallel_loop3A_1325 : vector<16xf32>
      %parallel_loop3A_1357 = arith.addf %parallel_loop3A_1355, %parallel_loop3A_1356 : vector<16xf32>
      %parallel_loop3A_1358 = vector.shape_cast %reshape3A_8 : vector<16x1xi32> to vector<16xi32>
      %parallel_loop3A_1359 = tpu.dynamic_gather %parallel_loop3A_1329[%parallel_loop3A_1358] in [0] : vector<16xf32>, vector<16xi32> -> vector<16xf32>
      %parallel_loop3A_1360 = arith.mulf %convert_element_type3A_38, %parallel_loop3A_1329 : vector<16xf32>
      %parallel_loop3A_1361 = arith.addf %parallel_loop3A_1359, %parallel_loop3A_1360 : vector<16xf32>
      %parallel_loop3A_1362 = vector.shape_cast %reshape3A_8 : vector<16x1xi32> to vector<16xi32>
      %parallel_loop3A_1363 = tpu.dynamic_gather %parallel_loop3A_1333[%parallel_loop3A_1362] in [0] : vector<16xf32>, vector<16xi32> -> vector<16xf32>
      %parallel_loop3A_1364 = arith.mulf %convert_element_type3A_38, %parallel_loop3A_1333 : vector<16xf32>
      %parallel_loop3A_1365 = arith.addf %parallel_loop3A_1363, %parallel_loop3A_1364 : vector<16xf32>
      %parallel_loop3A_1366 = vector.shape_cast %reshape3A_8 : vector<16x1xi32> to vector<16xi32>
      %parallel_loop3A_1367 = tpu.dynamic_gather %parallel_loop3A_1337[%parallel_loop3A_1366] in [0] : vector<16xf32>, vector<16xi32> -> vector<16xf32>
      %parallel_loop3A_1368 = arith.mulf %convert_element_type3A_38, %parallel_loop3A_1337 : vector<16xf32>
      %parallel_loop3A_1369 = arith.addf %parallel_loop3A_1367, %parallel_loop3A_1368 : vector<16xf32>
      %parallel_loop3A_1370 = vector.shape_cast %reshape3A_8 : vector<16x1xi32> to vector<16xi32>
      %parallel_loop3A_1371 = tpu.dynamic_gather %parallel_loop3A_1341[%parallel_loop3A_1370] in [0] : vector<16xf32>, vector<16xi32> -> vector<16xf32>
      %parallel_loop3A_1372 = arith.mulf %convert_element_type3A_38, %parallel_loop3A_1341 : vector<16xf32>
      %parallel_loop3A_1373 = arith.addf %parallel_loop3A_1371, %parallel_loop3A_1372 : vector<16xf32>
      %parallel_loop3A_1374 = vector.shape_cast %reshape3A_8 : vector<16x1xi32> to vector<16xi32>
      %parallel_loop3A_1375 = tpu.dynamic_gather %parallel_loop3A_1345[%parallel_loop3A_1374] in [0] : vector<16xf32>, vector<16xi32> -> vector<16xf32>
      %parallel_loop3A_1376 = arith.mulf %convert_element_type3A_38, %parallel_loop3A_1345 : vector<16xf32>
      %parallel_loop3A_1377 = arith.addf %parallel_loop3A_1375, %parallel_loop3A_1376 : vector<16xf32>
      %parallel_loop3A_1378 = vector.shape_cast %reshape3A_8 : vector<16x1xi32> to vector<16xi32>
      %parallel_loop3A_1379 = tpu.dynamic_gather %parallel_loop3A_1349[%parallel_loop3A_1378] in [0] : vector<16xf32>, vector<16xi32> -> vector<16xf32>
      %parallel_loop3A_1380 = arith.mulf %convert_element_type3A_38, %parallel_loop3A_1349 : vector<16xf32>
      %parallel_loop3A_1381 = arith.addf %parallel_loop3A_1379, %parallel_loop3A_1380 : vector<16xf32>
      %parallel_loop3A_1382 = vector.shape_cast %reshape3A_8 : vector<16x1xi32> to vector<16xi32>
      %parallel_loop3A_1383 = tpu.dynamic_gather %parallel_loop3A_1353[%parallel_loop3A_1382] in [0] : vector<16xf32>, vector<16xi32> -> vector<16xf32>
      %parallel_loop3A_1384 = arith.mulf %convert_element_type3A_38, %parallel_loop3A_1353 : vector<16xf32>
      %parallel_loop3A_1385 = arith.addf %parallel_loop3A_1383, %parallel_loop3A_1384 : vector<16xf32>
      %parallel_loop3A_1386 = vector.shape_cast %reshape3A_12 : vector<16x1xi32> to vector<16xi32>
      %parallel_loop3A_1387 = tpu.dynamic_gather %parallel_loop3A_1357[%parallel_loop3A_1386] in [0] : vector<16xf32>, vector<16xi32> -> vector<16xf32>
      %parallel_loop3A_1388 = arith.mulf %convert_element_type3A_51, %parallel_loop3A_1357 : vector<16xf32>
      %parallel_loop3A_1389 = arith.addf %parallel_loop3A_1387, %parallel_loop3A_1388 : vector<16xf32>
      %parallel_loop3A_1390 = vector.shape_cast %reshape3A_12 : vector<16x1xi32> to vector<16xi32>
      %parallel_loop3A_1391 = tpu.dynamic_gather %parallel_loop3A_1361[%parallel_loop3A_1390] in [0] : vector<16xf32>, vector<16xi32> -> vector<16xf32>
      %parallel_loop3A_1392 = arith.mulf %convert_element_type3A_51, %parallel_loop3A_1361 : vector<16xf32>
      %parallel_loop3A_1393 = arith.addf %parallel_loop3A_1391, %parallel_loop3A_1392 : vector<16xf32>
      %parallel_loop3A_1394 = vector.shape_cast %reshape3A_12 : vector<16x1xi32> to vector<16xi32>
      %parallel_loop3A_1395 = tpu.dynamic_gather %parallel_loop3A_1365[%parallel_loop3A_1394] in [0] : vector<16xf32>, vector<16xi32> -> vector<16xf32>
      %parallel_loop3A_1396 = arith.mulf %convert_element_type3A_51, %parallel_loop3A_1365 : vector<16xf32>
      %parallel_loop3A_1397 = arith.addf %parallel_loop3A_1395, %parallel_loop3A_1396 : vector<16xf32>
      %parallel_loop3A_1398 = vector.shape_cast %reshape3A_12 : vector<16x1xi32> to vector<16xi32>
      %parallel_loop3A_1399 = tpu.dynamic_gather %parallel_loop3A_1369[%parallel_loop3A_1398] in [0] : vector<16xf32>, vector<16xi32> -> vector<16xf32>
      %parallel_loop3A_1400 = arith.mulf %convert_element_type3A_51, %parallel_loop3A_1369 : vector<16xf32>
      %parallel_loop3A_1401 = arith.addf %parallel_loop3A_1399, %parallel_loop3A_1400 : vector<16xf32>
      %parallel_loop3A_1402 = vector.shape_cast %reshape3A_12 : vector<16x1xi32> to vector<16xi32>
      %parallel_loop3A_1403 = tpu.dynamic_gather %parallel_loop3A_1373[%parallel_loop3A_1402] in [0] : vector<16xf32>, vector<16xi32> -> vector<16xf32>
      %parallel_loop3A_1404 = arith.mulf %convert_element_type3A_51, %parallel_loop3A_1373 : vector<16xf32>
      %parallel_loop3A_1405 = arith.addf %parallel_loop3A_1403, %parallel_loop3A_1404 : vector<16xf32>
      %parallel_loop3A_1406 = vector.shape_cast %reshape3A_12 : vector<16x1xi32> to vector<16xi32>
      %parallel_loop3A_1407 = tpu.dynamic_gather %parallel_loop3A_1377[%parallel_loop3A_1406] in [0] : vector<16xf32>, vector<16xi32> -> vector<16xf32>
      %parallel_loop3A_1408 = arith.mulf %convert_element_type3A_51, %parallel_loop3A_1377 : vector<16xf32>
      %parallel_loop3A_1409 = arith.addf %parallel_loop3A_1407, %parallel_loop3A_1408 : vector<16xf32>
      %parallel_loop3A_1410 = vector.shape_cast %reshape3A_12 : vector<16x1xi32> to vector<16xi32>
      %parallel_loop3A_1411 = tpu.dynamic_gather %parallel_loop3A_1381[%parallel_loop3A_1410] in [0] : vector<16xf32>, vector<16xi32> -> vector<16xf32>
      %parallel_loop3A_1412 = arith.mulf %convert_element_type3A_51, %parallel_loop3A_1381 : vector<16xf32>
      %parallel_loop3A_1413 = arith.addf %parallel_loop3A_1411, %parallel_loop3A_1412 : vector<16xf32>
      %parallel_loop3A_1414 = vector.shape_cast %reshape3A_12 : vector<16x1xi32> to vector<16xi32>
      %parallel_loop3A_1415 = tpu.dynamic_gather %parallel_loop3A_1385[%parallel_loop3A_1414] in [0] : vector<16xf32>, vector<16xi32> -> vector<16xf32>
      %parallel_loop3A_1416 = arith.mulf %convert_element_type3A_51, %parallel_loop3A_1385 : vector<16xf32>
      %parallel_loop3A_1417 = arith.addf %parallel_loop3A_1415, %parallel_loop3A_1416 : vector<16xf32>
      %parallel_loop3A_1418 = vector.shape_cast %reshape3A_16 : vector<16x1xi32> to vector<16xi32>
      %parallel_loop3A_1419 = tpu.dynamic_gather %parallel_loop3A_1389[%parallel_loop3A_1418] in [0] : vector<16xf32>, vector<16xi32> -> vector<16xf32>
      %parallel_loop3A_1420 = arith.mulf %convert_element_type3A_64, %parallel_loop3A_1389 : vector<16xf32>
      %parallel_loop3A_1421 = arith.addf %parallel_loop3A_1419, %parallel_loop3A_1420 : vector<16xf32>
      %parallel_loop3A_1422 = vector.shape_cast %reshape3A_16 : vector<16x1xi32> to vector<16xi32>
      %parallel_loop3A_1423 = tpu.dynamic_gather %parallel_loop3A_1393[%parallel_loop3A_1422] in [0] : vector<16xf32>, vector<16xi32> -> vector<16xf32>
      %parallel_loop3A_1424 = arith.mulf %convert_element_type3A_64, %parallel_loop3A_1393 : vector<16xf32>
      %parallel_loop3A_1425 = arith.addf %parallel_loop3A_1423, %parallel_loop3A_1424 : vector<16xf32>
      %parallel_loop3A_1426 = vector.shape_cast %reshape3A_16 : vector<16x1xi32> to vector<16xi32>
      %parallel_loop3A_1427 = tpu.dynamic_gather %parallel_loop3A_1397[%parallel_loop3A_1426] in [0] : vector<16xf32>, vector<16xi32> -> vector<16xf32>
      %parallel_loop3A_1428 = arith.mulf %convert_element_type3A_64, %parallel_loop3A_1397 : vector<16xf32>
      %parallel_loop3A_1429 = arith.addf %parallel_loop3A_1427, %parallel_loop3A_1428 : vector<16xf32>
      %parallel_loop3A_1430 = vector.shape_cast %reshape3A_16 : vector<16x1xi32> to vector<16xi32>
      %parallel_loop3A_1431 = tpu.dynamic_gather %parallel_loop3A_1401[%parallel_loop3A_1430] in [0] : vector<16xf32>, vector<16xi32> -> vector<16xf32>
      %parallel_loop3A_1432 = arith.mulf %convert_element_type3A_64, %parallel_loop3A_1401 : vector<16xf32>
      %parallel_loop3A_1433 = arith.addf %parallel_loop3A_1431, %parallel_loop3A_1432 : vector<16xf32>
      %parallel_loop3A_1434 = vector.shape_cast %reshape3A_16 : vector<16x1xi32> to vector<16xi32>
      %parallel_loop3A_1435 = tpu.dynamic_gather %parallel_loop3A_1405[%parallel_loop3A_1434] in [0] : vector<16xf32>, vector<16xi32> -> vector<16xf32>
      %parallel_loop3A_1436 = arith.mulf %convert_element_type3A_64, %parallel_loop3A_1405 : vector<16xf32>
      %parallel_loop3A_1437 = arith.addf %parallel_loop3A_1435, %parallel_loop3A_1436 : vector<16xf32>
      %parallel_loop3A_1438 = vector.shape_cast %reshape3A_16 : vector<16x1xi32> to vector<16xi32>
      %parallel_loop3A_1439 = tpu.dynamic_gather %parallel_loop3A_1409[%parallel_loop3A_1438] in [0] : vector<16xf32>, vector<16xi32> -> vector<16xf32>
      %parallel_loop3A_1440 = arith.mulf %convert_element_type3A_64, %parallel_loop3A_1409 : vector<16xf32>
      %parallel_loop3A_1441 = arith.addf %parallel_loop3A_1439, %parallel_loop3A_1440 : vector<16xf32>
      %parallel_loop3A_1442 = vector.shape_cast %reshape3A_16 : vector<16x1xi32> to vector<16xi32>
      %parallel_loop3A_1443 = tpu.dynamic_gather %parallel_loop3A_1413[%parallel_loop3A_1442] in [0] : vector<16xf32>, vector<16xi32> -> vector<16xf32>
      %parallel_loop3A_1444 = arith.mulf %convert_element_type3A_64, %parallel_loop3A_1413 : vector<16xf32>
      %parallel_loop3A_1445 = arith.addf %parallel_loop3A_1443, %parallel_loop3A_1444 : vector<16xf32>
      %parallel_loop3A_1446 = vector.shape_cast %reshape3A_16 : vector<16x1xi32> to vector<16xi32>
      %parallel_loop3A_1447 = tpu.dynamic_gather %parallel_loop3A_1417[%parallel_loop3A_1446] in [0] : vector<16xf32>, vector<16xi32> -> vector<16xf32>
      %parallel_loop3A_1448 = arith.mulf %convert_element_type3A_64, %parallel_loop3A_1417 : vector<16xf32>
      %parallel_loop3A_1449 = arith.addf %parallel_loop3A_1447, %parallel_loop3A_1448 : vector<16xf32>
      %parallel_loop3A_1450 = arith.addf %parallel_loop3A_1421, %parallel_loop3A_1425 : vector<16xf32>
      %parallel_loop3A_1451 = arith.subf %parallel_loop3A_1421, %parallel_loop3A_1425 : vector<16xf32>
      %parallel_loop3A_1452 = arith.addf %parallel_loop3A_1429, %parallel_loop3A_1433 : vector<16xf32>
      %parallel_loop3A_1453 = arith.subf %parallel_loop3A_1429, %parallel_loop3A_1433 : vector<16xf32>
      %parallel_loop3A_1454 = arith.addf %parallel_loop3A_1437, %parallel_loop3A_1441 : vector<16xf32>
      %parallel_loop3A_1455 = arith.subf %parallel_loop3A_1437, %parallel_loop3A_1441 : vector<16xf32>
      %parallel_loop3A_1456 = arith.addf %parallel_loop3A_1445, %parallel_loop3A_1449 : vector<16xf32>
      %parallel_loop3A_1457 = arith.subf %parallel_loop3A_1445, %parallel_loop3A_1449 : vector<16xf32>
      %parallel_loop3A_1458 = arith.addf %parallel_loop3A_1450, %parallel_loop3A_1452 : vector<16xf32>
      %parallel_loop3A_1459 = arith.subf %parallel_loop3A_1450, %parallel_loop3A_1452 : vector<16xf32>
      %parallel_loop3A_1460 = arith.addf %parallel_loop3A_1451, %parallel_loop3A_1453 : vector<16xf32>
      %parallel_loop3A_1461 = arith.subf %parallel_loop3A_1451, %parallel_loop3A_1453 : vector<16xf32>
      %parallel_loop3A_1462 = arith.addf %parallel_loop3A_1454, %parallel_loop3A_1456 : vector<16xf32>
      %parallel_loop3A_1463 = arith.subf %parallel_loop3A_1454, %parallel_loop3A_1456 : vector<16xf32>
      %parallel_loop3A_1464 = arith.addf %parallel_loop3A_1455, %parallel_loop3A_1457 : vector<16xf32>
      %parallel_loop3A_1465 = arith.subf %parallel_loop3A_1455, %parallel_loop3A_1457 : vector<16xf32>
      %parallel_loop3A_1466 = arith.addf %parallel_loop3A_1458, %parallel_loop3A_1462 : vector<16xf32>
      %parallel_loop3A_1467 = arith.subf %parallel_loop3A_1458, %parallel_loop3A_1462 : vector<16xf32>
      %parallel_loop3A_1468 = arith.addf %parallel_loop3A_1460, %parallel_loop3A_1464 : vector<16xf32>
      %parallel_loop3A_1469 = arith.subf %parallel_loop3A_1460, %parallel_loop3A_1464 : vector<16xf32>
      %parallel_loop3A_1470 = arith.addf %parallel_loop3A_1459, %parallel_loop3A_1463 : vector<16xf32>
      %parallel_loop3A_1471 = arith.subf %parallel_loop3A_1459, %parallel_loop3A_1463 : vector<16xf32>
      %parallel_loop3A_1472 = arith.addf %parallel_loop3A_1461, %parallel_loop3A_1465 : vector<16xf32>
      %parallel_loop3A_1473 = arith.subf %parallel_loop3A_1461, %parallel_loop3A_1465 : vector<16xf32>
      %parallel_loop3A_1474 = arith.constant 0 : i32
      %parallel_loop3A_1475 = arith.addi %parallel_loop3A_1281, %parallel_loop3A_1474 : i32
      %parallel_loop3A_1476 = arith.index_cast %parallel_loop3A_1475 : i32 to index
      %parallel_loop3A_1477 = tpu.vector_load %arg4[%parallel_loop3A_1476] {strides = array<i32>} : memref<32768xf32, #tpu.memory_space<vmem>>, vector<16xf32>,
      %parallel_loop3A_1478 = vector.shape_cast %parallel_loop3A_1477 : vector<16xf32> to vector<16xf32>
      %parallel_loop3A_1479 = vector.shape_cast %parallel_loop3A_1466 : vector<16xf32> to vector<16xf32>
      tpu.vector_store %arg4[%parallel_loop3A_1476], %parallel_loop3A_1479 {strides = array<i32>} : memref<32768xf32, #tpu.memory_space<vmem>>, vector<16xf32>,
      %parallel_loop3A_1480 = arith.constant 16 : i32
      %parallel_loop3A_1481 = arith.addi %parallel_loop3A_1281, %parallel_loop3A_1480 : i32
      %parallel_loop3A_1482 = arith.index_cast %parallel_loop3A_1481 : i32 to index
      %parallel_loop3A_1483 = tpu.vector_load %arg4[%parallel_loop3A_1482] {strides = array<i32>} : memref<32768xf32, #tpu.memory_space<vmem>>, vector<16xf32>,
      %parallel_loop3A_1484 = vector.shape_cast %parallel_loop3A_1483 : vector<16xf32> to vector<16xf32>
      %parallel_loop3A_1485 = vector.shape_cast %parallel_loop3A_1468 : vector<16xf32> to vector<16xf32>
      tpu.vector_store %arg4[%parallel_loop3A_1482], %parallel_loop3A_1485 {strides = array<i32>} : memref<32768xf32, #tpu.memory_space<vmem>>, vector<16xf32>,
      %parallel_loop3A_1486 = arith.constant 32 : i32
      %parallel_loop3A_1487 = arith.addi %parallel_loop3A_1281, %parallel_loop3A_1486 : i32
      %parallel_loop3A_1488 = arith.index_cast %parallel_loop3A_1487 : i32 to index
      %parallel_loop3A_1489 = tpu.vector_load %arg4[%parallel_loop3A_1488] {strides = array<i32>} : memref<32768xf32, #tpu.memory_space<vmem>>, vector<16xf32>,
      %parallel_loop3A_1490 = vector.shape_cast %parallel_loop3A_1489 : vector<16xf32> to vector<16xf32>
      %parallel_loop3A_1491 = vector.shape_cast %parallel_loop3A_1470 : vector<16xf32> to vector<16xf32>
      tpu.vector_store %arg4[%parallel_loop3A_1488], %parallel_loop3A_1491 {strides = array<i32>} : memref<32768xf32, #tpu.memory_space<vmem>>, vector<16xf32>,
      %parallel_loop3A_1492 = arith.constant 48 : i32
      %parallel_loop3A_1493 = arith.addi %parallel_loop3A_1281, %parallel_loop3A_1492 : i32
      %parallel_loop3A_1494 = arith.index_cast %parallel_loop3A_1493 : i32 to index
      %parallel_loop3A_1495 = tpu.vector_load %arg4[%parallel_loop3A_1494] {strides = array<i32>} : memref<32768xf32, #tpu.memory_space<vmem>>, vector<16xf32>,
      %parallel_loop3A_1496 = vector.shape_cast %parallel_loop3A_1495 : vector<16xf32> to vector<16xf32>
      %parallel_loop3A_1497 = vector.shape_cast %parallel_loop3A_1472 : vector<16xf32> to vector<16xf32>
      tpu.vector_store %arg4[%parallel_loop3A_1494], %parallel_loop3A_1497 {strides = array<i32>} : memref<32768xf32, #tpu.memory_space<vmem>>, vector<16xf32>,
      %parallel_loop3A_1498 = arith.constant 64 : i32
      %parallel_loop3A_1499 = arith.addi %parallel_loop3A_1281, %parallel_loop3A_1498 : i32
      %parallel_loop3A_1500 = arith.index_cast %parallel_loop3A_1499 : i32 to index
      %parallel_loop3A_1501 = tpu.vector_load %arg4[%parallel_loop3A_1500] {strides = array<i32>} : memref<32768xf32, #tpu.memory_space<vmem>>, vector<16xf32>,
      %parallel_loop3A_1502 = vector.shape_cast %parallel_loop3A_1501 : vector<16xf32> to vector<16xf32>
      %parallel_loop3A_1503 = vector.shape_cast %parallel_loop3A_1467 : vector<16xf32> to vector<16xf32>
      tpu.vector_store %arg4[%parallel_loop3A_1500], %parallel_loop3A_1503 {strides = array<i32>} : memref<32768xf32, #tpu.memory_space<vmem>>, vector<16xf32>,
      %parallel_loop3A_1504 = arith.constant 80 : i32
      %parallel_loop3A_1505 = arith.addi %parallel_loop3A_1281, %parallel_loop3A_1504 : i32
      %parallel_loop3A_1506 = arith.index_cast %parallel_loop3A_1505 : i32 to index
      %parallel_loop3A_1507 = tpu.vector_load %arg4[%parallel_loop3A_1506] {strides = array<i32>} : memref<32768xf32, #tpu.memory_space<vmem>>, vector<16xf32>,
      %parallel_loop3A_1508 = vector.shape_cast %parallel_loop3A_1507 : vector<16xf32> to vector<16xf32>
      %parallel_loop3A_1509 = vector.shape_cast %parallel_loop3A_1469 : vector<16xf32> to vector<16xf32>
      tpu.vector_store %arg4[%parallel_loop3A_1506], %parallel_loop3A_1509 {strides = array<i32>} : memref<32768xf32, #tpu.memory_space<vmem>>, vector<16xf32>,
      %parallel_loop3A_1510 = arith.constant 96 : i32
      %parallel_loop3A_1511 = arith.addi %parallel_loop3A_1281, %parallel_loop3A_1510 : i32
      %parallel_loop3A_1512 = arith.index_cast %parallel_loop3A_1511 : i32 to index
      %parallel_loop3A_1513 = tpu.vector_load %arg4[%parallel_loop3A_1512] {strides = array<i32>} : memref<32768xf32, #tpu.memory_space<vmem>>, vector<16xf32>,
      %parallel_loop3A_1514 = vector.shape_cast %parallel_loop3A_1513 : vector<16xf32> to vector<16xf32>
      %parallel_loop3A_1515 = vector.shape_cast %parallel_loop3A_1471 : vector<16xf32> to vector<16xf32>
      tpu.vector_store %arg4[%parallel_loop3A_1512], %parallel_loop3A_1515 {strides = array<i32>} : memref<32768xf32, #tpu.memory_space<vmem>>, vector<16xf32>,
      %parallel_loop3A_1516 = arith.constant 112 : i32
      %parallel_loop3A_1517 = arith.addi %parallel_loop3A_1281, %parallel_loop3A_1516 : i32
      %parallel_loop3A_1518 = arith.index_cast %parallel_loop3A_1517 : i32 to index
      %parallel_loop3A_1519 = tpu.vector_load %arg4[%parallel_loop3A_1518] {strides = array<i32>} : memref<32768xf32, #tpu.memory_space<vmem>>, vector<16xf32>,
      %parallel_loop3A_1520 = vector.shape_cast %parallel_loop3A_1519 : vector<16xf32> to vector<16xf32>
      %parallel_loop3A_1521 = vector.shape_cast %parallel_loop3A_1473 : vector<16xf32> to vector<16xf32>
      tpu.vector_store %arg4[%parallel_loop3A_1518], %parallel_loop3A_1521 {strides = array<i32>} : memref<32768xf32, #tpu.memory_space<vmem>>, vector<16xf32>,
      %parallel_loop3A_1522 = arith.constant 768 : i32
      %parallel_loop3A_1523 = arith.addi %parallel_loop3A_69, %parallel_loop3A_1522 : i32
      %parallel_loop3A_1524 = arith.constant 0 : i32
      %parallel_loop3A_1525 = arith.addi %parallel_loop3A_1523, %parallel_loop3A_1524 : i32
      %parallel_loop3A_1526 = arith.index_cast %parallel_loop3A_1525 : i32 to index
      %parallel_loop3A_1527 = tpu.vector_load %arg4[%parallel_loop3A_1526] {strides = array<i32>} : memref<32768xf32, #tpu.memory_space<vmem>>, vector<16xf32>,
      %parallel_loop3A_1528 = vector.shape_cast %parallel_loop3A_1527 : vector<16xf32> to vector<16xf32>
      %parallel_loop3A_1529 = arith.constant 16 : i32
      %parallel_loop3A_1530 = arith.addi %parallel_loop3A_1523, %parallel_loop3A_1529 : i32
      %parallel_loop3A_1531 = arith.index_cast %parallel_loop3A_1530 : i32 to index
      %parallel_loop3A_1532 = tpu.vector_load %arg4[%parallel_loop3A_1531] {strides = array<i32>} : memref<32768xf32, #tpu.memory_space<vmem>>, vector<16xf32>,
      %parallel_loop3A_1533 = vector.shape_cast %parallel_loop3A_1532 : vector<16xf32> to vector<16xf32>
      %parallel_loop3A_1534 = arith.constant 32 : i32
      %parallel_loop3A_1535 = arith.addi %parallel_loop3A_1523, %parallel_loop3A_1534 : i32
      %parallel_loop3A_1536 = arith.index_cast %parallel_loop3A_1535 : i32 to index
      %parallel_loop3A_1537 = tpu.vector_load %arg4[%parallel_loop3A_1536] {strides = array<i32>} : memref<32768xf32, #tpu.memory_space<vmem>>, vector<16xf32>,
      %parallel_loop3A_1538 = vector.shape_cast %parallel_loop3A_1537 : vector<16xf32> to vector<16xf32>
      %parallel_loop3A_1539 = arith.constant 48 : i32
      %parallel_loop3A_1540 = arith.addi %parallel_loop3A_1523, %parallel_loop3A_1539 : i32
      %parallel_loop3A_1541 = arith.index_cast %parallel_loop3A_1540 : i32 to index
      %parallel_loop3A_1542 = tpu.vector_load %arg4[%parallel_loop3A_1541] {strides = array<i32>} : memref<32768xf32, #tpu.memory_space<vmem>>, vector<16xf32>,
      %parallel_loop3A_1543 = vector.shape_cast %parallel_loop3A_1542 : vector<16xf32> to vector<16xf32>
      %parallel_loop3A_1544 = arith.constant 64 : i32
      %parallel_loop3A_1545 = arith.addi %parallel_loop3A_1523, %parallel_loop3A_1544 : i32
      %parallel_loop3A_1546 = arith.index_cast %parallel_loop3A_1545 : i32 to index
      %parallel_loop3A_1547 = tpu.vector_load %arg4[%parallel_loop3A_1546] {strides = array<i32>} : memref<32768xf32, #tpu.memory_space<vmem>>, vector<16xf32>,
      %parallel_loop3A_1548 = vector.shape_cast %parallel_loop3A_1547 : vector<16xf32> to vector<16xf32>
      %parallel_loop3A_1549 = arith.constant 80 : i32
      %parallel_loop3A_1550 = arith.addi %parallel_loop3A_1523, %parallel_loop3A_1549 : i32
      %parallel_loop3A_1551 = arith.index_cast %parallel_loop3A_1550 : i32 to index
      %parallel_loop3A_1552 = tpu.vector_load %arg4[%parallel_loop3A_1551] {strides = array<i32>} : memref<32768xf32, #tpu.memory_space<vmem>>, vector<16xf32>,
      %parallel_loop3A_1553 = vector.shape_cast %parallel_loop3A_1552 : vector<16xf32> to vector<16xf32>
      %parallel_loop3A_1554 = arith.constant 96 : i32
      %parallel_loop3A_1555 = arith.addi %parallel_loop3A_1523, %parallel_loop3A_1554 : i32
      %parallel_loop3A_1556 = arith.index_cast %parallel_loop3A_1555 : i32 to index
      %parallel_loop3A_1557 = tpu.vector_load %arg4[%parallel_loop3A_1556] {strides = array<i32>} : memref<32768xf32, #tpu.memory_space<vmem>>, vector<16xf32>,
      %parallel_loop3A_1558 = vector.shape_cast %parallel_loop3A_1557 : vector<16xf32> to vector<16xf32>
      %parallel_loop3A_1559 = arith.constant 112 : i32
      %parallel_loop3A_1560 = arith.addi %parallel_loop3A_1523, %parallel_loop3A_1559 : i32
      %parallel_loop3A_1561 = arith.index_cast %parallel_loop3A_1560 : i32 to index
      %parallel_loop3A_1562 = tpu.vector_load %arg4[%parallel_loop3A_1561] {strides = array<i32>} : memref<32768xf32, #tpu.memory_space<vmem>>, vector<16xf32>,
      %parallel_loop3A_1563 = vector.shape_cast %parallel_loop3A_1562 : vector<16xf32> to vector<16xf32>
      %parallel_loop3A_1564 = vector.shape_cast %reshape3A : vector<16x1xi32> to vector<16xi32>
      %parallel_loop3A_1565 = tpu.dynamic_gather %parallel_loop3A_1528[%parallel_loop3A_1564] in [0] : vector<16xf32>, vector<16xi32> -> vector<16xf32>
      %parallel_loop3A_1566 = arith.mulf %convert_element_type3A, %parallel_loop3A_1528 : vector<16xf32>
      %parallel_loop3A_1567 = arith.addf %parallel_loop3A_1565, %parallel_loop3A_1566 : vector<16xf32>
      %parallel_loop3A_1568 = vector.shape_cast %reshape3A : vector<16x1xi32> to vector<16xi32>
      %parallel_loop3A_1569 = tpu.dynamic_gather %parallel_loop3A_1533[%parallel_loop3A_1568] in [0] : vector<16xf32>, vector<16xi32> -> vector<16xf32>
      %parallel_loop3A_1570 = arith.mulf %convert_element_type3A, %parallel_loop3A_1533 : vector<16xf32>
      %parallel_loop3A_1571 = arith.addf %parallel_loop3A_1569, %parallel_loop3A_1570 : vector<16xf32>
      %parallel_loop3A_1572 = vector.shape_cast %reshape3A : vector<16x1xi32> to vector<16xi32>
      %parallel_loop3A_1573 = tpu.dynamic_gather %parallel_loop3A_1538[%parallel_loop3A_1572] in [0] : vector<16xf32>, vector<16xi32> -> vector<16xf32>
      %parallel_loop3A_1574 = arith.mulf %convert_element_type3A, %parallel_loop3A_1538 : vector<16xf32>
      %parallel_loop3A_1575 = arith.addf %parallel_loop3A_1573, %parallel_loop3A_1574 : vector<16xf32>
      %parallel_loop3A_1576 = vector.shape_cast %reshape3A : vector<16x1xi32> to vector<16xi32>
      %parallel_loop3A_1577 = tpu.dynamic_gather %parallel_loop3A_1543[%parallel_loop3A_1576] in [0] : vector<16xf32>, vector<16xi32> -> vector<16xf32>
      %parallel_loop3A_1578 = arith.mulf %convert_element_type3A, %parallel_loop3A_1543 : vector<16xf32>
      %parallel_loop3A_1579 = arith.addf %parallel_loop3A_1577, %parallel_loop3A_1578 : vector<16xf32>
      %parallel_loop3A_1580 = vector.shape_cast %reshape3A : vector<16x1xi32> to vector<16xi32>
      %parallel_loop3A_1581 = tpu.dynamic_gather %parallel_loop3A_1548[%parallel_loop3A_1580] in [0] : vector<16xf32>, vector<16xi32> -> vector<16xf32>
      %parallel_loop3A_1582 = arith.mulf %convert_element_type3A, %parallel_loop3A_1548 : vector<16xf32>
      %parallel_loop3A_1583 = arith.addf %parallel_loop3A_1581, %parallel_loop3A_1582 : vector<16xf32>
      %parallel_loop3A_1584 = vector.shape_cast %reshape3A : vector<16x1xi32> to vector<16xi32>
      %parallel_loop3A_1585 = tpu.dynamic_gather %parallel_loop3A_1553[%parallel_loop3A_1584] in [0] : vector<16xf32>, vector<16xi32> -> vector<16xf32>
      %parallel_loop3A_1586 = arith.mulf %convert_element_type3A, %parallel_loop3A_1553 : vector<16xf32>
      %parallel_loop3A_1587 = arith.addf %parallel_loop3A_1585, %parallel_loop3A_1586 : vector<16xf32>
      %parallel_loop3A_1588 = vector.shape_cast %reshape3A : vector<16x1xi32> to vector<16xi32>
      %parallel_loop3A_1589 = tpu.dynamic_gather %parallel_loop3A_1558[%parallel_loop3A_1588] in [0] : vector<16xf32>, vector<16xi32> -> vector<16xf32>
      %parallel_loop3A_1590 = arith.mulf %convert_element_type3A, %parallel_loop3A_1558 : vector<16xf32>
      %parallel_loop3A_1591 = arith.addf %parallel_loop3A_1589, %parallel_loop3A_1590 : vector<16xf32>
      %parallel_loop3A_1592 = vector.shape_cast %reshape3A : vector<16x1xi32> to vector<16xi32>
      %parallel_loop3A_1593 = tpu.dynamic_gather %parallel_loop3A_1563[%parallel_loop3A_1592] in [0] : vector<16xf32>, vector<16xi32> -> vector<16xf32>
      %parallel_loop3A_1594 = arith.mulf %convert_element_type3A, %parallel_loop3A_1563 : vector<16xf32>
      %parallel_loop3A_1595 = arith.addf %parallel_loop3A_1593, %parallel_loop3A_1594 : vector<16xf32>
      %parallel_loop3A_1596 = vector.shape_cast %reshape3A_8 : vector<16x1xi32> to vector<16xi32>
      %parallel_loop3A_1597 = tpu.dynamic_gather %parallel_loop3A_1567[%parallel_loop3A_1596] in [0] : vector<16xf32>, vector<16xi32> -> vector<16xf32>
      %parallel_loop3A_1598 = arith.mulf %convert_element_type3A_38, %parallel_loop3A_1567 : vector<16xf32>
      %parallel_loop3A_1599 = arith.addf %parallel_loop3A_1597, %parallel_loop3A_1598 : vector<16xf32>
      %parallel_loop3A_1600 = vector.shape_cast %reshape3A_8 : vector<16x1xi32> to vector<16xi32>
      %parallel_loop3A_1601 = tpu.dynamic_gather %parallel_loop3A_1571[%parallel_loop3A_1600] in [0] : vector<16xf32>, vector<16xi32> -> vector<16xf32>
      %parallel_loop3A_1602 = arith.mulf %convert_element_type3A_38, %parallel_loop3A_1571 : vector<16xf32>
      %parallel_loop3A_1603 = arith.addf %parallel_loop3A_1601, %parallel_loop3A_1602 : vector<16xf32>
      %parallel_loop3A_1604 = vector.shape_cast %reshape3A_8 : vector<16x1xi32> to vector<16xi32>
      %parallel_loop3A_1605 = tpu.dynamic_gather %parallel_loop3A_1575[%parallel_loop3A_1604] in [0] : vector<16xf32>, vector<16xi32> -> vector<16xf32>
      %parallel_loop3A_1606 = arith.mulf %convert_element_type3A_38, %parallel_loop3A_1575 : vector<16xf32>
      %parallel_loop3A_1607 = arith.addf %parallel_loop3A_1605, %parallel_loop3A_1606 : vector<16xf32>
      %parallel_loop3A_1608 = vector.shape_cast %reshape3A_8 : vector<16x1xi32> to vector<16xi32>
      %parallel_loop3A_1609 = tpu.dynamic_gather %parallel_loop3A_1579[%parallel_loop3A_1608] in [0] : vector<16xf32>, vector<16xi32> -> vector<16xf32>
      %parallel_loop3A_1610 = arith.mulf %convert_element_type3A_38, %parallel_loop3A_1579 : vector<16xf32>
      %parallel_loop3A_1611 = arith.addf %parallel_loop3A_1609, %parallel_loop3A_1610 : vector<16xf32>
      %parallel_loop3A_1612 = vector.shape_cast %reshape3A_8 : vector<16x1xi32> to vector<16xi32>
      %parallel_loop3A_1613 = tpu.dynamic_gather %parallel_loop3A_1583[%parallel_loop3A_1612] in [0] : vector<16xf32>, vector<16xi32> -> vector<16xf32>
      %parallel_loop3A_1614 = arith.mulf %convert_element_type3A_38, %parallel_loop3A_1583 : vector<16xf32>
      %parallel_loop3A_1615 = arith.addf %parallel_loop3A_1613, %parallel_loop3A_1614 : vector<16xf32>
      %parallel_loop3A_1616 = vector.shape_cast %reshape3A_8 : vector<16x1xi32> to vector<16xi32>
      %parallel_loop3A_1617 = tpu.dynamic_gather %parallel_loop3A_1587[%parallel_loop3A_1616] in [0] : vector<16xf32>, vector<16xi32> -> vector<16xf32>
      %parallel_loop3A_1618 = arith.mulf %convert_element_type3A_38, %parallel_loop3A_1587 : vector<16xf32>
      %parallel_loop3A_1619 = arith.addf %parallel_loop3A_1617, %parallel_loop3A_1618 : vector<16xf32>
      %parallel_loop3A_1620 = vector.shape_cast %reshape3A_8 : vector<16x1xi32> to vector<16xi32>
      %parallel_loop3A_1621 = tpu.dynamic_gather %parallel_loop3A_1591[%parallel_loop3A_1620] in [0] : vector<16xf32>, vector<16xi32> -> vector<16xf32>
      %parallel_loop3A_1622 = arith.mulf %convert_element_type3A_38, %parallel_loop3A_1591 : vector<16xf32>
      %parallel_loop3A_1623 = arith.addf %parallel_loop3A_1621, %parallel_loop3A_1622 : vector<16xf32>
      %parallel_loop3A_1624 = vector.shape_cast %reshape3A_8 : vector<16x1xi32> to vector<16xi32>
      %parallel_loop3A_1625 = tpu.dynamic_gather %parallel_loop3A_1595[%parallel_loop3A_1624] in [0] : vector<16xf32>, vector<16xi32> -> vector<16xf32>
      %parallel_loop3A_1626 = arith.mulf %convert_element_type3A_38, %parallel_loop3A_1595 : vector<16xf32>
      %parallel_loop3A_1627 = arith.addf %parallel_loop3A_1625, %parallel_loop3A_1626 : vector<16xf32>
      %parallel_loop3A_1628 = vector.shape_cast %reshape3A_12 : vector<16x1xi32> to vector<16xi32>
      %parallel_loop3A_1629 = tpu.dynamic_gather %parallel_loop3A_1599[%parallel_loop3A_1628] in [0] : vector<16xf32>, vector<16xi32> -> vector<16xf32>
      %parallel_loop3A_1630 = arith.mulf %convert_element_type3A_51, %parallel_loop3A_1599 : vector<16xf32>
      %parallel_loop3A_1631 = arith.addf %parallel_loop3A_1629, %parallel_loop3A_1630 : vector<16xf32>
      %parallel_loop3A_1632 = vector.shape_cast %reshape3A_12 : vector<16x1xi32> to vector<16xi32>
      %parallel_loop3A_1633 = tpu.dynamic_gather %parallel_loop3A_1603[%parallel_loop3A_1632] in [0] : vector<16xf32>, vector<16xi32> -> vector<16xf32>
      %parallel_loop3A_1634 = arith.mulf %convert_element_type3A_51, %parallel_loop3A_1603 : vector<16xf32>
      %parallel_loop3A_1635 = arith.addf %parallel_loop3A_1633, %parallel_loop3A_1634 : vector<16xf32>
      %parallel_loop3A_1636 = vector.shape_cast %reshape3A_12 : vector<16x1xi32> to vector<16xi32>
      %parallel_loop3A_1637 = tpu.dynamic_gather %parallel_loop3A_1607[%parallel_loop3A_1636] in [0] : vector<16xf32>, vector<16xi32> -> vector<16xf32>
      %parallel_loop3A_1638 = arith.mulf %convert_element_type3A_51, %parallel_loop3A_1607 : vector<16xf32>
      %parallel_loop3A_1639 = arith.addf %parallel_loop3A_1637, %parallel_loop3A_1638 : vector<16xf32>
      %parallel_loop3A_1640 = vector.shape_cast %reshape3A_12 : vector<16x1xi32> to vector<16xi32>
      %parallel_loop3A_1641 = tpu.dynamic_gather %parallel_loop3A_1611[%parallel_loop3A_1640] in [0] : vector<16xf32>, vector<16xi32> -> vector<16xf32>
      %parallel_loop3A_1642 = arith.mulf %convert_element_type3A_51, %parallel_loop3A_1611 : vector<16xf32>
      %parallel_loop3A_1643 = arith.addf %parallel_loop3A_1641, %parallel_loop3A_1642 : vector<16xf32>
      %parallel_loop3A_1644 = vector.shape_cast %reshape3A_12 : vector<16x1xi32> to vector<16xi32>
      %parallel_loop3A_1645 = tpu.dynamic_gather %parallel_loop3A_1615[%parallel_loop3A_1644] in [0] : vector<16xf32>, vector<16xi32> -> vector<16xf32>
      %parallel_loop3A_1646 = arith.mulf %convert_element_type3A_51, %parallel_loop3A_1615 : vector<16xf32>
      %parallel_loop3A_1647 = arith.addf %parallel_loop3A_1645, %parallel_loop3A_1646 : vector<16xf32>
      %parallel_loop3A_1648 = vector.shape_cast %reshape3A_12 : vector<16x1xi32> to vector<16xi32>
      %parallel_loop3A_1649 = tpu.dynamic_gather %parallel_loop3A_1619[%parallel_loop3A_1648] in [0] : vector<16xf32>, vector<16xi32> -> vector<16xf32>
      %parallel_loop3A_1650 = arith.mulf %convert_element_type3A_51, %parallel_loop3A_1619 : vector<16xf32>
      %parallel_loop3A_1651 = arith.addf %parallel_loop3A_1649, %parallel_loop3A_1650 : vector<16xf32>
      %parallel_loop3A_1652 = vector.shape_cast %reshape3A_12 : vector<16x1xi32> to vector<16xi32>
      %parallel_loop3A_1653 = tpu.dynamic_gather %parallel_loop3A_1623[%parallel_loop3A_1652] in [0] : vector<16xf32>, vector<16xi32> -> vector<16xf32>
      %parallel_loop3A_1654 = arith.mulf %convert_element_type3A_51, %parallel_loop3A_1623 : vector<16xf32>
      %parallel_loop3A_1655 = arith.addf %parallel_loop3A_1653, %parallel_loop3A_1654 : vector<16xf32>
      %parallel_loop3A_1656 = vector.shape_cast %reshape3A_12 : vector<16x1xi32> to vector<16xi32>
      %parallel_loop3A_1657 = tpu.dynamic_gather %parallel_loop3A_1627[%parallel_loop3A_1656] in [0] : vector<16xf32>, vector<16xi32> -> vector<16xf32>
      %parallel_loop3A_1658 = arith.mulf %convert_element_type3A_51, %parallel_loop3A_1627 : vector<16xf32>
      %parallel_loop3A_1659 = arith.addf %parallel_loop3A_1657, %parallel_loop3A_1658 : vector<16xf32>
      %parallel_loop3A_1660 = vector.shape_cast %reshape3A_16 : vector<16x1xi32> to vector<16xi32>
      %parallel_loop3A_1661 = tpu.dynamic_gather %parallel_loop3A_1631[%parallel_loop3A_1660] in [0] : vector<16xf32>, vector<16xi32> -> vector<16xf32>
      %parallel_loop3A_1662 = arith.mulf %convert_element_type3A_64, %parallel_loop3A_1631 : vector<16xf32>
      %parallel_loop3A_1663 = arith.addf %parallel_loop3A_1661, %parallel_loop3A_1662 : vector<16xf32>
      %parallel_loop3A_1664 = vector.shape_cast %reshape3A_16 : vector<16x1xi32> to vector<16xi32>
      %parallel_loop3A_1665 = tpu.dynamic_gather %parallel_loop3A_1635[%parallel_loop3A_1664] in [0] : vector<16xf32>, vector<16xi32> -> vector<16xf32>
      %parallel_loop3A_1666 = arith.mulf %convert_element_type3A_64, %parallel_loop3A_1635 : vector<16xf32>
      %parallel_loop3A_1667 = arith.addf %parallel_loop3A_1665, %parallel_loop3A_1666 : vector<16xf32>
      %parallel_loop3A_1668 = vector.shape_cast %reshape3A_16 : vector<16x1xi32> to vector<16xi32>
      %parallel_loop3A_1669 = tpu.dynamic_gather %parallel_loop3A_1639[%parallel_loop3A_1668] in [0] : vector<16xf32>, vector<16xi32> -> vector<16xf32>
      %parallel_loop3A_1670 = arith.mulf %convert_element_type3A_64, %parallel_loop3A_1639 : vector<16xf32>
      %parallel_loop3A_1671 = arith.addf %parallel_loop3A_1669, %parallel_loop3A_1670 : vector<16xf32>
      %parallel_loop3A_1672 = vector.shape_cast %reshape3A_16 : vector<16x1xi32> to vector<16xi32>
      %parallel_loop3A_1673 = tpu.dynamic_gather %parallel_loop3A_1643[%parallel_loop3A_1672] in [0] : vector<16xf32>, vector<16xi32> -> vector<16xf32>
      %parallel_loop3A_1674 = arith.mulf %convert_element_type3A_64, %parallel_loop3A_1643 : vector<16xf32>
      %parallel_loop3A_1675 = arith.addf %parallel_loop3A_1673, %parallel_loop3A_1674 : vector<16xf32>
      %parallel_loop3A_1676 = vector.shape_cast %reshape3A_16 : vector<16x1xi32> to vector<16xi32>
      %parallel_loop3A_1677 = tpu.dynamic_gather %parallel_loop3A_1647[%parallel_loop3A_1676] in [0] : vector<16xf32>, vector<16xi32> -> vector<16xf32>
      %parallel_loop3A_1678 = arith.mulf %convert_element_type3A_64, %parallel_loop3A_1647 : vector<16xf32>
      %parallel_loop3A_1679 = arith.addf %parallel_loop3A_1677, %parallel_loop3A_1678 : vector<16xf32>
      %parallel_loop3A_1680 = vector.shape_cast %reshape3A_16 : vector<16x1xi32> to vector<16xi32>
      %parallel_loop3A_1681 = tpu.dynamic_gather %parallel_loop3A_1651[%parallel_loop3A_1680] in [0] : vector<16xf32>, vector<16xi32> -> vector<16xf32>
      %parallel_loop3A_1682 = arith.mulf %convert_element_type3A_64, %parallel_loop3A_1651 : vector<16xf32>
      %parallel_loop3A_1683 = arith.addf %parallel_loop3A_1681, %parallel_loop3A_1682 : vector<16xf32>
      %parallel_loop3A_1684 = vector.shape_cast %reshape3A_16 : vector<16x1xi32> to vector<16xi32>
      %parallel_loop3A_1685 = tpu.dynamic_gather %parallel_loop3A_1655[%parallel_loop3A_1684] in [0] : vector<16xf32>, vector<16xi32> -> vector<16xf32>
      %parallel_loop3A_1686 = arith.mulf %convert_element_type3A_64, %parallel_loop3A_1655 : vector<16xf32>
      %parallel_loop3A_1687 = arith.addf %parallel_loop3A_1685, %parallel_loop3A_1686 : vector<16xf32>
      %parallel_loop3A_1688 = vector.shape_cast %reshape3A_16 : vector<16x1xi32> to vector<16xi32>
      %parallel_loop3A_1689 = tpu.dynamic_gather %parallel_loop3A_1659[%parallel_loop3A_1688] in [0] : vector<16xf32>, vector<16xi32> -> vector<16xf32>
      %parallel_loop3A_1690 = arith.mulf %convert_element_type3A_64, %parallel_loop3A_1659 : vector<16xf32>
      %parallel_loop3A_1691 = arith.addf %parallel_loop3A_1689, %parallel_loop3A_1690 : vector<16xf32>
      %parallel_loop3A_1692 = arith.addf %parallel_loop3A_1663, %parallel_loop3A_1667 : vector<16xf32>
      %parallel_loop3A_1693 = arith.subf %parallel_loop3A_1663, %parallel_loop3A_1667 : vector<16xf32>
      %parallel_loop3A_1694 = arith.addf %parallel_loop3A_1671, %parallel_loop3A_1675 : vector<16xf32>
      %parallel_loop3A_1695 = arith.subf %parallel_loop3A_1671, %parallel_loop3A_1675 : vector<16xf32>
      %parallel_loop3A_1696 = arith.addf %parallel_loop3A_1679, %parallel_loop3A_1683 : vector<16xf32>
      %parallel_loop3A_1697 = arith.subf %parallel_loop3A_1679, %parallel_loop3A_1683 : vector<16xf32>
      %parallel_loop3A_1698 = arith.addf %parallel_loop3A_1687, %parallel_loop3A_1691 : vector<16xf32>
      %parallel_loop3A_1699 = arith.subf %parallel_loop3A_1687, %parallel_loop3A_1691 : vector<16xf32>
      %parallel_loop3A_1700 = arith.addf %parallel_loop3A_1692, %parallel_loop3A_1694 : vector<16xf32>
      %parallel_loop3A_1701 = arith.subf %parallel_loop3A_1692, %parallel_loop3A_1694 : vector<16xf32>
      %parallel_loop3A_1702 = arith.addf %parallel_loop3A_1693, %parallel_loop3A_1695 : vector<16xf32>
      %parallel_loop3A_1703 = arith.subf %parallel_loop3A_1693, %parallel_loop3A_1695 : vector<16xf32>
      %parallel_loop3A_1704 = arith.addf %parallel_loop3A_1696, %parallel_loop3A_1698 : vector<16xf32>
      %parallel_loop3A_1705 = arith.subf %parallel_loop3A_1696, %parallel_loop3A_1698 : vector<16xf32>
      %parallel_loop3A_1706 = arith.addf %parallel_loop3A_1697, %parallel_loop3A_1699 : vector<16xf32>
      %parallel_loop3A_1707 = arith.subf %parallel_loop3A_1697, %parallel_loop3A_1699 : vector<16xf32>
      %parallel_loop3A_1708 = arith.addf %parallel_loop3A_1700, %parallel_loop3A_1704 : vector<16xf32>
      %parallel_loop3A_1709 = arith.subf %parallel_loop3A_1700, %parallel_loop3A_1704 : vector<16xf32>
      %parallel_loop3A_1710 = arith.addf %parallel_loop3A_1702, %parallel_loop3A_1706 : vector<16xf32>
      %parallel_loop3A_1711 = arith.subf %parallel_loop3A_1702, %parallel_loop3A_1706 : vector<16xf32>
      %parallel_loop3A_1712 = arith.addf %parallel_loop3A_1701, %parallel_loop3A_1705 : vector<16xf32>
      %parallel_loop3A_1713 = arith.subf %parallel_loop3A_1701, %parallel_loop3A_1705 : vector<16xf32>
      %parallel_loop3A_1714 = arith.addf %parallel_loop3A_1703, %parallel_loop3A_1707 : vector<16xf32>
      %parallel_loop3A_1715 = arith.subf %parallel_loop3A_1703, %parallel_loop3A_1707 : vector<16xf32>
      %parallel_loop3A_1716 = arith.constant 0 : i32
      %parallel_loop3A_1717 = arith.addi %parallel_loop3A_1523, %parallel_loop3A_1716 : i32
      %parallel_loop3A_1718 = arith.index_cast %parallel_loop3A_1717 : i32 to index
      %parallel_loop3A_1719 = tpu.vector_load %arg4[%parallel_loop3A_1718] {strides = array<i32>} : memref<32768xf32, #tpu.memory_space<vmem>>, vector<16xf32>,
      %parallel_loop3A_1720 = vector.shape_cast %parallel_loop3A_1719 : vector<16xf32> to vector<16xf32>
      %parallel_loop3A_1721 = vector.shape_cast %parallel_loop3A_1708 : vector<16xf32> to vector<16xf32>
      tpu.vector_store %arg4[%parallel_loop3A_1718], %parallel_loop3A_1721 {strides = array<i32>} : memref<32768xf32, #tpu.memory_space<vmem>>, vector<16xf32>,
      %parallel_loop3A_1722 = arith.constant 16 : i32
      %parallel_loop3A_1723 = arith.addi %parallel_loop3A_1523, %parallel_loop3A_1722 : i32
      %parallel_loop3A_1724 = arith.index_cast %parallel_loop3A_1723 : i32 to index
      %parallel_loop3A_1725 = tpu.vector_load %arg4[%parallel_loop3A_1724] {strides = array<i32>} : memref<32768xf32, #tpu.memory_space<vmem>>, vector<16xf32>,
      %parallel_loop3A_1726 = vector.shape_cast %parallel_loop3A_1725 : vector<16xf32> to vector<16xf32>
      %parallel_loop3A_1727 = vector.shape_cast %parallel_loop3A_1710 : vector<16xf32> to vector<16xf32>
      tpu.vector_store %arg4[%parallel_loop3A_1724], %parallel_loop3A_1727 {strides = array<i32>} : memref<32768xf32, #tpu.memory_space<vmem>>, vector<16xf32>,
      %parallel_loop3A_1728 = arith.constant 32 : i32
      %parallel_loop3A_1729 = arith.addi %parallel_loop3A_1523, %parallel_loop3A_1728 : i32
      %parallel_loop3A_1730 = arith.index_cast %parallel_loop3A_1729 : i32 to index
      %parallel_loop3A_1731 = tpu.vector_load %arg4[%parallel_loop3A_1730] {strides = array<i32>} : memref<32768xf32, #tpu.memory_space<vmem>>, vector<16xf32>,
      %parallel_loop3A_1732 = vector.shape_cast %parallel_loop3A_1731 : vector<16xf32> to vector<16xf32>
      %parallel_loop3A_1733 = vector.shape_cast %parallel_loop3A_1712 : vector<16xf32> to vector<16xf32>
      tpu.vector_store %arg4[%parallel_loop3A_1730], %parallel_loop3A_1733 {strides = array<i32>} : memref<32768xf32, #tpu.memory_space<vmem>>, vector<16xf32>,
      %parallel_loop3A_1734 = arith.constant 48 : i32
      %parallel_loop3A_1735 = arith.addi %parallel_loop3A_1523, %parallel_loop3A_1734 : i32
      %parallel_loop3A_1736 = arith.index_cast %parallel_loop3A_1735 : i32 to index
      %parallel_loop3A_1737 = tpu.vector_load %arg4[%parallel_loop3A_1736] {strides = array<i32>} : memref<32768xf32, #tpu.memory_space<vmem>>, vector<16xf32>,
      %parallel_loop3A_1738 = vector.shape_cast %parallel_loop3A_1737 : vector<16xf32> to vector<16xf32>
      %parallel_loop3A_1739 = vector.shape_cast %parallel_loop3A_1714 : vector<16xf32> to vector<16xf32>
      tpu.vector_store %arg4[%parallel_loop3A_1736], %parallel_loop3A_1739 {strides = array<i32>} : memref<32768xf32, #tpu.memory_space<vmem>>, vector<16xf32>,
      %parallel_loop3A_1740 = arith.constant 64 : i32
      %parallel_loop3A_1741 = arith.addi %parallel_loop3A_1523, %parallel_loop3A_1740 : i32
      %parallel_loop3A_1742 = arith.index_cast %parallel_loop3A_1741 : i32 to index
      %parallel_loop3A_1743 = tpu.vector_load %arg4[%parallel_loop3A_1742] {strides = array<i32>} : memref<32768xf32, #tpu.memory_space<vmem>>, vector<16xf32>,
      %parallel_loop3A_1744 = vector.shape_cast %parallel_loop3A_1743 : vector<16xf32> to vector<16xf32>
      %parallel_loop3A_1745 = vector.shape_cast %parallel_loop3A_1709 : vector<16xf32> to vector<16xf32>
      tpu.vector_store %arg4[%parallel_loop3A_1742], %parallel_loop3A_1745 {strides = array<i32>} : memref<32768xf32, #tpu.memory_space<vmem>>, vector<16xf32>,
      %parallel_loop3A_1746 = arith.constant 80 : i32
      %parallel_loop3A_1747 = arith.addi %parallel_loop3A_1523, %parallel_loop3A_1746 : i32
      %parallel_loop3A_1748 = arith.index_cast %parallel_loop3A_1747 : i32 to index
      %parallel_loop3A_1749 = tpu.vector_load %arg4[%parallel_loop3A_1748] {strides = array<i32>} : memref<32768xf32, #tpu.memory_space<vmem>>, vector<16xf32>,
      %parallel_loop3A_1750 = vector.shape_cast %parallel_loop3A_1749 : vector<16xf32> to vector<16xf32>
      %parallel_loop3A_1751 = vector.shape_cast %parallel_loop3A_1711 : vector<16xf32> to vector<16xf32>
      tpu.vector_store %arg4[%parallel_loop3A_1748], %parallel_loop3A_1751 {strides = array<i32>} : memref<32768xf32, #tpu.memory_space<vmem>>, vector<16xf32>,
      %parallel_loop3A_1752 = arith.constant 96 : i32
      %parallel_loop3A_1753 = arith.addi %parallel_loop3A_1523, %parallel_loop3A_1752 : i32
      %parallel_loop3A_1754 = arith.index_cast %parallel_loop3A_1753 : i32 to index
      %parallel_loop3A_1755 = tpu.vector_load %arg4[%parallel_loop3A_1754] {strides = array<i32>} : memref<32768xf32, #tpu.memory_space<vmem>>, vector<16xf32>,
      %parallel_loop3A_1756 = vector.shape_cast %parallel_loop3A_1755 : vector<16xf32> to vector<16xf32>
      %parallel_loop3A_1757 = vector.shape_cast %parallel_loop3A_1713 : vector<16xf32> to vector<16xf32>
      tpu.vector_store %arg4[%parallel_loop3A_1754], %parallel_loop3A_1757 {strides = array<i32>} : memref<32768xf32, #tpu.memory_space<vmem>>, vector<16xf32>,
      %parallel_loop3A_1758 = arith.constant 112 : i32
      %parallel_loop3A_1759 = arith.addi %parallel_loop3A_1523, %parallel_loop3A_1758 : i32
      %parallel_loop3A_1760 = arith.index_cast %parallel_loop3A_1759 : i32 to index
      %parallel_loop3A_1761 = tpu.vector_load %arg4[%parallel_loop3A_1760] {strides = array<i32>} : memref<32768xf32, #tpu.memory_space<vmem>>, vector<16xf32>,
      %parallel_loop3A_1762 = vector.shape_cast %parallel_loop3A_1761 : vector<16xf32> to vector<16xf32>
      %parallel_loop3A_1763 = vector.shape_cast %parallel_loop3A_1715 : vector<16xf32> to vector<16xf32>
      tpu.vector_store %arg4[%parallel_loop3A_1760], %parallel_loop3A_1763 {strides = array<i32>} : memref<32768xf32, #tpu.memory_space<vmem>>, vector<16xf32>,
      %parallel_loop3A_1764 = arith.constant 896 : i32
      %parallel_loop3A_1765 = arith.addi %parallel_loop3A_69, %parallel_loop3A_1764 : i32
      %parallel_loop3A_1766 = arith.constant 0 : i32
      %parallel_loop3A_1767 = arith.addi %parallel_loop3A_1765, %parallel_loop3A_1766 : i32
      %parallel_loop3A_1768 = arith.index_cast %parallel_loop3A_1767 : i32 to index
      %parallel_loop3A_1769 = tpu.vector_load %arg4[%parallel_loop3A_1768] {strides = array<i32>} : memref<32768xf32, #tpu.memory_space<vmem>>, vector<16xf32>,
      %parallel_loop3A_1770 = vector.shape_cast %parallel_loop3A_1769 : vector<16xf32> to vector<16xf32>
      %parallel_loop3A_1771 = arith.constant 16 : i32
      %parallel_loop3A_1772 = arith.addi %parallel_loop3A_1765, %parallel_loop3A_1771 : i32
      %parallel_loop3A_1773 = arith.index_cast %parallel_loop3A_1772 : i32 to index
      %parallel_loop3A_1774 = tpu.vector_load %arg4[%parallel_loop3A_1773] {strides = array<i32>} : memref<32768xf32, #tpu.memory_space<vmem>>, vector<16xf32>,
      %parallel_loop3A_1775 = vector.shape_cast %parallel_loop3A_1774 : vector<16xf32> to vector<16xf32>
      %parallel_loop3A_1776 = arith.constant 32 : i32
      %parallel_loop3A_1777 = arith.addi %parallel_loop3A_1765, %parallel_loop3A_1776 : i32
      %parallel_loop3A_1778 = arith.index_cast %parallel_loop3A_1777 : i32 to index
      %parallel_loop3A_1779 = tpu.vector_load %arg4[%parallel_loop3A_1778] {strides = array<i32>} : memref<32768xf32, #tpu.memory_space<vmem>>, vector<16xf32>,
      %parallel_loop3A_1780 = vector.shape_cast %parallel_loop3A_1779 : vector<16xf32> to vector<16xf32>
      %parallel_loop3A_1781 = arith.constant 48 : i32
      %parallel_loop3A_1782 = arith.addi %parallel_loop3A_1765, %parallel_loop3A_1781 : i32
      %parallel_loop3A_1783 = arith.index_cast %parallel_loop3A_1782 : i32 to index
      %parallel_loop3A_1784 = tpu.vector_load %arg4[%parallel_loop3A_1783] {strides = array<i32>} : memref<32768xf32, #tpu.memory_space<vmem>>, vector<16xf32>,
      %parallel_loop3A_1785 = vector.shape_cast %parallel_loop3A_1784 : vector<16xf32> to vector<16xf32>
      %parallel_loop3A_1786 = arith.constant 64 : i32
      %parallel_loop3A_1787 = arith.addi %parallel_loop3A_1765, %parallel_loop3A_1786 : i32
      %parallel_loop3A_1788 = arith.index_cast %parallel_loop3A_1787 : i32 to index
      %parallel_loop3A_1789 = tpu.vector_load %arg4[%parallel_loop3A_1788] {strides = array<i32>} : memref<32768xf32, #tpu.memory_space<vmem>>, vector<16xf32>,
      %parallel_loop3A_1790 = vector.shape_cast %parallel_loop3A_1789 : vector<16xf32> to vector<16xf32>
      %parallel_loop3A_1791 = arith.constant 80 : i32
      %parallel_loop3A_1792 = arith.addi %parallel_loop3A_1765, %parallel_loop3A_1791 : i32
      %parallel_loop3A_1793 = arith.index_cast %parallel_loop3A_1792 : i32 to index
      %parallel_loop3A_1794 = tpu.vector_load %arg4[%parallel_loop3A_1793] {strides = array<i32>} : memref<32768xf32, #tpu.memory_space<vmem>>, vector<16xf32>,
      %parallel_loop3A_1795 = vector.shape_cast %parallel_loop3A_1794 : vector<16xf32> to vector<16xf32>
      %parallel_loop3A_1796 = arith.constant 96 : i32
      %parallel_loop3A_1797 = arith.addi %parallel_loop3A_1765, %parallel_loop3A_1796 : i32
      %parallel_loop3A_1798 = arith.index_cast %parallel_loop3A_1797 : i32 to index
      %parallel_loop3A_1799 = tpu.vector_load %arg4[%parallel_loop3A_1798] {strides = array<i32>} : memref<32768xf32, #tpu.memory_space<vmem>>, vector<16xf32>,
      %parallel_loop3A_1800 = vector.shape_cast %parallel_loop3A_1799 : vector<16xf32> to vector<16xf32>
      %parallel_loop3A_1801 = arith.constant 112 : i32
      %parallel_loop3A_1802 = arith.addi %parallel_loop3A_1765, %parallel_loop3A_1801 : i32
      %parallel_loop3A_1803 = arith.index_cast %parallel_loop3A_1802 : i32 to index
      %parallel_loop3A_1804 = tpu.vector_load %arg4[%parallel_loop3A_1803] {strides = array<i32>} : memref<32768xf32, #tpu.memory_space<vmem>>, vector<16xf32>,
      %parallel_loop3A_1805 = vector.shape_cast %parallel_loop3A_1804 : vector<16xf32> to vector<16xf32>
      %parallel_loop3A_1806 = vector.shape_cast %reshape3A : vector<16x1xi32> to vector<16xi32>
      %parallel_loop3A_1807 = tpu.dynamic_gather %parallel_loop3A_1770[%parallel_loop3A_1806] in [0] : vector<16xf32>, vector<16xi32> -> vector<16xf32>
      %parallel_loop3A_1808 = arith.mulf %convert_element_type3A, %parallel_loop3A_1770 : vector<16xf32>
      %parallel_loop3A_1809 = arith.addf %parallel_loop3A_1807, %parallel_loop3A_1808 : vector<16xf32>
      %parallel_loop3A_1810 = vector.shape_cast %reshape3A : vector<16x1xi32> to vector<16xi32>
      %parallel_loop3A_1811 = tpu.dynamic_gather %parallel_loop3A_1775[%parallel_loop3A_1810] in [0] : vector<16xf32>, vector<16xi32> -> vector<16xf32>
      %parallel_loop3A_1812 = arith.mulf %convert_element_type3A, %parallel_loop3A_1775 : vector<16xf32>
      %parallel_loop3A_1813 = arith.addf %parallel_loop3A_1811, %parallel_loop3A_1812 : vector<16xf32>
      %parallel_loop3A_1814 = vector.shape_cast %reshape3A : vector<16x1xi32> to vector<16xi32>
      %parallel_loop3A_1815 = tpu.dynamic_gather %parallel_loop3A_1780[%parallel_loop3A_1814] in [0] : vector<16xf32>, vector<16xi32> -> vector<16xf32>
      %parallel_loop3A_1816 = arith.mulf %convert_element_type3A, %parallel_loop3A_1780 : vector<16xf32>
      %parallel_loop3A_1817 = arith.addf %parallel_loop3A_1815, %parallel_loop3A_1816 : vector<16xf32>
      %parallel_loop3A_1818 = vector.shape_cast %reshape3A : vector<16x1xi32> to vector<16xi32>
      %parallel_loop3A_1819 = tpu.dynamic_gather %parallel_loop3A_1785[%parallel_loop3A_1818] in [0] : vector<16xf32>, vector<16xi32> -> vector<16xf32>
      %parallel_loop3A_1820 = arith.mulf %convert_element_type3A, %parallel_loop3A_1785 : vector<16xf32>
      %parallel_loop3A_1821 = arith.addf %parallel_loop3A_1819, %parallel_loop3A_1820 : vector<16xf32>
      %parallel_loop3A_1822 = vector.shape_cast %reshape3A : vector<16x1xi32> to vector<16xi32>
      %parallel_loop3A_1823 = tpu.dynamic_gather %parallel_loop3A_1790[%parallel_loop3A_1822] in [0] : vector<16xf32>, vector<16xi32> -> vector<16xf32>
      %parallel_loop3A_1824 = arith.mulf %convert_element_type3A, %parallel_loop3A_1790 : vector<16xf32>
      %parallel_loop3A_1825 = arith.addf %parallel_loop3A_1823, %parallel_loop3A_1824 : vector<16xf32>
      %parallel_loop3A_1826 = vector.shape_cast %reshape3A : vector<16x1xi32> to vector<16xi32>
      %parallel_loop3A_1827 = tpu.dynamic_gather %parallel_loop3A_1795[%parallel_loop3A_1826] in [0] : vector<16xf32>, vector<16xi32> -> vector<16xf32>
      %parallel_loop3A_1828 = arith.mulf %convert_element_type3A, %parallel_loop3A_1795 : vector<16xf32>
      %parallel_loop3A_1829 = arith.addf %parallel_loop3A_1827, %parallel_loop3A_1828 : vector<16xf32>
      %parallel_loop3A_1830 = vector.shape_cast %reshape3A : vector<16x1xi32> to vector<16xi32>
      %parallel_loop3A_1831 = tpu.dynamic_gather %parallel_loop3A_1800[%parallel_loop3A_1830] in [0] : vector<16xf32>, vector<16xi32> -> vector<16xf32>
      %parallel_loop3A_1832 = arith.mulf %convert_element_type3A, %parallel_loop3A_1800 : vector<16xf32>
      %parallel_loop3A_1833 = arith.addf %parallel_loop3A_1831, %parallel_loop3A_1832 : vector<16xf32>
      %parallel_loop3A_1834 = vector.shape_cast %reshape3A : vector<16x1xi32> to vector<16xi32>
      %parallel_loop3A_1835 = tpu.dynamic_gather %parallel_loop3A_1805[%parallel_loop3A_1834] in [0] : vector<16xf32>, vector<16xi32> -> vector<16xf32>
      %parallel_loop3A_1836 = arith.mulf %convert_element_type3A, %parallel_loop3A_1805 : vector<16xf32>
      %parallel_loop3A_1837 = arith.addf %parallel_loop3A_1835, %parallel_loop3A_1836 : vector<16xf32>
      %parallel_loop3A_1838 = vector.shape_cast %reshape3A_8 : vector<16x1xi32> to vector<16xi32>
      %parallel_loop3A_1839 = tpu.dynamic_gather %parallel_loop3A_1809[%parallel_loop3A_1838] in [0] : vector<16xf32>, vector<16xi32> -> vector<16xf32>
      %parallel_loop3A_1840 = arith.mulf %convert_element_type3A_38, %parallel_loop3A_1809 : vector<16xf32>
      %parallel_loop3A_1841 = arith.addf %parallel_loop3A_1839, %parallel_loop3A_1840 : vector<16xf32>
      %parallel_loop3A_1842 = vector.shape_cast %reshape3A_8 : vector<16x1xi32> to vector<16xi32>
      %parallel_loop3A_1843 = tpu.dynamic_gather %parallel_loop3A_1813[%parallel_loop3A_1842] in [0] : vector<16xf32>, vector<16xi32> -> vector<16xf32>
      %parallel_loop3A_1844 = arith.mulf %convert_element_type3A_38, %parallel_loop3A_1813 : vector<16xf32>
      %parallel_loop3A_1845 = arith.addf %parallel_loop3A_1843, %parallel_loop3A_1844 : vector<16xf32>
      %parallel_loop3A_1846 = vector.shape_cast %reshape3A_8 : vector<16x1xi32> to vector<16xi32>
      %parallel_loop3A_1847 = tpu.dynamic_gather %parallel_loop3A_1817[%parallel_loop3A_1846] in [0] : vector<16xf32>, vector<16xi32> -> vector<16xf32>
      %parallel_loop3A_1848 = arith.mulf %convert_element_type3A_38, %parallel_loop3A_1817 : vector<16xf32>
      %parallel_loop3A_1849 = arith.addf %parallel_loop3A_1847, %parallel_loop3A_1848 : vector<16xf32>
      %parallel_loop3A_1850 = vector.shape_cast %reshape3A_8 : vector<16x1xi32> to vector<16xi32>
      %parallel_loop3A_1851 = tpu.dynamic_gather %parallel_loop3A_1821[%parallel_loop3A_1850] in [0] : vector<16xf32>, vector<16xi32> -> vector<16xf32>
      %parallel_loop3A_1852 = arith.mulf %convert_element_type3A_38, %parallel_loop3A_1821 : vector<16xf32>
      %parallel_loop3A_1853 = arith.addf %parallel_loop3A_1851, %parallel_loop3A_1852 : vector<16xf32>
      %parallel_loop3A_1854 = vector.shape_cast %reshape3A_8 : vector<16x1xi32> to vector<16xi32>
      %parallel_loop3A_1855 = tpu.dynamic_gather %parallel_loop3A_1825[%parallel_loop3A_1854] in [0] : vector<16xf32>, vector<16xi32> -> vector<16xf32>
      %parallel_loop3A_1856 = arith.mulf %convert_element_type3A_38, %parallel_loop3A_1825 : vector<16xf32>
      %parallel_loop3A_1857 = arith.addf %parallel_loop3A_1855, %parallel_loop3A_1856 : vector<16xf32>
      %parallel_loop3A_1858 = vector.shape_cast %reshape3A_8 : vector<16x1xi32> to vector<16xi32>
      %parallel_loop3A_1859 = tpu.dynamic_gather %parallel_loop3A_1829[%parallel_loop3A_1858] in [0] : vector<16xf32>, vector<16xi32> -> vector<16xf32>
      %parallel_loop3A_1860 = arith.mulf %convert_element_type3A_38, %parallel_loop3A_1829 : vector<16xf32>
      %parallel_loop3A_1861 = arith.addf %parallel_loop3A_1859, %parallel_loop3A_1860 : vector<16xf32>
      %parallel_loop3A_1862 = vector.shape_cast %reshape3A_8 : vector<16x1xi32> to vector<16xi32>
      %parallel_loop3A_1863 = tpu.dynamic_gather %parallel_loop3A_1833[%parallel_loop3A_1862] in [0] : vector<16xf32>, vector<16xi32> -> vector<16xf32>
      %parallel_loop3A_1864 = arith.mulf %convert_element_type3A_38, %parallel_loop3A_1833 : vector<16xf32>
      %parallel_loop3A_1865 = arith.addf %parallel_loop3A_1863, %parallel_loop3A_1864 : vector<16xf32>
      %parallel_loop3A_1866 = vector.shape_cast %reshape3A_8 : vector<16x1xi32> to vector<16xi32>
      %parallel_loop3A_1867 = tpu.dynamic_gather %parallel_loop3A_1837[%parallel_loop3A_1866] in [0] : vector<16xf32>, vector<16xi32> -> vector<16xf32>
      %parallel_loop3A_1868 = arith.mulf %convert_element_type3A_38, %parallel_loop3A_1837 : vector<16xf32>
      %parallel_loop3A_1869 = arith.addf %parallel_loop3A_1867, %parallel_loop3A_1868 : vector<16xf32>
      %parallel_loop3A_1870 = vector.shape_cast %reshape3A_12 : vector<16x1xi32> to vector<16xi32>
      %parallel_loop3A_1871 = tpu.dynamic_gather %parallel_loop3A_1841[%parallel_loop3A_1870] in [0] : vector<16xf32>, vector<16xi32> -> vector<16xf32>
      %parallel_loop3A_1872 = arith.mulf %convert_element_type3A_51, %parallel_loop3A_1841 : vector<16xf32>
      %parallel_loop3A_1873 = arith.addf %parallel_loop3A_1871, %parallel_loop3A_1872 : vector<16xf32>
      %parallel_loop3A_1874 = vector.shape_cast %reshape3A_12 : vector<16x1xi32> to vector<16xi32>
      %parallel_loop3A_1875 = tpu.dynamic_gather %parallel_loop3A_1845[%parallel_loop3A_1874] in [0] : vector<16xf32>, vector<16xi32> -> vector<16xf32>
      %parallel_loop3A_1876 = arith.mulf %convert_element_type3A_51, %parallel_loop3A_1845 : vector<16xf32>
      %parallel_loop3A_1877 = arith.addf %parallel_loop3A_1875, %parallel_loop3A_1876 : vector<16xf32>
      %parallel_loop3A_1878 = vector.shape_cast %reshape3A_12 : vector<16x1xi32> to vector<16xi32>
      %parallel_loop3A_1879 = tpu.dynamic_gather %parallel_loop3A_1849[%parallel_loop3A_1878] in [0] : vector<16xf32>, vector<16xi32> -> vector<16xf32>
      %parallel_loop3A_1880 = arith.mulf %convert_element_type3A_51, %parallel_loop3A_1849 : vector<16xf32>
      %parallel_loop3A_1881 = arith.addf %parallel_loop3A_1879, %parallel_loop3A_1880 : vector<16xf32>
      %parallel_loop3A_1882 = vector.shape_cast %reshape3A_12 : vector<16x1xi32> to vector<16xi32>
      %parallel_loop3A_1883 = tpu.dynamic_gather %parallel_loop3A_1853[%parallel_loop3A_1882] in [0] : vector<16xf32>, vector<16xi32> -> vector<16xf32>
      %parallel_loop3A_1884 = arith.mulf %convert_element_type3A_51, %parallel_loop3A_1853 : vector<16xf32>
      %parallel_loop3A_1885 = arith.addf %parallel_loop3A_1883, %parallel_loop3A_1884 : vector<16xf32>
      %parallel_loop3A_1886 = vector.shape_cast %reshape3A_12 : vector<16x1xi32> to vector<16xi32>
      %parallel_loop3A_1887 = tpu.dynamic_gather %parallel_loop3A_1857[%parallel_loop3A_1886] in [0] : vector<16xf32>, vector<16xi32> -> vector<16xf32>
      %parallel_loop3A_1888 = arith.mulf %convert_element_type3A_51, %parallel_loop3A_1857 : vector<16xf32>
      %parallel_loop3A_1889 = arith.addf %parallel_loop3A_1887, %parallel_loop3A_1888 : vector<16xf32>
      %parallel_loop3A_1890 = vector.shape_cast %reshape3A_12 : vector<16x1xi32> to vector<16xi32>
      %parallel_loop3A_1891 = tpu.dynamic_gather %parallel_loop3A_1861[%parallel_loop3A_1890] in [0] : vector<16xf32>, vector<16xi32> -> vector<16xf32>
      %parallel_loop3A_1892 = arith.mulf %convert_element_type3A_51, %parallel_loop3A_1861 : vector<16xf32>
      %parallel_loop3A_1893 = arith.addf %parallel_loop3A_1891, %parallel_loop3A_1892 : vector<16xf32>
      %parallel_loop3A_1894 = vector.shape_cast %reshape3A_12 : vector<16x1xi32> to vector<16xi32>
      %parallel_loop3A_1895 = tpu.dynamic_gather %parallel_loop3A_1865[%parallel_loop3A_1894] in [0] : vector<16xf32>, vector<16xi32> -> vector<16xf32>
      %parallel_loop3A_1896 = arith.mulf %convert_element_type3A_51, %parallel_loop3A_1865 : vector<16xf32>
      %parallel_loop3A_1897 = arith.addf %parallel_loop3A_1895, %parallel_loop3A_1896 : vector<16xf32>
      %parallel_loop3A_1898 = vector.shape_cast %reshape3A_12 : vector<16x1xi32> to vector<16xi32>
      %parallel_loop3A_1899 = tpu.dynamic_gather %parallel_loop3A_1869[%parallel_loop3A_1898] in [0] : vector<16xf32>, vector<16xi32> -> vector<16xf32>
      %parallel_loop3A_1900 = arith.mulf %convert_element_type3A_51, %parallel_loop3A_1869 : vector<16xf32>
      %parallel_loop3A_1901 = arith.addf %parallel_loop3A_1899, %parallel_loop3A_1900 : vector<16xf32>
      %parallel_loop3A_1902 = vector.shape_cast %reshape3A_16 : vector<16x1xi32> to vector<16xi32>
      %parallel_loop3A_1903 = tpu.dynamic_gather %parallel_loop3A_1873[%parallel_loop3A_1902] in [0] : vector<16xf32>, vector<16xi32> -> vector<16xf32>
      %parallel_loop3A_1904 = arith.mulf %convert_element_type3A_64, %parallel_loop3A_1873 : vector<16xf32>
      %parallel_loop3A_1905 = arith.addf %parallel_loop3A_1903, %parallel_loop3A_1904 : vector<16xf32>
      %parallel_loop3A_1906 = vector.shape_cast %reshape3A_16 : vector<16x1xi32> to vector<16xi32>
      %parallel_loop3A_1907 = tpu.dynamic_gather %parallel_loop3A_1877[%parallel_loop3A_1906] in [0] : vector<16xf32>, vector<16xi32> -> vector<16xf32>
      %parallel_loop3A_1908 = arith.mulf %convert_element_type3A_64, %parallel_loop3A_1877 : vector<16xf32>
      %parallel_loop3A_1909 = arith.addf %parallel_loop3A_1907, %parallel_loop3A_1908 : vector<16xf32>
      %parallel_loop3A_1910 = vector.shape_cast %reshape3A_16 : vector<16x1xi32> to vector<16xi32>
      %parallel_loop3A_1911 = tpu.dynamic_gather %parallel_loop3A_1881[%parallel_loop3A_1910] in [0] : vector<16xf32>, vector<16xi32> -> vector<16xf32>
      %parallel_loop3A_1912 = arith.mulf %convert_element_type3A_64, %parallel_loop3A_1881 : vector<16xf32>
      %parallel_loop3A_1913 = arith.addf %parallel_loop3A_1911, %parallel_loop3A_1912 : vector<16xf32>
      %parallel_loop3A_1914 = vector.shape_cast %reshape3A_16 : vector<16x1xi32> to vector<16xi32>
      %parallel_loop3A_1915 = tpu.dynamic_gather %parallel_loop3A_1885[%parallel_loop3A_1914] in [0] : vector<16xf32>, vector<16xi32> -> vector<16xf32>
      %parallel_loop3A_1916 = arith.mulf %convert_element_type3A_64, %parallel_loop3A_1885 : vector<16xf32>
      %parallel_loop3A_1917 = arith.addf %parallel_loop3A_1915, %parallel_loop3A_1916 : vector<16xf32>
      %parallel_loop3A_1918 = vector.shape_cast %reshape3A_16 : vector<16x1xi32> to vector<16xi32>
      %parallel_loop3A_1919 = tpu.dynamic_gather %parallel_loop3A_1889[%parallel_loop3A_1918] in [0] : vector<16xf32>, vector<16xi32> -> vector<16xf32>
      %parallel_loop3A_1920 = arith.mulf %convert_element_type3A_64, %parallel_loop3A_1889 : vector<16xf32>
      %parallel_loop3A_1921 = arith.addf %parallel_loop3A_1919, %parallel_loop3A_1920 : vector<16xf32>
      %parallel_loop3A_1922 = vector.shape_cast %reshape3A_16 : vector<16x1xi32> to vector<16xi32>
      %parallel_loop3A_1923 = tpu.dynamic_gather %parallel_loop3A_1893[%parallel_loop3A_1922] in [0] : vector<16xf32>, vector<16xi32> -> vector<16xf32>
      %parallel_loop3A_1924 = arith.mulf %convert_element_type3A_64, %parallel_loop3A_1893 : vector<16xf32>
      %parallel_loop3A_1925 = arith.addf %parallel_loop3A_1923, %parallel_loop3A_1924 : vector<16xf32>
      %parallel_loop3A_1926 = vector.shape_cast %reshape3A_16 : vector<16x1xi32> to vector<16xi32>
      %parallel_loop3A_1927 = tpu.dynamic_gather %parallel_loop3A_1897[%parallel_loop3A_1926] in [0] : vector<16xf32>, vector<16xi32> -> vector<16xf32>
      %parallel_loop3A_1928 = arith.mulf %convert_element_type3A_64, %parallel_loop3A_1897 : vector<16xf32>
      %parallel_loop3A_1929 = arith.addf %parallel_loop3A_1927, %parallel_loop3A_1928 : vector<16xf32>
      %parallel_loop3A_1930 = vector.shape_cast %reshape3A_16 : vector<16x1xi32> to vector<16xi32>
      %parallel_loop3A_1931 = tpu.dynamic_gather %parallel_loop3A_1901[%parallel_loop3A_1930] in [0] : vector<16xf32>, vector<16xi32> -> vector<16xf32>
      %parallel_loop3A_1932 = arith.mulf %convert_element_type3A_64, %parallel_loop3A_1901 : vector<16xf32>
      %parallel_loop3A_1933 = arith.addf %parallel_loop3A_1931, %parallel_loop3A_1932 : vector<16xf32>
      %parallel_loop3A_1934 = arith.addf %parallel_loop3A_1905, %parallel_loop3A_1909 : vector<16xf32>
      %parallel_loop3A_1935 = arith.subf %parallel_loop3A_1905, %parallel_loop3A_1909 : vector<16xf32>
      %parallel_loop3A_1936 = arith.addf %parallel_loop3A_1913, %parallel_loop3A_1917 : vector<16xf32>
      %parallel_loop3A_1937 = arith.subf %parallel_loop3A_1913, %parallel_loop3A_1917 : vector<16xf32>
      %parallel_loop3A_1938 = arith.addf %parallel_loop3A_1921, %parallel_loop3A_1925 : vector<16xf32>
      %parallel_loop3A_1939 = arith.subf %parallel_loop3A_1921, %parallel_loop3A_1925 : vector<16xf32>
      %parallel_loop3A_1940 = arith.addf %parallel_loop3A_1929, %parallel_loop3A_1933 : vector<16xf32>
      %parallel_loop3A_1941 = arith.subf %parallel_loop3A_1929, %parallel_loop3A_1933 : vector<16xf32>
      %parallel_loop3A_1942 = arith.addf %parallel_loop3A_1934, %parallel_loop3A_1936 : vector<16xf32>
      %parallel_loop3A_1943 = arith.subf %parallel_loop3A_1934, %parallel_loop3A_1936 : vector<16xf32>
      %parallel_loop3A_1944 = arith.addf %parallel_loop3A_1935, %parallel_loop3A_1937 : vector<16xf32>
      %parallel_loop3A_1945 = arith.subf %parallel_loop3A_1935, %parallel_loop3A_1937 : vector<16xf32>
      %parallel_loop3A_1946 = arith.addf %parallel_loop3A_1938, %parallel_loop3A_1940 : vector<16xf32>
      %parallel_loop3A_1947 = arith.subf %parallel_loop3A_1938, %parallel_loop3A_1940 : vector<16xf32>
      %parallel_loop3A_1948 = arith.addf %parallel_loop3A_1939, %parallel_loop3A_1941 : vector<16xf32>
      %parallel_loop3A_1949 = arith.subf %parallel_loop3A_1939, %parallel_loop3A_1941 : vector<16xf32>
      %parallel_loop3A_1950 = arith.addf %parallel_loop3A_1942, %parallel_loop3A_1946 : vector<16xf32>
      %parallel_loop3A_1951 = arith.subf %parallel_loop3A_1942, %parallel_loop3A_1946 : vector<16xf32>
      %parallel_loop3A_1952 = arith.addf %parallel_loop3A_1944, %parallel_loop3A_1948 : vector<16xf32>
      %parallel_loop3A_1953 = arith.subf %parallel_loop3A_1944, %parallel_loop3A_1948 : vector<16xf32>
      %parallel_loop3A_1954 = arith.addf %parallel_loop3A_1943, %parallel_loop3A_1947 : vector<16xf32>
      %parallel_loop3A_1955 = arith.subf %parallel_loop3A_1943, %parallel_loop3A_1947 : vector<16xf32>
      %parallel_loop3A_1956 = arith.addf %parallel_loop3A_1945, %parallel_loop3A_1949 : vector<16xf32>
      %parallel_loop3A_1957 = arith.subf %parallel_loop3A_1945, %parallel_loop3A_1949 : vector<16xf32>
      %parallel_loop3A_1958 = arith.constant 0 : i32
      %parallel_loop3A_1959 = arith.addi %parallel_loop3A_1765, %parallel_loop3A_1958 : i32
      %parallel_loop3A_1960 = arith.index_cast %parallel_loop3A_1959 : i32 to index
      %parallel_loop3A_1961 = tpu.vector_load %arg4[%parallel_loop3A_1960] {strides = array<i32>} : memref<32768xf32, #tpu.memory_space<vmem>>, vector<16xf32>,
      %parallel_loop3A_1962 = vector.shape_cast %parallel_loop3A_1961 : vector<16xf32> to vector<16xf32>
      %parallel_loop3A_1963 = vector.shape_cast %parallel_loop3A_1950 : vector<16xf32> to vector<16xf32>
      tpu.vector_store %arg4[%parallel_loop3A_1960], %parallel_loop3A_1963 {strides = array<i32>} : memref<32768xf32, #tpu.memory_space<vmem>>, vector<16xf32>,
      %parallel_loop3A_1964 = arith.constant 16 : i32
      %parallel_loop3A_1965 = arith.addi %parallel_loop3A_1765, %parallel_loop3A_1964 : i32
      %parallel_loop3A_1966 = arith.index_cast %parallel_loop3A_1965 : i32 to index
      %parallel_loop3A_1967 = tpu.vector_load %arg4[%parallel_loop3A_1966] {strides = array<i32>} : memref<32768xf32, #tpu.memory_space<vmem>>, vector<16xf32>,
      %parallel_loop3A_1968 = vector.shape_cast %parallel_loop3A_1967 : vector<16xf32> to vector<16xf32>
      %parallel_loop3A_1969 = vector.shape_cast %parallel_loop3A_1952 : vector<16xf32> to vector<16xf32>
      tpu.vector_store %arg4[%parallel_loop3A_1966], %parallel_loop3A_1969 {strides = array<i32>} : memref<32768xf32, #tpu.memory_space<vmem>>, vector<16xf32>,
      %parallel_loop3A_1970 = arith.constant 32 : i32
      %parallel_loop3A_1971 = arith.addi %parallel_loop3A_1765, %parallel_loop3A_1970 : i32
      %parallel_loop3A_1972 = arith.index_cast %parallel_loop3A_1971 : i32 to index
      %parallel_loop3A_1973 = tpu.vector_load %arg4[%parallel_loop3A_1972] {strides = array<i32>} : memref<32768xf32, #tpu.memory_space<vmem>>, vector<16xf32>,
      %parallel_loop3A_1974 = vector.shape_cast %parallel_loop3A_1973 : vector<16xf32> to vector<16xf32>
      %parallel_loop3A_1975 = vector.shape_cast %parallel_loop3A_1954 : vector<16xf32> to vector<16xf32>
      tpu.vector_store %arg4[%parallel_loop3A_1972], %parallel_loop3A_1975 {strides = array<i32>} : memref<32768xf32, #tpu.memory_space<vmem>>, vector<16xf32>,
      %parallel_loop3A_1976 = arith.constant 48 : i32
      %parallel_loop3A_1977 = arith.addi %parallel_loop3A_1765, %parallel_loop3A_1976 : i32
      %parallel_loop3A_1978 = arith.index_cast %parallel_loop3A_1977 : i32 to index
      %parallel_loop3A_1979 = tpu.vector_load %arg4[%parallel_loop3A_1978] {strides = array<i32>} : memref<32768xf32, #tpu.memory_space<vmem>>, vector<16xf32>,
      %parallel_loop3A_1980 = vector.shape_cast %parallel_loop3A_1979 : vector<16xf32> to vector<16xf32>
      %parallel_loop3A_1981 = vector.shape_cast %parallel_loop3A_1956 : vector<16xf32> to vector<16xf32>
      tpu.vector_store %arg4[%parallel_loop3A_1978], %parallel_loop3A_1981 {strides = array<i32>} : memref<32768xf32, #tpu.memory_space<vmem>>, vector<16xf32>,
      %parallel_loop3A_1982 = arith.constant 64 : i32
      %parallel_loop3A_1983 = arith.addi %parallel_loop3A_1765, %parallel_loop3A_1982 : i32
      %parallel_loop3A_1984 = arith.index_cast %parallel_loop3A_1983 : i32 to index
      %parallel_loop3A_1985 = tpu.vector_load %arg4[%parallel_loop3A_1984] {strides = array<i32>} : memref<32768xf32, #tpu.memory_space<vmem>>, vector<16xf32>,
      %parallel_loop3A_1986 = vector.shape_cast %parallel_loop3A_1985 : vector<16xf32> to vector<16xf32>
      %parallel_loop3A_1987 = vector.shape_cast %parallel_loop3A_1951 : vector<16xf32> to vector<16xf32>
      tpu.vector_store %arg4[%parallel_loop3A_1984], %parallel_loop3A_1987 {strides = array<i32>} : memref<32768xf32, #tpu.memory_space<vmem>>, vector<16xf32>,
      %parallel_loop3A_1988 = arith.constant 80 : i32
      %parallel_loop3A_1989 = arith.addi %parallel_loop3A_1765, %parallel_loop3A_1988 : i32
      %parallel_loop3A_1990 = arith.index_cast %parallel_loop3A_1989 : i32 to index
      %parallel_loop3A_1991 = tpu.vector_load %arg4[%parallel_loop3A_1990] {strides = array<i32>} : memref<32768xf32, #tpu.memory_space<vmem>>, vector<16xf32>,
      %parallel_loop3A_1992 = vector.shape_cast %parallel_loop3A_1991 : vector<16xf32> to vector<16xf32>
      %parallel_loop3A_1993 = vector.shape_cast %parallel_loop3A_1953 : vector<16xf32> to vector<16xf32>
      tpu.vector_store %arg4[%parallel_loop3A_1990], %parallel_loop3A_1993 {strides = array<i32>} : memref<32768xf32, #tpu.memory_space<vmem>>, vector<16xf32>,
      %parallel_loop3A_1994 = arith.constant 96 : i32
      %parallel_loop3A_1995 = arith.addi %parallel_loop3A_1765, %parallel_loop3A_1994 : i32
      %parallel_loop3A_1996 = arith.index_cast %parallel_loop3A_1995 : i32 to index
      %parallel_loop3A_1997 = tpu.vector_load %arg4[%parallel_loop3A_1996] {strides = array<i32>} : memref<32768xf32, #tpu.memory_space<vmem>>, vector<16xf32>,
      %parallel_loop3A_1998 = vector.shape_cast %parallel_loop3A_1997 : vector<16xf32> to vector<16xf32>
      %parallel_loop3A_1999 = vector.shape_cast %parallel_loop3A_1955 : vector<16xf32> to vector<16xf32>
      tpu.vector_store %arg4[%parallel_loop3A_1996], %parallel_loop3A_1999 {strides = array<i32>} : memref<32768xf32, #tpu.memory_space<vmem>>, vector<16xf32>,
      %parallel_loop3A_2000 = arith.constant 112 : i32
      %parallel_loop3A_2001 = arith.addi %parallel_loop3A_1765, %parallel_loop3A_2000 : i32
      %parallel_loop3A_2002 = arith.index_cast %parallel_loop3A_2001 : i32 to index
      %parallel_loop3A_2003 = tpu.vector_load %arg4[%parallel_loop3A_2002] {strides = array<i32>} : memref<32768xf32, #tpu.memory_space<vmem>>, vector<16xf32>,
      %parallel_loop3A_2004 = vector.shape_cast %parallel_loop3A_2003 : vector<16xf32> to vector<16xf32>
      %parallel_loop3A_2005 = vector.shape_cast %parallel_loop3A_1957 : vector<16xf32> to vector<16xf32>
      tpu.vector_store %arg4[%parallel_loop3A_2002], %parallel_loop3A_2005 {strides = array<i32>} : memref<32768xf32, #tpu.memory_space<vmem>>, vector<16xf32>,
      %parallel_loop3A_2006 = arith.constant 0 : i32
      %parallel_loop3A_2007 = arith.addi %parallel_loop3A_69, %parallel_loop3A_2006 : i32
      %parallel_loop3A_2008 = arith.constant 128 : i32
      %parallel_loop3A_2009 = arith.addi %parallel_loop3A_69, %parallel_loop3A_2008 : i32
      %parallel_loop3A_2010 = arith.constant 256 : i32
      %parallel_loop3A_2011 = arith.addi %parallel_loop3A_69, %parallel_loop3A_2010 : i32
      %parallel_loop3A_2012 = arith.constant 384 : i32
      %parallel_loop3A_2013 = arith.addi %parallel_loop3A_69, %parallel_loop3A_2012 : i32
      %parallel_loop3A_2014 = arith.constant 512 : i32
      %parallel_loop3A_2015 = arith.addi %parallel_loop3A_69, %parallel_loop3A_2014 : i32
      %parallel_loop3A_2016 = arith.constant 640 : i32
      %parallel_loop3A_2017 = arith.addi %parallel_loop3A_69, %parallel_loop3A_2016 : i32
      %parallel_loop3A_2018 = arith.constant 768 : i32
      %parallel_loop3A_2019 = arith.addi %parallel_loop3A_69, %parallel_loop3A_2018 : i32
      %parallel_loop3A_2020 = arith.constant 896 : i32
      %parallel_loop3A_2021 = arith.addi %parallel_loop3A_69, %parallel_loop3A_2020 : i32
      %parallel_loop3A_2022 = arith.index_cast %parallel_loop3A_2007 : i32 to index
      %parallel_loop3A_2023 = tpu.vector_load %arg4[%parallel_loop3A_2022] {strides = array<i32>} : memref<32768xf32, #tpu.memory_space<vmem>>, vector<16xf32>,
      %parallel_loop3A_2024 = vector.shape_cast %parallel_loop3A_2023 : vector<16xf32> to vector<16xf32>
      %parallel_loop3A_2025 = arith.index_cast %parallel_loop3A_2009 : i32 to index
      %parallel_loop3A_2026 = tpu.vector_load %arg4[%parallel_loop3A_2025] {strides = array<i32>} : memref<32768xf32, #tpu.memory_space<vmem>>, vector<16xf32>,
      %parallel_loop3A_2027 = vector.shape_cast %parallel_loop3A_2026 : vector<16xf32> to vector<16xf32>
      %parallel_loop3A_2028 = arith.index_cast %parallel_loop3A_2011 : i32 to index
      %parallel_loop3A_2029 = tpu.vector_load %arg4[%parallel_loop3A_2028] {strides = array<i32>} : memref<32768xf32, #tpu.memory_space<vmem>>, vector<16xf32>,
      %parallel_loop3A_2030 = vector.shape_cast %parallel_loop3A_2029 : vector<16xf32> to vector<16xf32>
      %parallel_loop3A_2031 = arith.index_cast %parallel_loop3A_2013 : i32 to index
      %parallel_loop3A_2032 = tpu.vector_load %arg4[%parallel_loop3A_2031] {strides = array<i32>} : memref<32768xf32, #tpu.memory_space<vmem>>, vector<16xf32>,
      %parallel_loop3A_2033 = vector.shape_cast %parallel_loop3A_2032 : vector<16xf32> to vector<16xf32>
      %parallel_loop3A_2034 = arith.index_cast %parallel_loop3A_2015 : i32 to index
      %parallel_loop3A_2035 = tpu.vector_load %arg4[%parallel_loop3A_2034] {strides = array<i32>} : memref<32768xf32, #tpu.memory_space<vmem>>, vector<16xf32>,
      %parallel_loop3A_2036 = vector.shape_cast %parallel_loop3A_2035 : vector<16xf32> to vector<16xf32>
      %parallel_loop3A_2037 = arith.index_cast %parallel_loop3A_2017 : i32 to index
      %parallel_loop3A_2038 = tpu.vector_load %arg4[%parallel_loop3A_2037] {strides = array<i32>} : memref<32768xf32, #tpu.memory_space<vmem>>, vector<16xf32>,
      %parallel_loop3A_2039 = vector.shape_cast %parallel_loop3A_2038 : vector<16xf32> to vector<16xf32>
      %parallel_loop3A_2040 = arith.index_cast %parallel_loop3A_2019 : i32 to index
      %parallel_loop3A_2041 = tpu.vector_load %arg4[%parallel_loop3A_2040] {strides = array<i32>} : memref<32768xf32, #tpu.memory_space<vmem>>, vector<16xf32>,
      %parallel_loop3A_2042 = vector.shape_cast %parallel_loop3A_2041 : vector<16xf32> to vector<16xf32>
      %parallel_loop3A_2043 = arith.index_cast %parallel_loop3A_2021 : i32 to index
      %parallel_loop3A_2044 = tpu.vector_load %arg4[%parallel_loop3A_2043] {strides = array<i32>} : memref<32768xf32, #tpu.memory_space<vmem>>, vector<16xf32>,
      %parallel_loop3A_2045 = vector.shape_cast %parallel_loop3A_2044 : vector<16xf32> to vector<16xf32>
      %parallel_loop3A_2046 = arith.addf %parallel_loop3A_2024, %parallel_loop3A_2027 : vector<16xf32>
      %parallel_loop3A_2047 = arith.subf %parallel_loop3A_2024, %parallel_loop3A_2027 : vector<16xf32>
      %parallel_loop3A_2048 = arith.addf %parallel_loop3A_2030, %parallel_loop3A_2033 : vector<16xf32>
      %parallel_loop3A_2049 = arith.subf %parallel_loop3A_2030, %parallel_loop3A_2033 : vector<16xf32>
      %parallel_loop3A_2050 = arith.addf %parallel_loop3A_2036, %parallel_loop3A_2039 : vector<16xf32>
      %parallel_loop3A_2051 = arith.subf %parallel_loop3A_2036, %parallel_loop3A_2039 : vector<16xf32>
      %parallel_loop3A_2052 = arith.addf %parallel_loop3A_2042, %parallel_loop3A_2045 : vector<16xf32>
      %parallel_loop3A_2053 = arith.subf %parallel_loop3A_2042, %parallel_loop3A_2045 : vector<16xf32>
      %parallel_loop3A_2054 = arith.addf %parallel_loop3A_2046, %parallel_loop3A_2048 : vector<16xf32>
      %parallel_loop3A_2055 = arith.subf %parallel_loop3A_2046, %parallel_loop3A_2048 : vector<16xf32>
      %parallel_loop3A_2056 = arith.addf %parallel_loop3A_2047, %parallel_loop3A_2049 : vector<16xf32>
      %parallel_loop3A_2057 = arith.subf %parallel_loop3A_2047, %parallel_loop3A_2049 : vector<16xf32>
      %parallel_loop3A_2058 = arith.addf %parallel_loop3A_2050, %parallel_loop3A_2052 : vector<16xf32>
      %parallel_loop3A_2059 = arith.subf %parallel_loop3A_2050, %parallel_loop3A_2052 : vector<16xf32>
      %parallel_loop3A_2060 = arith.addf %parallel_loop3A_2051, %parallel_loop3A_2053 : vector<16xf32>
      %parallel_loop3A_2061 = arith.subf %parallel_loop3A_2051, %parallel_loop3A_2053 : vector<16xf32>
      %parallel_loop3A_2062 = arith.addf %parallel_loop3A_2054, %parallel_loop3A_2058 : vector<16xf32>
      %parallel_loop3A_2063 = arith.subf %parallel_loop3A_2054, %parallel_loop3A_2058 : vector<16xf32>
      %parallel_loop3A_2064 = arith.addf %parallel_loop3A_2056, %parallel_loop3A_2060 : vector<16xf32>
      %parallel_loop3A_2065 = arith.subf %parallel_loop3A_2056, %parallel_loop3A_2060 : vector<16xf32>
      %parallel_loop3A_2066 = arith.addf %parallel_loop3A_2055, %parallel_loop3A_2059 : vector<16xf32>
      %parallel_loop3A_2067 = arith.subf %parallel_loop3A_2055, %parallel_loop3A_2059 : vector<16xf32>
      %parallel_loop3A_2068 = arith.addf %parallel_loop3A_2057, %parallel_loop3A_2061 : vector<16xf32>
      %parallel_loop3A_2069 = arith.subf %parallel_loop3A_2057, %parallel_loop3A_2061 : vector<16xf32>
      %parallel_loop3A_2070 = arith.index_cast %parallel_loop3A_2007 : i32 to index
      %parallel_loop3A_2071 = tpu.vector_load %arg4[%parallel_loop3A_2070] {strides = array<i32>} : memref<32768xf32, #tpu.memory_space<vmem>>, vector<16xf32>,
      %parallel_loop3A_2072 = vector.shape_cast %parallel_loop3A_2071 : vector<16xf32> to vector<16xf32>
      %parallel_loop3A_2073 = vector.shape_cast %parallel_loop3A_2062 : vector<16xf32> to vector<16xf32>
      tpu.vector_store %arg4[%parallel_loop3A_2070], %parallel_loop3A_2073 {strides = array<i32>} : memref<32768xf32, #tpu.memory_space<vmem>>, vector<16xf32>,
      %parallel_loop3A_2074 = arith.index_cast %parallel_loop3A_2009 : i32 to index
      %parallel_loop3A_2075 = tpu.vector_load %arg4[%parallel_loop3A_2074] {strides = array<i32>} : memref<32768xf32, #tpu.memory_space<vmem>>, vector<16xf32>,
      %parallel_loop3A_2076 = vector.shape_cast %parallel_loop3A_2075 : vector<16xf32> to vector<16xf32>
      %parallel_loop3A_2077 = vector.shape_cast %parallel_loop3A_2064 : vector<16xf32> to vector<16xf32>
      tpu.vector_store %arg4[%parallel_loop3A_2074], %parallel_loop3A_2077 {strides = array<i32>} : memref<32768xf32, #tpu.memory_space<vmem>>, vector<16xf32>,
      %parallel_loop3A_2078 = arith.index_cast %parallel_loop3A_2011 : i32 to index
      %parallel_loop3A_2079 = tpu.vector_load %arg4[%parallel_loop3A_2078] {strides = array<i32>} : memref<32768xf32, #tpu.memory_space<vmem>>, vector<16xf32>,
      %parallel_loop3A_2080 = vector.shape_cast %parallel_loop3A_2079 : vector<16xf32> to vector<16xf32>
      %parallel_loop3A_2081 = vector.shape_cast %parallel_loop3A_2066 : vector<16xf32> to vector<16xf32>
      tpu.vector_store %arg4[%parallel_loop3A_2078], %parallel_loop3A_2081 {strides = array<i32>} : memref<32768xf32, #tpu.memory_space<vmem>>, vector<16xf32>,
      %parallel_loop3A_2082 = arith.index_cast %parallel_loop3A_2013 : i32 to index
      %parallel_loop3A_2083 = tpu.vector_load %arg4[%parallel_loop3A_2082] {strides = array<i32>} : memref<32768xf32, #tpu.memory_space<vmem>>, vector<16xf32>,
      %parallel_loop3A_2084 = vector.shape_cast %parallel_loop3A_2083 : vector<16xf32> to vector<16xf32>
      %parallel_loop3A_2085 = vector.shape_cast %parallel_loop3A_2068 : vector<16xf32> to vector<16xf32>
      tpu.vector_store %arg4[%parallel_loop3A_2082], %parallel_loop3A_2085 {strides = array<i32>} : memref<32768xf32, #tpu.memory_space<vmem>>, vector<16xf32>,
      %parallel_loop3A_2086 = arith.index_cast %parallel_loop3A_2015 : i32 to index
      %parallel_loop3A_2087 = tpu.vector_load %arg4[%parallel_loop3A_2086] {strides = array<i32>} : memref<32768xf32, #tpu.memory_space<vmem>>, vector<16xf32>,
      %parallel_loop3A_2088 = vector.shape_cast %parallel_loop3A_2087 : vector<16xf32> to vector<16xf32>
      %parallel_loop3A_2089 = vector.shape_cast %parallel_loop3A_2063 : vector<16xf32> to vector<16xf32>
      tpu.vector_store %arg4[%parallel_loop3A_2086], %parallel_loop3A_2089 {strides = array<i32>} : memref<32768xf32, #tpu.memory_space<vmem>>, vector<16xf32>,
      %parallel_loop3A_2090 = arith.index_cast %parallel_loop3A_2017 : i32 to index
      %parallel_loop3A_2091 = tpu.vector_load %arg4[%parallel_loop3A_2090] {strides = array<i32>} : memref<32768xf32, #tpu.memory_space<vmem>>, vector<16xf32>,
      %parallel_loop3A_2092 = vector.shape_cast %parallel_loop3A_2091 : vector<16xf32> to vector<16xf32>
      %parallel_loop3A_2093 = vector.shape_cast %parallel_loop3A_2065 : vector<16xf32> to vector<16xf32>
      tpu.vector_store %arg4[%parallel_loop3A_2090], %parallel_loop3A_2093 {strides = array<i32>} : memref<32768xf32, #tpu.memory_space<vmem>>, vector<16xf32>,
      %parallel_loop3A_2094 = arith.index_cast %parallel_loop3A_2019 : i32 to index
      %parallel_loop3A_2095 = tpu.vector_load %arg4[%parallel_loop3A_2094] {strides = array<i32>} : memref<32768xf32, #tpu.memory_space<vmem>>, vector<16xf32>,
      %parallel_loop3A_2096 = vector.shape_cast %parallel_loop3A_2095 : vector<16xf32> to vector<16xf32>
      %parallel_loop3A_2097 = vector.shape_cast %parallel_loop3A_2067 : vector<16xf32> to vector<16xf32>
      tpu.vector_store %arg4[%parallel_loop3A_2094], %parallel_loop3A_2097 {strides = array<i32>} : memref<32768xf32, #tpu.memory_space<vmem>>, vector<16xf32>,
      %parallel_loop3A_2098 = arith.index_cast %parallel_loop3A_2021 : i32 to index
      %parallel_loop3A_2099 = tpu.vector_load %arg4[%parallel_loop3A_2098] {strides = array<i32>} : memref<32768xf32, #tpu.memory_space<vmem>>, vector<16xf32>,
      %parallel_loop3A_2100 = vector.shape_cast %parallel_loop3A_2099 : vector<16xf32> to vector<16xf32>
      %parallel_loop3A_2101 = vector.shape_cast %parallel_loop3A_2069 : vector<16xf32> to vector<16xf32>
      tpu.vector_store %arg4[%parallel_loop3A_2098], %parallel_loop3A_2101 {strides = array<i32>} : memref<32768xf32, #tpu.memory_space<vmem>>, vector<16xf32>,
      %parallel_loop3A_2102 = arith.constant 16 : i32
      %parallel_loop3A_2103 = arith.addi %parallel_loop3A_69, %parallel_loop3A_2102 : i32
      %parallel_loop3A_2104 = arith.constant 144 : i32
      %parallel_loop3A_2105 = arith.addi %parallel_loop3A_69, %parallel_loop3A_2104 : i32
      %parallel_loop3A_2106 = arith.constant 272 : i32
      %parallel_loop3A_2107 = arith.addi %parallel_loop3A_69, %parallel_loop3A_2106 : i32
      %parallel_loop3A_2108 = arith.constant 400 : i32
      %parallel_loop3A_2109 = arith.addi %parallel_loop3A_69, %parallel_loop3A_2108 : i32
      %parallel_loop3A_2110 = arith.constant 528 : i32
      %parallel_loop3A_2111 = arith.addi %parallel_loop3A_69, %parallel_loop3A_2110 : i32
      %parallel_loop3A_2112 = arith.constant 656 : i32
      %parallel_loop3A_2113 = arith.addi %parallel_loop3A_69, %parallel_loop3A_2112 : i32
      %parallel_loop3A_2114 = arith.constant 784 : i32
      %parallel_loop3A_2115 = arith.addi %parallel_loop3A_69, %parallel_loop3A_2114 : i32
      %parallel_loop3A_2116 = arith.constant 912 : i32
      %parallel_loop3A_2117 = arith.addi %parallel_loop3A_69, %parallel_loop3A_2116 : i32
      %parallel_loop3A_2118 = arith.index_cast %parallel_loop3A_2103 : i32 to index
      %parallel_loop3A_2119 = tpu.vector_load %arg4[%parallel_loop3A_2118] {strides = array<i32>} : memref<32768xf32, #tpu.memory_space<vmem>>, vector<16xf32>,
      %parallel_loop3A_2120 = vector.shape_cast %parallel_loop3A_2119 : vector<16xf32> to vector<16xf32>
      %parallel_loop3A_2121 = arith.index_cast %parallel_loop3A_2105 : i32 to index
      %parallel_loop3A_2122 = tpu.vector_load %arg4[%parallel_loop3A_2121] {strides = array<i32>} : memref<32768xf32, #tpu.memory_space<vmem>>, vector<16xf32>,
      %parallel_loop3A_2123 = vector.shape_cast %parallel_loop3A_2122 : vector<16xf32> to vector<16xf32>
      %parallel_loop3A_2124 = arith.index_cast %parallel_loop3A_2107 : i32 to index
      %parallel_loop3A_2125 = tpu.vector_load %arg4[%parallel_loop3A_2124] {strides = array<i32>} : memref<32768xf32, #tpu.memory_space<vmem>>, vector<16xf32>,
      %parallel_loop3A_2126 = vector.shape_cast %parallel_loop3A_2125 : vector<16xf32> to vector<16xf32>
      %parallel_loop3A_2127 = arith.index_cast %parallel_loop3A_2109 : i32 to index
      %parallel_loop3A_2128 = tpu.vector_load %arg4[%parallel_loop3A_2127] {strides = array<i32>} : memref<32768xf32, #tpu.memory_space<vmem>>, vector<16xf32>,
      %parallel_loop3A_2129 = vector.shape_cast %parallel_loop3A_2128 : vector<16xf32> to vector<16xf32>
      %parallel_loop3A_2130 = arith.index_cast %parallel_loop3A_2111 : i32 to index
      %parallel_loop3A_2131 = tpu.vector_load %arg4[%parallel_loop3A_2130] {strides = array<i32>} : memref<32768xf32, #tpu.memory_space<vmem>>, vector<16xf32>,
      %parallel_loop3A_2132 = vector.shape_cast %parallel_loop3A_2131 : vector<16xf32> to vector<16xf32>
      %parallel_loop3A_2133 = arith.index_cast %parallel_loop3A_2113 : i32 to index
      %parallel_loop3A_2134 = tpu.vector_load %arg4[%parallel_loop3A_2133] {strides = array<i32>} : memref<32768xf32, #tpu.memory_space<vmem>>, vector<16xf32>,
      %parallel_loop3A_2135 = vector.shape_cast %parallel_loop3A_2134 : vector<16xf32> to vector<16xf32>
      %parallel_loop3A_2136 = arith.index_cast %parallel_loop3A_2115 : i32 to index
      %parallel_loop3A_2137 = tpu.vector_load %arg4[%parallel_loop3A_2136] {strides = array<i32>} : memref<32768xf32, #tpu.memory_space<vmem>>, vector<16xf32>,
      %parallel_loop3A_2138 = vector.shape_cast %parallel_loop3A_2137 : vector<16xf32> to vector<16xf32>
      %parallel_loop3A_2139 = arith.index_cast %parallel_loop3A_2117 : i32 to index
      %parallel_loop3A_2140 = tpu.vector_load %arg4[%parallel_loop3A_2139] {strides = array<i32>} : memref<32768xf32, #tpu.memory_space<vmem>>, vector<16xf32>,
      %parallel_loop3A_2141 = vector.shape_cast %parallel_loop3A_2140 : vector<16xf32> to vector<16xf32>
      %parallel_loop3A_2142 = arith.addf %parallel_loop3A_2120, %parallel_loop3A_2123 : vector<16xf32>
      %parallel_loop3A_2143 = arith.subf %parallel_loop3A_2120, %parallel_loop3A_2123 : vector<16xf32>
      %parallel_loop3A_2144 = arith.addf %parallel_loop3A_2126, %parallel_loop3A_2129 : vector<16xf32>
      %parallel_loop3A_2145 = arith.subf %parallel_loop3A_2126, %parallel_loop3A_2129 : vector<16xf32>
      %parallel_loop3A_2146 = arith.addf %parallel_loop3A_2132, %parallel_loop3A_2135 : vector<16xf32>
      %parallel_loop3A_2147 = arith.subf %parallel_loop3A_2132, %parallel_loop3A_2135 : vector<16xf32>
      %parallel_loop3A_2148 = arith.addf %parallel_loop3A_2138, %parallel_loop3A_2141 : vector<16xf32>
      %parallel_loop3A_2149 = arith.subf %parallel_loop3A_2138, %parallel_loop3A_2141 : vector<16xf32>
      %parallel_loop3A_2150 = arith.addf %parallel_loop3A_2142, %parallel_loop3A_2144 : vector<16xf32>
      %parallel_loop3A_2151 = arith.subf %parallel_loop3A_2142, %parallel_loop3A_2144 : vector<16xf32>
      %parallel_loop3A_2152 = arith.addf %parallel_loop3A_2143, %parallel_loop3A_2145 : vector<16xf32>
      %parallel_loop3A_2153 = arith.subf %parallel_loop3A_2143, %parallel_loop3A_2145 : vector<16xf32>
      %parallel_loop3A_2154 = arith.addf %parallel_loop3A_2146, %parallel_loop3A_2148 : vector<16xf32>
      %parallel_loop3A_2155 = arith.subf %parallel_loop3A_2146, %parallel_loop3A_2148 : vector<16xf32>
      %parallel_loop3A_2156 = arith.addf %parallel_loop3A_2147, %parallel_loop3A_2149 : vector<16xf32>
      %parallel_loop3A_2157 = arith.subf %parallel_loop3A_2147, %parallel_loop3A_2149 : vector<16xf32>
      %parallel_loop3A_2158 = arith.addf %parallel_loop3A_2150, %parallel_loop3A_2154 : vector<16xf32>
      %parallel_loop3A_2159 = arith.subf %parallel_loop3A_2150, %parallel_loop3A_2154 : vector<16xf32>
      %parallel_loop3A_2160 = arith.addf %parallel_loop3A_2152, %parallel_loop3A_2156 : vector<16xf32>
      %parallel_loop3A_2161 = arith.subf %parallel_loop3A_2152, %parallel_loop3A_2156 : vector<16xf32>
      %parallel_loop3A_2162 = arith.addf %parallel_loop3A_2151, %parallel_loop3A_2155 : vector<16xf32>
      %parallel_loop3A_2163 = arith.subf %parallel_loop3A_2151, %parallel_loop3A_2155 : vector<16xf32>
      %parallel_loop3A_2164 = arith.addf %parallel_loop3A_2153, %parallel_loop3A_2157 : vector<16xf32>
      %parallel_loop3A_2165 = arith.subf %parallel_loop3A_2153, %parallel_loop3A_2157 : vector<16xf32>
      %parallel_loop3A_2166 = arith.index_cast %parallel_loop3A_2103 : i32 to index
      %parallel_loop3A_2167 = tpu.vector_load %arg4[%parallel_loop3A_2166] {strides = array<i32>} : memref<32768xf32, #tpu.memory_space<vmem>>, vector<16xf32>,
      %parallel_loop3A_2168 = vector.shape_cast %parallel_loop3A_2167 : vector<16xf32> to vector<16xf32>
      %parallel_loop3A_2169 = vector.shape_cast %parallel_loop3A_2158 : vector<16xf32> to vector<16xf32>
      tpu.vector_store %arg4[%parallel_loop3A_2166], %parallel_loop3A_2169 {strides = array<i32>} : memref<32768xf32, #tpu.memory_space<vmem>>, vector<16xf32>,
      %parallel_loop3A_2170 = arith.index_cast %parallel_loop3A_2105 : i32 to index
      %parallel_loop3A_2171 = tpu.vector_load %arg4[%parallel_loop3A_2170] {strides = array<i32>} : memref<32768xf32, #tpu.memory_space<vmem>>, vector<16xf32>,
      %parallel_loop3A_2172 = vector.shape_cast %parallel_loop3A_2171 : vector<16xf32> to vector<16xf32>
      %parallel_loop3A_2173 = vector.shape_cast %parallel_loop3A_2160 : vector<16xf32> to vector<16xf32>
      tpu.vector_store %arg4[%parallel_loop3A_2170], %parallel_loop3A_2173 {strides = array<i32>} : memref<32768xf32, #tpu.memory_space<vmem>>, vector<16xf32>,
      %parallel_loop3A_2174 = arith.index_cast %parallel_loop3A_2107 : i32 to index
      %parallel_loop3A_2175 = tpu.vector_load %arg4[%parallel_loop3A_2174] {strides = array<i32>} : memref<32768xf32, #tpu.memory_space<vmem>>, vector<16xf32>,
      %parallel_loop3A_2176 = vector.shape_cast %parallel_loop3A_2175 : vector<16xf32> to vector<16xf32>
      %parallel_loop3A_2177 = vector.shape_cast %parallel_loop3A_2162 : vector<16xf32> to vector<16xf32>
      tpu.vector_store %arg4[%parallel_loop3A_2174], %parallel_loop3A_2177 {strides = array<i32>} : memref<32768xf32, #tpu.memory_space<vmem>>, vector<16xf32>,
      %parallel_loop3A_2178 = arith.index_cast %parallel_loop3A_2109 : i32 to index
      %parallel_loop3A_2179 = tpu.vector_load %arg4[%parallel_loop3A_2178] {strides = array<i32>} : memref<32768xf32, #tpu.memory_space<vmem>>, vector<16xf32>,
      %parallel_loop3A_2180 = vector.shape_cast %parallel_loop3A_2179 : vector<16xf32> to vector<16xf32>
      %parallel_loop3A_2181 = vector.shape_cast %parallel_loop3A_2164 : vector<16xf32> to vector<16xf32>
      tpu.vector_store %arg4[%parallel_loop3A_2178], %parallel_loop3A_2181 {strides = array<i32>} : memref<32768xf32, #tpu.memory_space<vmem>>, vector<16xf32>,
      %parallel_loop3A_2182 = arith.index_cast %parallel_loop3A_2111 : i32 to index
      %parallel_loop3A_2183 = tpu.vector_load %arg4[%parallel_loop3A_2182] {strides = array<i32>} : memref<32768xf32, #tpu.memory_space<vmem>>, vector<16xf32>,
      %parallel_loop3A_2184 = vector.shape_cast %parallel_loop3A_2183 : vector<16xf32> to vector<16xf32>
      %parallel_loop3A_2185 = vector.shape_cast %parallel_loop3A_2159 : vector<16xf32> to vector<16xf32>
      tpu.vector_store %arg4[%parallel_loop3A_2182], %parallel_loop3A_2185 {strides = array<i32>} : memref<32768xf32, #tpu.memory_space<vmem>>, vector<16xf32>,
      %parallel_loop3A_2186 = arith.index_cast %parallel_loop3A_2113 : i32 to index
      %parallel_loop3A_2187 = tpu.vector_load %arg4[%parallel_loop3A_2186] {strides = array<i32>} : memref<32768xf32, #tpu.memory_space<vmem>>, vector<16xf32>,
      %parallel_loop3A_2188 = vector.shape_cast %parallel_loop3A_2187 : vector<16xf32> to vector<16xf32>
      %parallel_loop3A_2189 = vector.shape_cast %parallel_loop3A_2161 : vector<16xf32> to vector<16xf32>
      tpu.vector_store %arg4[%parallel_loop3A_2186], %parallel_loop3A_2189 {strides = array<i32>} : memref<32768xf32, #tpu.memory_space<vmem>>, vector<16xf32>,
      %parallel_loop3A_2190 = arith.index_cast %parallel_loop3A_2115 : i32 to index
      %parallel_loop3A_2191 = tpu.vector_load %arg4[%parallel_loop3A_2190] {strides = array<i32>} : memref<32768xf32, #tpu.memory_space<vmem>>, vector<16xf32>,
      %parallel_loop3A_2192 = vector.shape_cast %parallel_loop3A_2191 : vector<16xf32> to vector<16xf32>
      %parallel_loop3A_2193 = vector.shape_cast %parallel_loop3A_2163 : vector<16xf32> to vector<16xf32>
      tpu.vector_store %arg4[%parallel_loop3A_2190], %parallel_loop3A_2193 {strides = array<i32>} : memref<32768xf32, #tpu.memory_space<vmem>>, vector<16xf32>,
      %parallel_loop3A_2194 = arith.index_cast %parallel_loop3A_2117 : i32 to index
      %parallel_loop3A_2195 = tpu.vector_load %arg4[%parallel_loop3A_2194] {strides = array<i32>} : memref<32768xf32, #tpu.memory_space<vmem>>, vector<16xf32>,
      %parallel_loop3A_2196 = vector.shape_cast %parallel_loop3A_2195 : vector<16xf32> to vector<16xf32>
      %parallel_loop3A_2197 = vector.shape_cast %parallel_loop3A_2165 : vector<16xf32> to vector<16xf32>
      tpu.vector_store %arg4[%parallel_loop3A_2194], %parallel_loop3A_2197 {strides = array<i32>} : memref<32768xf32, #tpu.memory_space<vmem>>, vector<16xf32>,
      %parallel_loop3A_2198 = arith.constant 32 : i32
      %parallel_loop3A_2199 = arith.addi %parallel_loop3A_69, %parallel_loop3A_2198 : i32
      %parallel_loop3A_2200 = arith.constant 160 : i32
      %parallel_loop3A_2201 = arith.addi %parallel_loop3A_69, %parallel_loop3A_2200 : i32
      %parallel_loop3A_2202 = arith.constant 288 : i32
      %parallel_loop3A_2203 = arith.addi %parallel_loop3A_69, %parallel_loop3A_2202 : i32
      %parallel_loop3A_2204 = arith.constant 416 : i32
      %parallel_loop3A_2205 = arith.addi %parallel_loop3A_69, %parallel_loop3A_2204 : i32
      %parallel_loop3A_2206 = arith.constant 544 : i32
      %parallel_loop3A_2207 = arith.addi %parallel_loop3A_69, %parallel_loop3A_2206 : i32
      %parallel_loop3A_2208 = arith.constant 672 : i32
      %parallel_loop3A_2209 = arith.addi %parallel_loop3A_69, %parallel_loop3A_2208 : i32
      %parallel_loop3A_2210 = arith.constant 800 : i32
      %parallel_loop3A_2211 = arith.addi %parallel_loop3A_69, %parallel_loop3A_2210 : i32
      %parallel_loop3A_2212 = arith.constant 928 : i32
      %parallel_loop3A_2213 = arith.addi %parallel_loop3A_69, %parallel_loop3A_2212 : i32
      %parallel_loop3A_2214 = arith.index_cast %parallel_loop3A_2199 : i32 to index
      %parallel_loop3A_2215 = tpu.vector_load %arg4[%parallel_loop3A_2214] {strides = array<i32>} : memref<32768xf32, #tpu.memory_space<vmem>>, vector<16xf32>,
      %parallel_loop3A_2216 = vector.shape_cast %parallel_loop3A_2215 : vector<16xf32> to vector<16xf32>
      %parallel_loop3A_2217 = arith.index_cast %parallel_loop3A_2201 : i32 to index
      %parallel_loop3A_2218 = tpu.vector_load %arg4[%parallel_loop3A_2217] {strides = array<i32>} : memref<32768xf32, #tpu.memory_space<vmem>>, vector<16xf32>,
      %parallel_loop3A_2219 = vector.shape_cast %parallel_loop3A_2218 : vector<16xf32> to vector<16xf32>
      %parallel_loop3A_2220 = arith.index_cast %parallel_loop3A_2203 : i32 to index
      %parallel_loop3A_2221 = tpu.vector_load %arg4[%parallel_loop3A_2220] {strides = array<i32>} : memref<32768xf32, #tpu.memory_space<vmem>>, vector<16xf32>,
      %parallel_loop3A_2222 = vector.shape_cast %parallel_loop3A_2221 : vector<16xf32> to vector<16xf32>
      %parallel_loop3A_2223 = arith.index_cast %parallel_loop3A_2205 : i32 to index
      %parallel_loop3A_2224 = tpu.vector_load %arg4[%parallel_loop3A_2223] {strides = array<i32>} : memref<32768xf32, #tpu.memory_space<vmem>>, vector<16xf32>,
      %parallel_loop3A_2225 = vector.shape_cast %parallel_loop3A_2224 : vector<16xf32> to vector<16xf32>
      %parallel_loop3A_2226 = arith.index_cast %parallel_loop3A_2207 : i32 to index
      %parallel_loop3A_2227 = tpu.vector_load %arg4[%parallel_loop3A_2226] {strides = array<i32>} : memref<32768xf32, #tpu.memory_space<vmem>>, vector<16xf32>,
      %parallel_loop3A_2228 = vector.shape_cast %parallel_loop3A_2227 : vector<16xf32> to vector<16xf32>
      %parallel_loop3A_2229 = arith.index_cast %parallel_loop3A_2209 : i32 to index
      %parallel_loop3A_2230 = tpu.vector_load %arg4[%parallel_loop3A_2229] {strides = array<i32>} : memref<32768xf32, #tpu.memory_space<vmem>>, vector<16xf32>,
      %parallel_loop3A_2231 = vector.shape_cast %parallel_loop3A_2230 : vector<16xf32> to vector<16xf32>
      %parallel_loop3A_2232 = arith.index_cast %parallel_loop3A_2211 : i32 to index
      %parallel_loop3A_2233 = tpu.vector_load %arg4[%parallel_loop3A_2232] {strides = array<i32>} : memref<32768xf32, #tpu.memory_space<vmem>>, vector<16xf32>,
      %parallel_loop3A_2234 = vector.shape_cast %parallel_loop3A_2233 : vector<16xf32> to vector<16xf32>
      %parallel_loop3A_2235 = arith.index_cast %parallel_loop3A_2213 : i32 to index
      %parallel_loop3A_2236 = tpu.vector_load %arg4[%parallel_loop3A_2235] {strides = array<i32>} : memref<32768xf32, #tpu.memory_space<vmem>>, vector<16xf32>,
      %parallel_loop3A_2237 = vector.shape_cast %parallel_loop3A_2236 : vector<16xf32> to vector<16xf32>
      %parallel_loop3A_2238 = arith.addf %parallel_loop3A_2216, %parallel_loop3A_2219 : vector<16xf32>
      %parallel_loop3A_2239 = arith.subf %parallel_loop3A_2216, %parallel_loop3A_2219 : vector<16xf32>
      %parallel_loop3A_2240 = arith.addf %parallel_loop3A_2222, %parallel_loop3A_2225 : vector<16xf32>
      %parallel_loop3A_2241 = arith.subf %parallel_loop3A_2222, %parallel_loop3A_2225 : vector<16xf32>
      %parallel_loop3A_2242 = arith.addf %parallel_loop3A_2228, %parallel_loop3A_2231 : vector<16xf32>
      %parallel_loop3A_2243 = arith.subf %parallel_loop3A_2228, %parallel_loop3A_2231 : vector<16xf32>
      %parallel_loop3A_2244 = arith.addf %parallel_loop3A_2234, %parallel_loop3A_2237 : vector<16xf32>
      %parallel_loop3A_2245 = arith.subf %parallel_loop3A_2234, %parallel_loop3A_2237 : vector<16xf32>
      %parallel_loop3A_2246 = arith.addf %parallel_loop3A_2238, %parallel_loop3A_2240 : vector<16xf32>
      %parallel_loop3A_2247 = arith.subf %parallel_loop3A_2238, %parallel_loop3A_2240 : vector<16xf32>
      %parallel_loop3A_2248 = arith.addf %parallel_loop3A_2239, %parallel_loop3A_2241 : vector<16xf32>
      %parallel_loop3A_2249 = arith.subf %parallel_loop3A_2239, %parallel_loop3A_2241 : vector<16xf32>
      %parallel_loop3A_2250 = arith.addf %parallel_loop3A_2242, %parallel_loop3A_2244 : vector<16xf32>
      %parallel_loop3A_2251 = arith.subf %parallel_loop3A_2242, %parallel_loop3A_2244 : vector<16xf32>
      %parallel_loop3A_2252 = arith.addf %parallel_loop3A_2243, %parallel_loop3A_2245 : vector<16xf32>
      %parallel_loop3A_2253 = arith.subf %parallel_loop3A_2243, %parallel_loop3A_2245 : vector<16xf32>
      %parallel_loop3A_2254 = arith.addf %parallel_loop3A_2246, %parallel_loop3A_2250 : vector<16xf32>
      %parallel_loop3A_2255 = arith.subf %parallel_loop3A_2246, %parallel_loop3A_2250 : vector<16xf32>
      %parallel_loop3A_2256 = arith.addf %parallel_loop3A_2248, %parallel_loop3A_2252 : vector<16xf32>
      %parallel_loop3A_2257 = arith.subf %parallel_loop3A_2248, %parallel_loop3A_2252 : vector<16xf32>
      %parallel_loop3A_2258 = arith.addf %parallel_loop3A_2247, %parallel_loop3A_2251 : vector<16xf32>
      %parallel_loop3A_2259 = arith.subf %parallel_loop3A_2247, %parallel_loop3A_2251 : vector<16xf32>
      %parallel_loop3A_2260 = arith.addf %parallel_loop3A_2249, %parallel_loop3A_2253 : vector<16xf32>
      %parallel_loop3A_2261 = arith.subf %parallel_loop3A_2249, %parallel_loop3A_2253 : vector<16xf32>
      %parallel_loop3A_2262 = arith.index_cast %parallel_loop3A_2199 : i32 to index
      %parallel_loop3A_2263 = tpu.vector_load %arg4[%parallel_loop3A_2262] {strides = array<i32>} : memref<32768xf32, #tpu.memory_space<vmem>>, vector<16xf32>,
      %parallel_loop3A_2264 = vector.shape_cast %parallel_loop3A_2263 : vector<16xf32> to vector<16xf32>
      %parallel_loop3A_2265 = vector.shape_cast %parallel_loop3A_2254 : vector<16xf32> to vector<16xf32>
      tpu.vector_store %arg4[%parallel_loop3A_2262], %parallel_loop3A_2265 {strides = array<i32>} : memref<32768xf32, #tpu.memory_space<vmem>>, vector<16xf32>,
      %parallel_loop3A_2266 = arith.index_cast %parallel_loop3A_2201 : i32 to index
      %parallel_loop3A_2267 = tpu.vector_load %arg4[%parallel_loop3A_2266] {strides = array<i32>} : memref<32768xf32, #tpu.memory_space<vmem>>, vector<16xf32>,
      %parallel_loop3A_2268 = vector.shape_cast %parallel_loop3A_2267 : vector<16xf32> to vector<16xf32>
      %parallel_loop3A_2269 = vector.shape_cast %parallel_loop3A_2256 : vector<16xf32> to vector<16xf32>
      tpu.vector_store %arg4[%parallel_loop3A_2266], %parallel_loop3A_2269 {strides = array<i32>} : memref<32768xf32, #tpu.memory_space<vmem>>, vector<16xf32>,
      %parallel_loop3A_2270 = arith.index_cast %parallel_loop3A_2203 : i32 to index
      %parallel_loop3A_2271 = tpu.vector_load %arg4[%parallel_loop3A_2270] {strides = array<i32>} : memref<32768xf32, #tpu.memory_space<vmem>>, vector<16xf32>,
      %parallel_loop3A_2272 = vector.shape_cast %parallel_loop3A_2271 : vector<16xf32> to vector<16xf32>
      %parallel_loop3A_2273 = vector.shape_cast %parallel_loop3A_2258 : vector<16xf32> to vector<16xf32>
      tpu.vector_store %arg4[%parallel_loop3A_2270], %parallel_loop3A_2273 {strides = array<i32>} : memref<32768xf32, #tpu.memory_space<vmem>>, vector<16xf32>,
      %parallel_loop3A_2274 = arith.index_cast %parallel_loop3A_2205 : i32 to index
      %parallel_loop3A_2275 = tpu.vector_load %arg4[%parallel_loop3A_2274] {strides = array<i32>} : memref<32768xf32, #tpu.memory_space<vmem>>, vector<16xf32>,
      %parallel_loop3A_2276 = vector.shape_cast %parallel_loop3A_2275 : vector<16xf32> to vector<16xf32>
      %parallel_loop3A_2277 = vector.shape_cast %parallel_loop3A_2260 : vector<16xf32> to vector<16xf32>
      tpu.vector_store %arg4[%parallel_loop3A_2274], %parallel_loop3A_2277 {strides = array<i32>} : memref<32768xf32, #tpu.memory_space<vmem>>, vector<16xf32>,
      %parallel_loop3A_2278 = arith.index_cast %parallel_loop3A_2207 : i32 to index
      %parallel_loop3A_2279 = tpu.vector_load %arg4[%parallel_loop3A_2278] {strides = array<i32>} : memref<32768xf32, #tpu.memory_space<vmem>>, vector<16xf32>,
      %parallel_loop3A_2280 = vector.shape_cast %parallel_loop3A_2279 : vector<16xf32> to vector<16xf32>
      %parallel_loop3A_2281 = vector.shape_cast %parallel_loop3A_2255 : vector<16xf32> to vector<16xf32>
      tpu.vector_store %arg4[%parallel_loop3A_2278], %parallel_loop3A_2281 {strides = array<i32>} : memref<32768xf32, #tpu.memory_space<vmem>>, vector<16xf32>,
      %parallel_loop3A_2282 = arith.index_cast %parallel_loop3A_2209 : i32 to index
      %parallel_loop3A_2283 = tpu.vector_load %arg4[%parallel_loop3A_2282] {strides = array<i32>} : memref<32768xf32, #tpu.memory_space<vmem>>, vector<16xf32>,
      %parallel_loop3A_2284 = vector.shape_cast %parallel_loop3A_2283 : vector<16xf32> to vector<16xf32>
      %parallel_loop3A_2285 = vector.shape_cast %parallel_loop3A_2257 : vector<16xf32> to vector<16xf32>
      tpu.vector_store %arg4[%parallel_loop3A_2282], %parallel_loop3A_2285 {strides = array<i32>} : memref<32768xf32, #tpu.memory_space<vmem>>, vector<16xf32>,
      %parallel_loop3A_2286 = arith.index_cast %parallel_loop3A_2211 : i32 to index
      %parallel_loop3A_2287 = tpu.vector_load %arg4[%parallel_loop3A_2286] {strides = array<i32>} : memref<32768xf32, #tpu.memory_space<vmem>>, vector<16xf32>,
      %parallel_loop3A_2288 = vector.shape_cast %parallel_loop3A_2287 : vector<16xf32> to vector<16xf32>
      %parallel_loop3A_2289 = vector.shape_cast %parallel_loop3A_2259 : vector<16xf32> to vector<16xf32>
      tpu.vector_store %arg4[%parallel_loop3A_2286], %parallel_loop3A_2289 {strides = array<i32>} : memref<32768xf32, #tpu.memory_space<vmem>>, vector<16xf32>,
      %parallel_loop3A_2290 = arith.index_cast %parallel_loop3A_2213 : i32 to index
      %parallel_loop3A_2291 = tpu.vector_load %arg4[%parallel_loop3A_2290] {strides = array<i32>} : memref<32768xf32, #tpu.memory_space<vmem>>, vector<16xf32>,
      %parallel_loop3A_2292 = vector.shape_cast %parallel_loop3A_2291 : vector<16xf32> to vector<16xf32>
      %parallel_loop3A_2293 = vector.shape_cast %parallel_loop3A_2261 : vector<16xf32> to vector<16xf32>
      tpu.vector_store %arg4[%parallel_loop3A_2290], %parallel_loop3A_2293 {strides = array<i32>} : memref<32768xf32, #tpu.memory_space<vmem>>, vector<16xf32>,
      %parallel_loop3A_2294 = arith.constant 48 : i32
      %parallel_loop3A_2295 = arith.addi %parallel_loop3A_69, %parallel_loop3A_2294 : i32
      %parallel_loop3A_2296 = arith.constant 176 : i32
      %parallel_loop3A_2297 = arith.addi %parallel_loop3A_69, %parallel_loop3A_2296 : i32
      %parallel_loop3A_2298 = arith.constant 304 : i32
      %parallel_loop3A_2299 = arith.addi %parallel_loop3A_69, %parallel_loop3A_2298 : i32
      %parallel_loop3A_2300 = arith.constant 432 : i32
      %parallel_loop3A_2301 = arith.addi %parallel_loop3A_69, %parallel_loop3A_2300 : i32
      %parallel_loop3A_2302 = arith.constant 560 : i32
      %parallel_loop3A_2303 = arith.addi %parallel_loop3A_69, %parallel_loop3A_2302 : i32
      %parallel_loop3A_2304 = arith.constant 688 : i32
      %parallel_loop3A_2305 = arith.addi %parallel_loop3A_69, %parallel_loop3A_2304 : i32
      %parallel_loop3A_2306 = arith.constant 816 : i32
      %parallel_loop3A_2307 = arith.addi %parallel_loop3A_69, %parallel_loop3A_2306 : i32
      %parallel_loop3A_2308 = arith.constant 944 : i32
      %parallel_loop3A_2309 = arith.addi %parallel_loop3A_69, %parallel_loop3A_2308 : i32
      %parallel_loop3A_2310 = arith.index_cast %parallel_loop3A_2295 : i32 to index
      %parallel_loop3A_2311 = tpu.vector_load %arg4[%parallel_loop3A_2310] {strides = array<i32>} : memref<32768xf32, #tpu.memory_space<vmem>>, vector<16xf32>,
      %parallel_loop3A_2312 = vector.shape_cast %parallel_loop3A_2311 : vector<16xf32> to vector<16xf32>
      %parallel_loop3A_2313 = arith.index_cast %parallel_loop3A_2297 : i32 to index
      %parallel_loop3A_2314 = tpu.vector_load %arg4[%parallel_loop3A_2313] {strides = array<i32>} : memref<32768xf32, #tpu.memory_space<vmem>>, vector<16xf32>,
      %parallel_loop3A_2315 = vector.shape_cast %parallel_loop3A_2314 : vector<16xf32> to vector<16xf32>
      %parallel_loop3A_2316 = arith.index_cast %parallel_loop3A_2299 : i32 to index
      %parallel_loop3A_2317 = tpu.vector_load %arg4[%parallel_loop3A_2316] {strides = array<i32>} : memref<32768xf32, #tpu.memory_space<vmem>>, vector<16xf32>,
      %parallel_loop3A_2318 = vector.shape_cast %parallel_loop3A_2317 : vector<16xf32> to vector<16xf32>
      %parallel_loop3A_2319 = arith.index_cast %parallel_loop3A_2301 : i32 to index
      %parallel_loop3A_2320 = tpu.vector_load %arg4[%parallel_loop3A_2319] {strides = array<i32>} : memref<32768xf32, #tpu.memory_space<vmem>>, vector<16xf32>,
      %parallel_loop3A_2321 = vector.shape_cast %parallel_loop3A_2320 : vector<16xf32> to vector<16xf32>
      %parallel_loop3A_2322 = arith.index_cast %parallel_loop3A_2303 : i32 to index
      %parallel_loop3A_2323 = tpu.vector_load %arg4[%parallel_loop3A_2322] {strides = array<i32>} : memref<32768xf32, #tpu.memory_space<vmem>>, vector<16xf32>,
      %parallel_loop3A_2324 = vector.shape_cast %parallel_loop3A_2323 : vector<16xf32> to vector<16xf32>
      %parallel_loop3A_2325 = arith.index_cast %parallel_loop3A_2305 : i32 to index
      %parallel_loop3A_2326 = tpu.vector_load %arg4[%parallel_loop3A_2325] {strides = array<i32>} : memref<32768xf32, #tpu.memory_space<vmem>>, vector<16xf32>,
      %parallel_loop3A_2327 = vector.shape_cast %parallel_loop3A_2326 : vector<16xf32> to vector<16xf32>
      %parallel_loop3A_2328 = arith.index_cast %parallel_loop3A_2307 : i32 to index
      %parallel_loop3A_2329 = tpu.vector_load %arg4[%parallel_loop3A_2328] {strides = array<i32>} : memref<32768xf32, #tpu.memory_space<vmem>>, vector<16xf32>,
      %parallel_loop3A_2330 = vector.shape_cast %parallel_loop3A_2329 : vector<16xf32> to vector<16xf32>
      %parallel_loop3A_2331 = arith.index_cast %parallel_loop3A_2309 : i32 to index
      %parallel_loop3A_2332 = tpu.vector_load %arg4[%parallel_loop3A_2331] {strides = array<i32>} : memref<32768xf32, #tpu.memory_space<vmem>>, vector<16xf32>,
      %parallel_loop3A_2333 = vector.shape_cast %parallel_loop3A_2332 : vector<16xf32> to vector<16xf32>
      %parallel_loop3A_2334 = arith.addf %parallel_loop3A_2312, %parallel_loop3A_2315 : vector<16xf32>
      %parallel_loop3A_2335 = arith.subf %parallel_loop3A_2312, %parallel_loop3A_2315 : vector<16xf32>
      %parallel_loop3A_2336 = arith.addf %parallel_loop3A_2318, %parallel_loop3A_2321 : vector<16xf32>
      %parallel_loop3A_2337 = arith.subf %parallel_loop3A_2318, %parallel_loop3A_2321 : vector<16xf32>
      %parallel_loop3A_2338 = arith.addf %parallel_loop3A_2324, %parallel_loop3A_2327 : vector<16xf32>
      %parallel_loop3A_2339 = arith.subf %parallel_loop3A_2324, %parallel_loop3A_2327 : vector<16xf32>
      %parallel_loop3A_2340 = arith.addf %parallel_loop3A_2330, %parallel_loop3A_2333 : vector<16xf32>
      %parallel_loop3A_2341 = arith.subf %parallel_loop3A_2330, %parallel_loop3A_2333 : vector<16xf32>
      %parallel_loop3A_2342 = arith.addf %parallel_loop3A_2334, %parallel_loop3A_2336 : vector<16xf32>
      %parallel_loop3A_2343 = arith.subf %parallel_loop3A_2334, %parallel_loop3A_2336 : vector<16xf32>
      %parallel_loop3A_2344 = arith.addf %parallel_loop3A_2335, %parallel_loop3A_2337 : vector<16xf32>
      %parallel_loop3A_2345 = arith.subf %parallel_loop3A_2335, %parallel_loop3A_2337 : vector<16xf32>
      %parallel_loop3A_2346 = arith.addf %parallel_loop3A_2338, %parallel_loop3A_2340 : vector<16xf32>
      %parallel_loop3A_2347 = arith.subf %parallel_loop3A_2338, %parallel_loop3A_2340 : vector<16xf32>
      %parallel_loop3A_2348 = arith.addf %parallel_loop3A_2339, %parallel_loop3A_2341 : vector<16xf32>
      %parallel_loop3A_2349 = arith.subf %parallel_loop3A_2339, %parallel_loop3A_2341 : vector<16xf32>
      %parallel_loop3A_2350 = arith.addf %parallel_loop3A_2342, %parallel_loop3A_2346 : vector<16xf32>
      %parallel_loop3A_2351 = arith.subf %parallel_loop3A_2342, %parallel_loop3A_2346 : vector<16xf32>
      %parallel_loop3A_2352 = arith.addf %parallel_loop3A_2344, %parallel_loop3A_2348 : vector<16xf32>
      %parallel_loop3A_2353 = arith.subf %parallel_loop3A_2344, %parallel_loop3A_2348 : vector<16xf32>
      %parallel_loop3A_2354 = arith.addf %parallel_loop3A_2343, %parallel_loop3A_2347 : vector<16xf32>
      %parallel_loop3A_2355 = arith.subf %parallel_loop3A_2343, %parallel_loop3A_2347 : vector<16xf32>
      %parallel_loop3A_2356 = arith.addf %parallel_loop3A_2345, %parallel_loop3A_2349 : vector<16xf32>
      %parallel_loop3A_2357 = arith.subf %parallel_loop3A_2345, %parallel_loop3A_2349 : vector<16xf32>
      %parallel_loop3A_2358 = arith.index_cast %parallel_loop3A_2295 : i32 to index
      %parallel_loop3A_2359 = tpu.vector_load %arg4[%parallel_loop3A_2358] {strides = array<i32>} : memref<32768xf32, #tpu.memory_space<vmem>>, vector<16xf32>,
      %parallel_loop3A_2360 = vector.shape_cast %parallel_loop3A_2359 : vector<16xf32> to vector<16xf32>
      %parallel_loop3A_2361 = vector.shape_cast %parallel_loop3A_2350 : vector<16xf32> to vector<16xf32>
      tpu.vector_store %arg4[%parallel_loop3A_2358], %parallel_loop3A_2361 {strides = array<i32>} : memref<32768xf32, #tpu.memory_space<vmem>>, vector<16xf32>,
      %parallel_loop3A_2362 = arith.index_cast %parallel_loop3A_2297 : i32 to index
      %parallel_loop3A_2363 = tpu.vector_load %arg4[%parallel_loop3A_2362] {strides = array<i32>} : memref<32768xf32, #tpu.memory_space<vmem>>, vector<16xf32>,
      %parallel_loop3A_2364 = vector.shape_cast %parallel_loop3A_2363 : vector<16xf32> to vector<16xf32>
      %parallel_loop3A_2365 = vector.shape_cast %parallel_loop3A_2352 : vector<16xf32> to vector<16xf32>
      tpu.vector_store %arg4[%parallel_loop3A_2362], %parallel_loop3A_2365 {strides = array<i32>} : memref<32768xf32, #tpu.memory_space<vmem>>, vector<16xf32>,
      %parallel_loop3A_2366 = arith.index_cast %parallel_loop3A_2299 : i32 to index
      %parallel_loop3A_2367 = tpu.vector_load %arg4[%parallel_loop3A_2366] {strides = array<i32>} : memref<32768xf32, #tpu.memory_space<vmem>>, vector<16xf32>,
      %parallel_loop3A_2368 = vector.shape_cast %parallel_loop3A_2367 : vector<16xf32> to vector<16xf32>
      %parallel_loop3A_2369 = vector.shape_cast %parallel_loop3A_2354 : vector<16xf32> to vector<16xf32>
      tpu.vector_store %arg4[%parallel_loop3A_2366], %parallel_loop3A_2369 {strides = array<i32>} : memref<32768xf32, #tpu.memory_space<vmem>>, vector<16xf32>,
      %parallel_loop3A_2370 = arith.index_cast %parallel_loop3A_2301 : i32 to index
      %parallel_loop3A_2371 = tpu.vector_load %arg4[%parallel_loop3A_2370] {strides = array<i32>} : memref<32768xf32, #tpu.memory_space<vmem>>, vector<16xf32>,
      %parallel_loop3A_2372 = vector.shape_cast %parallel_loop3A_2371 : vector<16xf32> to vector<16xf32>
      %parallel_loop3A_2373 = vector.shape_cast %parallel_loop3A_2356 : vector<16xf32> to vector<16xf32>
      tpu.vector_store %arg4[%parallel_loop3A_2370], %parallel_loop3A_2373 {strides = array<i32>} : memref<32768xf32, #tpu.memory_space<vmem>>, vector<16xf32>,
      %parallel_loop3A_2374 = arith.index_cast %parallel_loop3A_2303 : i32 to index
      %parallel_loop3A_2375 = tpu.vector_load %arg4[%parallel_loop3A_2374] {strides = array<i32>} : memref<32768xf32, #tpu.memory_space<vmem>>, vector<16xf32>,
      %parallel_loop3A_2376 = vector.shape_cast %parallel_loop3A_2375 : vector<16xf32> to vector<16xf32>
      %parallel_loop3A_2377 = vector.shape_cast %parallel_loop3A_2351 : vector<16xf32> to vector<16xf32>
      tpu.vector_store %arg4[%parallel_loop3A_2374], %parallel_loop3A_2377 {strides = array<i32>} : memref<32768xf32, #tpu.memory_space<vmem>>, vector<16xf32>,
      %parallel_loop3A_2378 = arith.index_cast %parallel_loop3A_2305 : i32 to index
      %parallel_loop3A_2379 = tpu.vector_load %arg4[%parallel_loop3A_2378] {strides = array<i32>} : memref<32768xf32, #tpu.memory_space<vmem>>, vector<16xf32>,
      %parallel_loop3A_2380 = vector.shape_cast %parallel_loop3A_2379 : vector<16xf32> to vector<16xf32>
      %parallel_loop3A_2381 = vector.shape_cast %parallel_loop3A_2353 : vector<16xf32> to vector<16xf32>
      tpu.vector_store %arg4[%parallel_loop3A_2378], %parallel_loop3A_2381 {strides = array<i32>} : memref<32768xf32, #tpu.memory_space<vmem>>, vector<16xf32>,
      %parallel_loop3A_2382 = arith.index_cast %parallel_loop3A_2307 : i32 to index
      %parallel_loop3A_2383 = tpu.vector_load %arg4[%parallel_loop3A_2382] {strides = array<i32>} : memref<32768xf32, #tpu.memory_space<vmem>>, vector<16xf32>,
      %parallel_loop3A_2384 = vector.shape_cast %parallel_loop3A_2383 : vector<16xf32> to vector<16xf32>
      %parallel_loop3A_2385 = vector.shape_cast %parallel_loop3A_2355 : vector<16xf32> to vector<16xf32>
      tpu.vector_store %arg4[%parallel_loop3A_2382], %parallel_loop3A_2385 {strides = array<i32>} : memref<32768xf32, #tpu.memory_space<vmem>>, vector<16xf32>,
      %parallel_loop3A_2386 = arith.index_cast %parallel_loop3A_2309 : i32 to index
      %parallel_loop3A_2387 = tpu.vector_load %arg4[%parallel_loop3A_2386] {strides = array<i32>} : memref<32768xf32, #tpu.memory_space<vmem>>, vector<16xf32>,
      %parallel_loop3A_2388 = vector.shape_cast %parallel_loop3A_2387 : vector<16xf32> to vector<16xf32>
      %parallel_loop3A_2389 = vector.shape_cast %parallel_loop3A_2357 : vector<16xf32> to vector<16xf32>
      tpu.vector_store %arg4[%parallel_loop3A_2386], %parallel_loop3A_2389 {strides = array<i32>} : memref<32768xf32, #tpu.memory_space<vmem>>, vector<16xf32>,
      %parallel_loop3A_2390 = arith.constant 64 : i32
      %parallel_loop3A_2391 = arith.addi %parallel_loop3A_69, %parallel_loop3A_2390 : i32
      %parallel_loop3A_2392 = arith.constant 192 : i32
      %parallel_loop3A_2393 = arith.addi %parallel_loop3A_69, %parallel_loop3A_2392 : i32
      %parallel_loop3A_2394 = arith.constant 320 : i32
      %parallel_loop3A_2395 = arith.addi %parallel_loop3A_69, %parallel_loop3A_2394 : i32
      %parallel_loop3A_2396 = arith.constant 448 : i32
      %parallel_loop3A_2397 = arith.addi %parallel_loop3A_69, %parallel_loop3A_2396 : i32
      %parallel_loop3A_2398 = arith.constant 576 : i32
      %parallel_loop3A_2399 = arith.addi %parallel_loop3A_69, %parallel_loop3A_2398 : i32
      %parallel_loop3A_2400 = arith.constant 704 : i32
      %parallel_loop3A_2401 = arith.addi %parallel_loop3A_69, %parallel_loop3A_2400 : i32
      %parallel_loop3A_2402 = arith.constant 832 : i32
      %parallel_loop3A_2403 = arith.addi %parallel_loop3A_69, %parallel_loop3A_2402 : i32
      %parallel_loop3A_2404 = arith.constant 960 : i32
      %parallel_loop3A_2405 = arith.addi %parallel_loop3A_69, %parallel_loop3A_2404 : i32
      %parallel_loop3A_2406 = arith.index_cast %parallel_loop3A_2391 : i32 to index
      %parallel_loop3A_2407 = tpu.vector_load %arg4[%parallel_loop3A_2406] {strides = array<i32>} : memref<32768xf32, #tpu.memory_space<vmem>>, vector<16xf32>,
      %parallel_loop3A_2408 = vector.shape_cast %parallel_loop3A_2407 : vector<16xf32> to vector<16xf32>
      %parallel_loop3A_2409 = arith.index_cast %parallel_loop3A_2393 : i32 to index
      %parallel_loop3A_2410 = tpu.vector_load %arg4[%parallel_loop3A_2409] {strides = array<i32>} : memref<32768xf32, #tpu.memory_space<vmem>>, vector<16xf32>,
      %parallel_loop3A_2411 = vector.shape_cast %parallel_loop3A_2410 : vector<16xf32> to vector<16xf32>
      %parallel_loop3A_2412 = arith.index_cast %parallel_loop3A_2395 : i32 to index
      %parallel_loop3A_2413 = tpu.vector_load %arg4[%parallel_loop3A_2412] {strides = array<i32>} : memref<32768xf32, #tpu.memory_space<vmem>>, vector<16xf32>,
      %parallel_loop3A_2414 = vector.shape_cast %parallel_loop3A_2413 : vector<16xf32> to vector<16xf32>
      %parallel_loop3A_2415 = arith.index_cast %parallel_loop3A_2397 : i32 to index
      %parallel_loop3A_2416 = tpu.vector_load %arg4[%parallel_loop3A_2415] {strides = array<i32>} : memref<32768xf32, #tpu.memory_space<vmem>>, vector<16xf32>,
      %parallel_loop3A_2417 = vector.shape_cast %parallel_loop3A_2416 : vector<16xf32> to vector<16xf32>
      %parallel_loop3A_2418 = arith.index_cast %parallel_loop3A_2399 : i32 to index
      %parallel_loop3A_2419 = tpu.vector_load %arg4[%parallel_loop3A_2418] {strides = array<i32>} : memref<32768xf32, #tpu.memory_space<vmem>>, vector<16xf32>,
      %parallel_loop3A_2420 = vector.shape_cast %parallel_loop3A_2419 : vector<16xf32> to vector<16xf32>
      %parallel_loop3A_2421 = arith.index_cast %parallel_loop3A_2401 : i32 to index
      %parallel_loop3A_2422 = tpu.vector_load %arg4[%parallel_loop3A_2421] {strides = array<i32>} : memref<32768xf32, #tpu.memory_space<vmem>>, vector<16xf32>,
      %parallel_loop3A_2423 = vector.shape_cast %parallel_loop3A_2422 : vector<16xf32> to vector<16xf32>
      %parallel_loop3A_2424 = arith.index_cast %parallel_loop3A_2403 : i32 to index
      %parallel_loop3A_2425 = tpu.vector_load %arg4[%parallel_loop3A_2424] {strides = array<i32>} : memref<32768xf32, #tpu.memory_space<vmem>>, vector<16xf32>,
      %parallel_loop3A_2426 = vector.shape_cast %parallel_loop3A_2425 : vector<16xf32> to vector<16xf32>
      %parallel_loop3A_2427 = arith.index_cast %parallel_loop3A_2405 : i32 to index
      %parallel_loop3A_2428 = tpu.vector_load %arg4[%parallel_loop3A_2427] {strides = array<i32>} : memref<32768xf32, #tpu.memory_space<vmem>>, vector<16xf32>,
      %parallel_loop3A_2429 = vector.shape_cast %parallel_loop3A_2428 : vector<16xf32> to vector<16xf32>
      %parallel_loop3A_2430 = arith.addf %parallel_loop3A_2408, %parallel_loop3A_2411 : vector<16xf32>
      %parallel_loop3A_2431 = arith.subf %parallel_loop3A_2408, %parallel_loop3A_2411 : vector<16xf32>
      %parallel_loop3A_2432 = arith.addf %parallel_loop3A_2414, %parallel_loop3A_2417 : vector<16xf32>
      %parallel_loop3A_2433 = arith.subf %parallel_loop3A_2414, %parallel_loop3A_2417 : vector<16xf32>
      %parallel_loop3A_2434 = arith.addf %parallel_loop3A_2420, %parallel_loop3A_2423 : vector<16xf32>
      %parallel_loop3A_2435 = arith.subf %parallel_loop3A_2420, %parallel_loop3A_2423 : vector<16xf32>
      %parallel_loop3A_2436 = arith.addf %parallel_loop3A_2426, %parallel_loop3A_2429 : vector<16xf32>
      %parallel_loop3A_2437 = arith.subf %parallel_loop3A_2426, %parallel_loop3A_2429 : vector<16xf32>
      %parallel_loop3A_2438 = arith.addf %parallel_loop3A_2430, %parallel_loop3A_2432 : vector<16xf32>
      %parallel_loop3A_2439 = arith.subf %parallel_loop3A_2430, %parallel_loop3A_2432 : vector<16xf32>
      %parallel_loop3A_2440 = arith.addf %parallel_loop3A_2431, %parallel_loop3A_2433 : vector<16xf32>
      %parallel_loop3A_2441 = arith.subf %parallel_loop3A_2431, %parallel_loop3A_2433 : vector<16xf32>
      %parallel_loop3A_2442 = arith.addf %parallel_loop3A_2434, %parallel_loop3A_2436 : vector<16xf32>
      %parallel_loop3A_2443 = arith.subf %parallel_loop3A_2434, %parallel_loop3A_2436 : vector<16xf32>
      %parallel_loop3A_2444 = arith.addf %parallel_loop3A_2435, %parallel_loop3A_2437 : vector<16xf32>
      %parallel_loop3A_2445 = arith.subf %parallel_loop3A_2435, %parallel_loop3A_2437 : vector<16xf32>
      %parallel_loop3A_2446 = arith.addf %parallel_loop3A_2438, %parallel_loop3A_2442 : vector<16xf32>
      %parallel_loop3A_2447 = arith.subf %parallel_loop3A_2438, %parallel_loop3A_2442 : vector<16xf32>
      %parallel_loop3A_2448 = arith.addf %parallel_loop3A_2440, %parallel_loop3A_2444 : vector<16xf32>
      %parallel_loop3A_2449 = arith.subf %parallel_loop3A_2440, %parallel_loop3A_2444 : vector<16xf32>
      %parallel_loop3A_2450 = arith.addf %parallel_loop3A_2439, %parallel_loop3A_2443 : vector<16xf32>
      %parallel_loop3A_2451 = arith.subf %parallel_loop3A_2439, %parallel_loop3A_2443 : vector<16xf32>
      %parallel_loop3A_2452 = arith.addf %parallel_loop3A_2441, %parallel_loop3A_2445 : vector<16xf32>
      %parallel_loop3A_2453 = arith.subf %parallel_loop3A_2441, %parallel_loop3A_2445 : vector<16xf32>
      %parallel_loop3A_2454 = arith.index_cast %parallel_loop3A_2391 : i32 to index
      %parallel_loop3A_2455 = tpu.vector_load %arg4[%parallel_loop3A_2454] {strides = array<i32>} : memref<32768xf32, #tpu.memory_space<vmem>>, vector<16xf32>,
      %parallel_loop3A_2456 = vector.shape_cast %parallel_loop3A_2455 : vector<16xf32> to vector<16xf32>
      %parallel_loop3A_2457 = vector.shape_cast %parallel_loop3A_2446 : vector<16xf32> to vector<16xf32>
      tpu.vector_store %arg4[%parallel_loop3A_2454], %parallel_loop3A_2457 {strides = array<i32>} : memref<32768xf32, #tpu.memory_space<vmem>>, vector<16xf32>,
      %parallel_loop3A_2458 = arith.index_cast %parallel_loop3A_2393 : i32 to index
      %parallel_loop3A_2459 = tpu.vector_load %arg4[%parallel_loop3A_2458] {strides = array<i32>} : memref<32768xf32, #tpu.memory_space<vmem>>, vector<16xf32>,
      %parallel_loop3A_2460 = vector.shape_cast %parallel_loop3A_2459 : vector<16xf32> to vector<16xf32>
      %parallel_loop3A_2461 = vector.shape_cast %parallel_loop3A_2448 : vector<16xf32> to vector<16xf32>
      tpu.vector_store %arg4[%parallel_loop3A_2458], %parallel_loop3A_2461 {strides = array<i32>} : memref<32768xf32, #tpu.memory_space<vmem>>, vector<16xf32>,
      %parallel_loop3A_2462 = arith.index_cast %parallel_loop3A_2395 : i32 to index
      %parallel_loop3A_2463 = tpu.vector_load %arg4[%parallel_loop3A_2462] {strides = array<i32>} : memref<32768xf32, #tpu.memory_space<vmem>>, vector<16xf32>,
      %parallel_loop3A_2464 = vector.shape_cast %parallel_loop3A_2463 : vector<16xf32> to vector<16xf32>
      %parallel_loop3A_2465 = vector.shape_cast %parallel_loop3A_2450 : vector<16xf32> to vector<16xf32>
      tpu.vector_store %arg4[%parallel_loop3A_2462], %parallel_loop3A_2465 {strides = array<i32>} : memref<32768xf32, #tpu.memory_space<vmem>>, vector<16xf32>,
      %parallel_loop3A_2466 = arith.index_cast %parallel_loop3A_2397 : i32 to index
      %parallel_loop3A_2467 = tpu.vector_load %arg4[%parallel_loop3A_2466] {strides = array<i32>} : memref<32768xf32, #tpu.memory_space<vmem>>, vector<16xf32>,
      %parallel_loop3A_2468 = vector.shape_cast %parallel_loop3A_2467 : vector<16xf32> to vector<16xf32>
      %parallel_loop3A_2469 = vector.shape_cast %parallel_loop3A_2452 : vector<16xf32> to vector<16xf32>
      tpu.vector_store %arg4[%parallel_loop3A_2466], %parallel_loop3A_2469 {strides = array<i32>} : memref<32768xf32, #tpu.memory_space<vmem>>, vector<16xf32>,
      %parallel_loop3A_2470 = arith.index_cast %parallel_loop3A_2399 : i32 to index
      %parallel_loop3A_2471 = tpu.vector_load %arg4[%parallel_loop3A_2470] {strides = array<i32>} : memref<32768xf32, #tpu.memory_space<vmem>>, vector<16xf32>,
      %parallel_loop3A_2472 = vector.shape_cast %parallel_loop3A_2471 : vector<16xf32> to vector<16xf32>
      %parallel_loop3A_2473 = vector.shape_cast %parallel_loop3A_2447 : vector<16xf32> to vector<16xf32>
      tpu.vector_store %arg4[%parallel_loop3A_2470], %parallel_loop3A_2473 {strides = array<i32>} : memref<32768xf32, #tpu.memory_space<vmem>>, vector<16xf32>,
      %parallel_loop3A_2474 = arith.index_cast %parallel_loop3A_2401 : i32 to index
      %parallel_loop3A_2475 = tpu.vector_load %arg4[%parallel_loop3A_2474] {strides = array<i32>} : memref<32768xf32, #tpu.memory_space<vmem>>, vector<16xf32>,
      %parallel_loop3A_2476 = vector.shape_cast %parallel_loop3A_2475 : vector<16xf32> to vector<16xf32>
      %parallel_loop3A_2477 = vector.shape_cast %parallel_loop3A_2449 : vector<16xf32> to vector<16xf32>
      tpu.vector_store %arg4[%parallel_loop3A_2474], %parallel_loop3A_2477 {strides = array<i32>} : memref<32768xf32, #tpu.memory_space<vmem>>, vector<16xf32>,
      %parallel_loop3A_2478 = arith.index_cast %parallel_loop3A_2403 : i32 to index
      %parallel_loop3A_2479 = tpu.vector_load %arg4[%parallel_loop3A_2478] {strides = array<i32>} : memref<32768xf32, #tpu.memory_space<vmem>>, vector<16xf32>,
      %parallel_loop3A_2480 = vector.shape_cast %parallel_loop3A_2479 : vector<16xf32> to vector<16xf32>
      %parallel_loop3A_2481 = vector.shape_cast %parallel_loop3A_2451 : vector<16xf32> to vector<16xf32>
      tpu.vector_store %arg4[%parallel_loop3A_2478], %parallel_loop3A_2481 {strides = array<i32>} : memref<32768xf32, #tpu.memory_space<vmem>>, vector<16xf32>,
      %parallel_loop3A_2482 = arith.index_cast %parallel_loop3A_2405 : i32 to index
      %parallel_loop3A_2483 = tpu.vector_load %arg4[%parallel_loop3A_2482] {strides = array<i32>} : memref<32768xf32, #tpu.memory_space<vmem>>, vector<16xf32>,
      %parallel_loop3A_2484 = vector.shape_cast %parallel_loop3A_2483 : vector<16xf32> to vector<16xf32>
      %parallel_loop3A_2485 = vector.shape_cast %parallel_loop3A_2453 : vector<16xf32> to vector<16xf32>
      tpu.vector_store %arg4[%parallel_loop3A_2482], %parallel_loop3A_2485 {strides = array<i32>} : memref<32768xf32, #tpu.memory_space<vmem>>, vector<16xf32>,
      %parallel_loop3A_2486 = arith.constant 80 : i32
      %parallel_loop3A_2487 = arith.addi %parallel_loop3A_69, %parallel_loop3A_2486 : i32
      %parallel_loop3A_2488 = arith.constant 208 : i32
      %parallel_loop3A_2489 = arith.addi %parallel_loop3A_69, %parallel_loop3A_2488 : i32
      %parallel_loop3A_2490 = arith.constant 336 : i32
      %parallel_loop3A_2491 = arith.addi %parallel_loop3A_69, %parallel_loop3A_2490 : i32
      %parallel_loop3A_2492 = arith.constant 464 : i32
      %parallel_loop3A_2493 = arith.addi %parallel_loop3A_69, %parallel_loop3A_2492 : i32
      %parallel_loop3A_2494 = arith.constant 592 : i32
      %parallel_loop3A_2495 = arith.addi %parallel_loop3A_69, %parallel_loop3A_2494 : i32
      %parallel_loop3A_2496 = arith.constant 720 : i32
      %parallel_loop3A_2497 = arith.addi %parallel_loop3A_69, %parallel_loop3A_2496 : i32
      %parallel_loop3A_2498 = arith.constant 848 : i32
      %parallel_loop3A_2499 = arith.addi %parallel_loop3A_69, %parallel_loop3A_2498 : i32
      %parallel_loop3A_2500 = arith.constant 976 : i32
      %parallel_loop3A_2501 = arith.addi %parallel_loop3A_69, %parallel_loop3A_2500 : i32
      %parallel_loop3A_2502 = arith.index_cast %parallel_loop3A_2487 : i32 to index
      %parallel_loop3A_2503 = tpu.vector_load %arg4[%parallel_loop3A_2502] {strides = array<i32>} : memref<32768xf32, #tpu.memory_space<vmem>>, vector<16xf32>,
      %parallel_loop3A_2504 = vector.shape_cast %parallel_loop3A_2503 : vector<16xf32> to vector<16xf32>
      %parallel_loop3A_2505 = arith.index_cast %parallel_loop3A_2489 : i32 to index
      %parallel_loop3A_2506 = tpu.vector_load %arg4[%parallel_loop3A_2505] {strides = array<i32>} : memref<32768xf32, #tpu.memory_space<vmem>>, vector<16xf32>,
      %parallel_loop3A_2507 = vector.shape_cast %parallel_loop3A_2506 : vector<16xf32> to vector<16xf32>
      %parallel_loop3A_2508 = arith.index_cast %parallel_loop3A_2491 : i32 to index
      %parallel_loop3A_2509 = tpu.vector_load %arg4[%parallel_loop3A_2508] {strides = array<i32>} : memref<32768xf32, #tpu.memory_space<vmem>>, vector<16xf32>,
      %parallel_loop3A_2510 = vector.shape_cast %parallel_loop3A_2509 : vector<16xf32> to vector<16xf32>
      %parallel_loop3A_2511 = arith.index_cast %parallel_loop3A_2493 : i32 to index
      %parallel_loop3A_2512 = tpu.vector_load %arg4[%parallel_loop3A_2511] {strides = array<i32>} : memref<32768xf32, #tpu.memory_space<vmem>>, vector<16xf32>,
      %parallel_loop3A_2513 = vector.shape_cast %parallel_loop3A_2512 : vector<16xf32> to vector<16xf32>
      %parallel_loop3A_2514 = arith.index_cast %parallel_loop3A_2495 : i32 to index
      %parallel_loop3A_2515 = tpu.vector_load %arg4[%parallel_loop3A_2514] {strides = array<i32>} : memref<32768xf32, #tpu.memory_space<vmem>>, vector<16xf32>,
      %parallel_loop3A_2516 = vector.shape_cast %parallel_loop3A_2515 : vector<16xf32> to vector<16xf32>
      %parallel_loop3A_2517 = arith.index_cast %parallel_loop3A_2497 : i32 to index
      %parallel_loop3A_2518 = tpu.vector_load %arg4[%parallel_loop3A_2517] {strides = array<i32>} : memref<32768xf32, #tpu.memory_space<vmem>>, vector<16xf32>,
      %parallel_loop3A_2519 = vector.shape_cast %parallel_loop3A_2518 : vector<16xf32> to vector<16xf32>
      %parallel_loop3A_2520 = arith.index_cast %parallel_loop3A_2499 : i32 to index
      %parallel_loop3A_2521 = tpu.vector_load %arg4[%parallel_loop3A_2520] {strides = array<i32>} : memref<32768xf32, #tpu.memory_space<vmem>>, vector<16xf32>,
      %parallel_loop3A_2522 = vector.shape_cast %parallel_loop3A_2521 : vector<16xf32> to vector<16xf32>
      %parallel_loop3A_2523 = arith.index_cast %parallel_loop3A_2501 : i32 to index
      %parallel_loop3A_2524 = tpu.vector_load %arg4[%parallel_loop3A_2523] {strides = array<i32>} : memref<32768xf32, #tpu.memory_space<vmem>>, vector<16xf32>,
      %parallel_loop3A_2525 = vector.shape_cast %parallel_loop3A_2524 : vector<16xf32> to vector<16xf32>
      %parallel_loop3A_2526 = arith.addf %parallel_loop3A_2504, %parallel_loop3A_2507 : vector<16xf32>
      %parallel_loop3A_2527 = arith.subf %parallel_loop3A_2504, %parallel_loop3A_2507 : vector<16xf32>
      %parallel_loop3A_2528 = arith.addf %parallel_loop3A_2510, %parallel_loop3A_2513 : vector<16xf32>
      %parallel_loop3A_2529 = arith.subf %parallel_loop3A_2510, %parallel_loop3A_2513 : vector<16xf32>
      %parallel_loop3A_2530 = arith.addf %parallel_loop3A_2516, %parallel_loop3A_2519 : vector<16xf32>
      %parallel_loop3A_2531 = arith.subf %parallel_loop3A_2516, %parallel_loop3A_2519 : vector<16xf32>
      %parallel_loop3A_2532 = arith.addf %parallel_loop3A_2522, %parallel_loop3A_2525 : vector<16xf32>
      %parallel_loop3A_2533 = arith.subf %parallel_loop3A_2522, %parallel_loop3A_2525 : vector<16xf32>
      %parallel_loop3A_2534 = arith.addf %parallel_loop3A_2526, %parallel_loop3A_2528 : vector<16xf32>
      %parallel_loop3A_2535 = arith.subf %parallel_loop3A_2526, %parallel_loop3A_2528 : vector<16xf32>
      %parallel_loop3A_2536 = arith.addf %parallel_loop3A_2527, %parallel_loop3A_2529 : vector<16xf32>
      %parallel_loop3A_2537 = arith.subf %parallel_loop3A_2527, %parallel_loop3A_2529 : vector<16xf32>
      %parallel_loop3A_2538 = arith.addf %parallel_loop3A_2530, %parallel_loop3A_2532 : vector<16xf32>
      %parallel_loop3A_2539 = arith.subf %parallel_loop3A_2530, %parallel_loop3A_2532 : vector<16xf32>
      %parallel_loop3A_2540 = arith.addf %parallel_loop3A_2531, %parallel_loop3A_2533 : vector<16xf32>
      %parallel_loop3A_2541 = arith.subf %parallel_loop3A_2531, %parallel_loop3A_2533 : vector<16xf32>
      %parallel_loop3A_2542 = arith.addf %parallel_loop3A_2534, %parallel_loop3A_2538 : vector<16xf32>
      %parallel_loop3A_2543 = arith.subf %parallel_loop3A_2534, %parallel_loop3A_2538 : vector<16xf32>
      %parallel_loop3A_2544 = arith.addf %parallel_loop3A_2536, %parallel_loop3A_2540 : vector<16xf32>
      %parallel_loop3A_2545 = arith.subf %parallel_loop3A_2536, %parallel_loop3A_2540 : vector<16xf32>
      %parallel_loop3A_2546 = arith.addf %parallel_loop3A_2535, %parallel_loop3A_2539 : vector<16xf32>
      %parallel_loop3A_2547 = arith.subf %parallel_loop3A_2535, %parallel_loop3A_2539 : vector<16xf32>
      %parallel_loop3A_2548 = arith.addf %parallel_loop3A_2537, %parallel_loop3A_2541 : vector<16xf32>
      %parallel_loop3A_2549 = arith.subf %parallel_loop3A_2537, %parallel_loop3A_2541 : vector<16xf32>
      %parallel_loop3A_2550 = arith.index_cast %parallel_loop3A_2487 : i32 to index
      %parallel_loop3A_2551 = tpu.vector_load %arg4[%parallel_loop3A_2550] {strides = array<i32>} : memref<32768xf32, #tpu.memory_space<vmem>>, vector<16xf32>,
      %parallel_loop3A_2552 = vector.shape_cast %parallel_loop3A_2551 : vector<16xf32> to vector<16xf32>
      %parallel_loop3A_2553 = vector.shape_cast %parallel_loop3A_2542 : vector<16xf32> to vector<16xf32>
      tpu.vector_store %arg4[%parallel_loop3A_2550], %parallel_loop3A_2553 {strides = array<i32>} : memref<32768xf32, #tpu.memory_space<vmem>>, vector<16xf32>,
      %parallel_loop3A_2554 = arith.index_cast %parallel_loop3A_2489 : i32 to index
      %parallel_loop3A_2555 = tpu.vector_load %arg4[%parallel_loop3A_2554] {strides = array<i32>} : memref<32768xf32, #tpu.memory_space<vmem>>, vector<16xf32>,
      %parallel_loop3A_2556 = vector.shape_cast %parallel_loop3A_2555 : vector<16xf32> to vector<16xf32>
      %parallel_loop3A_2557 = vector.shape_cast %parallel_loop3A_2544 : vector<16xf32> to vector<16xf32>
      tpu.vector_store %arg4[%parallel_loop3A_2554], %parallel_loop3A_2557 {strides = array<i32>} : memref<32768xf32, #tpu.memory_space<vmem>>, vector<16xf32>,
      %parallel_loop3A_2558 = arith.index_cast %parallel_loop3A_2491 : i32 to index
      %parallel_loop3A_2559 = tpu.vector_load %arg4[%parallel_loop3A_2558] {strides = array<i32>} : memref<32768xf32, #tpu.memory_space<vmem>>, vector<16xf32>,
      %parallel_loop3A_2560 = vector.shape_cast %parallel_loop3A_2559 : vector<16xf32> to vector<16xf32>
      %parallel_loop3A_2561 = vector.shape_cast %parallel_loop3A_2546 : vector<16xf32> to vector<16xf32>
      tpu.vector_store %arg4[%parallel_loop3A_2558], %parallel_loop3A_2561 {strides = array<i32>} : memref<32768xf32, #tpu.memory_space<vmem>>, vector<16xf32>,
      %parallel_loop3A_2562 = arith.index_cast %parallel_loop3A_2493 : i32 to index
      %parallel_loop3A_2563 = tpu.vector_load %arg4[%parallel_loop3A_2562] {strides = array<i32>} : memref<32768xf32, #tpu.memory_space<vmem>>, vector<16xf32>,
      %parallel_loop3A_2564 = vector.shape_cast %parallel_loop3A_2563 : vector<16xf32> to vector<16xf32>
      %parallel_loop3A_2565 = vector.shape_cast %parallel_loop3A_2548 : vector<16xf32> to vector<16xf32>
      tpu.vector_store %arg4[%parallel_loop3A_2562], %parallel_loop3A_2565 {strides = array<i32>} : memref<32768xf32, #tpu.memory_space<vmem>>, vector<16xf32>,
      %parallel_loop3A_2566 = arith.index_cast %parallel_loop3A_2495 : i32 to index
      %parallel_loop3A_2567 = tpu.vector_load %arg4[%parallel_loop3A_2566] {strides = array<i32>} : memref<32768xf32, #tpu.memory_space<vmem>>, vector<16xf32>,
      %parallel_loop3A_2568 = vector.shape_cast %parallel_loop3A_2567 : vector<16xf32> to vector<16xf32>
      %parallel_loop3A_2569 = vector.shape_cast %parallel_loop3A_2543 : vector<16xf32> to vector<16xf32>
      tpu.vector_store %arg4[%parallel_loop3A_2566], %parallel_loop3A_2569 {strides = array<i32>} : memref<32768xf32, #tpu.memory_space<vmem>>, vector<16xf32>,
      %parallel_loop3A_2570 = arith.index_cast %parallel_loop3A_2497 : i32 to index
      %parallel_loop3A_2571 = tpu.vector_load %arg4[%parallel_loop3A_2570] {strides = array<i32>} : memref<32768xf32, #tpu.memory_space<vmem>>, vector<16xf32>,
      %parallel_loop3A_2572 = vector.shape_cast %parallel_loop3A_2571 : vector<16xf32> to vector<16xf32>
      %parallel_loop3A_2573 = vector.shape_cast %parallel_loop3A_2545 : vector<16xf32> to vector<16xf32>
      tpu.vector_store %arg4[%parallel_loop3A_2570], %parallel_loop3A_2573 {strides = array<i32>} : memref<32768xf32, #tpu.memory_space<vmem>>, vector<16xf32>,
      %parallel_loop3A_2574 = arith.index_cast %parallel_loop3A_2499 : i32 to index
      %parallel_loop3A_2575 = tpu.vector_load %arg4[%parallel_loop3A_2574] {strides = array<i32>} : memref<32768xf32, #tpu.memory_space<vmem>>, vector<16xf32>,
      %parallel_loop3A_2576 = vector.shape_cast %parallel_loop3A_2575 : vector<16xf32> to vector<16xf32>
      %parallel_loop3A_2577 = vector.shape_cast %parallel_loop3A_2547 : vector<16xf32> to vector<16xf32>
      tpu.vector_store %arg4[%parallel_loop3A_2574], %parallel_loop3A_2577 {strides = array<i32>} : memref<32768xf32, #tpu.memory_space<vmem>>, vector<16xf32>,
      %parallel_loop3A_2578 = arith.index_cast %parallel_loop3A_2501 : i32 to index
      %parallel_loop3A_2579 = tpu.vector_load %arg4[%parallel_loop3A_2578] {strides = array<i32>} : memref<32768xf32, #tpu.memory_space<vmem>>, vector<16xf32>,
      %parallel_loop3A_2580 = vector.shape_cast %parallel_loop3A_2579 : vector<16xf32> to vector<16xf32>
      %parallel_loop3A_2581 = vector.shape_cast %parallel_loop3A_2549 : vector<16xf32> to vector<16xf32>
      tpu.vector_store %arg4[%parallel_loop3A_2578], %parallel_loop3A_2581 {strides = array<i32>} : memref<32768xf32, #tpu.memory_space<vmem>>, vector<16xf32>,
      %parallel_loop3A_2582 = arith.constant 96 : i32
      %parallel_loop3A_2583 = arith.addi %parallel_loop3A_69, %parallel_loop3A_2582 : i32
      %parallel_loop3A_2584 = arith.constant 224 : i32
      %parallel_loop3A_2585 = arith.addi %parallel_loop3A_69, %parallel_loop3A_2584 : i32
      %parallel_loop3A_2586 = arith.constant 352 : i32
      %parallel_loop3A_2587 = arith.addi %parallel_loop3A_69, %parallel_loop3A_2586 : i32
      %parallel_loop3A_2588 = arith.constant 480 : i32
      %parallel_loop3A_2589 = arith.addi %parallel_loop3A_69, %parallel_loop3A_2588 : i32
      %parallel_loop3A_2590 = arith.constant 608 : i32
      %parallel_loop3A_2591 = arith.addi %parallel_loop3A_69, %parallel_loop3A_2590 : i32
      %parallel_loop3A_2592 = arith.constant 736 : i32
      %parallel_loop3A_2593 = arith.addi %parallel_loop3A_69, %parallel_loop3A_2592 : i32
      %parallel_loop3A_2594 = arith.constant 864 : i32
      %parallel_loop3A_2595 = arith.addi %parallel_loop3A_69, %parallel_loop3A_2594 : i32
      %parallel_loop3A_2596 = arith.constant 992 : i32
      %parallel_loop3A_2597 = arith.addi %parallel_loop3A_69, %parallel_loop3A_2596 : i32
      %parallel_loop3A_2598 = arith.index_cast %parallel_loop3A_2583 : i32 to index
      %parallel_loop3A_2599 = tpu.vector_load %arg4[%parallel_loop3A_2598] {strides = array<i32>} : memref<32768xf32, #tpu.memory_space<vmem>>, vector<16xf32>,
      %parallel_loop3A_2600 = vector.shape_cast %parallel_loop3A_2599 : vector<16xf32> to vector<16xf32>
      %parallel_loop3A_2601 = arith.index_cast %parallel_loop3A_2585 : i32 to index
      %parallel_loop3A_2602 = tpu.vector_load %arg4[%parallel_loop3A_2601] {strides = array<i32>} : memref<32768xf32, #tpu.memory_space<vmem>>, vector<16xf32>,
      %parallel_loop3A_2603 = vector.shape_cast %parallel_loop3A_2602 : vector<16xf32> to vector<16xf32>
      %parallel_loop3A_2604 = arith.index_cast %parallel_loop3A_2587 : i32 to index
      %parallel_loop3A_2605 = tpu.vector_load %arg4[%parallel_loop3A_2604] {strides = array<i32>} : memref<32768xf32, #tpu.memory_space<vmem>>, vector<16xf32>,
      %parallel_loop3A_2606 = vector.shape_cast %parallel_loop3A_2605 : vector<16xf32> to vector<16xf32>
      %parallel_loop3A_2607 = arith.index_cast %parallel_loop3A_2589 : i32 to index
      %parallel_loop3A_2608 = tpu.vector_load %arg4[%parallel_loop3A_2607] {strides = array<i32>} : memref<32768xf32, #tpu.memory_space<vmem>>, vector<16xf32>,
      %parallel_loop3A_2609 = vector.shape_cast %parallel_loop3A_2608 : vector<16xf32> to vector<16xf32>
      %parallel_loop3A_2610 = arith.index_cast %parallel_loop3A_2591 : i32 to index
      %parallel_loop3A_2611 = tpu.vector_load %arg4[%parallel_loop3A_2610] {strides = array<i32>} : memref<32768xf32, #tpu.memory_space<vmem>>, vector<16xf32>,
      %parallel_loop3A_2612 = vector.shape_cast %parallel_loop3A_2611 : vector<16xf32> to vector<16xf32>
      %parallel_loop3A_2613 = arith.index_cast %parallel_loop3A_2593 : i32 to index
      %parallel_loop3A_2614 = tpu.vector_load %arg4[%parallel_loop3A_2613] {strides = array<i32>} : memref<32768xf32, #tpu.memory_space<vmem>>, vector<16xf32>,
      %parallel_loop3A_2615 = vector.shape_cast %parallel_loop3A_2614 : vector<16xf32> to vector<16xf32>
      %parallel_loop3A_2616 = arith.index_cast %parallel_loop3A_2595 : i32 to index
      %parallel_loop3A_2617 = tpu.vector_load %arg4[%parallel_loop3A_2616] {strides = array<i32>} : memref<32768xf32, #tpu.memory_space<vmem>>, vector<16xf32>,
      %parallel_loop3A_2618 = vector.shape_cast %parallel_loop3A_2617 : vector<16xf32> to vector<16xf32>
      %parallel_loop3A_2619 = arith.index_cast %parallel_loop3A_2597 : i32 to index
      %parallel_loop3A_2620 = tpu.vector_load %arg4[%parallel_loop3A_2619] {strides = array<i32>} : memref<32768xf32, #tpu.memory_space<vmem>>, vector<16xf32>,
      %parallel_loop3A_2621 = vector.shape_cast %parallel_loop3A_2620 : vector<16xf32> to vector<16xf32>
      %parallel_loop3A_2622 = arith.addf %parallel_loop3A_2600, %parallel_loop3A_2603 : vector<16xf32>
      %parallel_loop3A_2623 = arith.subf %parallel_loop3A_2600, %parallel_loop3A_2603 : vector<16xf32>
      %parallel_loop3A_2624 = arith.addf %parallel_loop3A_2606, %parallel_loop3A_2609 : vector<16xf32>
      %parallel_loop3A_2625 = arith.subf %parallel_loop3A_2606, %parallel_loop3A_2609 : vector<16xf32>
      %parallel_loop3A_2626 = arith.addf %parallel_loop3A_2612, %parallel_loop3A_2615 : vector<16xf32>
      %parallel_loop3A_2627 = arith.subf %parallel_loop3A_2612, %parallel_loop3A_2615 : vector<16xf32>
      %parallel_loop3A_2628 = arith.addf %parallel_loop3A_2618, %parallel_loop3A_2621 : vector<16xf32>
      %parallel_loop3A_2629 = arith.subf %parallel_loop3A_2618, %parallel_loop3A_2621 : vector<16xf32>
      %parallel_loop3A_2630 = arith.addf %parallel_loop3A_2622, %parallel_loop3A_2624 : vector<16xf32>
      %parallel_loop3A_2631 = arith.subf %parallel_loop3A_2622, %parallel_loop3A_2624 : vector<16xf32>
      %parallel_loop3A_2632 = arith.addf %parallel_loop3A_2623, %parallel_loop3A_2625 : vector<16xf32>
      %parallel_loop3A_2633 = arith.subf %parallel_loop3A_2623, %parallel_loop3A_2625 : vector<16xf32>
      %parallel_loop3A_2634 = arith.addf %parallel_loop3A_2626, %parallel_loop3A_2628 : vector<16xf32>
      %parallel_loop3A_2635 = arith.subf %parallel_loop3A_2626, %parallel_loop3A_2628 : vector<16xf32>
      %parallel_loop3A_2636 = arith.addf %parallel_loop3A_2627, %parallel_loop3A_2629 : vector<16xf32>
      %parallel_loop3A_2637 = arith.subf %parallel_loop3A_2627, %parallel_loop3A_2629 : vector<16xf32>
      %parallel_loop3A_2638 = arith.addf %parallel_loop3A_2630, %parallel_loop3A_2634 : vector<16xf32>
      %parallel_loop3A_2639 = arith.subf %parallel_loop3A_2630, %parallel_loop3A_2634 : vector<16xf32>
      %parallel_loop3A_2640 = arith.addf %parallel_loop3A_2632, %parallel_loop3A_2636 : vector<16xf32>
      %parallel_loop3A_2641 = arith.subf %parallel_loop3A_2632, %parallel_loop3A_2636 : vector<16xf32>
      %parallel_loop3A_2642 = arith.addf %parallel_loop3A_2631, %parallel_loop3A_2635 : vector<16xf32>
      %parallel_loop3A_2643 = arith.subf %parallel_loop3A_2631, %parallel_loop3A_2635 : vector<16xf32>
      %parallel_loop3A_2644 = arith.addf %parallel_loop3A_2633, %parallel_loop3A_2637 : vector<16xf32>
      %parallel_loop3A_2645 = arith.subf %parallel_loop3A_2633, %parallel_loop3A_2637 : vector<16xf32>
      %parallel_loop3A_2646 = arith.index_cast %parallel_loop3A_2583 : i32 to index
      %parallel_loop3A_2647 = tpu.vector_load %arg4[%parallel_loop3A_2646] {strides = array<i32>} : memref<32768xf32, #tpu.memory_space<vmem>>, vector<16xf32>,
      %parallel_loop3A_2648 = vector.shape_cast %parallel_loop3A_2647 : vector<16xf32> to vector<16xf32>
      %parallel_loop3A_2649 = vector.shape_cast %parallel_loop3A_2638 : vector<16xf32> to vector<16xf32>
      tpu.vector_store %arg4[%parallel_loop3A_2646], %parallel_loop3A_2649 {strides = array<i32>} : memref<32768xf32, #tpu.memory_space<vmem>>, vector<16xf32>,
      %parallel_loop3A_2650 = arith.index_cast %parallel_loop3A_2585 : i32 to index
      %parallel_loop3A_2651 = tpu.vector_load %arg4[%parallel_loop3A_2650] {strides = array<i32>} : memref<32768xf32, #tpu.memory_space<vmem>>, vector<16xf32>,
      %parallel_loop3A_2652 = vector.shape_cast %parallel_loop3A_2651 : vector<16xf32> to vector<16xf32>
      %parallel_loop3A_2653 = vector.shape_cast %parallel_loop3A_2640 : vector<16xf32> to vector<16xf32>
      tpu.vector_store %arg4[%parallel_loop3A_2650], %parallel_loop3A_2653 {strides = array<i32>} : memref<32768xf32, #tpu.memory_space<vmem>>, vector<16xf32>,
      %parallel_loop3A_2654 = arith.index_cast %parallel_loop3A_2587 : i32 to index
      %parallel_loop3A_2655 = tpu.vector_load %arg4[%parallel_loop3A_2654] {strides = array<i32>} : memref<32768xf32, #tpu.memory_space<vmem>>, vector<16xf32>,
      %parallel_loop3A_2656 = vector.shape_cast %parallel_loop3A_2655 : vector<16xf32> to vector<16xf32>
      %parallel_loop3A_2657 = vector.shape_cast %parallel_loop3A_2642 : vector<16xf32> to vector<16xf32>
      tpu.vector_store %arg4[%parallel_loop3A_2654], %parallel_loop3A_2657 {strides = array<i32>} : memref<32768xf32, #tpu.memory_space<vmem>>, vector<16xf32>,
      %parallel_loop3A_2658 = arith.index_cast %parallel_loop3A_2589 : i32 to index
      %parallel_loop3A_2659 = tpu.vector_load %arg4[%parallel_loop3A_2658] {strides = array<i32>} : memref<32768xf32, #tpu.memory_space<vmem>>, vector<16xf32>,
      %parallel_loop3A_2660 = vector.shape_cast %parallel_loop3A_2659 : vector<16xf32> to vector<16xf32>
      %parallel_loop3A_2661 = vector.shape_cast %parallel_loop3A_2644 : vector<16xf32> to vector<16xf32>
      tpu.vector_store %arg4[%parallel_loop3A_2658], %parallel_loop3A_2661 {strides = array<i32>} : memref<32768xf32, #tpu.memory_space<vmem>>, vector<16xf32>,
      %parallel_loop3A_2662 = arith.index_cast %parallel_loop3A_2591 : i32 to index
      %parallel_loop3A_2663 = tpu.vector_load %arg4[%parallel_loop3A_2662] {strides = array<i32>} : memref<32768xf32, #tpu.memory_space<vmem>>, vector<16xf32>,
      %parallel_loop3A_2664 = vector.shape_cast %parallel_loop3A_2663 : vector<16xf32> to vector<16xf32>
      %parallel_loop3A_2665 = vector.shape_cast %parallel_loop3A_2639 : vector<16xf32> to vector<16xf32>
      tpu.vector_store %arg4[%parallel_loop3A_2662], %parallel_loop3A_2665 {strides = array<i32>} : memref<32768xf32, #tpu.memory_space<vmem>>, vector<16xf32>,
      %parallel_loop3A_2666 = arith.index_cast %parallel_loop3A_2593 : i32 to index
      %parallel_loop3A_2667 = tpu.vector_load %arg4[%parallel_loop3A_2666] {strides = array<i32>} : memref<32768xf32, #tpu.memory_space<vmem>>, vector<16xf32>,
      %parallel_loop3A_2668 = vector.shape_cast %parallel_loop3A_2667 : vector<16xf32> to vector<16xf32>
      %parallel_loop3A_2669 = vector.shape_cast %parallel_loop3A_2641 : vector<16xf32> to vector<16xf32>
      tpu.vector_store %arg4[%parallel_loop3A_2666], %parallel_loop3A_2669 {strides = array<i32>} : memref<32768xf32, #tpu.memory_space<vmem>>, vector<16xf32>,
      %parallel_loop3A_2670 = arith.index_cast %parallel_loop3A_2595 : i32 to index
      %parallel_loop3A_2671 = tpu.vector_load %arg4[%parallel_loop3A_2670] {strides = array<i32>} : memref<32768xf32, #tpu.memory_space<vmem>>, vector<16xf32>,
      %parallel_loop3A_2672 = vector.shape_cast %parallel_loop3A_2671 : vector<16xf32> to vector<16xf32>
      %parallel_loop3A_2673 = vector.shape_cast %parallel_loop3A_2643 : vector<16xf32> to vector<16xf32>
      tpu.vector_store %arg4[%parallel_loop3A_2670], %parallel_loop3A_2673 {strides = array<i32>} : memref<32768xf32, #tpu.memory_space<vmem>>, vector<16xf32>,
      %parallel_loop3A_2674 = arith.index_cast %parallel_loop3A_2597 : i32 to index
      %parallel_loop3A_2675 = tpu.vector_load %arg4[%parallel_loop3A_2674] {strides = array<i32>} : memref<32768xf32, #tpu.memory_space<vmem>>, vector<16xf32>,
      %parallel_loop3A_2676 = vector.shape_cast %parallel_loop3A_2675 : vector<16xf32> to vector<16xf32>
      %parallel_loop3A_2677 = vector.shape_cast %parallel_loop3A_2645 : vector<16xf32> to vector<16xf32>
      tpu.vector_store %arg4[%parallel_loop3A_2674], %parallel_loop3A_2677 {strides = array<i32>} : memref<32768xf32, #tpu.memory_space<vmem>>, vector<16xf32>,
      %parallel_loop3A_2678 = arith.constant 112 : i32
      %parallel_loop3A_2679 = arith.addi %parallel_loop3A_69, %parallel_loop3A_2678 : i32
      %parallel_loop3A_2680 = arith.constant 240 : i32
      %parallel_loop3A_2681 = arith.addi %parallel_loop3A_69, %parallel_loop3A_2680 : i32
      %parallel_loop3A_2682 = arith.constant 368 : i32
      %parallel_loop3A_2683 = arith.addi %parallel_loop3A_69, %parallel_loop3A_2682 : i32
      %parallel_loop3A_2684 = arith.constant 496 : i32
      %parallel_loop3A_2685 = arith.addi %parallel_loop3A_69, %parallel_loop3A_2684 : i32
      %parallel_loop3A_2686 = arith.constant 624 : i32
      %parallel_loop3A_2687 = arith.addi %parallel_loop3A_69, %parallel_loop3A_2686 : i32
      %parallel_loop3A_2688 = arith.constant 752 : i32
      %parallel_loop3A_2689 = arith.addi %parallel_loop3A_69, %parallel_loop3A_2688 : i32
      %parallel_loop3A_2690 = arith.constant 880 : i32
      %parallel_loop3A_2691 = arith.addi %parallel_loop3A_69, %parallel_loop3A_2690 : i32
      %parallel_loop3A_2692 = arith.constant 1008 : i32
      %parallel_loop3A_2693 = arith.addi %parallel_loop3A_69, %parallel_loop3A_2692 : i32
      %parallel_loop3A_2694 = arith.index_cast %parallel_loop3A_2679 : i32 to index
      %parallel_loop3A_2695 = tpu.vector_load %arg4[%parallel_loop3A_2694] {strides = array<i32>} : memref<32768xf32, #tpu.memory_space<vmem>>, vector<16xf32>,
      %parallel_loop3A_2696 = vector.shape_cast %parallel_loop3A_2695 : vector<16xf32> to vector<16xf32>
      %parallel_loop3A_2697 = arith.index_cast %parallel_loop3A_2681 : i32 to index
      %parallel_loop3A_2698 = tpu.vector_load %arg4[%parallel_loop3A_2697] {strides = array<i32>} : memref<32768xf32, #tpu.memory_space<vmem>>, vector<16xf32>,
      %parallel_loop3A_2699 = vector.shape_cast %parallel_loop3A_2698 : vector<16xf32> to vector<16xf32>
      %parallel_loop3A_2700 = arith.index_cast %parallel_loop3A_2683 : i32 to index
      %parallel_loop3A_2701 = tpu.vector_load %arg4[%parallel_loop3A_2700] {strides = array<i32>} : memref<32768xf32, #tpu.memory_space<vmem>>, vector<16xf32>,
      %parallel_loop3A_2702 = vector.shape_cast %parallel_loop3A_2701 : vector<16xf32> to vector<16xf32>
      %parallel_loop3A_2703 = arith.index_cast %parallel_loop3A_2685 : i32 to index
      %parallel_loop3A_2704 = tpu.vector_load %arg4[%parallel_loop3A_2703] {strides = array<i32>} : memref<32768xf32, #tpu.memory_space<vmem>>, vector<16xf32>,
      %parallel_loop3A_2705 = vector.shape_cast %parallel_loop3A_2704 : vector<16xf32> to vector<16xf32>
      %parallel_loop3A_2706 = arith.index_cast %parallel_loop3A_2687 : i32 to index
      %parallel_loop3A_2707 = tpu.vector_load %arg4[%parallel_loop3A_2706] {strides = array<i32>} : memref<32768xf32, #tpu.memory_space<vmem>>, vector<16xf32>,
      %parallel_loop3A_2708 = vector.shape_cast %parallel_loop3A_2707 : vector<16xf32> to vector<16xf32>
      %parallel_loop3A_2709 = arith.index_cast %parallel_loop3A_2689 : i32 to index
      %parallel_loop3A_2710 = tpu.vector_load %arg4[%parallel_loop3A_2709] {strides = array<i32>} : memref<32768xf32, #tpu.memory_space<vmem>>, vector<16xf32>,
      %parallel_loop3A_2711 = vector.shape_cast %parallel_loop3A_2710 : vector<16xf32> to vector<16xf32>
      %parallel_loop3A_2712 = arith.index_cast %parallel_loop3A_2691 : i32 to index
      %parallel_loop3A_2713 = tpu.vector_load %arg4[%parallel_loop3A_2712] {strides = array<i32>} : memref<32768xf32, #tpu.memory_space<vmem>>, vector<16xf32>,
      %parallel_loop3A_2714 = vector.shape_cast %parallel_loop3A_2713 : vector<16xf32> to vector<16xf32>
      %parallel_loop3A_2715 = arith.index_cast %parallel_loop3A_2693 : i32 to index
      %parallel_loop3A_2716 = tpu.vector_load %arg4[%parallel_loop3A_2715] {strides = array<i32>} : memref<32768xf32, #tpu.memory_space<vmem>>, vector<16xf32>,
      %parallel_loop3A_2717 = vector.shape_cast %parallel_loop3A_2716 : vector<16xf32> to vector<16xf32>
      %parallel_loop3A_2718 = arith.addf %parallel_loop3A_2696, %parallel_loop3A_2699 : vector<16xf32>
      %parallel_loop3A_2719 = arith.subf %parallel_loop3A_2696, %parallel_loop3A_2699 : vector<16xf32>
      %parallel_loop3A_2720 = arith.addf %parallel_loop3A_2702, %parallel_loop3A_2705 : vector<16xf32>
      %parallel_loop3A_2721 = arith.subf %parallel_loop3A_2702, %parallel_loop3A_2705 : vector<16xf32>
      %parallel_loop3A_2722 = arith.addf %parallel_loop3A_2708, %parallel_loop3A_2711 : vector<16xf32>
      %parallel_loop3A_2723 = arith.subf %parallel_loop3A_2708, %parallel_loop3A_2711 : vector<16xf32>
      %parallel_loop3A_2724 = arith.addf %parallel_loop3A_2714, %parallel_loop3A_2717 : vector<16xf32>
      %parallel_loop3A_2725 = arith.subf %parallel_loop3A_2714, %parallel_loop3A_2717 : vector<16xf32>
      %parallel_loop3A_2726 = arith.addf %parallel_loop3A_2718, %parallel_loop3A_2720 : vector<16xf32>
      %parallel_loop3A_2727 = arith.subf %parallel_loop3A_2718, %parallel_loop3A_2720 : vector<16xf32>
      %parallel_loop3A_2728 = arith.addf %parallel_loop3A_2719, %parallel_loop3A_2721 : vector<16xf32>
      %parallel_loop3A_2729 = arith.subf %parallel_loop3A_2719, %parallel_loop3A_2721 : vector<16xf32>
      %parallel_loop3A_2730 = arith.addf %parallel_loop3A_2722, %parallel_loop3A_2724 : vector<16xf32>
      %parallel_loop3A_2731 = arith.subf %parallel_loop3A_2722, %parallel_loop3A_2724 : vector<16xf32>
      %parallel_loop3A_2732 = arith.addf %parallel_loop3A_2723, %parallel_loop3A_2725 : vector<16xf32>
      %parallel_loop3A_2733 = arith.subf %parallel_loop3A_2723, %parallel_loop3A_2725 : vector<16xf32>
      %parallel_loop3A_2734 = arith.addf %parallel_loop3A_2726, %parallel_loop3A_2730 : vector<16xf32>
      %parallel_loop3A_2735 = arith.subf %parallel_loop3A_2726, %parallel_loop3A_2730 : vector<16xf32>
      %parallel_loop3A_2736 = arith.addf %parallel_loop3A_2728, %parallel_loop3A_2732 : vector<16xf32>
      %parallel_loop3A_2737 = arith.subf %parallel_loop3A_2728, %parallel_loop3A_2732 : vector<16xf32>
      %parallel_loop3A_2738 = arith.addf %parallel_loop3A_2727, %parallel_loop3A_2731 : vector<16xf32>
      %parallel_loop3A_2739 = arith.subf %parallel_loop3A_2727, %parallel_loop3A_2731 : vector<16xf32>
      %parallel_loop3A_2740 = arith.addf %parallel_loop3A_2729, %parallel_loop3A_2733 : vector<16xf32>
      %parallel_loop3A_2741 = arith.subf %parallel_loop3A_2729, %parallel_loop3A_2733 : vector<16xf32>
      %parallel_loop3A_2742 = arith.index_cast %parallel_loop3A_2679 : i32 to index
      %parallel_loop3A_2743 = tpu.vector_load %arg4[%parallel_loop3A_2742] {strides = array<i32>} : memref<32768xf32, #tpu.memory_space<vmem>>, vector<16xf32>,
      %parallel_loop3A_2744 = vector.shape_cast %parallel_loop3A_2743 : vector<16xf32> to vector<16xf32>
      %parallel_loop3A_2745 = vector.shape_cast %parallel_loop3A_2734 : vector<16xf32> to vector<16xf32>
      tpu.vector_store %arg4[%parallel_loop3A_2742], %parallel_loop3A_2745 {strides = array<i32>} : memref<32768xf32, #tpu.memory_space<vmem>>, vector<16xf32>,
      %parallel_loop3A_2746 = arith.index_cast %parallel_loop3A_2681 : i32 to index
      %parallel_loop3A_2747 = tpu.vector_load %arg4[%parallel_loop3A_2746] {strides = array<i32>} : memref<32768xf32, #tpu.memory_space<vmem>>, vector<16xf32>,
      %parallel_loop3A_2748 = vector.shape_cast %parallel_loop3A_2747 : vector<16xf32> to vector<16xf32>
      %parallel_loop3A_2749 = vector.shape_cast %parallel_loop3A_2736 : vector<16xf32> to vector<16xf32>
      tpu.vector_store %arg4[%parallel_loop3A_2746], %parallel_loop3A_2749 {strides = array<i32>} : memref<32768xf32, #tpu.memory_space<vmem>>, vector<16xf32>,
      %parallel_loop3A_2750 = arith.index_cast %parallel_loop3A_2683 : i32 to index
      %parallel_loop3A_2751 = tpu.vector_load %arg4[%parallel_loop3A_2750] {strides = array<i32>} : memref<32768xf32, #tpu.memory_space<vmem>>, vector<16xf32>,
      %parallel_loop3A_2752 = vector.shape_cast %parallel_loop3A_2751 : vector<16xf32> to vector<16xf32>
      %parallel_loop3A_2753 = vector.shape_cast %parallel_loop3A_2738 : vector<16xf32> to vector<16xf32>
      tpu.vector_store %arg4[%parallel_loop3A_2750], %parallel_loop3A_2753 {strides = array<i32>} : memref<32768xf32, #tpu.memory_space<vmem>>, vector<16xf32>,
      %parallel_loop3A_2754 = arith.index_cast %parallel_loop3A_2685 : i32 to index
      %parallel_loop3A_2755 = tpu.vector_load %arg4[%parallel_loop3A_2754] {strides = array<i32>} : memref<32768xf32, #tpu.memory_space<vmem>>, vector<16xf32>,
      %parallel_loop3A_2756 = vector.shape_cast %parallel_loop3A_2755 : vector<16xf32> to vector<16xf32>
      %parallel_loop3A_2757 = vector.shape_cast %parallel_loop3A_2740 : vector<16xf32> to vector<16xf32>
      tpu.vector_store %arg4[%parallel_loop3A_2754], %parallel_loop3A_2757 {strides = array<i32>} : memref<32768xf32, #tpu.memory_space<vmem>>, vector<16xf32>,
      %parallel_loop3A_2758 = arith.index_cast %parallel_loop3A_2687 : i32 to index
      %parallel_loop3A_2759 = tpu.vector_load %arg4[%parallel_loop3A_2758] {strides = array<i32>} : memref<32768xf32, #tpu.memory_space<vmem>>, vector<16xf32>,
      %parallel_loop3A_2760 = vector.shape_cast %parallel_loop3A_2759 : vector<16xf32> to vector<16xf32>
      %parallel_loop3A_2761 = vector.shape_cast %parallel_loop3A_2735 : vector<16xf32> to vector<16xf32>
      tpu.vector_store %arg4[%parallel_loop3A_2758], %parallel_loop3A_2761 {strides = array<i32>} : memref<32768xf32, #tpu.memory_space<vmem>>, vector<16xf32>,
      %parallel_loop3A_2762 = arith.index_cast %parallel_loop3A_2689 : i32 to index
      %parallel_loop3A_2763 = tpu.vector_load %arg4[%parallel_loop3A_2762] {strides = array<i32>} : memref<32768xf32, #tpu.memory_space<vmem>>, vector<16xf32>,
      %parallel_loop3A_2764 = vector.shape_cast %parallel_loop3A_2763 : vector<16xf32> to vector<16xf32>
      %parallel_loop3A_2765 = vector.shape_cast %parallel_loop3A_2737 : vector<16xf32> to vector<16xf32>
      tpu.vector_store %arg4[%parallel_loop3A_2762], %parallel_loop3A_2765 {strides = array<i32>} : memref<32768xf32, #tpu.memory_space<vmem>>, vector<16xf32>,
      %parallel_loop3A_2766 = arith.index_cast %parallel_loop3A_2691 : i32 to index
      %parallel_loop3A_2767 = tpu.vector_load %arg4[%parallel_loop3A_2766] {strides = array<i32>} : memref<32768xf32, #tpu.memory_space<vmem>>, vector<16xf32>,
      %parallel_loop3A_2768 = vector.shape_cast %parallel_loop3A_2767 : vector<16xf32> to vector<16xf32>
      %parallel_loop3A_2769 = vector.shape_cast %parallel_loop3A_2739 : vector<16xf32> to vector<16xf32>
      tpu.vector_store %arg4[%parallel_loop3A_2766], %parallel_loop3A_2769 {strides = array<i32>} : memref<32768xf32, #tpu.memory_space<vmem>>, vector<16xf32>,
      %parallel_loop3A_2770 = arith.index_cast %parallel_loop3A_2693 : i32 to index
      %parallel_loop3A_2771 = tpu.vector_load %arg4[%parallel_loop3A_2770] {strides = array<i32>} : memref<32768xf32, #tpu.memory_space<vmem>>, vector<16xf32>,
      %parallel_loop3A_2772 = vector.shape_cast %parallel_loop3A_2771 : vector<16xf32> to vector<16xf32>
      %parallel_loop3A_2773 = vector.shape_cast %parallel_loop3A_2741 : vector<16xf32> to vector<16xf32>
      tpu.vector_store %arg4[%parallel_loop3A_2770], %parallel_loop3A_2773 {strides = array<i32>} : memref<32768xf32, #tpu.memory_space<vmem>>, vector<16xf32>,
    } {sc.loop_unroll_factor = 2 : i64, sc.parallel_access}
    "tpu.region"() ({
      %run_scoped3A = tpu.sem_alloc : memref<!tpu.dma_semaphore, #tpu.memory_space<semaphore_mem>>
      %dma_start3A = tpu.memref_slice %arg3[%mul3A_2] : memref<1048576xf32, #tpu.memory_space<hbm>> -> memref<32768xf32, #tpu.memory_space<hbm>>
      %dma_start3A_67 = tpu.memref_slice %arg3[%mul3A_2] : memref<1048576xf32, #tpu.memory_space<hbm>> -> memref<32768xf32, #tpu.memory_space<hbm>>
      tpu.enqueue_dma source(%arg4 : memref<32768xf32, #tpu.memory_space<vmem>>) target(%dma_start3A_67 : memref<32768xf32, #tpu.memory_space<hbm>>) target_semaphore(%run_scoped3A : memref<!tpu.dma_semaphore, #tpu.memory_space<semaphore_mem>>)
      %dma_wait3A = tpu.memref_slice %arg3[%mul3A_2] : memref<1048576xf32, #tpu.memory_space<hbm>> -> memref<32768xf32, #tpu.memory_space<hbm>>
      %dma_wait3A_68 = tpu.memref_slice %arg3[%mul3A_2] : memref<1048576xf32, #tpu.memory_space<hbm>> -> memref<32768xf32, #tpu.memory_space<hbm>>
      tpu.wait_dma2 semaphore(%run_scoped3A : memref<!tpu.dma_semaphore, #tpu.memory_space<semaphore_mem>>) src(%arg4 : memref<32768xf32, #tpu.memory_space<vmem>>) dst(%dma_wait3A_68 : memref<32768xf32, #tpu.memory_space<hbm>>)
      tpu.yield
    }) : () -> ()
    return
  }
}

module attributes {stable_mosaic.version = 14 : i64} {
  func.func @_fwht_block(%arg0: i32, %arg1: memref<1536x1024xf32, #tpu.memory_space<vmem>>, %arg2: memref<128x128xf32, #tpu.memory_space<vmem>>, %arg3: memref<1536x1024xf32, #tpu.memory_space<vmem>>) attributes {dimension_semantics = [#tpu.dimension_semantics<parallel>], iteration_bounds = array<i64: 2>, scalar_prefetch = 0 : i64, scratch_operands = 0 : i64, tpu.core_type = #tpu.core_type<tc>, window_params = [{transform_indices = @transform_0, window_bounds = array<i64: 1536, 1024>}, {pipeline_mode = #tpu.pipeline_mode<synchronous>, transform_indices = @transform_1, window_bounds = array<i64: 128, 128>}, {transform_indices = @transform_2, window_bounds = array<i64: 1536, 1024>}]} {
    %get3A = arith.constant 0 : index
    %get3A_0 = arith.constant 0 : index
    %get3A_1 = vector.load %arg2[%get3A, %get3A_0] : memref<128x128xf32, #tpu.memory_space<vmem>>, vector<128x128xf32>
    %get3A_2 = arith.constant 0 : index
    %get3A_3 = arith.constant 0 : index
    %get3A_4 = vector.load %arg1[%get3A_2, %get3A_3] : memref<1536x1024xf32, #tpu.memory_space<vmem>>, vector<1536x128xf32>
    %dot_general3A = arith.constant dense<0.000000e+00> : vector<1536x128xf32>
    %dot_general3A_5 = tpu.matmul %get3A_4, %get3A_1, %dot_general3A {dimension_numbers = #tpu.dot_dimension_numbers<[1], [0], [0], [1], [0, 0, 1, 1], [], []>, transpose_lhs_hint = false} : vector<1536x128xf32>, vector<128x128xf32>, vector<1536x128xf32> -> vector<1536x128xf32>
    %get3A_6 = arith.constant 0 : index
    %get3A_7 = arith.constant 128 : index
    %get3A_8 = vector.load %arg1[%get3A_6, %get3A_7] : memref<1536x1024xf32, #tpu.memory_space<vmem>>, vector<1536x128xf32>
    %dot_general3A_9 = arith.constant dense<0.000000e+00> : vector<1536x128xf32>
    %dot_general3A_10 = tpu.matmul %get3A_8, %get3A_1, %dot_general3A_9 {dimension_numbers = #tpu.dot_dimension_numbers<[1], [0], [0], [1], [0, 0, 1, 1], [], []>, transpose_lhs_hint = false} : vector<1536x128xf32>, vector<128x128xf32>, vector<1536x128xf32> -> vector<1536x128xf32>
    %get3A_11 = arith.constant 0 : index
    %get3A_12 = arith.constant 256 : index
    %get3A_13 = vector.load %arg1[%get3A_11, %get3A_12] : memref<1536x1024xf32, #tpu.memory_space<vmem>>, vector<1536x128xf32>
    %dot_general3A_14 = arith.constant dense<0.000000e+00> : vector<1536x128xf32>
    %dot_general3A_15 = tpu.matmul %get3A_13, %get3A_1, %dot_general3A_14 {dimension_numbers = #tpu.dot_dimension_numbers<[1], [0], [0], [1], [0, 0, 1, 1], [], []>, transpose_lhs_hint = false} : vector<1536x128xf32>, vector<128x128xf32>, vector<1536x128xf32> -> vector<1536x128xf32>
    %get3A_16 = arith.constant 0 : index
    %get3A_17 = arith.constant 384 : index
    %get3A_18 = vector.load %arg1[%get3A_16, %get3A_17] : memref<1536x1024xf32, #tpu.memory_space<vmem>>, vector<1536x128xf32>
    %dot_general3A_19 = arith.constant dense<0.000000e+00> : vector<1536x128xf32>
    %dot_general3A_20 = tpu.matmul %get3A_18, %get3A_1, %dot_general3A_19 {dimension_numbers = #tpu.dot_dimension_numbers<[1], [0], [0], [1], [0, 0, 1, 1], [], []>, transpose_lhs_hint = false} : vector<1536x128xf32>, vector<128x128xf32>, vector<1536x128xf32> -> vector<1536x128xf32>
    %get3A_21 = arith.constant 0 : index
    %get3A_22 = arith.constant 512 : index
    %get3A_23 = vector.load %arg1[%get3A_21, %get3A_22] : memref<1536x1024xf32, #tpu.memory_space<vmem>>, vector<1536x128xf32>
    %dot_general3A_24 = arith.constant dense<0.000000e+00> : vector<1536x128xf32>
    %dot_general3A_25 = tpu.matmul %get3A_23, %get3A_1, %dot_general3A_24 {dimension_numbers = #tpu.dot_dimension_numbers<[1], [0], [0], [1], [0, 0, 1, 1], [], []>, transpose_lhs_hint = false} : vector<1536x128xf32>, vector<128x128xf32>, vector<1536x128xf32> -> vector<1536x128xf32>
    %get3A_26 = arith.constant 0 : index
    %get3A_27 = arith.constant 640 : index
    %get3A_28 = vector.load %arg1[%get3A_26, %get3A_27] : memref<1536x1024xf32, #tpu.memory_space<vmem>>, vector<1536x128xf32>
    %dot_general3A_29 = arith.constant dense<0.000000e+00> : vector<1536x128xf32>
    %dot_general3A_30 = tpu.matmul %get3A_28, %get3A_1, %dot_general3A_29 {dimension_numbers = #tpu.dot_dimension_numbers<[1], [0], [0], [1], [0, 0, 1, 1], [], []>, transpose_lhs_hint = false} : vector<1536x128xf32>, vector<128x128xf32>, vector<1536x128xf32> -> vector<1536x128xf32>
    %get3A_31 = arith.constant 0 : index
    %get3A_32 = arith.constant 768 : index
    %get3A_33 = vector.load %arg1[%get3A_31, %get3A_32] : memref<1536x1024xf32, #tpu.memory_space<vmem>>, vector<1536x128xf32>
    %dot_general3A_34 = arith.constant dense<0.000000e+00> : vector<1536x128xf32>
    %dot_general3A_35 = tpu.matmul %get3A_33, %get3A_1, %dot_general3A_34 {dimension_numbers = #tpu.dot_dimension_numbers<[1], [0], [0], [1], [0, 0, 1, 1], [], []>, transpose_lhs_hint = false} : vector<1536x128xf32>, vector<128x128xf32>, vector<1536x128xf32> -> vector<1536x128xf32>
    %get3A_36 = arith.constant 0 : index
    %get3A_37 = arith.constant 896 : index
    %get3A_38 = vector.load %arg1[%get3A_36, %get3A_37] : memref<1536x1024xf32, #tpu.memory_space<vmem>>, vector<1536x128xf32>
    %dot_general3A_39 = arith.constant dense<0.000000e+00> : vector<1536x128xf32>
    %dot_general3A_40 = tpu.matmul %get3A_38, %get3A_1, %dot_general3A_39 {dimension_numbers = #tpu.dot_dimension_numbers<[1], [0], [0], [1], [0, 0, 1, 1], [], []>, transpose_lhs_hint = false} : vector<1536x128xf32>, vector<128x128xf32>, vector<1536x128xf32> -> vector<1536x128xf32>
    %add3A = arith.addf %dot_general3A_5, %dot_general3A_10 : vector<1536x128xf32>
    %sub3A = arith.subf %dot_general3A_5, %dot_general3A_10 : vector<1536x128xf32>
    %add3A_41 = arith.addf %dot_general3A_15, %dot_general3A_20 : vector<1536x128xf32>
    %sub3A_42 = arith.subf %dot_general3A_15, %dot_general3A_20 : vector<1536x128xf32>
    %add3A_43 = arith.addf %dot_general3A_25, %dot_general3A_30 : vector<1536x128xf32>
    %sub3A_44 = arith.subf %dot_general3A_25, %dot_general3A_30 : vector<1536x128xf32>
    %add3A_45 = arith.addf %dot_general3A_35, %dot_general3A_40 : vector<1536x128xf32>
    %sub3A_46 = arith.subf %dot_general3A_35, %dot_general3A_40 : vector<1536x128xf32>
    %add3A_47 = arith.addf %add3A, %add3A_41 : vector<1536x128xf32>
    %sub3A_48 = arith.subf %add3A, %add3A_41 : vector<1536x128xf32>
    %add3A_49 = arith.addf %sub3A, %sub3A_42 : vector<1536x128xf32>
    %sub3A_50 = arith.subf %sub3A, %sub3A_42 : vector<1536x128xf32>
    %add3A_51 = arith.addf %add3A_43, %add3A_45 : vector<1536x128xf32>
    %sub3A_52 = arith.subf %add3A_43, %add3A_45 : vector<1536x128xf32>
    %add3A_53 = arith.addf %sub3A_44, %sub3A_46 : vector<1536x128xf32>
    %sub3A_54 = arith.subf %sub3A_44, %sub3A_46 : vector<1536x128xf32>
    %add3A_55 = arith.addf %add3A_47, %add3A_51 : vector<1536x128xf32>
    %sub3A_56 = arith.subf %add3A_47, %add3A_51 : vector<1536x128xf32>
    %add3A_57 = arith.addf %add3A_49, %add3A_53 : vector<1536x128xf32>
    %sub3A_58 = arith.subf %add3A_49, %add3A_53 : vector<1536x128xf32>
    %add3A_59 = arith.addf %sub3A_48, %sub3A_52 : vector<1536x128xf32>
    %sub3A_60 = arith.subf %sub3A_48, %sub3A_52 : vector<1536x128xf32>
    %add3A_61 = arith.addf %sub3A_50, %sub3A_54 : vector<1536x128xf32>
    %sub3A_62 = arith.subf %sub3A_50, %sub3A_54 : vector<1536x128xf32>
    %swap3A = arith.constant 0 : index
    %swap3A_63 = arith.constant 0 : index
    %swap3A_64 = vector.load %arg3[%swap3A, %swap3A_63] : memref<1536x1024xf32, #tpu.memory_space<vmem>>, vector<1536x128xf32>
    tpu.vector_store %arg3[%swap3A, %swap3A_63], %add3A_55 {strides = array<i32>} : memref<1536x1024xf32, #tpu.memory_space<vmem>>, vector<1536x128xf32>,
    %swap3A_65 = arith.constant 0 : index
    %swap3A_66 = arith.constant 128 : index
    %swap3A_67 = vector.load %arg3[%swap3A_65, %swap3A_66] : memref<1536x1024xf32, #tpu.memory_space<vmem>>, vector<1536x128xf32>
    tpu.vector_store %arg3[%swap3A_65, %swap3A_66], %add3A_57 {strides = array<i32>} : memref<1536x1024xf32, #tpu.memory_space<vmem>>, vector<1536x128xf32>,
    %swap3A_68 = arith.constant 0 : index
    %swap3A_69 = arith.constant 256 : index
    %swap3A_70 = vector.load %arg3[%swap3A_68, %swap3A_69] : memref<1536x1024xf32, #tpu.memory_space<vmem>>, vector<1536x128xf32>
    tpu.vector_store %arg3[%swap3A_68, %swap3A_69], %add3A_59 {strides = array<i32>} : memref<1536x1024xf32, #tpu.memory_space<vmem>>, vector<1536x128xf32>,
    %swap3A_71 = arith.constant 0 : index
    %swap3A_72 = arith.constant 384 : index
    %swap3A_73 = vector.load %arg3[%swap3A_71, %swap3A_72] : memref<1536x1024xf32, #tpu.memory_space<vmem>>, vector<1536x128xf32>
    tpu.vector_store %arg3[%swap3A_71, %swap3A_72], %add3A_61 {strides = array<i32>} : memref<1536x1024xf32, #tpu.memory_space<vmem>>, vector<1536x128xf32>,
    %swap3A_74 = arith.constant 0 : index
    %swap3A_75 = arith.constant 512 : index
    %swap3A_76 = vector.load %arg3[%swap3A_74, %swap3A_75] : memref<1536x1024xf32, #tpu.memory_space<vmem>>, vector<1536x128xf32>
    tpu.vector_store %arg3[%swap3A_74, %swap3A_75], %sub3A_56 {strides = array<i32>} : memref<1536x1024xf32, #tpu.memory_space<vmem>>, vector<1536x128xf32>,
    %swap3A_77 = arith.constant 0 : index
    %swap3A_78 = arith.constant 640 : index
    %swap3A_79 = vector.load %arg3[%swap3A_77, %swap3A_78] : memref<1536x1024xf32, #tpu.memory_space<vmem>>, vector<1536x128xf32>
    tpu.vector_store %arg3[%swap3A_77, %swap3A_78], %sub3A_58 {strides = array<i32>} : memref<1536x1024xf32, #tpu.memory_space<vmem>>, vector<1536x128xf32>,
    %swap3A_80 = arith.constant 0 : index
    %swap3A_81 = arith.constant 768 : index
    %swap3A_82 = vector.load %arg3[%swap3A_80, %swap3A_81] : memref<1536x1024xf32, #tpu.memory_space<vmem>>, vector<1536x128xf32>
    tpu.vector_store %arg3[%swap3A_80, %swap3A_81], %sub3A_60 {strides = array<i32>} : memref<1536x1024xf32, #tpu.memory_space<vmem>>, vector<1536x128xf32>,
    %swap3A_83 = arith.constant 0 : index
    %swap3A_84 = arith.constant 896 : index
    %swap3A_85 = vector.load %arg3[%swap3A_83, %swap3A_84] : memref<1536x1024xf32, #tpu.memory_space<vmem>>, vector<1536x128xf32>
    tpu.vector_store %arg3[%swap3A_83, %swap3A_84], %sub3A_62 {strides = array<i32>} : memref<1536x1024xf32, #tpu.memory_space<vmem>>, vector<1536x128xf32>,
    return
  }
  func.func @transform_0(%arg0: i32) -> (i32, i32) {
    %c0_i32 = arith.constant 0 : i32
    %c0_i32_0 = arith.constant 0 : i32
    return %arg0, %c0_i32 : i32, i32
  }
  func.func @transform_1(%arg0: i32) -> (i32, i32) {
    %c0_i32 = arith.constant 0 : i32
    %c0_i32_0 = arith.constant 0 : i32
    %c0_i32_1 = arith.constant 0 : i32
    return %c0_i32, %c0_i32_0 : i32, i32
  }
  func.func @transform_2(%arg0: i32) -> (i32, i32) {
    %c0_i32 = arith.constant 0 : i32
    %c0_i32_0 = arith.constant 0 : i32
    return %arg0, %c0_i32 : i32, i32
  }
}

</mosaic_0001>

<sc_bundles>
// kernel: kernel.4.cloned.1.call-start
scs
__scs_entry_jumppad:
0x0: {  	(pc) =	sbr.rel $0x88, $3  }
0x1: {  	(tag) =	ssettag $0x0;
	lr =	simm.s32 $0x1  }
0x2: {  	[smem:$0x3FA0] =	sst lr;
	_ =	strace $0xD0000000  }
0x3: {  	_ = 	snop  }
0x4: {  	_ = 	snop  }
0x5: {  	_ = 	snop  }
0x6: {  	_ = 	snop  }
0x7: {  	_ = 	snop  }
__scs_overlays_trampoline_lowered:
0x8: {  	[smem:$0x3FAF] =	sst s0  }
0x9: {  	[smem:$0x3FB0] =	sst s1  }
0xa: {  	[smem:$0x3FB1] =	sst s2  }
0xb: {  	[smem:$0x3FB2] =	sst s3  }
0xc: {  	[smem:$0x3FB3] =	sst s4  }
0xd: {  	[smem:$0x3FB4] =	sst s5  }
0xe: {  	[smem:$0x3FB5] =	sst s6  }
0xf: {  	[smem:$0x3FB6] =	sst s7  }
0x10: {  	[smem:$0x3FB7] =	sst s8  }
0x11: {  	[smem:$0x3FB8] =	sst s9;
	s0 =	simm.s32 @!p0 $0x0  }
0x12: {  	s1 =	sld [smem:$0x3F9E];
	s0 =	simm.s32 @p0 $0x1  }
0x13: {  	[smem:$0x3FB9] =	sst s0;
	s0 =	simm.s32 @!p1 $0x0  }
0x14: {  	s2 =	sld [smem:$0x3F9D];
	s0 =	simm.s32 @p1 $0x1  }
0x15: {  	[smem:$0x3FBA] =	sst s0;
	s0 =	simm.s32 @!p2 $0x0  }
0x16: {  	s3 =	sld [smem:$0x3FDB];
	s0 =	simm.s32 @p2 $0x1  }
0x17: {  	s4 =	simm.s32 $0x1BF5;
	[smem:$0x3FBC] =	sst s0  }
0x18: {  	s0 =	sld [smem:$0x3F9F];
	_ =	swait.ge [sflag:s4], $0x0  }
0x19: {  	s7 =	sld [smem:$0x3FA0]  }
0x1a: {  	s8 =	sadd.s32 $0xFFFFE003, lr  }
0x1b: {  	s9 =	sadd.s32 $0xFFFFFEF7, lr;
	s5 =	simm.s32 $0xFFFFFFFF;
	p2 =	slt.u32 s8, $0xFFFFF086  }
0x1c: {  	p1 =	slt.u32 s9, $0xF7A;
	s5 =	simm.s32 @!p2 $0x0  }
0x1d: {  	s5 =	simm.s32 @p1 $0x1;
	p0 =	seq.s32 s7, s2  }
0x1e: {  	s7 =	smul.u32 @!p0 $0xF7A, s2;
	p2 =	seq.s32 @!p0 s5, $0x0  }
0x1f: {  	s9 =	smul.u32 $0xF7A, s1;
	s8 =	simm.s32 @!p0 $0x1BF5;
	p2 =	por !p2, p0  }
0x20: {  	[sflag:s8] =	ssyncset.s32 @!p0 $0xFFFFF086;
	s6 =	sadd.s32 @!p0 s3, s7;
	s7 =	simm.s32 @!p0 $0x108  }
0x21: {  	s3 =	sadd.s32 s3, s9;
	s6 =	sadd.s32 @!p0 $0x88, s6;
	s7 =	simm.s32 @p2 $0x1082  }
0x22: {  	[simem:s7], [sflag:s8] =	dma.local @!p0 [hbm:s6], $0xF7A  }
0x23: {  	s9 =	sor.u32 $0xD0000000, s2;
	s6 =	simm.s32 $0x108;
	_ =	swait.ge @!p0 [sflag:s8], $0x0  }
0x24: {  	s3 =	sadd.s32 $0x88, s3;
	s6 =	simm.s32 @!p1 $0x1082;
	[sflag:s4] =	ssyncset.s32 $0xFFFFF086  }
0x25: {  	[simem:s6], [sflag:s4] =	dma.local [hbm:s3], $0xF7A  }
0x26: {  	[smem:$0x3FA0] =	sst s1;
	(tag) =	ssettag s2;
	_ =	strace s9  }
0x27: {  	s1 =	sld [smem:$0x3FB0]  }
0x28: {  	s2 =	sld [smem:$0x3FB1]  }
0x29: {  	s4 =	sld [smem:$0x3FB3]  }
0x2a: {  	p0 =	seq.s32 s5, $0x0;
	s5 =	sld [smem:$0x3FB4]  }
0x2b: {  	s6 =	sld [smem:$0x3FB5]  }
0x2c: {  	s7 =	sld [smem:$0x3FB6]  }
0x2d: {  	s3 =	simm.s32 $0x108;
	s8 =	sld [smem:$0x3FB7]  }
0x2e: {  	s3 =	simm.s32 @!p0 $0x1082;
	s9 =	sld [smem:$0x3FB8]  }
0x2f: {  	lr =	sadd.s32 s0, s3;
	s0 =	sld [smem:$0x3FAF]  }
0x30: {  	s3 =	sld [smem:$0x3FB2]  }
0x31: {  	[smem:$0x3FBB] =	sst s10  }
0x32: {  	s10 =	sld [smem:$0x3FB9];
	_ =	sdelay $0x3  }
0x33: {  	p0 =	seq.s32 s10, $0x1;
	s10 =	sld [smem:$0x3FBB];
	_ =	sdelay $0x3  }
0x34: {  	[smem:$0x3FBB] =	sst s10  }
0x35: {  	s10 =	sld [smem:$0x3FBA];
	_ =	sdelay $0x3  }
0x36: {  	p1 =	seq.s32 s10, $0x1;
	s10 =	sld [smem:$0x3FBB];
	_ =	sdelay $0x3  }
0x37: {  	[smem:$0x3FBB] =	sst s10  }
0x38: {  	s10 =	sld [smem:$0x3FBC]  }
0x39: {  	_ = 	snop;
	(pc) =	sbr.ind lr, $3  }
0x3a: {  	_ = 	snop  }
0x3b: {  	_ = 	snop  }
0x3c: {  	p2 =	seq.s32 s10, $0x1;
	s10 =	sld [smem:$0x3FBB]  }
0x3d: {  	_ =	shalt  }
0x3e: {  	_ =	shalt  }
0x3f: {  	_ =	shalt  }
0x40: {  	_ =	shalt  }
0x41: {  	_ =	shalt  }
0x42: {  	_ =	shalt  }
0x43: {  	_ =	shalt  }
0x44: {  	_ =	shalt  }
0x45: {  	_ =	shalt  }
0x46: {  	_ =	shalt  }
0x47: {  	_ =	shalt  }
0x48: {  	_ =	shalt  }
0x49: {  	_ =	shalt  }
0x4a: {  	_ =	shalt  }
0x4b: {  	_ =	shalt  }
0x4c: {  	_ =	shalt  }
0x4d: {  	_ =	shalt  }
0x4e: {  	_ =	shalt  }
0x4f: {  	_ =	shalt  }
0x50: {  	_ =	shalt  }
0x51: {  	_ =	shalt  }
0x52: {  	_ =	shalt  }
0x53: {  	_ =	shalt  }
0x54: {  	_ =	shalt  }
0x55: {  	_ =	shalt  }
0x56: {  	_ =	shalt  }
0x57: {  	_ =	shalt  }
0x58: {  	_ =	shalt  }
0x59: {  	_ =	shalt  }
0x5a: {  	_ =	shalt  }
0x5b: {  	_ =	shalt  }
0x5c: {  	_ =	shalt  }
0x5d: {  	_ =	shalt  }
0x5e: {  	_ =	shalt  }
0x5f: {  	_ =	shalt  }
0x60: {  	_ =	shalt  }
0x61: {  	_ =	shalt  }
0x62: {  	_ =	shalt  }
0x63: {  	_ =	shalt  }
0x64: {  	_ =	shalt  }
0x65: {  	_ =	shalt  }
0x66: {  	_ =	shalt  }
0x67: {  	_ =	shalt  }
0x68: {  	_ =	shalt  }
0x69: {  	_ =	shalt  }
0x6a: {  	_ =	shalt  }
0x6b: {  	_ =	shalt  }
0x6c: {  	_ =	shalt  }
0x6d: {  	_ =	shalt  }
0x6e: {  	_ =	shalt  }
0x6f: {  	_ =	shalt  }
0x70: {  	_ =	shalt  }
0x71: {  	_ =	shalt  }
0x72: {  	_ =	shalt  }
0x73: {  	_ =	shalt  }
0x74: {  	_ =	shalt  }
0x75: {  	_ =	shalt  }
0x76: {  	_ =	shalt  }
0x77: {  	_ =	shalt  }
0x78: {  	_ =	shalt  }
0x79: {  	_ =	shalt  }
0x7a: {  	_ =	shalt  }
0x7b: {  	_ =	shalt  }
0x7c: {  	_ =	shalt  }
0x7d: {  	_ =	shalt  }
0x7e: {  	_ =	shalt  }
0x7f: {  	_ =	shalt  }
0x80: {  	_ =	shalt  }
0x81: {  	_ =	shalt  }
0x82: {  	_ =	shalt  }
0x83: {  	_ =	shalt  }
0x84: {  	_ =	shalt  }
0x85: {  	_ =	shalt  }
0x86: {  	_ =	shalt  }
0x87: {  	_ =	shalt  }
.Lfunc_end0:
.L_simem_size_0:
called_computation_lowered:
.L_overlay_start_0:
0x88: {  	s2 =	sld [smem:$0x3FD9]  }
0x89: {  	s3 =	sld [smem:$0x3FFE];
	_ =	sdelay $0x1  }
0x8a: {  	s1 =	srdreg.scid  }
0x8b: {  	s0 =	sand.u32 $0x1, s1  }
0x8c: {  	s16 =	sshll.u32 s0, $0xA;
	s2 =	sadd.s32 s3, s2  }
0x8d: {  	s2 =	sadd.s32 s2, s16  }
0x8e: {  	[smem:$0x3FC7] =	sst s2  }
0x8f: {  	_ = 	snop  }
0x90: {  	(tm) =	ssettm $0x1  }
0x91: {  	s17 =	sld [smem:$0x3FFB];
	_ =	sdelay $0x3  }
0x92: {  	_ =	strace s17  }
0x93: {  	s2 =	sld [smem:$0x3FFC];
	_ =	sdelay $0x3  }
0x94: {  	_ =	strace s2  }
0x95: {  	s2 =	sld [smem:$0x3FFD];
	_ =	sdelay $0x3  }
0x96: {  	_ =	strace s2  }
0x97: {  	_ =	strace $0x8FFFFFFF  }
0x98: {  	s18 =	sld [smem:$0x3FDB];
	_ =	sdelay $0x1  }
0x99: {  	s19 =	simm.s32 $_scs_section_size  }
0x9a: {  	s4 =	simm.s32 $_size__tile_overlayer_lowered;
	s5 =	simm.s32 $_tile_overlayer_lowered  }
0x9b: {  	s22 =	simm.s32 $0x1BFF;
	s21 =	sshll.u32 s5, $0x1;
	s2 =	sadd.s32 s19, s18  }
0x9c: {  	s6 =	simm.s32 $0x0;
	s20 =	sshll.u32 s4, $0x1;
	s4 =	sadd.s32 s21, s2  }
0x9d: {  	[timem:s6], [sflag:s22] =	dma.local [hbm:s4], s20  }
0x9e: {  	_ =	swait.ge [sflag:s22], s20  }
0x9f: {  	s3 =	ssub.s32 $0x0, s20;
	[sflag:s22] =	ssyncset.done $0x0  }
0xa0: {  	[sflag:s22] =	ssyncadd.s32 s3;
	_ =	sdelay $0x1  }
0xa1: {  	s23 =	simm.s32 $0x1B8B  }
0xa2: {  	_ =	swait.ge [sflag:s23], $0x1  }
0xa3: {  	[sflag:s23] =	ssyncset.done $0x0  }
0xa4: {  	s25 =	simm.s32 $0x1B8E;
	s24 =	sld [smem:$0x3FFE];
	[sflag:s23] =	ssyncadd.s32 $0xFFFFFFFF  }
0xa5: {  	s26 =	simm.s32 $execute0_lowered;
	[smem:$0x3FD2] =	sst s25  }
0xa6: {  	s4 =	sshll.u32 s26, $0x1;
	_ =	strace $0x80000046;
	[dreg:$0x1] =	wrdreg $0xFFFFFFFF  }
0xa7: {  	s28 =	simm.s32 $_size_execute0_lowered;
	s2 =	sadd.s32 s2, s4;
	[dreg:$0x0] =	wrdreg $0x0  }
0xa8: {  	s4 =	sshll.u32 s28, $0x1;
	[dreg:$0x2] =	wrdreg s2  }
0xa9: {  	[dreg:$0x3] =	wrdreg s4  }
0xaa: {  	[dreg:$0x4] =	wrdreg $0xC0  }
0xab: {  	_ =	task [dreg:s6], $0x5FFFF  }
0xac: {  	[dreg:$0x1] =	wrdreg $0xFFFFFFFF  }
0xad: {  	[dreg:$0x0] =	wrdreg $0x60  }
0xae: {  	[dreg:$0x2] =	wrdreg s24  }
0xaf: {  	[dreg:$0x3] =	wrdreg $0x9  }
0xb0: {  	_ =	task.clear_ibuf [dreg:s6], $0x4FFFF;
	_ =	strace $0x90000046  }
0xb1: {  	s29 =	simm.s32 $0x9;
	_ =	strace $0x80000048  }
0xb2: {  	_ =	swait.ge [sflag:s29], $0x1  }
0xb3: {  	[sflag:s29] =	ssyncadd.s32 $0xFFFFFFFF  }
0xb4: {  	_ =	strace $0x90000048  }
0xb5: {  	_ =	sfence  }
0xb6: {  	s30 =	sld [smem:$0x0];
	_ =	sdelay $0x2  }
0xb7: {  	s31 =	sshll.u32 s1, $0xD;
	s1 =	sshrl.u32 s1, $0x2  }
0xb8: {  	s3 =	sand.u32 $0x4000, s31;
	s1 =	sadd.s32 s1, s30  }
0xb9: {  	s0 =	sor.u32 s3, s0;
	s1 =	sshll.u32 s1, $0x11  }
0xba: {  	s0 =	sor.u32 s1, s0  }
0xbb: {  	s0 =	sadd.s32 $0x8F2B, s0  }
0xbc: {  	[sflag:s0] =	ssyncadd.remote.s32 $0x1  }
0xbd: {  	_ =	sfence.sel $0xFFFF  }
0xbe: {  	[dreg:$0x0] =	wrdreg $0xFFFFFFFF;
	(pc) =	sbr.abs _section_cstart, $3  }
0xbf: {  	[dreg:$0x1] =	wrdreg $0xFFFFFFFF  }
0xc0: {  	_ =	task.clear_ibuf [dreg:s6], $0x2FFFF;
	_ =	strace $0x9FFFFFFF  }
0xc1: {  	(tm) =	ssettm $0x7FFFFFFF  }
tec
execute0_lowered:
.L_overlay_start_1:
0x0: {  	(tag) =	ssettag $0x1  }
0x1: {  	vm0 =	vcmask $0x300;
	v7 =	vimm.f32 $-1.000000000e+00;
	vm14 =	vcmask $0xB08  }
0x2: {  	vm15 =	vcmask $0x1310;
	v1 =	vimm.s32 $0xEFCDAB89;
	vm4 =	vcmask $0x1B18  }
0x3: {  	vm5 =	vcmask $0x2320;
	v2 =	vimm.s32 $0x67452301;
	vm6 =	vcmask $0x2B28  }
0x4: {  	vm7 =	vcmask $0x3330;
	v3 =	vimm.s32 $0xDCFE98BA;
	v4 =	vimm.s32 $0x54761032  }
0x5: {  	vm8 =	vcmask $0x3B38;
	vm9 =	vcmask $0x700;
	vm10 =	vcmask $0x1710  }
0x6: {  	vm11 =	vcmask $0x2720;
	vm12 =	vcmask $0x3730;
	v8 =	vimm.s32 $0x76543210  }
0x7: {  	vm13 =	vcmask $0xF00;
	v0 =	vsel vm0, $0x3F800000, v7;
	v1 =	vunpack.c.l.s4.s8 v1  }
0x8: {  	v2 =	vunpack.c.l.s4.s8 v2;
	v3 =	vunpack.c.l.s4.s8 v3;
	v4 =	vunpack.c.l.s4.s8 v4  }
0x9: {  	v8 =	vunpack.c.l.s4.s8 v8;
	v9 =	vsel vm13, $0x3F800000, v7;
	v0 =	vsel vm14, $0x3F800000, v0  }
0xa: {  	vm14 =	vcmask $0x2F20;
	v0 =	vsel vm15, $0x3F800000, v0;
	v1 =	vunpack.c.0.s8.s32 v1  }
0xb: {  	v2 =	vunpack.c.0.s8.s32 v2;
	v3 =	vunpack.c.0.s8.s32 v3;
	v4 =	vunpack.c.0.s8.s32 v4  }
0xc: {  	v8 =	vunpack.c.0.s8.s32 v8;
	vm15 =	vcmask $0x1F00;
	v0 =	vsel vm4, $0x3F800000, v0  }
0xd: {  	v0 =	vsel vm5, $0x3F800000, v0;
	v5 =	vcombine.low v2, v1;
	v1 =	vsel vm9, $0x3F800000, v7  }
0xe: {  	v6 =	vcombine.low v4, v3;
	v2 =	vimm.s32 $0xBA98FEDC;
	v3 =	vimm.s32 $0x32107654  }
0xf: {  	s3 =	rddreg [dreg:$0x0];
	s2 =	srdreg.scid;
	v4 =	vimm.s32 $0xFEDCBA98;
	v2 =	vunpack.c.l.s4.s8 v2;
	v3 =	vunpack.c.l.s4.s8 v3  }
0x10: {  	s0 =	rddreg [dreg:$0x1];
	s1 =	stileid.u32;
	s7 =	simm.s32 $0x0;
	v7 =	vsel vm15, $0x3F800000, v7;
	v0 =	vsel vm6, $0x3F800000, v0;
	v4 =	vunpack.c.l.s4.s8 v4  }
0x11: {  	s4 =	sand.u32 $0x1, s2;
	s2 =	simm.s32 $0x0;
	s5 =	sshll.u32 s1, $0xD;
	v1 =	vsel vm10, $0x3F800000, v1;
	v2 =	vunpack.c.0.s8.s32 v2;
	v3 =	vunpack.c.0.s8.s32 v3  }
0x12: {  	s6 =	sshll.u32 s4, $0xC;
	[smem:$0x7FF] =	sst s2;
	s4 =	ssub.s32 $0x2, s4;
	v0 =	vsel vm7, $0x3F800000, v0;
	v1 =	vsel vm11, $0x3F800000, v1;
	v4 =	vunpack.c.0.s8.s32 v4  }
0x13: {  	s5 =	sor.u32 s6, s5;
	_ =	strace $0x80000047;
	s30 =	sshrl.u32 s4, $0x1;
	v0 =	vsel vm8, $0x3F800000, v0;
	v1 =	vsel vm12, $0x3F800000, v1;
	v10 =	vcombine.low v3, v2  }
0x14: {  	s6 =	simm.s32 $0x1;
	s5 =	sadd.s32 s5, s3;
	s31 =	ssub.s32 s4, s30;
	v2 =	vsel vm14, $0x3F800000, v9;
	v4 =	vand.u32 $0xF, v4;
	v3 =	vand.u32 $0xF, v5  }
0x15: {  	s3 =	sadd.s32 $0x1600, s5;
	s4 =	sadd.s32 $0x21600, s5;
	s5 =	smax.u32 s31, $0x1;
	v5 =	vcombine.low v4, v8;
	v4 =	vand.u32 $0xF, v6;
	v6 =	vand.u32 $0xF, v10  }
.LBB2_1:
0x16: {  	[tilespmem:s2], [sflag:$0x1] =	stream.linear.gather [hbm4b:s3+s2], $0x8000, $0x38;
	[tilespmem:$0x8000] =	vst v63  }
0x17: {  	_ =	swait.ge [sflag:s6], $0x8000  }
0x18: {  	[sflag:s6] =	ssyncset.done $0x0  }
0x19: {  	s8 =	simm.s32 $0x0;
	[sflag:s6] =	ssyncadd.s32 $0xFFFF8000  }
.LBB2_2:
0x1a: {  	s9 =	sshll.u32 s8, $0xA  }
0x1b: {  	s9 =	sand.u32 $0x3FFFFC00, s9  }
0x1c: {  	v8 =	vld [tilespmem:s9+$0x0]  }
0x1d: {  	v9 =	vld [tilespmem:s9+$0x10]  }
0x1e: {  	v10 =	vld [tilespmem:s9+$0x20]  }
0x1f: {  	v11 =	vld [tilespmem:s9+$0x30]  }
0x20: {  	v12 =	vld [tilespmem:s9+$0x40]  }
0x21: {  	v13 =	vld [tilespmem:s9+$0x50];
	v14 =	vperm.xlane v8, v3;
	v8 =	vmul.f32 v0, v8  }
0x22: {  	v15 =	vld [tilespmem:s9+$0x60];
	v16 =	vperm.xlane v9, v3;
	v9 =	vmul.f32 v0, v9  }
0x23: {  	v17 =	vld [tilespmem:s9+$0x70];
	v18 =	vperm.xlane v10, v3;
	v10 =	vmul.f32 v0, v10  }
0x24: {  	v19 =	vperm.xlane v11, v3;
	v11 =	vmul.f32 v0, v11  }
0x25: {  	v36 =	vperm.xlane v12, v3;
	v12 =	vmul.f32 v0, v12  }
0x26: {  	v37 =	vperm.xlane v13, v3;
	v13 =	vmul.f32 v0, v13  }
0x27: {  	v38 =	vperm.xlane v15, v3;
	v15 =	vmul.f32 v0, v15;
	v8 =	vadd.f32 v14, v8  }
0x28: {  	v39 =	vperm.xlane v17, v3;
	v17 =	vmul.f32 v0, v17;
	v9 =	vadd.f32 v16, v9  }
0x29: {  	v10 =	vadd.f32 v18, v10;
	v40 =	vperm.xlane v8, v4;
	v8 =	vmul.f32 v1, v8  }
0x2a: {  	v11 =	vadd.f32 v19, v11;
	v41 =	vperm.xlane v9, v4;
	v9 =	vmul.f32 v1, v9  }
0x2b: {  	v12 =	vadd.f32 v36, v12;
	v42 =	vperm.xlane v10, v4;
	v10 =	vmul.f32 v1, v10  }
0x2c: {  	v13 =	vadd.f32 v37, v13;
	v37 =	vld [tilespmem:s9+$0xC0];
	v43 =	vperm.xlane v11, v4;
	v11 =	vmul.f32 v1, v11  }
0x2d: {  	v15 =	vadd.f32 v38, v15;
	v44 =	vperm.xlane v12, v4;
	v12 =	vmul.f32 v1, v12  }
0x2e: {  	v17 =	vadd.f32 v39, v17;
	v45 =	vperm.xlane v13, v4;
	v13 =	vmul.f32 v1, v13  }
0x2f: {  	v46 =	vperm.xlane v15, v4;
	v15 =	vmul.f32 v1, v15  }
0x30: {  	v47 =	vperm.xlane v17, v4;
	v17 =	vmul.f32 v1, v17;
	v8 =	vadd.f32 v40, v8  }
0x31: {  	v9 =	vadd.f32 v41, v9;
	v10 =	vadd.f32 v42, v10;
	v42 =	vperm.xlane v37, v3  }
0x32: {  	v16 =	vmul.f32 v0, v37;
	v48 =	vperm.xlane v8, v6  }
0x33: {  	v11 =	vadd.f32 v43, v11;
	v8 =	vmul.f32 v2, v8;
	v49 =	vperm.xlane v9, v6  }
0x34: {  	v12 =	vadd.f32 v44, v12;
	v9 =	vmul.f32 v2, v9;
	v50 =	vperm.xlane v10, v6  }
0x35: {  	v13 =	vadd.f32 v45, v13;
	v10 =	vmul.f32 v2, v10;
	v51 =	vperm.xlane v11, v6  }
0x36: {  	v15 =	vadd.f32 v46, v15;
	v11 =	vmul.f32 v2, v11;
	v52 =	vperm.xlane v12, v6  }
0x37: {  	v17 =	vadd.f32 v47, v17;
	v12 =	vmul.f32 v2, v12;
	v53 =	vperm.xlane v13, v6  }
0x38: {  	v13 =	vmul.f32 v2, v13;
	v54 =	vperm.xlane v15, v6  }
0x39: {  	v15 =	vmul.f32 v2, v15;
	v55 =	vperm.xlane v17, v6;
	v16 =	vadd.f32 v42, v16  }
0x3a: {  	v17 =	vmul.f32 v2, v17;
	v8 =	vadd.f32 v48, v8;
	v9 =	vadd.f32 v49, v9  }
0x3b: {  	v10 =	vadd.f32 v50, v10;
	v50 =	vperm.xlane v16, v4;
	v16 =	vmul.f32 v1, v16  }
0x3c: {  	v56 =	vperm.xlane v8, v5;
	v8 =	vmul.f32 v7, v8  }
0x3d: {  	v11 =	vadd.f32 v51, v11;
	v57 =	vperm.xlane v9, v5;
	v9 =	vmul.f32 v7, v9  }
0x3e: {  	v12 =	vadd.f32 v52, v12;
	v58 =	vperm.xlane v10, v5;
	v10 =	vmul.f32 v7, v10  }
0x3f: {  	v13 =	vadd.f32 v53, v13;
	v59 =	vperm.xlane v11, v5;
	v11 =	vmul.f32 v7, v11  }
0x40: {  	v15 =	vadd.f32 v54, v15;
	v60 =	vperm.xlane v12, v5;
	v12 =	vmul.f32 v7, v12  }
0x41: {  	v17 =	vadd.f32 v55, v17;
	v61 =	vperm.xlane v13, v5;
	v13 =	vmul.f32 v7, v13  }
0x42: {  	v62 =	vperm.xlane v15, v5;
	v15 =	vmul.f32 v7, v15;
	v16 =	vadd.f32 v50, v16  }
0x43: {  	v63 =	vperm.xlane v17, v5;
	v8 =	vadd.f32 v56, v8;
	v9 =	vadd.f32 v57, v9  }
0x44: {  	v17 =	vmul.f32 v7, v17;
	v10 =	vadd.f32 v58, v10;
	v11 =	vadd.f32 v59, v11  }
0x45: {  	v31 =	vld [tilespmem:s9+$0x90];
	v12 =	vadd.f32 v60, v12;
	v13 =	vadd.f32 v61, v13  }
0x46: {  	v34 =	vld [tilespmem:s9+$0xB0];
	v21 =	vadd.f32 v62, v15;
	v22 =	vadd.f32 v63, v17  }
0x47: {  	v23 =	vadd.f32 v9, v8;
	v8 =	vsub.f32 v8, v9  }
0x48: {  	v39 =	vld [tilespmem:s9+$0xE0];
	v58 =	vperm.xlane v16, v6;
	v24 =	vadd.f32 v11, v10;
	v10 =	vsub.f32 v10, v11  }
0x49: {  	v29 =	vld [tilespmem:s9+$0x80];
	v16 =	vmul.f32 v2, v16;
	v25 =	vadd.f32 v13, v12;
	v12 =	vsub.f32 v12, v13  }
0x4a: {  	v19 =	vmul.f32 v0, v31;
	v26 =	vadd.f32 v22, v21;
	v14 =	vsub.f32 v21, v22  }
0x4b: {  	v18 =	vmul.f32 v0, v34;
	v16 =	vadd.f32 v58, v16;
	v27 =	vadd.f32 v24, v23  }
0x4c: {  	v40 =	vperm.xlane v31, v3;
	v21 =	vld [tilespmem:s9+$0xA0];
	v9 =	vsub.f32 v23, v24;
	v28 =	vadd.f32 v10, v8  }
0x4d: {  	v44 =	vperm.xlane v39, v3;
	v22 =	vld [tilespmem:s9+$0xD0];
	v8 =	vsub.f32 v8, v10;
	v30 =	vadd.f32 v26, v25  }
0x4e: {  	v11 =	vsub.f32 v25, v26;
	v32 =	vadd.f32 v14, v12;
	v23 =	vperm.xlane v29, v3  }
0x4f: {  	v20 =	vsub.f32 v12, v14;
	v10 =	vmul.f32 v0, v29;
	v14 =	vperm.xlane v16, v5  }
0x50: {  	v16 =	vmul.f32 v7, v16;
	v38 =	vadd.f32 v11, v9;
	v9 =	vsub.f32 v9, v11  }
0x51: {  	v24 =	vld [tilespmem:s9+$0xF0];
	v41 =	vadd.f32 v20, v8;
	v8 =	vsub.f32 v8, v20;
	v25 =	vperm.xlane v21, v3  }
0x52: {  	v10 =	vadd.f32 v23, v10;
	v21 =	vmul.f32 v0, v21;
	v43 =	vperm.xlane v22, v3  }
0x53: {  	v11 =	vadd.f32 v40, v19;
	v22 =	vmul.f32 v0, v22;
	[tilespmem:$0x1FB20] =	vst v8;
	v8 =	vperm.xlane v34, v3  }
0x54: {  	v26 =	vld [tilespmem:s9+$0x110];
	[tilespmem:$0x1FB00] =	vst v9;
	v9 =	vmul.f32 v0, v39;
	v46 =	vperm.xlane v10, v4  }
0x55: {  	v10 =	vmul.f32 v1, v10;
	v47 =	vperm.xlane v11, v4;
	v21 =	vadd.f32 v25, v21  }
0x56: {  	v11 =	vmul.f32 v1, v11;
	v45 =	vperm.xlane v24, v3;
	v19 =	vadd.f32 v43, v22  }
0x57: {  	v24 =	vmul.f32 v0, v24;
	v8 =	vadd.f32 v8, v18;
	v48 =	vperm.xlane v21, v4  }
0x58: {  	v9 =	vadd.f32 v44, v9;
	v21 =	vmul.f32 v1, v21;
	v51 =	vperm.xlane v19, v4  }
0x59: {  	v18 =	vadd.f32 v45, v24;
	v19 =	vmul.f32 v1, v19;
	v45 =	vperm.xlane v26, v3  }
0x5a: {  	v10 =	vadd.f32 v46, v10;
	v26 =	vmul.f32 v0, v26;
	v49 =	vperm.xlane v8, v4  }
0x5b: {  	v11 =	vadd.f32 v47, v11;
	v8 =	vmul.f32 v1, v8;
	v52 =	vperm.xlane v9, v4  }
0x5c: {  	v17 =	vadd.f32 v30, v27;
	v9 =	vmul.f32 v1, v9;
	v54 =	vperm.xlane v10, v6  }
0x5d: {  	v33 =	vsub.f32 v27, v30;
	v10 =	vmul.f32 v2, v10;
	v55 =	vperm.xlane v11, v6  }
0x5e: {  	v11 =	vmul.f32 v2, v11;
	v21 =	vadd.f32 v48, v21;
	v53 =	vperm.xlane v18, v4  }
0x5f: {  	v18 =	vmul.f32 v1, v18;
	v19 =	vadd.f32 v51, v19;
	v24 =	vadd.f32 v45, v26  }
0x60: {  	v8 =	vadd.f32 v49, v8;
	v56 =	vperm.xlane v21, v6;
	v21 =	vmul.f32 v2, v21  }
0x61: {  	v9 =	vadd.f32 v52, v9;
	v59 =	vperm.xlane v19, v6;
	v19 =	vmul.f32 v2, v19  }
0x62: {  	v18 =	vadd.f32 v53, v18;
	v53 =	vperm.xlane v24, v4;
	v24 =	vmul.f32 v1, v24  }
0x63: {  	v10 =	vadd.f32 v54, v10;
	v57 =	vperm.xlane v8, v6;
	v8 =	vmul.f32 v2, v8  }
0x64: {  	v11 =	vadd.f32 v55, v11;
	v60 =	vperm.xlane v9, v6;
	v9 =	vmul.f32 v2, v9  }
0x65: {  	v35 =	vadd.f32 v32, v28;
	v62 =	vperm.xlane v10, v5;
	v10 =	vmul.f32 v7, v10  }
0x66: {  	v36 =	vsub.f32 v28, v32;
	v63 =	vperm.xlane v11, v5;
	v11 =	vmul.f32 v7, v11  }
0x67: {  	v21 =	vadd.f32 v56, v21;
	v61 =	vperm.xlane v18, v6;
	v19 =	vadd.f32 v59, v19  }
0x68: {  	v18 =	vmul.f32 v2, v18;
	v24 =	vadd.f32 v53, v24;
	v8 =	vadd.f32 v57, v8  }
0x69: {  	v9 =	vadd.f32 v60, v9;
	v10 =	vadd.f32 v62, v10;
	v12 =	vperm.xlane v21, v5  }
0x6a: {  	v11 =	vadd.f32 v63, v11;
	v21 =	vmul.f32 v7, v21;
	v28 =	vperm.xlane v19, v5  }
0x6b: {  	v18 =	vadd.f32 v61, v18;
	v19 =	vmul.f32 v7, v19;
	v61 =	vperm.xlane v24, v6  }
0x6c: {  	v16 =	vadd.f32 v14, v16;
	v24 =	vmul.f32 v2, v24;
	v13 =	vperm.xlane v8, v5  }
0x6d: {  	v42 =	vld [tilespmem:s9+$0x130];
	v8 =	vmul.f32 v7, v8;
	v29 =	vperm.xlane v9, v5;
	v31 =	vadd.f32 v11, v10  }
0x6e: {  	v37 =	vld [tilespmem:s9+$0x100];
	v9 =	vmul.f32 v7, v9;
	v10 =	vsub.f32 v10, v11;
	v21 =	vadd.f32 v12, v21  }
0x6f: {  	v30 =	vperm.xlane v18, v5;
	v18 =	vmul.f32 v7, v18;
	v19 =	vadd.f32 v28, v19  }
0x70: {  	v24 =	vadd.f32 v61, v24;
	v8 =	vadd.f32 v13, v8  }
0x71: {  	v9 =	vadd.f32 v29, v9;
	v18 =	vadd.f32 v30, v18  }
0x72: {  	v27 =	vld [tilespmem:s9+$0x120];
	[tilespmem:$0x1FAC0] =	vst v33;
	v47 =	vmul.f32 v0, v42;
	v33 =	vadd.f32 v19, v16;
	v16 =	vsub.f32 v16, v19  }
0x73: {  	v28 =	vld [tilespmem:s9+$0x140];
	v30 =	vperm.xlane v37, v3;
	v32 =	vadd.f32 v8, v21;
	v8 =	vsub.f32 v21, v8  }
0x74: {  	v34 =	vadd.f32 v18, v9;
	v9 =	vsub.f32 v9, v18;
	v18 =	vperm.xlane v24, v5  }
0x75: {  	[tilespmem:$0x1FA80] =	vst v35;
	v44 =	vld [tilespmem:s9+$0x160];
	v24 =	vmul.f32 v7, v24;
	v35 =	vadd.f32 v32, v31;
	v11 =	vsub.f32 v31, v32  }
0x76: {  	[tilespmem:$0x1FAE0] =	vst v36;
	v29 =	vld [tilespmem:s9+$0x150];
	v36 =	vadd.f32 v8, v10;
	v8 =	vsub.f32 v10, v8;
	v10 =	vmul.f32 v0, v37  }
0x77: {  	[tilespmem:$0x1FA90] =	vst v38;
	v32 =	vperm.xlane v27, v3;
	v27 =	vmul.f32 v0, v27;
	v38 =	vadd.f32 v34, v33  }
0x78: {  	v48 =	vperm.xlane v28, v3;
	v39 =	vsub.f32 v33, v34;
	v40 =	vadd.f32 v9, v16  }
0x79: {  	v28 =	vmul.f32 v0, v28;
	v9 =	vsub.f32 v16, v9;
	v24 =	vadd.f32 v18, v24  }
0x7a: {  	v50 =	vperm.xlane v44, v3;
	v10 =	vadd.f32 v30, v10;
	v27 =	vadd.f32 v32, v27  }
0x7b: {  	v49 =	vperm.xlane v29, v3;
	v22 =	vadd.f32 v48, v28;
	v25 =	vadd.f32 v38, v35  }
0x7c: {  	v31 =	vld [tilespmem:s9+$0x170];
	v29 =	vmul.f32 v0, v29;
	v21 =	vadd.f32 v39, v11;
	v11 =	vsub.f32 v11, v39  }
0x7d: {  	v46 =	vadd.f32 v9, v8;
	v52 =	vperm.xlane v10, v4;
	v10 =	vmul.f32 v1, v10  }
0x7e: {  	[tilespmem:$0x1FAA0] =	vst v41;
	v8 =	vsub.f32 v8, v9;
	v54 =	vperm.xlane v27, v4;
	v27 =	vmul.f32 v1, v27  }
0x7f: {  	v41 =	vsub.f32 v35, v38;
	v56 =	vperm.xlane v22, v4;
	v22 =	vmul.f32 v1, v22;
	[tilespmem:$0x1FB10] =	vst v11  }
0x80: {  	v26 =	vadd.f32 v49, v29;
	[tilespmem:$0x1FB30] =	vst v8;
	v8 =	vperm.xlane v42, v3;
	v11 =	vmul.f32 v0, v44  }
0x81: {  	v51 =	vperm.xlane v31, v3;
	v31 =	vmul.f32 v0, v31;
	v10 =	vadd.f32 v52, v10  }
0x82: {  	v57 =	vperm.xlane v26, v4;
	v26 =	vmul.f32 v1, v26;
	v27 =	vadd.f32 v54, v27  }
0x83: {  	v22 =	vadd.f32 v56, v22;
	v60 =	vperm.xlane v10, v6;
	v10 =	vmul.f32 v2, v10  }
0x84: {  	v8 =	vadd.f32 v8, v47;
	v62 =	vperm.xlane v27, v6;
	v27 =	vmul.f32 v2, v27  }
0x85: {  	v11 =	vadd.f32 v50, v11;
	v12 =	vperm.xlane v22, v6;
	v22 =	vmul.f32 v2, v22  }
0x86: {  	v9 =	vadd.f32 v51, v31;
	v55 =	vperm.xlane v8, v4;
	v8 =	vmul.f32 v1, v8  }
0x87: {  	v26 =	vadd.f32 v57, v26;
	v58 =	vperm.xlane v11, v4;
	v11 =	vmul.f32 v1, v11  }
0x88: {  	v51 =	vld [tilespmem:s9+$0x1E0];
	v59 =	vperm.xlane v9, v4;
	v9 =	vmul.f32 v1, v9;
	v10 =	vadd.f32 v60, v10  }
0x89: {  	v13 =	vperm.xlane v26, v6;
	v26 =	vmul.f32 v2, v26;
	v27 =	vadd.f32 v62, v27  }
0x8a: {  	v22 =	vadd.f32 v12, v22;
	v16 =	vperm.xlane v10, v5;
	v10 =	vmul.f32 v7, v10  }
0x8b: {  	v23 =	vadd.f32 v40, v36;
	v19 =	vperm.xlane v27, v5;
	v27 =	vmul.f32 v7, v27  }
0x8c: {  	v8 =	vadd.f32 v55, v8;
	v34 =	vperm.xlane v22, v5;
	v22 =	vmul.f32 v7, v22  }
0x8d: {  	v11 =	vadd.f32 v58, v11;
	v56 =	vperm.xlane v51, v3;
	v30 =	vmul.f32 v0, v51  }
0x8e: {  	v47 =	vld [tilespmem:s9+$0x190];
	v9 =	vadd.f32 v59, v9;
	v63 =	vperm.xlane v8, v6;
	v8 =	vmul.f32 v2, v8  }
0x8f: {  	v26 =	vadd.f32 v13, v26;
	v14 =	vperm.xlane v11, v6;
	v11 =	vmul.f32 v2, v11  }
0x90: {  	v43 =	vsub.f32 v36, v40;
	v15 =	vperm.xlane v9, v6;
	v9 =	vmul.f32 v2, v9  }
0x91: {  	v35 =	vperm.xlane v26, v5;
	v10 =	vadd.f32 v16, v10;
	v27 =	vadd.f32 v19, v27  }
0x92: {  	v26 =	vmul.f32 v7, v26;
	v22 =	vadd.f32 v34, v22;
	v30 =	vadd.f32 v56, v30  }
0x93: {  	v32 =	vmul.f32 v0, v47;
	v8 =	vadd.f32 v63, v8;
	v11 =	vadd.f32 v14, v11  }
0x94: {  	v9 =	vadd.f32 v15, v9;
	v26 =	vadd.f32 v35, v26;
	v12 =	vperm.xlane v30, v4  }
0x95: {  	v34 =	vld [tilespmem:s9+$0x1C0];
	v38 =	vadd.f32 v24, v10;
	v30 =	vmul.f32 v1, v30;
	v33 =	vperm.xlane v8, v5  }
0x96: {  	v35 =	vld [tilespmem:s9+$0x1D0];
	v10 =	vsub.f32 v10, v24;
	v8 =	vmul.f32 v7, v8;
	v36 =	vperm.xlane v11, v5  }
0x97: {  	v37 =	vperm.xlane v9, v5;
	v9 =	vmul.f32 v7, v9;
	v40 =	vadd.f32 v26, v22  }
0x98: {  	v11 =	vmul.f32 v7, v11;
	v22 =	vsub.f32 v22, v26;
	v30 =	vadd.f32 v12, v30  }
0x99: {  	v8 =	vadd.f32 v33, v8;
	v9 =	vadd.f32 v37, v9;
	v37 =	vperm.xlane v47, v3  }
0x9a: {  	v50 =	vld [tilespmem:s9+$0x1B0];
	v11 =	vadd.f32 v36, v11;
	v53 =	vperm.xlane v34, v3;
	v34 =	vmul.f32 v0, v34  }
0x9b: {  	v44 =	vld [tilespmem:s9+$0x180];
	v54 =	vperm.xlane v35, v3;
	v39 =	vadd.f32 v8, v27;
	v8 =	vsub.f32 v27, v8  }
0x9c: {  	v49 =	vld [tilespmem:s9+$0x1A0];
	[tilespmem:$0x1FAD0] =	vst v41;
	v35 =	vmul.f32 v0, v35;
	v41 =	vadd.f32 v9, v11;
	v9 =	vsub.f32 v11, v9  }
0x9d: {  	v32 =	vadd.f32 v37, v32;
	v11 =	vadd.f32 v53, v34  }
0x9e: {  	v35 =	vadd.f32 v54, v35;
	v42 =	vadd.f32 v39, v38  }
0x9f: {  	[tilespmem:$0x1FAF0] =	vst v43;
	v52 =	vmul.f32 v0, v50;
	v24 =	vsub.f32 v38, v39;
	v43 =	vadd.f32 v8, v10  }
0xa0: {  	v36 =	vperm.xlane v44, v3;
	v8 =	vsub.f32 v10, v8;
	v45 =	vadd.f32 v41, v40  }
0xa1: {  	[tilespmem:$0x1FAB0] =	vst v46;
	v46 =	vsub.f32 v40, v41;
	v10 =	vmul.f32 v0, v44;
	v39 =	vperm.xlane v49, v3  }
0xa2: {  	v48 =	vadd.f32 v9, v22;
	v40 =	vmul.f32 v0, v49;
	v59 =	vperm.xlane v32, v4  }
0xa3: {  	v9 =	vsub.f32 v22, v9;
	v32 =	vmul.f32 v1, v32;
	v62 =	vperm.xlane v11, v4  }
0xa4: {  	v11 =	vmul.f32 v1, v11;
	v44 =	vperm.xlane v30, v6;
	v15 =	vadd.f32 v45, v42  }
0xa5: {  	v30 =	vmul.f32 v2, v30;
	v27 =	vsub.f32 v42, v45;
	v31 =	vadd.f32 v48, v43  }
0xa6: {  	v63 =	vperm.xlane v35, v4;
	v20 =	vsub.f32 v43, v48;
	v29 =	vadd.f32 v46, v24  }
0xa7: {  	v35 =	vmul.f32 v1, v35;
	v19 =	vadd.f32 v9, v8;
	v10 =	vadd.f32 v36, v10  }
0xa8: {  	v22 =	vsub.f32 v8, v9;
	v8 =	vperm.xlane v50, v3;
	v55 =	vadd.f32 v39, v40  }
0xa9: {  	v38 =	vld [tilespmem:s9+$0x1F0];
	v32 =	vadd.f32 v59, v32;
	v58 =	vperm.xlane v10, v4;
	v10 =	vmul.f32 v1, v10  }
0xaa: {  	v11 =	vadd.f32 v62, v11;
	v60 =	vperm.xlane v55, v4;
	v37 =	vmul.f32 v1, v55  }
0xab: {  	v30 =	vadd.f32 v44, v30;
	v16 =	vperm.xlane v32, v6;
	v32 =	vmul.f32 v2, v32  }
0xac: {  	v59 =	vld [tilespmem:s9+$0x200];
	v35 =	vadd.f32 v63, v35;
	v42 =	vperm.xlane v11, v6;
	v11 =	vmul.f32 v2, v11  }
0xad: {  	v8 =	vadd.f32 v8, v52;
	v52 =	vperm.xlane v30, v5;
	v30 =	vmul.f32 v7, v30  }
0xae: {  	v24 =	vsub.f32 v24, v46;
	v57 =	vperm.xlane v38, v3;
	v38 =	vmul.f32 v0, v38  }
0xaf: {  	v43 =	vperm.xlane v35, v6;
	v35 =	vmul.f32 v2, v35;
	v10 =	vadd.f32 v58, v10  }
0xb0: {  	v61 =	vperm.xlane v8, v4;
	v8 =	vmul.f32 v1, v8;
	v37 =	vadd.f32 v60, v37  }
0xb1: {  	v32 =	vadd.f32 v16, v32;
	v44 =	vperm.xlane v59, v3;
	v14 =	vperm.xlane v10, v6  }
0xb2: {  	v11 =	vadd.f32 v42, v11;
	v10 =	vmul.f32 v2, v10;
	v18 =	vperm.xlane v37, v6  }
0xb3: {  	v9 =	vadd.f32 v57, v38;
	v37 =	vmul.f32 v2, v37;
	v47 =	vperm.xlane v32, v5  }
0xb4: {  	v42 =	vld [tilespmem:s9+$0x240];
	v35 =	vadd.f32 v43, v35;
	v32 =	vmul.f32 v7, v32;
	v50 =	vperm.xlane v11, v5  }
0xb5: {  	v8 =	vadd.f32 v61, v8;
	v11 =	vmul.f32 v7, v11;
	v13 =	vperm.xlane v9, v4  }
0xb6: {  	v30 =	vadd.f32 v52, v30;
	v9 =	vmul.f32 v1, v9;
	v51 =	vperm.xlane v35, v5  }
0xb7: {  	v35 =	vmul.f32 v7, v35;
	v26 =	vperm.xlane v8, v6;
	v10 =	vadd.f32 v14, v10  }
0xb8: {  	v61 =	vld [tilespmem:s9+$0x210];
	v8 =	vmul.f32 v2, v8;
	v37 =	vadd.f32 v18, v37;
	v32 =	vadd.f32 v47, v32  }
0xb9: {  	v11 =	vadd.f32 v50, v11;
	v34 =	vperm.xlane v42, v3;
	v42 =	vmul.f32 v0, v42  }
0xba: {  	v9 =	vadd.f32 v13, v9;
	v46 =	vperm.xlane v10, v5;
	v10 =	vmul.f32 v7, v10  }
0xbb: {  	v63 =	vld [tilespmem:s9+$0x220];
	v54 =	vadd.f32 v51, v35;
	v48 =	vperm.xlane v37, v5;
	v37 =	vmul.f32 v7, v37  }
0xbc: {  	v47 =	vld [tilespmem:s9+$0x270];
	v8 =	vadd.f32 v26, v8;
	v45 =	vperm.xlane v9, v6;
	v9 =	vmul.f32 v2, v9  }
0xbd: {  	v43 =	vld [tilespmem:s9+$0x250];
	v36 =	vadd.f32 v54, v11;
	v11 =	vsub.f32 v11, v54;
	v38 =	vmul.f32 v0, v61  }
0xbe: {  	v40 =	vadd.f32 v34, v42;
	v49 =	vperm.xlane v8, v5;
	v8 =	vmul.f32 v7, v8  }
0xbf: {  	v10 =	vadd.f32 v46, v10;
	v37 =	vadd.f32 v48, v37;
	v46 =	vperm.xlane v61, v3  }
0xc0: {  	v48 =	vperm.xlane v63, v3;
	v9 =	vadd.f32 v45, v9;
	v8 =	vadd.f32 v49, v8  }
0xc1: {  	v51 =	vperm.xlane v47, v3;
	v55 =	vadd.f32 v32, v10;
	v10 =	vsub.f32 v10, v32  }
0xc2: {  	v45 =	vld [tilespmem:s9+$0x260];
	v38 =	vadd.f32 v46, v38;
	v49 =	vperm.xlane v43, v3;
	v43 =	vmul.f32 v0, v43  }
0xc3: {  	v53 =	vperm.xlane v9, v5;
	v9 =	vmul.f32 v7, v9;
	v56 =	vadd.f32 v8, v37  }
0xc4: {  	v13 =	vld [tilespmem:s9+$0x230];
	v47 =	vmul.f32 v0, v47;
	v8 =	vsub.f32 v37, v8;
	v43 =	vadd.f32 v49, v43  }
0xc5: {  	v9 =	vadd.f32 v53, v9;
	v53 =	vperm.xlane v38, v4;
	v58 =	vadd.f32 v56, v55  }
0xc6: {  	v38 =	vmul.f32 v1, v38;
	v32 =	vsub.f32 v55, v56;
	v37 =	vadd.f32 v8, v10  }
0xc7: {  	v8 =	vsub.f32 v10, v8;
	v10 =	vmul.f32 v0, v59;
	v50 =	vperm.xlane v45, v3  }
0xc8: {  	v45 =	vmul.f32 v0, v45;
	v57 =	vadd.f32 v9, v30;
	v9 =	vsub.f32 v30, v9  }
0xc9: {  	v33 =	vmul.f32 v0, v13;
	v38 =	vadd.f32 v53, v38;
	v10 =	vadd.f32 v44, v10  }
0xca: {  	v56 =	vperm.xlane v40, v4;
	v45 =	vadd.f32 v50, v45;
	v60 =	vadd.f32 v57, v36  }
0xcb: {  	v40 =	vmul.f32 v1, v40;
	v36 =	vsub.f32 v36, v57;
	v62 =	vadd.f32 v9, v11  }
0xcc: {  	v26 =	vmovc v6;
	v9 =	vsub.f32 v11, v9;
	v11 =	vmul.f32 v0, v63;
	v57 =	vperm.xlane v43, v4  }
0xcd: {  	v40 =	vadd.f32 v56, v40;
	v43 =	vmul.f32 v1, v43;
	v61 =	vperm.xlane v38, v26  }
0xce: {  	v38 =	vmul.f32 v2, v38;
	v52 =	vperm.xlane v10, v4;
	v14 =	vadd.f32 v60, v58  }
0xcf: {  	v10 =	vmul.f32 v1, v10;
	v35 =	vsub.f32 v58, v60;
	v39 =	vadd.f32 v62, v37  }
0xd0: {  	v12 =	vperm.xlane v40, v26;
	v6 =	vsub.f32 v37, v62;
	v37 =	vadd.f32 v36, v32  }
0xd1: {  	v28 =	vmovc v5;
	v40 =	vmul.f32 v2, v40;
	v16 =	vsub.f32 v32, v36;
	v5 =	vadd.f32 v9, v8  }
0xd2: {  	v18 =	vsub.f32 v8, v9;
	v8 =	vperm.xlane v13, v3;
	v11 =	vadd.f32 v48, v11  }
0xd3: {  	v9 =	vadd.f32 v51, v47;
	v58 =	vperm.xlane v45, v4;
	v45 =	vmul.f32 v1, v45  }
0xd4: {  	v43 =	vadd.f32 v57, v43;
	v54 =	vperm.xlane v11, v4;
	v11 =	vmul.f32 v1, v11  }
0xd5: {  	v38 =	vadd.f32 v61, v38;
	v59 =	vperm.xlane v9, v4;
	v9 =	vmul.f32 v1, v9  }
0xd6: {  	v10 =	vadd.f32 v52, v10;
	v13 =	vperm.xlane v43, v26;
	v43 =	vmul.f32 v2, v43  }
0xd7: {  	v40 =	vadd.f32 v12, v40;
	v48 =	vperm.xlane v38, v28;
	v38 =	vmul.f32 v7, v38  }
0xd8: {  	v8 =	vadd.f32 v8, v33;
	v60 =	vperm.xlane v10, v26;
	v10 =	vmul.f32 v2, v10  }
0xd9: {  	v45 =	vadd.f32 v58, v45;
	v51 =	vperm.xlane v40, v28;
	v40 =	vmul.f32 v7, v40  }
0xda: {  	v55 =	vperm.xlane v8, v4;
	v8 =	vmul.f32 v1, v8;
	v11 =	vadd.f32 v54, v11  }
0xdb: {  	v9 =	vadd.f32 v59, v9;
	v32 =	vperm.xlane v45, v26;
	v45 =	vmul.f32 v2, v45  }
0xdc: {  	v43 =	vadd.f32 v13, v43;
	v38 =	vadd.f32 v48, v38;
	v62 =	vperm.xlane v11, v26  }
0xdd: {  	v10 =	vadd.f32 v60, v10;
	v11 =	vmul.f32 v2, v11;
	v33 =	vperm.xlane v9, v26  }
0xde: {  	v8 =	vadd.f32 v55, v8;
	v9 =	vmul.f32 v2, v9;
	v52 =	vperm.xlane v43, v28  }
0xdf: {  	v40 =	vadd.f32 v51, v40;
	v43 =	vmul.f32 v7, v43;
	v34 =	vperm.xlane v10, v28  }
0xe0: {  	v45 =	vadd.f32 v32, v45;
	v10 =	vmul.f32 v7, v10;
	v63 =	vperm.xlane v8, v26  }
0xe1: {  	v8 =	vmul.f32 v2, v8;
	v11 =	vadd.f32 v62, v11;
	v9 =	vadd.f32 v33, v9  }
0xe2: {  	v53 =	vperm.xlane v45, v28;
	v45 =	vmul.f32 v7, v45;
	v55 =	vadd.f32 v52, v43  }
0xe3: {  	v33 =	vld [tilespmem:s9+$0x290];
	v10 =	vadd.f32 v34, v10;
	v8 =	vadd.f32 v63, v8  }
0xe4: {  	v49 =	vperm.xlane v11, v28;
	v54 =	vperm.xlane v9, v28;
	v56 =	vadd.f32 v53, v45  }
0xe5: {  	v9 =	vmul.f32 v7, v9;
	v59 =	vadd.f32 v55, v40;
	v40 =	vsub.f32 v40, v55  }
0xe6: {  	v36 =	vld [tilespmem:s9+$0x2A0];
	v11 =	vmul.f32 v7, v11;
	v57 =	vadd.f32 v38, v10;
	v10 =	vsub.f32 v10, v38  }
0xe7: {  	v50 =	vperm.xlane v8, v28;
	v8 =	vmul.f32 v7, v8;
	v9 =	vadd.f32 v54, v9  }
0xe8: {  	v63 =	vld [tilespmem:s9+$0x280];
	v11 =	vadd.f32 v49, v11;
	v54 =	vperm.xlane v33, v3;
	v46 =	vmul.f32 v0, v33  }
0xe9: {  	v55 =	vld [tilespmem:s9+$0x2F0];
	v8 =	vadd.f32 v50, v8;
	v60 =	vadd.f32 v9, v56  }
0xea: {  	v9 =	vsub.f32 v56, v9;
	v46 =	vadd.f32 v54, v46  }
0xeb: {  	v51 =	vld [tilespmem:s9+$0x2C0];
	v48 =	vmul.f32 v0, v36;
	v58 =	vadd.f32 v8, v11;
	v8 =	vsub.f32 v11, v8  }
0xec: {  	v52 =	vld [tilespmem:s9+$0x2D0];
	v56 =	vperm.xlane v36, v3;
	v32 =	vadd.f32 v60, v59;
	v11 =	vsub.f32 v59, v60  }
0xed: {  	v53 =	vperm.xlane v63, v3;
	v34 =	vadd.f32 v9, v40;
	v9 =	vsub.f32 v40, v9  }
0xee: {  	v48 =	vadd.f32 v56, v48;
	v60 =	vperm.xlane v55, v3;
	v61 =	vadd.f32 v58, v57  }
0xef: {  	v55 =	vmul.f32 v0, v55;
	v38 =	vsub.f32 v57, v58;
	v62 =	vadd.f32 v8, v10  }
0xf0: {  	v50 =	vld [tilespmem:s9+$0x2B0];
	v8 =	vsub.f32 v10, v8;
	v10 =	vmul.f32 v0, v63;
	v57 =	vperm.xlane v51, v3  }
0xf1: {  	v51 =	vmul.f32 v0, v51;
	v58 =	vperm.xlane v52, v3;
	v13 =	vadd.f32 v32, v61  }
0xf2: {  	v30 =	vmovc v4;
	v52 =	vmul.f32 v0, v52;
	v43 =	vsub.f32 v61, v32;
	v47 =	vadd.f32 v34, v62  }
0xf3: {  	v63 =	vperm.xlane v48, v30;
	v42 =	vsub.f32 v62, v34;
	v45 =	vadd.f32 v11, v38  }
0xf4: {  	v48 =	vmul.f32 v1, v48;
	v40 =	vsub.f32 v38, v11;
	v44 =	vadd.f32 v9, v8  }
0xf5: {  	v41 =	vmul.f32 v0, v50;
	v4 =	vsub.f32 v8, v9;
	v10 =	vadd.f32 v53, v10  }
0xf6: {  	v8 =	vperm.xlane v50, v3;
	v50 =	vadd.f32 v57, v51;
	v62 =	vperm.xlane v46, v30  }
0xf7: {  	v52 =	vadd.f32 v58, v52;
	v46 =	vmul.f32 v1, v46;
	v61 =	vperm.xlane v10, v30  }
0xf8: {  	v9 =	vadd.f32 v60, v55;
	v10 =	vmul.f32 v1, v10;
	v32 =	vperm.xlane v50, v30  }
0xf9: {  	v38 =	vld [tilespmem:s9+$0x2E0];
	v48 =	vadd.f32 v63, v48;
	v50 =	vmul.f32 v1, v50;
	v33 =	vperm.xlane v52, v30  }
0xfa: {  	v8 =	vadd.f32 v8, v41;
	v52 =	vmul.f32 v1, v52;
	v36 =	vperm.xlane v9, v30  }
0xfb: {  	v46 =	vadd.f32 v62, v46;
	v9 =	vmul.f32 v1, v9;
	v57 =	vperm.xlane v48, v26  }
0xfc: {  	v48 =	vmul.f32 v2, v48;
	v12 =	vperm.xlane v8, v30  }
0xfd: {  	v8 =	vmul.f32 v1, v8;
	v10 =	vadd.f32 v61, v10;
	v41 =	vperm.xlane v46, v26  }
0xfe: {  	v52 =	vadd.f32 v33, v52;
	v46 =	vmul.f32 v2, v46;
	v59 =	vperm.xlane v38, v3  }
0xff: {  	v9 =	vadd.f32 v36, v9;
	v11 =	vmul.f32 v0, v38;
	v38 =	vperm.xlane v10, v26  }
0x100: {  	v48 =	vadd.f32 v57, v48;
	v10 =	vmul.f32 v2, v10;
	v60 =	vperm.xlane v52, v26  }
0x101: {  	v50 =	vadd.f32 v32, v50;
	v52 =	vmul.f32 v2, v52;
	v62 =	vperm.xlane v9, v26  }
0x102: {  	v8 =	vadd.f32 v12, v8;
	v9 =	vmul.f32 v2, v9;
	v32 =	vperm.xlane v48, v28  }
0x103: {  	v48 =	vmul.f32 v7, v48;
	v11 =	vadd.f32 v59, v11;
	v59 =	vperm.xlane v50, v26  }
0x104: {  	v46 =	vadd.f32 v41, v46;
	v50 =	vmul.f32 v2, v50;
	v58 =	vperm.xlane v8, v26  }
0x105: {  	v8 =	vmul.f32 v2, v8;
	v10 =	vadd.f32 v38, v10;
	v52 =	vadd.f32 v60, v52  }
0x106: {  	v12 =	vperm.xlane v46, v28;
	v46 =	vmul.f32 v7, v46;
	v9 =	vadd.f32 v62, v9  }
0x107: {  	v48 =	vadd.f32 v32, v48;
	v34 =	vperm.xlane v11, v30;
	v11 =	vmul.f32 v1, v11  }
0x108: {  	v50 =	vadd.f32 v59, v50;
	v63 =	vperm.xlane v10, v28;
	v10 =	vmul.f32 v7, v10  }
0x109: {  	v8 =	vadd.f32 v58, v8;
	v36 =	vperm.xlane v52, v28;
	v52 =	vmul.f32 v7, v52  }
0x10a: {  	v46 =	vadd.f32 v12, v46;
	v41 =	vperm.xlane v9, v28;
	v9 =	vmul.f32 v7, v9  }
0x10b: {  	v11 =	vadd.f32 v34, v11;
	v34 =	vperm.xlane v50, v28;
	v50 =	vmul.f32 v7, v50  }
0x10c: {  	v33 =	vperm.xlane v8, v28;
	v8 =	vmul.f32 v7, v8;
	v10 =	vadd.f32 v63, v10  }
0x10d: {  	v57 =	vadd.f32 v36, v52;
	v61 =	vperm.xlane v11, v26;
	v11 =	vmul.f32 v2, v11  }
0x10e: {  	v9 =	vadd.f32 v41, v9;
	v50 =	vadd.f32 v34, v50  }
0x10f: {  	v8 =	vadd.f32 v33, v8;
	v11 =	vadd.f32 v61, v11  }
0x110: {  	v58 =	vadd.f32 v46, v10;
	v10 =	vsub.f32 v10, v46  }
0x111: {  	v60 =	vadd.f32 v57, v50;
	v38 =	vperm.xlane v11, v28;
	v11 =	vmul.f32 v7, v11  }
0x112: {  	v32 =	vld [tilespmem:s9+$0x300];
	v50 =	vsub.f32 v50, v57;
	v59 =	vadd.f32 v8, v48  }
0x113: {  	v34 =	vld [tilespmem:s9+$0x310];
	v8 =	vsub.f32 v48, v8;
	v11 =	vadd.f32 v38, v11  }
0x114: {  	v62 =	vadd.f32 v59, v58;
	v46 =	vsub.f32 v58, v59;
	v59 =	vld [tilespmem:s9+$0x350]  }
0x115: {  	v36 =	vld [tilespmem:s9+$0x340];
	v63 =	vadd.f32 v8, v10;
	v61 =	vadd.f32 v9, v11  }
0x116: {  	v8 =	vsub.f32 v10, v8;
	v9 =	vsub.f32 v11, v9  }
0x117: {  	v41 =	vld [tilespmem:s9+$0x330];
	v10 =	vmul.f32 v0, v32;
	v33 =	vadd.f32 v61, v60;
	v48 =	vsub.f32 v60, v61  }
0x118: {  	v58 =	vld [tilespmem:s9+$0x320];
	v54 =	vmul.f32 v0, v34;
	v38 =	vadd.f32 v9, v50;
	v9 =	vsub.f32 v50, v9  }
0x119: {  	v61 =	vperm.xlane v32, v3;
	v32 =	vmovc v0;
	v49 =	vperm.xlane v59, v3;
	v12 =	vadd.f32 v33, v62  }
0x11a: {  	v56 =	vmul.f32 v32, v36;
	v51 =	vsub.f32 v62, v33;
	v55 =	vadd.f32 v38, v63  }
0x11b: {  	v59 =	vmul.f32 v32, v59;
	v50 =	vsub.f32 v63, v38;
	v53 =	vadd.f32 v48, v46  }
0x11c: {  	v0 =	vld [tilespmem:s9+$0x370];
	v48 =	vsub.f32 v46, v48;
	v63 =	vperm.xlane v34, v3;
	v52 =	vadd.f32 v9, v8  }
0x11d: {  	v33 =	vperm.xlane v58, v3;
	v46 =	vsub.f32 v8, v9;
	v8 =	vperm.xlane v41, v3  }
0x11e: {  	v38 =	vmul.f32 v32, v41;
	v10 =	vadd.f32 v61, v10;
	v41 =	vperm.xlane v36, v3  }
0x11f: {  	v62 =	vld [tilespmem:s9+$0x360];
	v58 =	vmul.f32 v32, v58;
	v59 =	vadd.f32 v49, v59;
	v54 =	vadd.f32 v63, v54  }
0x120: {  	v11 =	vadd.f32 v41, v56;
	v41 =	vperm.xlane v10, v30;
	v10 =	vmul.f32 v1, v10  }
0x121: {  	v8 =	vadd.f32 v8, v38;
	v38 =	vperm.xlane v0, v3;
	v0 =	vmul.f32 v32, v0  }
0x122: {  	v33 =	vadd.f32 v33, v58;
	v49 =	vperm.xlane v54, v30;
	v54 =	vmul.f32 v1, v54  }
0x123: {  	v10 =	vadd.f32 v41, v10;
	v41 =	vperm.xlane v11, v30;
	v11 =	vmul.f32 v1, v11  }
0x124: {  	v36 =	vperm.xlane v62, v3;
	v62 =	vmul.f32 v32, v62;
	v0 =	vadd.f32 v38, v0  }
0x125: {  	v38 =	vperm.xlane v8, v30;
	v8 =	vmul.f32 v1, v8;
	v54 =	vadd.f32 v49, v54  }
0x126: {  	v49 =	vperm.xlane v59, v30;
	v59 =	vmul.f32 v1, v59;
	v11 =	vadd.f32 v41, v11  }
0x127: {  	v41 =	vperm.xlane v10, v26;
	v10 =	vmul.f32 v2, v10;
	v58 =	vadd.f32 v36, v62  }
0x128: {  	v36 =	vperm.xlane v33, v30;
	v33 =	vmul.f32 v1, v33;
	v8 =	vadd.f32 v38, v8  }
0x129: {  	v38 =	vperm.xlane v0, v30;
	v0 =	vmul.f32 v1, v0;
	v59 =	vadd.f32 v49, v59  }
0x12a: {  	v49 =	vperm.xlane v54, v26;
	v54 =	vmul.f32 v2, v54;
	v10 =	vadd.f32 v41, v10  }
0x12b: {  	v41 =	vperm.xlane v11, v26;
	v11 =	vmul.f32 v2, v11;
	v33 =	vadd.f32 v36, v33  }
0x12c: {  	v36 =	vperm.xlane v58, v30;
	v58 =	vmul.f32 v1, v58;
	v0 =	vadd.f32 v38, v0  }
0x12d: {  	v38 =	vperm.xlane v8, v26;
	v8 =	vmul.f32 v2, v8;
	v54 =	vadd.f32 v49, v54  }
0x12e: {  	v49 =	vperm.xlane v59, v26;
	v59 =	vmul.f32 v2, v59;
	v11 =	vadd.f32 v41, v11  }
0x12f: {  	v58 =	vadd.f32 v36, v58;
	v36 =	vperm.xlane v33, v26;
	v33 =	vmul.f32 v2, v33  }
0x130: {  	v8 =	vadd.f32 v38, v8;
	v38 =	vperm.xlane v10, v28;
	v10 =	vmul.f32 v7, v10  }
0x131: {  	v59 =	vadd.f32 v49, v59;
	v41 =	vperm.xlane v54, v28;
	v54 =	vmul.f32 v7, v54  }
0x132: {  	v33 =	vadd.f32 v36, v33;
	v34 =	vperm.xlane v58, v26;
	v58 =	vmul.f32 v2, v58  }
0x133: {  	v36 =	vperm.xlane v0, v26;
	v0 =	vmul.f32 v2, v0;
	v10 =	vadd.f32 v38, v10  }
0x134: {  	v38 =	vperm.xlane v11, v28;
	v11 =	vmul.f32 v7, v11;
	v54 =	vadd.f32 v41, v54  }
0x135: {  	v41 =	vperm.xlane v59, v28;
	v59 =	vmul.f32 v7, v59;
	v58 =	vadd.f32 v34, v58  }
0x136: {  	v49 =	vperm.xlane v33, v28;
	v33 =	vmul.f32 v7, v33;
	v0 =	vadd.f32 v36, v0  }
0x137: {  	v36 =	vperm.xlane v8, v28;
	v11 =	vadd.f32 v38, v11;
	v61 =	vadd.f32 v41, v59  }
0x138: {  	v8 =	vmul.f32 v7, v8;
	v63 =	vadd.f32 v54, v10;
	v10 =	vsub.f32 v10, v54  }
0x139: {  	v33 =	vadd.f32 v49, v33;
	v49 =	vperm.xlane v58, v28;
	v58 =	vmul.f32 v7, v58  }
0x13a: {  	v8 =	vadd.f32 v36, v8;
	v60 =	vperm.xlane v0, v28;
	v0 =	vmul.f32 v7, v0  }
0x13b: {  	v38 =	vadd.f32 v61, v11;
	v11 =	vsub.f32 v11, v61  }
0x13c: {  	v58 =	vadd.f32 v49, v58;
	v0 =	vadd.f32 v60, v0  }
0x13d: {  	v36 =	vadd.f32 v8, v33;
	v8 =	vsub.f32 v33, v8  }
0x13e: {  	v41 =	vadd.f32 v0, v58;
	v0 =	vsub.f32 v58, v0  }
0x13f: {  	v49 =	vadd.f32 v36, v63;
	v54 =	vsub.f32 v63, v36  }
0x140: {  	v61 =	vadd.f32 v8, v10;
	v8 =	vsub.f32 v10, v8;
	v10 =	vld [tilespmem:s9+$0x380]  }
0x141: {  	v36 =	vadd.f32 v41, v38;
	v33 =	vsub.f32 v38, v41;
	v38 =	vld [tilespmem:s9+$0x390]  }
0x142: {  	v60 =	vadd.f32 v0, v11;
	v41 =	vld [tilespmem:s9+$0x3A0]  }
0x143: {  	v0 =	vsub.f32 v11, v0;
	v9 =	vadd.f32 v36, v49  }
0x144: {  	v56 =	vld [tilespmem:s9+$0x3C0];
	v59 =	vsub.f32 v49, v36;
	v11 =	vadd.f32 v60, v61  }
0x145: {  	v49 =	vld [tilespmem:s9+$0x3B0];
	v58 =	vsub.f32 v61, v60;
	v62 =	vadd.f32 v33, v54;
	v60 =	vperm.xlane v10, v3  }
0x146: {  	v61 =	vld [tilespmem:s9+$0x3D0];
	v33 =	vsub.f32 v54, v33;
	v10 =	vmul.f32 v32, v10;
	v54 =	vperm.xlane v38, v3  }
0x147: {  	v57 =	vld [tilespmem:s9+$0x3E0];
	v34 =	vmovc v2;
	v36 =	vmov v1;
	v63 =	vmul.f32 v32, v38;
	v1 =	vperm.xlane v41, v3  }
0x148: {  	v2 =	vmul.f32 v32, v41;
	v41 =	vadd.f32 v0, v8;
	v38 =	vmovc v3;
	v0 =	vsub.f32 v8, v0  }
0x149: {  	v10 =	vadd.f32 v60, v10;
	v60 =	vperm.xlane v56, v38;
	v56 =	vmul.f32 v32, v56  }
0x14a: {  	v8 =	vperm.xlane v49, v38;
	v49 =	vmul.f32 v32, v49;
	v54 =	vadd.f32 v54, v63  }
0x14b: {  	v3 =	vld [tilespmem:s9+$0x3F0];
	v63 =	vperm.xlane v61, v38;
	v61 =	vmul.f32 v32, v61;
	v1 =	vadd.f32 v1, v2  }
0x14c: {  	v2 =	vperm.xlane v57, v38;
	v57 =	vmul.f32 v32, v57;
	v56 =	vadd.f32 v60, v56  }
0x14d: {  	v60 =	vperm.xlane v10, v30;
	v10 =	vmul.f32 v36, v10;
	v8 =	vadd.f32 v8, v49  }
0x14e: {  	v61 =	vadd.f32 v63, v61;
	v63 =	vperm.xlane v54, v30;
	v54 =	vmul.f32 v36, v54  }
0x14f: {  	v2 =	vadd.f32 v2, v57;
	v57 =	vperm.xlane v1, v30;
	v1 =	vmul.f32 v36, v1  }
0x150: {  	v49 =	vperm.xlane v3, v38;
	v3 =	vmul.f32 v32, v3;
	v10 =	vadd.f32 v60, v10  }
0x151: {  	v60 =	vperm.xlane v56, v30;
	v56 =	vmul.f32 v36, v56;
	v54 =	vadd.f32 v63, v54  }
0x152: {  	v63 =	vperm.xlane v61, v30;
	v61 =	vmul.f32 v36, v61;
	v1 =	vadd.f32 v57, v1  }
0x153: {  	v57 =	vperm.xlane v2, v30;
	v2 =	vmul.f32 v36, v2;
	v3 =	vadd.f32 v49, v3  }
0x154: {  	v49 =	vperm.xlane v8, v30;
	v8 =	vmul.f32 v36, v8;
	v56 =	vadd.f32 v60, v56  }
0x155: {  	v60 =	vperm.xlane v10, v26;
	v10 =	vmul.f32 v34, v10;
	v61 =	vadd.f32 v63, v61  }
0x156: {  	v63 =	vperm.xlane v54, v26;
	v54 =	vmul.f32 v34, v54;
	v2 =	vadd.f32 v57, v2  }
0x157: {  	v57 =	vperm.xlane v1, v26;
	v1 =	vmul.f32 v34, v1;
	v8 =	vadd.f32 v49, v8  }
0x158: {  	v49 =	vperm.xlane v3, v30;
	v3 =	vmul.f32 v36, v3;
	v10 =	vadd.f32 v60, v10  }
0x159: {  	v60 =	vperm.xlane v56, v26;
	v56 =	vmul.f32 v34, v56;
	v54 =	vadd.f32 v63, v54  }
0x15a: {  	v63 =	vperm.xlane v61, v26;
	v61 =	vmul.f32 v34, v61;
	v1 =	vadd.f32 v57, v1  }
0x15b: {  	v57 =	vperm.xlane v2, v26;
	v2 =	vmul.f32 v34, v2;
	v3 =	vadd.f32 v49, v3  }
0x15c: {  	v49 =	vperm.xlane v8, v26;
	v8 =	vmul.f32 v34, v8;
	v56 =	vadd.f32 v60, v56  }
0x15d: {  	v60 =	vperm.xlane v10, v28;
	v10 =	vmul.f32 v7, v10;
	v61 =	vadd.f32 v63, v61  }
0x15e: {  	v63 =	vperm.xlane v54, v28;
	v54 =	vmul.f32 v7, v54;
	v2 =	vadd.f32 v57, v2  }
0x15f: {  	v57 =	vperm.xlane v1, v28;
	v1 =	vmul.f32 v7, v1;
	v8 =	vadd.f32 v49, v8  }
0x160: {  	v49 =	vperm.xlane v3, v26;
	v3 =	vmul.f32 v34, v3;
	v10 =	vadd.f32 v60, v10  }
0x161: {  	v60 =	vperm.xlane v56, v28;
	v56 =	vmul.f32 v7, v56;
	v54 =	vadd.f32 v63, v54  }
0x162: {  	v63 =	vperm.xlane v61, v28;
	v61 =	vmul.f32 v7, v61;
	v1 =	vadd.f32 v57, v1  }
0x163: {  	v57 =	vperm.xlane v2, v28;
	v2 =	vmul.f32 v7, v2;
	v3 =	vadd.f32 v49, v3  }
0x164: {  	v49 =	vperm.xlane v8, v28;
	v8 =	vmul.f32 v7, v8;
	v56 =	vadd.f32 v60, v56  }
0x165: {  	v60 =	vadd.f32 v63, v61;
	v2 =	vadd.f32 v57, v2  }
0x166: {  	v8 =	vadd.f32 v49, v8;
	v49 =	vperm.xlane v3, v28;
	v3 =	vmul.f32 v7, v3  }
0x167: {  	v61 =	vadd.f32 v54, v10;
	v10 =	vsub.f32 v10, v54  }
0x168: {  	v3 =	vadd.f32 v49, v3;
	v63 =	vadd.f32 v8, v1  }
0x169: {  	v1 =	vsub.f32 v1, v8;
	v8 =	vadd.f32 v60, v56  }
0x16a: {  	v56 =	vsub.f32 v56, v60;
	v57 =	vadd.f32 v3, v2  }
0x16b: {  	v2 =	vsub.f32 v2, v3;
	v3 =	vadd.f32 v63, v61  }
0x16c: {  	v49 =	vsub.f32 v61, v63;
	v54 =	vadd.f32 v1, v10  }
0x16d: {  	v1 =	vsub.f32 v10, v1;
	v61 =	vadd.f32 v14, v15  }
0x16e: {  	v14 =	vsub.f32 v15, v14;
	v15 =	vadd.f32 v12, v13  }
0x16f: {  	v12 =	vsub.f32 v13, v12;
	v60 =	vadd.f32 v57, v8  }
0x170: {  	v57 =	vsub.f32 v8, v57;
	v8 =	vadd.f32 v2, v56  }
0x171: {  	v2 =	vsub.f32 v56, v2;
	v56 =	vadd.f32 v60, v3  }
0x172: {  	v3 =	vsub.f32 v3, v60;
	v60 =	vadd.f32 v8, v54  }
0x173: {  	v8 =	vsub.f32 v54, v8;
	v54 =	vadd.f32 v57, v49  }
0x174: {  	v10 =	vsub.f32 v49, v57;
	v49 =	vadd.f32 v2, v1  }
0x175: {  	v63 =	vsub.f32 v1, v2;
	v1 =	vadd.f32 v25, v17  }
0x176: {  	v2 =	vsub.f32 v17, v25;
	v57 =	vadd.f32 v56, v9  }
0x177: {  	v9 =	vsub.f32 v9, v56;
	v25 =	vadd.f32 v61, v1  }
0x178: {  	v1 =	vsub.f32 v1, v61;
	v61 =	vadd.f32 v57, v15  }
0x179: {  	v17 =	vadd.f32 v14, v2;
	v2 =	vsub.f32 v2, v14  }
0x17a: {  	v13 =	vsub.f32 v15, v57;
	v57 =	vsub.f32 v25, v61  }
0x17b: {  	v15 =	vadd.f32 v9, v12;
	v9 =	vsub.f32 v12, v9  }
0x17c: {  	[tilespmem:$0x1FB70] =	vst v57;
	v57 =	vadd.f32 v13, v1;
	v1 =	vsub.f32 v1, v13;
	_ =	sdelay $0x1  }
0x17d: {  	[tilespmem:$0x1FB90] =	vst v1;
	v1 =	vadd.f32 v9, v2;
	_ =	sdelay $0x1  }
0x17e: {  	[tilespmem:$0x1FB60] =	vst v1;
	v1 =	vsub.f32 v2, v9;
	v2 =	vld [tilespmem:$0x1FA80]  }
0x17f: {  	v56 =	vadd.f32 v61, v25;
	v61 =	vadd.f32 v15, v17  }
0x180: {  	v25 =	vsub.f32 v17, v15  }
0x181: {  	[tilespmem:$0x1FB40] =	vst v61  }
0x182: {  	[tilespmem:$0x1FB80] =	vst v25;
	v61 =	vadd.f32 v39, v31;
	v25 =	vadd.f32 v55, v47  }
0x183: {  	[tilespmem:$0x1FBA0] =	vst v1;
	v1 =	vadd.f32 v23, v2;
	v2 =	vsub.f32 v2, v23  }
0x184: {  	v23 =	vsub.f32 v31, v39;
	v31 =	vsub.f32 v47, v55  }
0x185: {  	v39 =	vadd.f32 v60, v11;
	v11 =	vsub.f32 v11, v60  }
0x186: {  	v47 =	vadd.f32 v61, v1;
	v1 =	vsub.f32 v1, v61  }
0x187: {  	v55 =	vadd.f32 v23, v2;
	v2 =	vsub.f32 v2, v23  }
0x188: {  	[tilespmem:$0x1FB50] =	vst v57;
	v57 =	vadd.f32 v39, v25;
	v13 =	vsub.f32 v25, v39  }
0x189: {  	v60 =	vadd.f32 v11, v31;
	v11 =	vsub.f32 v31, v11  }
0x18a: {  	v25 =	vadd.f32 v13, v1;
	v1 =	vsub.f32 v1, v13;
	_ =	sdelay $0x1  }
0x18b: {  	[tilespmem:$0x1FC10] =	vst v1;
	v1 =	vadd.f32 v11, v2  }
0x18c: {  	v31 =	vadd.f32 v37, v29  }
0x18d: {  	v37 =	vsub.f32 v29, v37;
	[tilespmem:$0x1FBE0] =	vst v1;
	v1 =	vsub.f32 v2, v11;
	v2 =	vld [tilespmem:$0x1FA90]  }
0x18e: {  	v39 =	vadd.f32 v53, v45;
	v61 =	vadd.f32 v57, v47  }
0x18f: {  	v12 =	vsub.f32 v47, v57;
	v23 =	vadd.f32 v60, v55  }
0x190: {  	v47 =	vsub.f32 v45, v53;
	v53 =	vadd.f32 v54, v62  }
0x191: {  	v9 =	vsub.f32 v55, v60;
	v54 =	vsub.f32 v62, v54;
	[tilespmem:$0x1FBF0] =	vst v12  }
0x192: {  	v12 =	vsub.f32 v39, v53;
	[tilespmem:$0x1FC20] =	vst v1;
	v1 =	vadd.f32 v21, v2  }
0x193: {  	v13 =	vsub.f32 v47, v54;
	v2 =	vsub.f32 v2, v21  }
0x194: {  	v55 =	vadd.f32 v31, v1;
	v1 =	vsub.f32 v1, v31  }
0x195: {  	v57 =	vadd.f32 v37, v2;
	v2 =	vsub.f32 v2, v37  }
0x196: {  	v21 =	vadd.f32 v12, v1;
	v1 =	vsub.f32 v1, v12;
	_ =	sdelay $0x1  }
0x197: {  	[tilespmem:$0x1FC90] =	vst v1;
	v1 =	vadd.f32 v13, v2  }
0x198: {  	[tilespmem:$0x1FBC0] =	vst v23;
	v23 =	vld [tilespmem:$0x1FAB0]  }
0x199: {  	[tilespmem:$0x1FC60] =	vst v1;
	v1 =	vsub.f32 v2, v13;
	v2 =	vld [tilespmem:$0x1FAA0];
	_ =	sdelay $0x2  }
0x19a: {  	v60 =	vadd.f32 v53, v39  }
0x19b: {  	[tilespmem:$0x1FBD0] =	vst v25;
	v25 =	vadd.f32 v5, v19;
	v39 =	vadd.f32 v49, v41  }
0x19c: {  	v31 =	vadd.f32 v52, v44;
	[tilespmem:$0x1FCA0] =	vst v1;
	v1 =	vadd.f32 v23, v2  }
0x19d: {  	v37 =	vsub.f32 v44, v52;
	v44 =	vsub.f32 v41, v49  }
0x19e: {  	v49 =	vadd.f32 v39, v31;
	v45 =	vadd.f32 v25, v1  }
0x19f: {  	v29 =	vsub.f32 v19, v5  }
0x1a0: {  	v2 =	vsub.f32 v2, v23;
	v5 =	vadd.f32 v49, v45  }
0x1a1: {  	[tilespmem:$0x1FBB0] =	vst v61;
	v61 =	vadd.f32 v54, v47;
	v52 =	vadd.f32 v44, v37  }
0x1a2: {  	v47 =	vadd.f32 v29, v2;
	[tilespmem:$0x1FCB0] =	vst v5;
	v5 =	vsub.f32 v45, v49;
	_ =	sdelay $0x1  }
0x1a3: {  	[tilespmem:$0x1FCF0] =	vst v5;
	v5 =	vadd.f32 v52, v47  }
0x1a4: {  	v12 =	vsub.f32 v31, v39  }
0x1a5: {  	v1 =	vsub.f32 v1, v25;
	[tilespmem:$0x1FCC0] =	vst v5;
	v5 =	vsub.f32 v47, v52  }
0x1a6: {  	v13 =	vsub.f32 v37, v44;
	v2 =	vsub.f32 v2, v29  }
0x1a7: {  	[tilespmem:$0x1FD00] =	vst v5;
	v5 =	vadd.f32 v12, v1;
	v1 =	vsub.f32 v1, v12;
	_ =	sdelay $0x1  }
0x1a8: {  	[tilespmem:$0x1FD10] =	vst v1;
	v1 =	vadd.f32 v13, v2  }
0x1a9: {  	[tilespmem:$0x1FCD0] =	vst v5;
	v5 =	vld [tilespmem:$0x1FAD0]  }
0x1aa: {  	[tilespmem:$0x1FCE0] =	vst v1;
	v1 =	vsub.f32 v2, v13;
	v2 =	vld [tilespmem:$0x1FAC0];
	_ =	sdelay $0x1  }
0x1ab: {  	v53 =	vadd.f32 v35, v27  }
0x1ac: {  	v62 =	vadd.f32 v60, v55;
	v11 =	vsub.f32 v55, v60  }
0x1ad: {  	v17 =	vadd.f32 v61, v57;
	v55 =	vadd.f32 v51, v43  }
0x1ae: {  	v60 =	vadd.f32 v3, v59;
	[tilespmem:$0x1FD30] =	vst v1;
	v1 =	vadd.f32 v5, v2  }
0x1af: {  	[tilespmem:$0x1FC00] =	vst v9;
	v54 =	vsub.f32 v27, v35;
	v9 =	vsub.f32 v57, v61  }
0x1b0: {  	[tilespmem:$0x1FC40] =	vst v17;
	v17 =	vadd.f32 v60, v55;
	v61 =	vadd.f32 v53, v1  }
0x1b1: {  	v57 =	vsub.f32 v43, v51;
	v3 =	vsub.f32 v59, v3  }
0x1b2: {  	v2 =	vsub.f32 v2, v5;
	v5 =	vadd.f32 v17, v61  }
0x1b3: {  	[tilespmem:$0x1FC30] =	vst v62;
	v19 =	vadd.f32 v3, v57  }
0x1b4: {  	v62 =	vadd.f32 v54, v2;
	[tilespmem:$0x1FD40] =	vst v5;
	v5 =	vsub.f32 v61, v17;
	_ =	sdelay $0x1  }
0x1b5: {  	[tilespmem:$0x1FD80] =	vst v5;
	v5 =	vadd.f32 v19, v62  }
0x1b6: {  	v12 =	vsub.f32 v55, v60  }
0x1b7: {  	v1 =	vsub.f32 v1, v53;
	[tilespmem:$0x1FD50] =	vst v5;
	v5 =	vsub.f32 v62, v19  }
0x1b8: {  	v3 =	vsub.f32 v57, v3;
	v2 =	vsub.f32 v2, v54  }
0x1b9: {  	[tilespmem:$0x1FD90] =	vst v5;
	v5 =	vadd.f32 v12, v1;
	v1 =	vsub.f32 v1, v12;
	_ =	sdelay $0x1  }
0x1ba: {  	[tilespmem:$0x1FDA0] =	vst v1;
	v1 =	vadd.f32 v3, v2;
	_ =	sdelay $0x1  }
0x1bb: {  	[tilespmem:$0x1FD70] =	vst v1;
	v1 =	vsub.f32 v2, v3;
	v2 =	vld [tilespmem:$0x1FAE0]  }
0x1bc: {  	v3 =	vld [tilespmem:$0x1FAF0];
	_ =	sdelay $0x3  }
0x1bd: {  	v27 =	vadd.f32 v8, v58;
	[tilespmem:$0x1FD60] =	vst v5  }
0x1be: {  	v23 =	vadd.f32 v50, v42;
	v5 =	vld [tilespmem:$0x1FB00];
	[tilespmem:$0x1FDB0] =	vst v1;
	v1 =	vadd.f32 v3, v2  }
0x1bf: {  	v2 =	vsub.f32 v2, v3;
	v3 =	vadd.f32 v6, v20;
	_ =	sdelay $0x1  }
0x1c0: {  	v31 =	vadd.f32 v27, v23;
	v29 =	vadd.f32 v3, v1  }
0x1c1: {  	v8 =	vsub.f32 v58, v8;
	[tilespmem:$0x1FC50] =	vst v21;
	v25 =	vsub.f32 v42, v50  }
0x1c2: {  	v21 =	vsub.f32 v20, v6;
	[tilespmem:s9+$0x60] =	vst v5;
	v5 =	vadd.f32 v31, v29  }
0x1c3: {  	v35 =	vadd.f32 v8, v25;
	v1 =	vsub.f32 v1, v3  }
0x1c4: {  	v3 =	vadd.f32 v21, v2;
	[tilespmem:$0x1FDC0] =	vst v5;
	v5 =	vsub.f32 v29, v31  }
0x1c5: {  	[tilespmem:$0x1FC70] =	vst v11;
	v11 =	vsub.f32 v23, v27  }
0x1c6: {  	[tilespmem:$0x1FE10] =	vst v5;
	v5 =	vadd.f32 v35, v3;
	v3 =	vsub.f32 v3, v35  }
0x1c7: {  	v8 =	vsub.f32 v25, v8;
	v2 =	vsub.f32 v2, v21  }
0x1c8: {  	[tilespmem:$0x1FE20] =	vst v3;
	v3 =	vadd.f32 v11, v1;
	v1 =	vsub.f32 v1, v11;
	_ =	sdelay $0x1  }
0x1c9: {  	[tilespmem:$0x1FE30] =	vst v1;
	v1 =	vadd.f32 v8, v2  }
0x1ca: {  	v37 =	vld [tilespmem:s9+$0x60]  }
0x1cb: {  	[tilespmem:$0x1FE00] =	vst v1;
	v1 =	vsub.f32 v2, v8;
	v2 =	vld [tilespmem:$0x1FB10];
	_ =	sdelay $0x3  }
0x1cc: {  	[tilespmem:$0x1FDE0] =	vst v3  }
0x1cd: {  	v3 =	vadd.f32 v16, v24;
	[tilespmem:$0x1FE40] =	vst v1;
	v1 =	vadd.f32 v37, v2;
	_ =	sdelay $0x1  }
0x1ce: {  	v42 =	vadd.f32 v1, v3;
	v1 =	vsub.f32 v1, v3;
	v3 =	vld [tilespmem:$0x1FB20];
	_ =	sdelay $0x2  }
0x1cf: {  	[tilespmem:$0x1FDD0] =	vst v5;
	v5 =	vld [tilespmem:$0x1FB30];
	v8 =	vsub.f32 v24, v16;
	v2 =	vsub.f32 v37, v2  }
0x1d0: {  	v41 =	vadd.f32 v10, v33;
	v39 =	vadd.f32 v48, v40  }
0x1d1: {  	[tilespmem:s9+$0x70] =	vst v3;
	v3 =	vadd.f32 v2, v8  }
0x1d2: {  	v2 =	vsub.f32 v2, v8;
	v8 =	vadd.f32 v41, v39  }
0x1d3: {  	v10 =	vsub.f32 v33, v10  }
0x1d4: {  	v40 =	vsub.f32 v40, v48;
	v60 =	vld [tilespmem:s9+$0x460];
	[tilespmem:s9+$0xF0] =	vst v5;
	v5 =	vadd.f32 v42, v8;
	_ =	sdelay $0x1  }
0x1d5: {  	v44 =	vadd.f32 v10, v40;
	[tilespmem:$0x1FE50] =	vst v5;
	v5 =	vsub.f32 v42, v8  }
0x1d6: {  	[tilespmem:$0x1FC80] =	vst v9;
	v9 =	vsub.f32 v39, v41  }
0x1d7: {  	[tilespmem:$0x1FE90] =	vst v5;
	v5 =	vadd.f32 v3, v44;
	v3 =	vsub.f32 v3, v44  }
0x1d8: {  	v10 =	vsub.f32 v40, v10;
	v54 =	vld [tilespmem:s9+$0x420];
	v20 =	vperm.xlane v60, v38;
	v11 =	vmul.f32 v32, v60  }
0x1d9: {  	v45 =	vld [tilespmem:s9+$0xF0];
	[tilespmem:$0x1FEA0] =	vst v3;
	v3 =	vadd.f32 v1, v9;
	v1 =	vsub.f32 v1, v9  }
0x1da: {  	v48 =	vsub.f32 v4, v46;
	v11 =	vadd.f32 v20, v11;
	v43 =	vld [tilespmem:s9+$0x70]  }
0x1db: {  	v49 =	vadd.f32 v63, v0;
	[tilespmem:$0x1FEB0] =	vst v1;
	v1 =	vadd.f32 v2, v10  }
0x1dc: {  	v47 =	vadd.f32 v46, v4;
	v31 =	vperm.xlane v11, v30;
	v11 =	vmul.f32 v36, v11  }
0x1dd: {  	v0 =	vsub.f32 v0, v63;
	v52 =	vld [tilespmem:s9+$0x410];
	[tilespmem:$0x1FE80] =	vst v1;
	v1 =	vsub.f32 v2, v10  }
0x1de: {  	v51 =	vadd.f32 v49, v47;
	v61 =	vperm.xlane v54, v38;
	v11 =	vadd.f32 v31, v11;
	[tilespmem:$0x1FE70] =	vst v3  }
0x1df: {  	v3 =	vadd.f32 v18, v22;
	v10 =	vmul.f32 v32, v54;
	[tilespmem:$0x1FED0] =	vst v1;
	v1 =	vadd.f32 v45, v43  }
0x1e0: {  	v58 =	vld [tilespmem:s9+$0x450];
	v8 =	vsub.f32 v22, v18;
	v2 =	vsub.f32 v43, v45  }
0x1e1: {  	v62 =	vld [tilespmem:s9+$0x470];
	v10 =	vadd.f32 v61, v10;
	v50 =	vadd.f32 v1, v3  }
0x1e2: {  	v59 =	vmul.f32 v32, v52;
	v1 =	vsub.f32 v1, v3;
	v3 =	vadd.f32 v2, v8  }
0x1e3: {  	v2 =	vsub.f32 v2, v8;
	v8 =	vld [tilespmem:s9+$0x400];
	v24 =	vperm.xlane v10, v30;
	v10 =	vmul.f32 v36, v10  }
0x1e4: {  	v53 =	vadd.f32 v0, v48;
	v43 =	vperm.xlane v11, v26;
	v11 =	vmul.f32 v34, v11  }
0x1e5: {  	v19 =	vmul.f32 v32, v58;
	v4 =	vadd.f32 v50, v51;
	v10 =	vadd.f32 v24, v10  }
0x1e6: {  	v21 =	vmul.f32 v32, v62;
	v18 =	vperm.xlane v58, v38;
	v11 =	vadd.f32 v43, v11  }
0x1e7: {  	[tilespmem:$0x1FEE0] =	vst v4;
	v4 =	vsub.f32 v50, v51;
	v39 =	vperm.xlane v10, v26;
	v10 =	vmul.f32 v34, v10  }
0x1e8: {  	v9 =	vsub.f32 v47, v49;
	v57 =	vperm.xlane v8, v38;
	v8 =	vmul.f32 v32, v8  }
0x1e9: {  	v55 =	vld [tilespmem:s9+$0x430];
	v51 =	vperm.xlane v11, v28;
	[tilespmem:$0x1FF20] =	vst v4;
	v4 =	vadd.f32 v3, v53;
	v10 =	vadd.f32 v39, v10  }
0x1ea: {  	v11 =	vmul.f32 v7, v11;
	v3 =	vsub.f32 v3, v53;
	v8 =	vadd.f32 v57, v8  }
0x1eb: {  	[tilespmem:$0x1FEF0] =	vst v4;
	v4 =	vadd.f32 v1, v9;
	v1 =	vsub.f32 v1, v9;
	v47 =	vperm.xlane v10, v28  }
0x1ec: {  	v0 =	vsub.f32 v48, v0;
	[tilespmem:$0x1FF30] =	vst v3;
	v3 =	vld [tilespmem:s9+$0x440];
	v10 =	vmul.f32 v7, v10;
	v22 =	vperm.xlane v8, v30  }
0x1ed: {  	v9 =	vadd.f32 v18, v19;
	v8 =	vmul.f32 v36, v8;
	[tilespmem:$0x1FF40] =	vst v1;
	v1 =	vperm.xlane v52, v38  }
0x1ee: {  	[tilespmem:$0x1FF00] =	vst v4;
	v4 =	vadd.f32 v2, v0;
	v0 =	vsub.f32 v2, v0;
	v2 =	vmul.f32 v32, v55  }
0x1ef: {  	v11 =	vadd.f32 v51, v11;
	v29 =	vperm.xlane v9, v30;
	v9 =	vmul.f32 v36, v9  }
0x1f0: {  	v10 =	vadd.f32 v47, v10;
	v8 =	vadd.f32 v22, v8;
	[tilespmem:$0x1FF50] =	vst v0;
	v0 =	vperm.xlane v55, v38  }
0x1f1: {  	v1 =	vadd.f32 v1, v59;
	v63 =	vperm.xlane v3, v38;
	v3 =	vmul.f32 v32, v3  }
0x1f2: {  	v9 =	vadd.f32 v29, v9;
	v35 =	vperm.xlane v8, v26;
	v8 =	vmul.f32 v34, v8  }
0x1f3: {  	v0 =	vadd.f32 v0, v2;
	v2 =	vperm.xlane v62, v38;
	v23 =	vperm.xlane v1, v30  }
0x1f4: {  	v1 =	vmul.f32 v36, v1;
	v42 =	vperm.xlane v9, v26;
	v3 =	vadd.f32 v63, v3  }
0x1f5: {  	v9 =	vmul.f32 v34, v9;
	v8 =	vadd.f32 v35, v8;
	v25 =	vperm.xlane v0, v30  }
0x1f6: {  	v2 =	vadd.f32 v2, v21;
	v0 =	vmul.f32 v36, v0;
	v27 =	vperm.xlane v3, v30  }
0x1f7: {  	v1 =	vadd.f32 v23, v1;
	v3 =	vmul.f32 v36, v3;
	v45 =	vperm.xlane v8, v28  }
0x1f8: {  	v9 =	vadd.f32 v42, v9;
	v8 =	vmul.f32 v7, v8;
	v33 =	vperm.xlane v2, v30  }
0x1f9: {  	v0 =	vadd.f32 v25, v0;
	v2 =	vmul.f32 v36, v2;
	v37 =	vperm.xlane v1, v26  }
0x1fa: {  	v1 =	vmul.f32 v34, v1;
	v50 =	vperm.xlane v9, v28;
	v3 =	vadd.f32 v27, v3  }
0x1fb: {  	v9 =	vmul.f32 v7, v9;
	v8 =	vadd.f32 v45, v8;
	v2 =	vadd.f32 v33, v2  }
0x1fc: {  	v40 =	vperm.xlane v0, v26;
	v0 =	vmul.f32 v34, v0;
	v1 =	vadd.f32 v37, v1  }
0x1fd: {  	v9 =	vadd.f32 v50, v9;
	v41 =	vperm.xlane v3, v26;
	v3 =	vmul.f32 v34, v3  }
0x1fe: {  	v0 =	vadd.f32 v40, v0;
	v44 =	vperm.xlane v2, v26;
	v2 =	vmul.f32 v34, v2  }
0x1ff: {  	v46 =	vperm.xlane v1, v28;
	v1 =	vmul.f32 v7, v1;
	v3 =	vadd.f32 v41, v3  }
0x200: {  	v63 =	vld [tilespmem:s9+$0x4C0];
	v2 =	vadd.f32 v44, v2;
	v48 =	vperm.xlane v0, v28;
	v0 =	vmul.f32 v7, v0  }
0x201: {  	v1 =	vadd.f32 v46, v1;
	v49 =	vperm.xlane v3, v28;
	v3 =	vmul.f32 v7, v3  }
0x202: {  	v23 =	vld [tilespmem:s9+$0x4E0];
	v0 =	vadd.f32 v48, v0;
	v52 =	vperm.xlane v2, v28;
	v2 =	vmul.f32 v7, v2  }
0x203: {  	v53 =	vadd.f32 v1, v8;
	v1 =	vsub.f32 v8, v1  }
0x204: {  	v3 =	vadd.f32 v49, v3;
	v2 =	vadd.f32 v52, v2  }
0x205: {  	v60 =	vld [tilespmem:s9+$0x490];
	v27 =	vperm.xlane v63, v38;
	v8 =	vadd.f32 v0, v10;
	v0 =	vsub.f32 v10, v0  }
0x206: {  	v12 =	vmul.f32 v32, v63;
	v54 =	vadd.f32 v9, v3;
	v3 =	vsub.f32 v3, v9  }
0x207: {  	v33 =	vperm.xlane v23, v38;
	v55 =	vadd.f32 v2, v11;
	v2 =	vsub.f32 v11, v2  }
0x208: {  	v21 =	vld [tilespmem:s9+$0x4D0];
	v10 =	vmul.f32 v32, v23;
	v57 =	vadd.f32 v8, v53;
	v58 =	vadd.f32 v0, v1  }
0x209: {  	v0 =	vsub.f32 v1, v0;
	v1 =	vld [tilespmem:s9+$0x480];
	v11 =	vadd.f32 v27, v12  }
0x20a: {  	v22 =	vmul.f32 v32, v60;
	v10 =	vadd.f32 v33, v10;
	v59 =	vadd.f32 v55, v54  }
0x20b: {  	v61 =	vadd.f32 v2, v3;
	v42 =	vperm.xlane v11, v30;
	v11 =	vmul.f32 v36, v11  }
0x20c: {  	v2 =	vsub.f32 v3, v2;
	v3 =	vld [tilespmem:s9+$0x4A0];
	v44 =	vperm.xlane v10, v30;
	v10 =	vmul.f32 v36, v10  }
0x20d: {  	v29 =	vperm.xlane v21, v38;
	v31 =	vmul.f32 v32, v21;
	v11 =	vadd.f32 v42, v11  }
0x20e: {  	[tilespmem:$0x1FF10] =	vst v4;
	v25 =	vld [tilespmem:s9+$0x4F0];
	v4 =	vadd.f32 v59, v57;
	v10 =	vadd.f32 v44, v10;
	v20 =	vperm.xlane v1, v38  }
0x20f: {  	v8 =	vsub.f32 v53, v8;
	v1 =	vmul.f32 v32, v1;
	v50 =	vperm.xlane v11, v26  }
0x210: {  	[tilespmem:$0x1FD20] =	vst v4;
	v4 =	vsub.f32 v57, v59;
	v11 =	vmul.f32 v34, v11;
	v52 =	vperm.xlane v10, v26  }
0x211: {  	v9 =	vsub.f32 v54, v55;
	v10 =	vmul.f32 v34, v10;
	v24 =	vperm.xlane v3, v38  }
0x212: {  	v3 =	vmul.f32 v32, v3;
	v1 =	vadd.f32 v20, v1;
	[tilespmem:$0x1FFA0] =	vst v4;
	v4 =	vadd.f32 v61, v58  }
0x213: {  	v35 =	vmul.f32 v32, v25;
	v11 =	vadd.f32 v50, v11;
	v10 =	vadd.f32 v52, v10  }
0x214: {  	v3 =	vadd.f32 v24, v3;
	v37 =	vperm.xlane v1, v30;
	v1 =	vmul.f32 v36, v1  }
0x215: {  	[tilespmem:$0x1FDF0] =	vst v4;
	v4 =	vsub.f32 v58, v61;
	v59 =	vperm.xlane v11, v28;
	v11 =	vmul.f32 v7, v11  }
0x216: {  	v62 =	vld [tilespmem:s9+$0x4B0];
	v40 =	vperm.xlane v3, v30;
	v3 =	vmul.f32 v36, v3;
	v1 =	vadd.f32 v37, v1  }
0x217: {  	v61 =	vperm.xlane v10, v28;
	v10 =	vmul.f32 v7, v10;
	[tilespmem:$0x1FFC0] =	vst v4;
	v4 =	vadd.f32 v9, v8  }
0x218: {  	v3 =	vadd.f32 v40, v3;
	v46 =	vperm.xlane v1, v26;
	v1 =	vmul.f32 v34, v1  }
0x219: {  	[tilespmem:$0x1FEC0] =	vst v4;
	v4 =	vsub.f32 v8, v9;
	v8 =	vperm.xlane v60, v38;
	v9 =	vadd.f32 v29, v31  }
0x21a: {  	v48 =	vperm.xlane v3, v26;
	v3 =	vmul.f32 v34, v3;
	v1 =	vadd.f32 v46, v1  }
0x21b: {  	[tilespmem:$0x1FF60] =	vst v4;
	v4 =	vadd.f32 v2, v0;
	v0 =	vsub.f32 v0, v2;
	v2 =	vmul.f32 v32, v62  }
0x21c: {  	v8 =	vadd.f32 v8, v22;
	v43 =	vperm.xlane v9, v30;
	v9 =	vmul.f32 v36, v9  }
0x21d: {  	v11 =	vadd.f32 v59, v11;
	v54 =	vperm.xlane v1, v28;
	[tilespmem:$0x1FF70] =	vst v0;
	v0 =	vperm.xlane v62, v38  }
0x21e: {  	v3 =	vadd.f32 v48, v3;
	v1 =	vmul.f32 v7, v1;
	v39 =	vperm.xlane v8, v30  }
0x21f: {  	v9 =	vadd.f32 v43, v9;
	v0 =	vadd.f32 v0, v2;
	v2 =	vperm.xlane v25, v38  }
0x220: {  	v10 =	vadd.f32 v61, v10;
	v8 =	vmul.f32 v36, v8;
	v57 =	vperm.xlane v3, v28  }
0x221: {  	v3 =	vmul.f32 v7, v3;
	v51 =	vperm.xlane v9, v26;
	v2 =	vadd.f32 v2, v35  }
0x222: {  	v8 =	vadd.f32 v39, v8;
	v41 =	vperm.xlane v0, v30;
	v0 =	vmul.f32 v36, v0  }
0x223: {  	v1 =	vadd.f32 v54, v1;
	v45 =	vperm.xlane v2, v30;
	v2 =	vmul.f32 v36, v2  }
0x224: {  	v47 =	vperm.xlane v8, v26;
	v8 =	vmul.f32 v34, v8;
	v0 =	vadd.f32 v41, v0  }
0x225: {  	v9 =	vmul.f32 v34, v9;
	v3 =	vadd.f32 v57, v3;
	v2 =	vadd.f32 v45, v2  }
0x226: {  	v8 =	vadd.f32 v47, v8;
	v49 =	vperm.xlane v0, v26;
	v0 =	vmul.f32 v34, v0  }
0x227: {  	v9 =	vadd.f32 v51, v9;
	v53 =	vperm.xlane v2, v26;
	v2 =	vmul.f32 v34, v2  }
0x228: {  	v55 =	vperm.xlane v8, v28;
	v8 =	vmul.f32 v7, v8;
	v0 =	vadd.f32 v49, v0  }
0x229: {  	v24 =	vld [tilespmem:s9+$0x540];
	v60 =	vperm.xlane v9, v28;
	v9 =	vmul.f32 v7, v9;
	v2 =	vadd.f32 v53, v2  }
0x22a: {  	v29 =	vld [tilespmem:s9+$0x560];
	v8 =	vadd.f32 v55, v8;
	v58 =	vperm.xlane v0, v28;
	v0 =	vmul.f32 v7, v0  }
0x22b: {  	v9 =	vadd.f32 v60, v9;
	v62 =	vperm.xlane v2, v28;
	v2 =	vmul.f32 v7, v2  }
0x22c: {  	v63 =	vadd.f32 v8, v1;
	v0 =	vadd.f32 v58, v0  }
0x22d: {  	v27 =	vld [tilespmem:s9+$0x550];
	v1 =	vsub.f32 v1, v8;
	v2 =	vadd.f32 v62, v2  }
0x22e: {  	v33 =	vld [tilespmem:s9+$0x570];
	v12 =	vmul.f32 v32, v24;
	v8 =	vadd.f32 v0, v3;
	v0 =	vsub.f32 v3, v0  }
0x22f: {  	v22 =	vld [tilespmem:s9+$0x520];
	v39 =	vperm.xlane v29, v38;
	v3 =	vadd.f32 v9, v11;
	v9 =	vsub.f32 v11, v9  }
0x230: {  	v35 =	vperm.xlane v24, v38;
	v16 =	vadd.f32 v2, v10;
	v2 =	vsub.f32 v10, v2  }
0x231: {  	v11 =	vmul.f32 v32, v29;
	v17 =	vadd.f32 v8, v63;
	v8 =	vsub.f32 v63, v8  }
0x232: {  	v37 =	vmul.f32 v32, v27;
	v18 =	vadd.f32 v0, v1;
	v0 =	vsub.f32 v1, v0  }
0x233: {  	v23 =	vld [tilespmem:s9+$0x530];
	v40 =	vmul.f32 v32, v33;
	v10 =	vadd.f32 v35, v12;
	v11 =	vadd.f32 v39, v11  }
0x234: {  	v20 =	vld [tilespmem:s9+$0x510];
	v31 =	vperm.xlane v22, v38;
	v19 =	vadd.f32 v16, v3;
	v3 =	vsub.f32 v3, v16  }
0x235: {  	v1 =	vld [tilespmem:s9+$0x500];
	v21 =	vadd.f32 v2, v9;
	v2 =	vsub.f32 v9, v2;
	v9 =	vmul.f32 v32, v22  }
0x236: {  	v45 =	vperm.xlane v10, v30;
	v10 =	vmul.f32 v36, v10;
	v47 =	vadd.f32 v19, v17  }
0x237: {  	[tilespmem:$0x1FF90] =	vst v4;
	v48 =	vperm.xlane v11, v30;
	v4 =	vsub.f32 v17, v19;
	v50 =	vadd.f32 v21, v18  }
0x238: {  	v11 =	vmul.f32 v36, v11;
	v52 =	vadd.f32 v3, v8;
	v3 =	vsub.f32 v8, v3  }
0x239: {  	v8 =	vmul.f32 v32, v20;
	v54 =	vadd.f32 v2, v0;
	v0 =	vsub.f32 v0, v2  }
0x23a: {  	v2 =	vmul.f32 v32, v23;
	v9 =	vadd.f32 v31, v9;
	v25 =	vperm.xlane v1, v38  }
0x23b: {  	v10 =	vadd.f32 v45, v10;
	v1 =	vmul.f32 v32, v1;
	[tilespmem:$0x1FFE0] =	vst v3;
	v3 =	vperm.xlane v20, v38  }
0x23c: {  	v11 =	vadd.f32 v48, v11;
	[tilespmem:$0x1FF80] =	vst v0;
	v0 =	vperm.xlane v23, v38;
	v43 =	vperm.xlane v9, v30  }
0x23d: {  	[tilespmem:$0x1FFB0] =	vst v4;
	v4 =	vsub.f32 v18, v21;
	v9 =	vmul.f32 v36, v9;
	v58 =	vperm.xlane v10, v26  }
0x23e: {  	v10 =	vmul.f32 v34, v10;
	v60 =	vperm.xlane v11, v26;
	v1 =	vadd.f32 v25, v1  }
0x23f: {  	v11 =	vmul.f32 v34, v11;
	v3 =	vadd.f32 v3, v8;
	v8 =	vperm.xlane v27, v38  }
0x240: {  	v0 =	vadd.f32 v0, v2;
	v2 =	vperm.xlane v33, v38;
	v41 =	vperm.xlane v1, v30  }
0x241: {  	v9 =	vadd.f32 v43, v9;
	v1 =	vmul.f32 v36, v1;
	v42 =	vperm.xlane v3, v30  }
0x242: {  	v10 =	vadd.f32 v58, v10;
	v3 =	vmul.f32 v36, v3;
	v44 =	vperm.xlane v0, v30  }
0x243: {  	v11 =	vadd.f32 v60, v11;
	v0 =	vmul.f32 v36, v0;
	v55 =	vperm.xlane v9, v26  }
0x244: {  	v8 =	vadd.f32 v8, v37;
	v9 =	vmul.f32 v34, v9;
	v20 =	vperm.xlane v10, v28  }
0x245: {  	v2 =	vadd.f32 v2, v40;
	v10 =	vmul.f32 v7, v10;
	v22 =	vperm.xlane v11, v28  }
0x246: {  	v11 =	vmul.f32 v7, v11;
	v1 =	vadd.f32 v41, v1;
	v3 =	vadd.f32 v42, v3  }
0x247: {  	v46 =	vperm.xlane v8, v30;
	v8 =	vmul.f32 v36, v8;
	v0 =	vadd.f32 v44, v0  }
0x248: {  	v49 =	vperm.xlane v2, v30;
	v2 =	vmul.f32 v36, v2;
	v9 =	vadd.f32 v55, v9  }
0x249: {  	v10 =	vadd.f32 v20, v10;
	v51 =	vperm.xlane v1, v26;
	v1 =	vmul.f32 v34, v1  }
0x24a: {  	v11 =	vadd.f32 v22, v11;
	v53 =	vperm.xlane v3, v26;
	v3 =	vmul.f32 v34, v3  }
0x24b: {  	v8 =	vadd.f32 v46, v8;
	v57 =	vperm.xlane v0, v26;
	v0 =	vmul.f32 v34, v0  }
0x24c: {  	v2 =	vadd.f32 v49, v2;
	v18 =	vperm.xlane v9, v28;
	v9 =	vmul.f32 v7, v9  }
0x24d: {  	v1 =	vadd.f32 v51, v1;
	v59 =	vperm.xlane v8, v26;
	v8 =	vmul.f32 v34, v8  }
0x24e: {  	v3 =	vadd.f32 v53, v3;
	v61 =	vperm.xlane v2, v26;
	v2 =	vmul.f32 v34, v2  }
0x24f: {  	v0 =	vadd.f32 v57, v0;
	v62 =	vperm.xlane v1, v28;
	v1 =	vmul.f32 v7, v1  }
0x250: {  	v8 =	vadd.f32 v59, v8;
	v63 =	vperm.xlane v3, v28;
	v3 =	vmul.f32 v7, v3  }
0x251: {  	v2 =	vadd.f32 v61, v2;
	v19 =	vperm.xlane v0, v28;
	v0 =	vmul.f32 v7, v0  }
0x252: {  	v9 =	vadd.f32 v18, v9;
	v21 =	vperm.xlane v8, v28;
	v8 =	vmul.f32 v7, v8  }
0x253: {  	v60 =	vld [tilespmem:s9+$0x5F0];
	v1 =	vadd.f32 v62, v1;
	v23 =	vperm.xlane v2, v28;
	v2 =	vmul.f32 v7, v2  }
0x254: {  	v46 =	vld [tilespmem:s9+$0x5C0];
	v3 =	vadd.f32 v63, v3;
	v0 =	vadd.f32 v19, v0  }
0x255: {  	v8 =	vadd.f32 v21, v8;
	v2 =	vadd.f32 v23, v2  }
0x256: {  	v53 =	vld [tilespmem:s9+$0x5E0];
	v24 =	vadd.f32 v3, v1;
	v1 =	vsub.f32 v1, v3  }
0x257: {  	v3 =	vadd.f32 v0, v9;
	v0 =	vsub.f32 v9, v0  }
0x258: {  	v35 =	vld [tilespmem:s9+$0x590];
	v22 =	vmul.f32 v32, v60;
	v25 =	vadd.f32 v8, v10;
	v8 =	vsub.f32 v10, v8  }
0x259: {  	v49 =	vld [tilespmem:s9+$0x5D0];
	v18 =	vperm.xlane v46, v38;
	v27 =	vadd.f32 v2, v11;
	v2 =	vsub.f32 v11, v2  }
0x25a: {  	v12 =	vmul.f32 v32, v46;
	v29 =	vadd.f32 v3, v24;
	v3 =	vsub.f32 v24, v3  }
0x25b: {  	v21 =	vperm.xlane v53, v38;
	v31 =	vadd.f32 v0, v1;
	v0 =	vsub.f32 v1, v0  }
0x25c: {  	v45 =	vld [tilespmem:s9+$0x5B0];
	v10 =	vmul.f32 v32, v53;
	v11 =	vadd.f32 v18, v12;
	v33 =	vadd.f32 v27, v25  }
0x25d: {  	v51 =	vmul.f32 v32, v35;
	v9 =	vsub.f32 v25, v27;
	v44 =	vadd.f32 v2, v8  }
0x25e: {  	v20 =	vmul.f32 v32, v49;
	v2 =	vsub.f32 v8, v2;
	v10 =	vadd.f32 v21, v10  }
0x25f: {  	v19 =	vperm.xlane v49, v38;
	v1 =	vld [tilespmem:s9+$0x580];
	v39 =	vadd.f32 v33, v29;
	v61 =	vsub.f32 v29, v33  }
0x260: {  	v43 =	vadd.f32 v9, v3;
	v63 =	vsub.f32 v3, v9;
	v3 =	vperm.xlane v35, v38  }
0x261: {  	v8 =	vld [tilespmem:s9+$0x5A0];
	v59 =	vadd.f32 v2, v0;
	v0 =	vsub.f32 v0, v2;
	v2 =	vmul.f32 v32, v45  }
0x262: {  	v41 =	vadd.f32 v44, v31;
	v29 =	vperm.xlane v11, v30;
	v11 =	vmul.f32 v36, v11  }
0x263: {  	v9 =	vadd.f32 v19, v20;
	v33 =	vperm.xlane v10, v30;
	v10 =	vmul.f32 v36, v10  }
0x264: {  	v62 =	vsub.f32 v31, v44;
	v48 =	vperm.xlane v1, v38;
	v1 =	vmul.f32 v32, v1  }
0x265: {  	[tilespmem:$0x1FFF0] =	vst v0;
	v0 =	vperm.xlane v45, v38;
	v3 =	vadd.f32 v3, v51;
	v31 =	vperm.xlane v9, v30  }
0x266: {  	v9 =	vmul.f32 v36, v9;
	v11 =	vadd.f32 v29, v11;
	v55 =	vperm.xlane v8, v38  }
0x267: {  	v8 =	vmul.f32 v32, v8;
	v0 =	vadd.f32 v0, v2;
	v2 =	vperm.xlane v60, v38  }
0x268: {  	v10 =	vadd.f32 v33, v10;
	v24 =	vperm.xlane v3, v30;
	v3 =	vmul.f32 v36, v3  }
0x269: {  	v1 =	vadd.f32 v48, v1;
	v45 =	vperm.xlane v11, v26;
	v11 =	vmul.f32 v34, v11  }
0x26a: {  	v9 =	vadd.f32 v31, v9;
	v48 =	vperm.xlane v10, v26;
	v10 =	vmul.f32 v34, v10  }
0x26b: {  	v8 =	vadd.f32 v55, v8;
	v23 =	vperm.xlane v1, v30;
	v1 =	vmul.f32 v36, v1  }
0x26c: {  	v2 =	vadd.f32 v2, v22;
	v27 =	vperm.xlane v0, v30;
	v0 =	vmul.f32 v36, v0  }
0x26d: {  	v3 =	vadd.f32 v24, v3;
	v46 =	vperm.xlane v9, v26;
	v9 =	vmul.f32 v34, v9  }
0x26e: {  	v11 =	vadd.f32 v45, v11;
	v25 =	vperm.xlane v8, v30;
	v8 =	vmul.f32 v36, v8  }
0x26f: {  	v10 =	vadd.f32 v48, v10;
	v35 =	vperm.xlane v2, v30;
	v2 =	vmul.f32 v36, v2  }
0x270: {  	v1 =	vadd.f32 v23, v1;
	v40 =	vperm.xlane v3, v26;
	v3 =	vmul.f32 v34, v3  }
0x271: {  	v0 =	vadd.f32 v27, v0;
	v58 =	vperm.xlane v11, v28;
	v11 =	vmul.f32 v7, v11  }
0x272: {  	v24 =	vld [tilespmem:s9+$0x600];
	v9 =	vadd.f32 v46, v9;
	v18 =	vperm.xlane v10, v28;
	v10 =	vmul.f32 v7, v10  }
0x273: {  	v8 =	vadd.f32 v25, v8;
	v37 =	vperm.xlane v1, v26;
	v1 =	vmul.f32 v34, v1  }
0x274: {  	v2 =	vadd.f32 v35, v2;
	v44 =	vperm.xlane v0, v26;
	v0 =	vmul.f32 v34, v0  }
0x275: {  	v3 =	vadd.f32 v40, v3;
	v60 =	vperm.xlane v9, v28;
	v9 =	vmul.f32 v7, v9  }
0x276: {  	v11 =	vadd.f32 v58, v11;
	v10 =	vadd.f32 v18, v10;
	v42 =	vperm.xlane v8, v26  }
0x277: {  	v8 =	vmul.f32 v34, v8;
	v1 =	vadd.f32 v37, v1;
	v13 =	vmul.f32 v32, v24  }
0x278: {  	v0 =	vadd.f32 v44, v0;
	v49 =	vperm.xlane v2, v26;
	v2 =	vmul.f32 v34, v2  }
0x279: {  	v53 =	vperm.xlane v3, v28;
	v3 =	vmul.f32 v7, v3;
	v9 =	vadd.f32 v60, v9  }
0x27a: {  	v44 =	vperm.xlane v24, v38;
	v8 =	vadd.f32 v42, v8;
	v51 =	vperm.xlane v1, v28  }
0x27b: {  	v1 =	vmul.f32 v7, v1;
	v2 =	vadd.f32 v49, v2;
	v57 =	vperm.xlane v0, v28  }
0x27c: {  	v42 =	vld [tilespmem:s9+$0x640];
	v0 =	vmul.f32 v7, v0;
	v3 =	vadd.f32 v53, v3;
	v55 =	vperm.xlane v8, v28  }
0x27d: {  	v8 =	vmul.f32 v7, v8;
	v1 =	vadd.f32 v51, v1;
	v51 =	vadd.f32 v44, v13  }
0x27e: {  	v0 =	vadd.f32 v57, v0;
	v19 =	vperm.xlane v2, v28;
	v2 =	vmul.f32 v7, v2  }
0x27f: {  	v37 =	vld [tilespmem:s9+$0x620];
	v8 =	vadd.f32 v55, v8;
	v20 =	vadd.f32 v3, v1  }
0x280: {  	v46 =	vld [tilespmem:s9+$0x660];
	v1 =	vsub.f32 v1, v3;
	v2 =	vadd.f32 v19, v2  }
0x281: {  	v57 =	vperm.xlane v42, v38;
	v3 =	vadd.f32 v0, v8;
	v0 =	vsub.f32 v8, v0  }
0x282: {  	v45 =	vld [tilespmem:s9+$0x650];
	v12 =	vmul.f32 v32, v42;
	v8 =	vadd.f32 v9, v11;
	v9 =	vsub.f32 v11, v9  }
0x283: {  	v21 =	vadd.f32 v2, v10;
	v2 =	vsub.f32 v10, v2  }
0x284: {  	v48 =	vperm.xlane v37, v38;
	v12 =	vadd.f32 v57, v12;
	v22 =	vadd.f32 v3, v20  }
0x285: {  	v11 =	vmul.f32 v32, v46;
	v3 =	vsub.f32 v20, v3;
	v23 =	vadd.f32 v0, v1  }
0x286: {  	v25 =	vld [tilespmem:s9+$0x610];
	v10 =	vmul.f32 v36, v51;
	v1 =	vsub.f32 v1, v0;
	v0 =	vadd.f32 v21, v8  }
0x287: {  	v20 =	vmul.f32 v32, v45;
	v8 =	vsub.f32 v8, v21;
	v27 =	vadd.f32 v2, v9  }
0x288: {  	v40 =	vld [tilespmem:s9+$0x630];
	v2 =	vsub.f32 v9, v2;
	v9 =	vmul.f32 v32, v37;
	v21 =	vperm.xlane v46, v38  }
0x289: {  	v49 =	vld [tilespmem:s9+$0x670];
	v29 =	vperm.xlane v12, v30;
	v31 =	vadd.f32 v0, v22;
	v53 =	vsub.f32 v22, v0  }
0x28a: {  	v12 =	vmul.f32 v36, v12;
	v33 =	vadd.f32 v27, v23;
	v55 =	vsub.f32 v23, v27  }
0x28b: {  	v35 =	vadd.f32 v8, v3;
	v58 =	vsub.f32 v3, v8;
	v3 =	vperm.xlane v25, v38  }
0x28c: {  	v8 =	vmul.f32 v32, v25;
	v37 =	vadd.f32 v2, v1;
	v60 =	vsub.f32 v1, v2  }
0x28d: {  	v1 =	vperm.xlane v40, v38;
	v2 =	vmul.f32 v32, v40;
	v9 =	vadd.f32 v48, v9  }
0x28e: {  	v22 =	vmul.f32 v32, v49;
	v23 =	vperm.xlane v51, v30;
	v11 =	vadd.f32 v21, v11  }
0x28f: {  	v12 =	vadd.f32 v29, v12;
	v3 =	vadd.f32 v3, v8;
	v8 =	vperm.xlane v45, v38  }
0x290: {  	v1 =	vadd.f32 v1, v2;
	v2 =	vperm.xlane v49, v38;
	v25 =	vperm.xlane v9, v30  }
0x291: {  	v9 =	vmul.f32 v36, v9;
	v42 =	vperm.xlane v11, v30  }
0x292: {  	v10 =	vadd.f32 v23, v10;
	v11 =	vmul.f32 v36, v11;
	v51 =	vperm.xlane v12, v26  }
0x293: {  	v12 =	vmul.f32 v34, v12;
	v8 =	vadd.f32 v8, v20;
	v24 =	vperm.xlane v3, v30  }
0x294: {  	v3 =	vmul.f32 v36, v3;
	v2 =	vadd.f32 v2, v22;
	v27 =	vperm.xlane v1, v30  }
0x295: {  	v1 =	vmul.f32 v36, v1;
	v9 =	vadd.f32 v25, v9;
	v45 =	vperm.xlane v10, v26  }
0x296: {  	v10 =	vmul.f32 v34, v10;
	v11 =	vadd.f32 v42, v11;
	v40 =	vperm.xlane v8, v30  }
0x297: {  	v12 =	vadd.f32 v51, v12;
	v8 =	vmul.f32 v36, v8;
	v44 =	vperm.xlane v2, v30  }
0x298: {  	v3 =	vadd.f32 v24, v3;
	v2 =	vmul.f32 v36, v2;
	v48 =	vperm.xlane v9, v26  }
0x299: {  	v1 =	vadd.f32 v27, v1;
	v9 =	vmul.f32 v34, v9;
	v20 =	vperm.xlane v11, v26  }
0x29a: {  	v10 =	vadd.f32 v45, v10;
	v11 =	vmul.f32 v34, v11;
	v27 =	vperm.xlane v12, v28  }
0x29b: {  	v12 =	vmul.f32 v7, v12;
	v8 =	vadd.f32 v40, v8;
	v46 =	vperm.xlane v3, v26  }
0x29c: {  	v3 =	vmul.f32 v34, v3;
	v2 =	vadd.f32 v44, v2;
	v49 =	vperm.xlane v1, v26  }
0x29d: {  	v1 =	vmul.f32 v34, v1;
	v9 =	vadd.f32 v48, v9;
	v22 =	vperm.xlane v10, v28  }
0x29e: {  	v10 =	vmul.f32 v7, v10;
	v11 =	vadd.f32 v20, v11;
	v12 =	vadd.f32 v27, v12  }
0x29f: {  	v3 =	vadd.f32 v46, v3;
	v57 =	vperm.xlane v8, v26;
	v8 =	vmul.f32 v34, v8  }
0x2a0: {  	v1 =	vadd.f32 v49, v1;
	v21 =	vperm.xlane v2, v26;
	v2 =	vmul.f32 v34, v2  }
0x2a1: {  	v24 =	vperm.xlane v9, v28;
	v9 =	vmul.f32 v7, v9;
	v10 =	vadd.f32 v22, v10  }
0x2a2: {  	v40 =	vperm.xlane v11, v28;
	v11 =	vmul.f32 v7, v11;
	v8 =	vadd.f32 v57, v8  }
0x2a3: {  	v23 =	vperm.xlane v3, v28;
	v3 =	vmul.f32 v7, v3;
	v2 =	vadd.f32 v21, v2  }
0x2a4: {  	v25 =	vperm.xlane v1, v28;
	v1 =	vmul.f32 v7, v1;
	v9 =	vadd.f32 v24, v9  }
0x2a5: {  	v11 =	vadd.f32 v40, v11;
	v29 =	vperm.xlane v8, v28;
	v8 =	vmul.f32 v7, v8  }
0x2a6: {  	v3 =	vadd.f32 v23, v3;
	v42 =	vperm.xlane v2, v28;
	v2 =	vmul.f32 v7, v2  }
0x2a7: {  	v1 =	vadd.f32 v25, v1;
	v8 =	vadd.f32 v29, v8  }
0x2a8: {  	v2 =	vadd.f32 v42, v2;
	v44 =	vadd.f32 v3, v10  }
0x2a9: {  	v3 =	vsub.f32 v10, v3;
	v45 =	vadd.f32 v1, v9  }
0x2aa: {  	v1 =	vsub.f32 v9, v1;
	v46 =	vadd.f32 v8, v12  }
0x2ab: {  	v18 =	vld [tilespmem:s9+$0x690];
	v8 =	vsub.f32 v12, v8;
	v48 =	vadd.f32 v2, v11  }
0x2ac: {  	v2 =	vsub.f32 v11, v2;
	v49 =	vadd.f32 v45, v44  }
0x2ad: {  	v42 =	vld [tilespmem:s9+$0x6E0];
	v10 =	vsub.f32 v44, v45;
	v51 =	vadd.f32 v1, v3  }
0x2ae: {  	v20 =	vld [tilespmem:s9+$0x6B0];
	v1 =	vsub.f32 v3, v1;
	v57 =	vadd.f32 v48, v46  }
0x2af: {  	v13 =	vld [tilespmem:s9+$0x6C0];
	v9 =	vsub.f32 v46, v48;
	v19 =	vadd.f32 v2, v8  }
0x2b0: {  	v24 =	vperm.xlane v18, v38;
	v2 =	vsub.f32 v8, v2;
	v23 =	vadd.f32 v57, v49  }
0x2b1: {  	v40 =	vmul.f32 v32, v18;
	v3 =	vld [tilespmem:s9+$0x680];
	v45 =	vsub.f32 v49, v57;
	v25 =	vadd.f32 v19, v51  }
0x2b2: {  	v8 =	vld [tilespmem:s9+$0x6A0];
	v12 =	vmul.f32 v32, v42;
	v46 =	vsub.f32 v51, v19;
	v27 =	vadd.f32 v9, v10  }
0x2b3: {  	v22 =	vld [tilespmem:s9+$0x6D0];
	v29 =	vadd.f32 v2, v1;
	v51 =	vsub.f32 v1, v2;
	v1 =	vperm.xlane v20, v38  }
0x2b4: {  	v48 =	vsub.f32 v10, v9;
	v2 =	vmul.f32 v32, v20;
	v20 =	vperm.xlane v13, v38  }
0x2b5: {  	v57 =	vld [tilespmem:s9+$0x6F0];
	v13 =	vmul.f32 v32, v13;
	v9 =	vadd.f32 v24, v40;
	v24 =	vperm.xlane v42, v38  }
0x2b6: {  	v21 =	vperm.xlane v3, v38;
	v3 =	vmul.f32 v32, v3  }
0x2b7: {  	v11 =	vadd.f32 v20, v13;
	v44 =	vperm.xlane v8, v38;
	v8 =	vmul.f32 v32, v8  }
0x2b8: {  	v3 =	vadd.f32 v21, v3;
	v21 =	vperm.xlane v22, v38;
	v22 =	vmul.f32 v32, v22  }
0x2b9: {  	v20 =	vperm.xlane v11, v30;
	v11 =	vmul.f32 v36, v11  }
0x2ba: {  	v1 =	vadd.f32 v1, v2;
	v2 =	vperm.xlane v57, v38;
	v40 =	vmul.f32 v32, v57  }
0x2bb: {  	v12 =	vadd.f32 v24, v12;
	v42 =	vperm.xlane v3, v30;
	v3 =	vmul.f32 v36, v3  }
0x2bc: {  	v8 =	vadd.f32 v44, v8;
	v44 =	vperm.xlane v9, v30;
	v9 =	vmul.f32 v36, v9  }
0x2bd: {  	v10 =	vadd.f32 v21, v22;
	v57 =	vperm.xlane v1, v30;
	v1 =	vmul.f32 v36, v1  }
0x2be: {  	v22 =	vperm.xlane v12, v30;
	v12 =	vmul.f32 v36, v12;
	v11 =	vadd.f32 v20, v11  }
0x2bf: {  	v49 =	vperm.xlane v8, v30;
	v8 =	vmul.f32 v36, v8;
	v2 =	vadd.f32 v2, v40  }
0x2c0: {  	v3 =	vadd.f32 v42, v3;
	v21 =	vperm.xlane v10, v30;
	v10 =	vmul.f32 v36, v10  }
0x2c1: {  	v1 =	vadd.f32 v57, v1;
	v57 =	vperm.xlane v11, v26;
	v11 =	vmul.f32 v34, v11  }
0x2c2: {  	v9 =	vadd.f32 v44, v9;
	v24 =	vperm.xlane v2, v30;
	v2 =	vmul.f32 v36, v2  }
0x2c3: {  	v12 =	vadd.f32 v22, v12;
	v40 =	vperm.xlane v3, v26;
	v3 =	vmul.f32 v34, v3  }
0x2c4: {  	v8 =	vadd.f32 v49, v8;
	v42 =	vperm.xlane v9, v26;
	v9 =	vmul.f32 v34, v9  }
0x2c5: {  	v10 =	vadd.f32 v21, v10;
	v49 =	vperm.xlane v1, v26;
	v1 =	vmul.f32 v34, v1  }
0x2c6: {  	v21 =	vperm.xlane v12, v26;
	v12 =	vmul.f32 v34, v12;
	v11 =	vadd.f32 v57, v11  }
0x2c7: {  	v44 =	vperm.xlane v8, v26;
	v8 =	vmul.f32 v34, v8;
	v2 =	vadd.f32 v24, v2  }
0x2c8: {  	v3 =	vadd.f32 v40, v3;
	v20 =	vperm.xlane v10, v26;
	v10 =	vmul.f32 v34, v10  }
0x2c9: {  	v1 =	vadd.f32 v49, v1;
	v49 =	vperm.xlane v11, v28;
	v11 =	vmul.f32 v7, v11  }
0x2ca: {  	v9 =	vadd.f32 v42, v9;
	v22 =	vperm.xlane v2, v26;
	v2 =	vmul.f32 v34, v2  }
0x2cb: {  	v24 =	vperm.xlane v3, v28;
	v3 =	vmul.f32 v7, v3  }
0x2cc: {  	v12 =	vadd.f32 v21, v12;
	v40 =	vperm.xlane v9, v28;
	v9 =	vmul.f32 v7, v9  }
0x2cd: {  	v8 =	vadd.f32 v44, v8;
	v44 =	vperm.xlane v1, v28;
	v1 =	vmul.f32 v7, v1  }
0x2ce: {  	v10 =	vadd.f32 v20, v10;
	v20 =	vperm.xlane v12, v28;
	v12 =	vmul.f32 v7, v12  }
0x2cf: {  	v11 =	vadd.f32 v49, v11;
	v42 =	vperm.xlane v8, v28;
	v2 =	vadd.f32 v22, v2  }
0x2d0: {  	v8 =	vmul.f32 v7, v8;
	v3 =	vadd.f32 v24, v3;
	v9 =	vadd.f32 v40, v9  }
0x2d1: {  	v57 =	vperm.xlane v10, v28;
	v10 =	vmul.f32 v7, v10;
	v1 =	vadd.f32 v44, v1  }
0x2d2: {  	v12 =	vadd.f32 v20, v12;
	v8 =	vadd.f32 v42, v8  }
0x2d3: {  	v21 =	vperm.xlane v2, v28;
	v2 =	vmul.f32 v7, v2;
	v10 =	vadd.f32 v57, v10  }
0x2d4: {  	v22 =	vadd.f32 v9, v3;
	v3 =	vsub.f32 v3, v9  }
0x2d5: {  	v2 =	vadd.f32 v21, v2;
	v24 =	vadd.f32 v1, v8  }
0x2d6: {  	v1 =	vsub.f32 v8, v1;
	v8 =	vadd.f32 v10, v11  }
0x2d7: {  	v10 =	vsub.f32 v11, v10;
	v40 =	vadd.f32 v2, v12  }
0x2d8: {  	v2 =	vsub.f32 v12, v2;
	v42 =	vadd.f32 v24, v22  }
0x2d9: {  	v57 =	vld [tilespmem:s9+$0x710];
	v9 =	vsub.f32 v22, v24;
	v44 =	vadd.f32 v1, v3  }
0x2da: {  	v1 =	vsub.f32 v3, v1;
	v3 =	vld [tilespmem:s9+$0x700];
	v49 =	vadd.f32 v40, v8  }
0x2db: {  	v22 =	vld [tilespmem:s9+$0x720];
	v8 =	vsub.f32 v8, v40;
	v21 =	vadd.f32 v2, v10  }
0x2dc: {  	v12 =	vld [tilespmem:s9+$0x730];
	v2 =	vsub.f32 v10, v2;
	v15 =	vadd.f32 v49, v42  }
0x2dd: {  	v13 =	vld [tilespmem:s9+$0x740];
	v24 =	vsub.f32 v42, v49;
	v17 =	vadd.f32 v21, v44  }
0x2de: {  	v16 =	vld [tilespmem:s9+$0x750];
	v19 =	vadd.f32 v8, v9;
	v42 =	vsub.f32 v9, v8;
	v8 =	vperm.xlane v57, v38  }
0x2df: {  	v40 =	vsub.f32 v44, v21;
	v9 =	vmul.f32 v32, v57;
	v14 =	vperm.xlane v3, v38  }
0x2e0: {  	v11 =	vld [tilespmem:s9+$0x760];
	v21 =	vadd.f32 v2, v1;
	v3 =	vmul.f32 v32, v3;
	v49 =	vperm.xlane v22, v38  }
0x2e1: {  	v44 =	vsub.f32 v1, v2;
	v10 =	vmul.f32 v32, v22;
	v1 =	vperm.xlane v12, v38  }
0x2e2: {  	v57 =	vld [tilespmem:s9+$0x770];
	v2 =	vmul.f32 v32, v12;
	v12 =	vperm.xlane v13, v38  }
0x2e3: {  	v13 =	vmul.f32 v32, v13;
	v22 =	vmul.f32 v32, v16  }
0x2e4: {  	v8 =	vadd.f32 v8, v9;
	v9 =	vperm.xlane v16, v38;
	v3 =	vadd.f32 v14, v3  }
0x2e5: {  	v10 =	vadd.f32 v49, v10;
	v49 =	vperm.xlane v11, v38;
	v11 =	vmul.f32 v32, v11  }
0x2e6: {  	v9 =	vadd.f32 v9, v22;
	v22 =	vperm.xlane v8, v30;
	v8 =	vmul.f32 v36, v8  }
0x2e7: {  	v1 =	vadd.f32 v1, v2;
	v2 =	vperm.xlane v57, v38;
	v57 =	vmul.f32 v32, v57  }
0x2e8: {  	v12 =	vadd.f32 v12, v13;
	v13 =	vperm.xlane v3, v30;
	v3 =	vmul.f32 v36, v3  }
0x2e9: {  	v11 =	vadd.f32 v49, v11;
	v49 =	vperm.xlane v10, v30;
	v10 =	vmul.f32 v36, v10  }
0x2ea: {  	v8 =	vadd.f32 v22, v8;
	v22 =	vperm.xlane v9, v30;
	v9 =	vmul.f32 v36, v9  }
0x2eb: {  	v2 =	vadd.f32 v2, v57;
	v57 =	vperm.xlane v1, v30;
	v1 =	vmul.f32 v36, v1  }
0x2ec: {  	v3 =	vadd.f32 v13, v3;
	v13 =	vperm.xlane v12, v30;
	v12 =	vmul.f32 v36, v12  }
0x2ed: {  	v10 =	vadd.f32 v49, v10;
	v49 =	vperm.xlane v11, v30;
	v11 =	vmul.f32 v36, v11  }
0x2ee: {  	v9 =	vadd.f32 v22, v9;
	v22 =	vperm.xlane v8, v26;
	v8 =	vmul.f32 v34, v8  }
0x2ef: {  	v1 =	vadd.f32 v57, v1;
	v57 =	vperm.xlane v2, v30;
	v2 =	vmul.f32 v36, v2  }
0x2f0: {  	v12 =	vadd.f32 v13, v12;
	v13 =	vperm.xlane v3, v26;
	v3 =	vmul.f32 v34, v3  }
0x2f1: {  	v11 =	vadd.f32 v49, v11;
	v49 =	vperm.xlane v10, v26;
	v10 =	vmul.f32 v34, v10  }
0x2f2: {  	v8 =	vadd.f32 v22, v8;
	v22 =	vperm.xlane v9, v26;
	v9 =	vmul.f32 v34, v9  }
0x2f3: {  	v2 =	vadd.f32 v57, v2;
	v57 =	vperm.xlane v1, v26;
	v1 =	vmul.f32 v34, v1  }
0x2f4: {  	v3 =	vadd.f32 v13, v3;
	v13 =	vperm.xlane v12, v26;
	v12 =	vmul.f32 v34, v12  }
0x2f5: {  	v10 =	vadd.f32 v49, v10;
	v49 =	vperm.xlane v11, v26;
	v11 =	vmul.f32 v34, v11  }
0x2f6: {  	v9 =	vadd.f32 v22, v9;
	v22 =	vperm.xlane v8, v28;
	v8 =	vmul.f32 v7, v8  }
0x2f7: {  	v1 =	vadd.f32 v57, v1;
	v57 =	vperm.xlane v2, v26;
	v2 =	vmul.f32 v34, v2  }
0x2f8: {  	v12 =	vadd.f32 v13, v12;
	v13 =	vperm.xlane v3, v28;
	v3 =	vmul.f32 v7, v3  }
0x2f9: {  	v11 =	vadd.f32 v49, v11;
	v49 =	vperm.xlane v10, v28;
	v10 =	vmul.f32 v7, v10  }
0x2fa: {  	v8 =	vadd.f32 v22, v8;
	v22 =	vperm.xlane v9, v28;
	v9 =	vmul.f32 v7, v9  }
0x2fb: {  	v2 =	vadd.f32 v57, v2;
	v57 =	vperm.xlane v1, v28;
	v1 =	vmul.f32 v7, v1  }
0x2fc: {  	v3 =	vadd.f32 v13, v3;
	v13 =	vperm.xlane v12, v28;
	v12 =	vmul.f32 v7, v12  }
0x2fd: {  	v10 =	vadd.f32 v49, v10;
	v49 =	vperm.xlane v11, v28;
	v11 =	vmul.f32 v7, v11  }
0x2fe: {  	v9 =	vadd.f32 v22, v9;
	v1 =	vadd.f32 v57, v1;
	v57 =	vperm.xlane v2, v28  }
0x2ff: {  	v2 =	vmul.f32 v7, v2;
	v12 =	vadd.f32 v13, v12;
	v11 =	vadd.f32 v49, v11  }
0x300: {  	[tilespmem:s9+$0x0] =	vst v56;
	v56 =	vld [tilespmem:$0x1FB40];
	v18 =	vadd.f32 v8, v3;
	v3 =	vsub.f32 v3, v8  }
0x301: {  	v2 =	vadd.f32 v57, v2;
	v8 =	vadd.f32 v1, v10  }
0x302: {  	v1 =	vsub.f32 v10, v1;
	v20 =	vadd.f32 v9, v12  }
0x303: {  	v9 =	vsub.f32 v12, v9;
	v22 =	vadd.f32 v2, v11  }
0x304: {  	v2 =	vsub.f32 v11, v2;
	v11 =	vadd.f32 v8, v18  }
0x305: {  	[tilespmem:s9+$0x80] =	vst v56;
	v56 =	vld [tilespmem:$0x1FB50];
	v8 =	vsub.f32 v18, v8;
	v13 =	vadd.f32 v1, v3  }
0x306: {  	v12 =	vld [tilespmem:s9+$0x790];
	v1 =	vsub.f32 v3, v1;
	v49 =	vadd.f32 v22, v20  }
0x307: {  	v3 =	vld [tilespmem:s9+$0x780];
	v10 =	vsub.f32 v20, v22;
	v57 =	vadd.f32 v2, v9  }
0x308: {  	[tilespmem:$0x1FFD0] =	vst v4;
	v4 =	vld [tilespmem:s9+$0x7D0];
	v2 =	vsub.f32 v9, v2;
	v9 =	vadd.f32 v49, v11  }
0x309: {  	v22 =	vld [tilespmem:s9+$0x7A0];
	v16 =	vsub.f32 v11, v49;
	v11 =	vadd.f32 v57, v13  }
0x30a: {  	v18 =	vsub.f32 v13, v57;
	v13 =	vadd.f32 v10, v8  }
0x30b: {  	v49 =	vld [tilespmem:s9+$0x7B0];
	v20 =	vsub.f32 v8, v10;
	v8 =	vperm.xlane v12, v38;
	v10 =	vmul.f32 v32, v12  }
0x30c: {  	v57 =	vld [tilespmem:s9+$0x7C0];
	v14 =	vadd.f32 v2, v1;
	v0 =	vperm.xlane v3, v38;
	v3 =	vmul.f32 v32, v3  }
0x30d: {  	[tilespmem:$0x1FE60] =	vst v5;
	v12 =	vld [tilespmem:s9+$0x7E0];
	v8 =	vadd.f32 v8, v10;
	v10 =	vperm.xlane v4, v38;
	v4 =	vmul.f32 v32, v4  }
0x30e: {  	[tilespmem:s9+$0x100] =	vst v56;
	v56 =	vld [tilespmem:$0x1FB60];
	v1 =	vsub.f32 v1, v2;
	v5 =	vperm.xlane v22, v38;
	v22 =	vmul.f32 v32, v22  }
0x30f: {  	v6 =	vld [tilespmem:s9+$0x7F0];
	v4 =	vadd.f32 v10, v4;
	v10 =	vperm.xlane v8, v30;
	v8 =	vmul.f32 v36, v8  }
0x310: {  	v0 =	vadd.f32 v0, v3;
	v2 =	vperm.xlane v49, v38;
	v49 =	vmul.f32 v32, v49  }
0x311: {  	v3 =	vperm.xlane v57, v38;
	v57 =	vmul.f32 v32, v57;
	v5 =	vadd.f32 v5, v22  }
0x312: {  	v22 =	vperm.xlane v12, v38;
	v12 =	vmul.f32 v32, v12;
	v8 =	vadd.f32 v10, v8  }
0x313: {  	[tilespmem:s9+$0x180] =	vst v56;
	v56 =	vld [tilespmem:$0x1FB70];
	v10 =	vperm.xlane v4, v30;
	v4 =	vmul.f32 v36, v4;
	v2 =	vadd.f32 v2, v49  }
0x314: {  	v49 =	vperm.xlane v6, v38;
	v6 =	vmul.f32 v32, v6;
	v3 =	vadd.f32 v3, v57  }
0x315: {  	v57 =	vperm.xlane v0, v30;
	v0 =	vmul.f32 v36, v0;
	v12 =	vadd.f32 v22, v12  }
0x316: {  	v22 =	vperm.xlane v5, v30;
	v5 =	vmul.f32 v36, v5;
	v4 =	vadd.f32 v10, v4  }
0x317: {  	v10 =	vperm.xlane v8, v26;
	v8 =	vmul.f32 v34, v8;
	v6 =	vadd.f32 v49, v6  }
0x318: {  	[tilespmem:s9+$0x200] =	vst v56;
	v56 =	vld [tilespmem:$0x1FB80];
	v49 =	vperm.xlane v2, v30;
	v2 =	vmul.f32 v36, v2;
	v0 =	vadd.f32 v57, v0  }
0x319: {  	v57 =	vperm.xlane v3, v30;
	v3 =	vmul.f32 v36, v3;
	v5 =	vadd.f32 v22, v5  }
0x31a: {  	v22 =	vperm.xlane v12, v30;
	v12 =	vmul.f32 v36, v12;
	v8 =	vadd.f32 v10, v8  }
0x31b: {  	v10 =	vperm.xlane v4, v26;
	v4 =	vmul.f32 v34, v4;
	v2 =	vadd.f32 v49, v2  }
0x31c: {  	v49 =	vperm.xlane v6, v30;
	v6 =	vmul.f32 v36, v6;
	v3 =	vadd.f32 v57, v3  }
0x31d: {  	[tilespmem:s9+$0x280] =	vst v56;
	v56 =	vld [tilespmem:$0x1FB90];
	v57 =	vperm.xlane v0, v26;
	v0 =	vmul.f32 v34, v0;
	v12 =	vadd.f32 v22, v12  }
0x31e: {  	v22 =	vperm.xlane v5, v26;
	v5 =	vmul.f32 v34, v5;
	v4 =	vadd.f32 v10, v4  }
0x31f: {  	v6 =	vadd.f32 v49, v6;
	v49 =	vperm.xlane v2, v26;
	v2 =	vmul.f32 v34, v2  }
0x320: {  	v10 =	vperm.xlane v8, v28;
	v8 =	vmul.f32 v7, v8;
	v0 =	vadd.f32 v57, v0  }
0x321: {  	v2 =	vadd.f32 v49, v2;
	v49 =	vperm.xlane v6, v26;
	v6 =	vmul.f32 v34, v6  }
0x322: {  	[tilespmem:s9+$0x300] =	vst v56;
	v56 =	vld [tilespmem:$0x1FBA0];
	v57 =	vperm.xlane v3, v26;
	v3 =	vmul.f32 v34, v3;
	v5 =	vadd.f32 v22, v5  }
0x323: {  	v6 =	vadd.f32 v49, v6;
	v49 =	vperm.xlane v2, v28;
	v2 =	vmul.f32 v7, v2  }
0x324: {  	v3 =	vadd.f32 v57, v3;
	v57 =	vperm.xlane v0, v28;
	v0 =	vmul.f32 v7, v0  }
0x325: {  	v2 =	vadd.f32 v49, v2;
	v49 =	vperm.xlane v6, v28;
	v6 =	vmul.f32 v7, v6  }
0x326: {  	v8 =	vadd.f32 v10, v8;
	v0 =	vadd.f32 v57, v0  }
0x327: {  	[tilespmem:s9+$0x380] =	vst v56;
	v56 =	vld [tilespmem:$0x1FBB0];
	v22 =	vperm.xlane v12, v26;
	v12 =	vmul.f32 v34, v12;
	v6 =	vadd.f32 v49, v6  }
0x328: {  	v49 =	vadd.f32 v8, v0;
	v0 =	vsub.f32 v0, v8;
	v8 =	vld [tilespmem:$0x1FC60]  }
0x329: {  	v12 =	vadd.f32 v22, v12;
	v22 =	vperm.xlane v5, v28;
	v5 =	vmul.f32 v7, v5;
	_ =	sdelay $0x1  }
0x32a: {  	v5 =	vadd.f32 v22, v5  }
0x32b: {  	[tilespmem:s9+$0x10] =	vst v56;
	v56 =	vld [tilespmem:$0x1FBC0];
	v10 =	vperm.xlane v4, v28  }
0x32c: {  	v4 =	vmul.f32 v7, v4;
	[tilespmem:s9+$0x1A0] =	vst v8;
	v8 =	vadd.f32 v2, v5;
	v2 =	vsub.f32 v5, v2;
	v5 =	vld [tilespmem:$0x1FC70]  }
0x32d: {  	v57 =	vperm.xlane v3, v28;
	v3 =	vmul.f32 v7, v3;
	_ =	sdelay $0x1  }
0x32e: {  	v4 =	vadd.f32 v10, v4;
	v3 =	vadd.f32 v57, v3  }
0x32f: {  	[tilespmem:s9+$0x90] =	vst v56;
	v56 =	vld [tilespmem:$0x1FBD0]  }
0x330: {  	[tilespmem:s9+$0x220] =	vst v5;
	v5 =	vadd.f32 v4, v3;
	v3 =	vsub.f32 v3, v4;
	v4 =	vld [tilespmem:$0x1FC80]  }
0x331: {  	v22 =	vperm.xlane v12, v28;
	v12 =	vmul.f32 v7, v12;
	_ =	sdelay $0x1  }
0x332: {  	v57 =	vadd.f32 v22, v12  }
0x333: {  	[tilespmem:s9+$0x110] =	vst v56;
	v56 =	vld [tilespmem:$0x1FBE0]  }
0x334: {  	v12 =	vsub.f32 v49, v8;
	[tilespmem:s9+$0x2A0] =	vst v4;
	v4 =	vadd.f32 v6, v57  }
0x335: {  	v6 =	vsub.f32 v57, v6;
	v57 =	vadd.f32 v8, v49  }
0x336: {  	v49 =	vadd.f32 v2, v0;
	v0 =	vsub.f32 v0, v2;
	v2 =	vld [tilespmem:$0x1FCB0];
	_ =	sdelay $0x1  }
0x337: {  	[tilespmem:s9+$0x190] =	vst v56;
	v56 =	vld [tilespmem:$0x1FBF0];
	_ =	sdelay $0x2  }
0x338: {  	[tilespmem:s9+$0x30] =	vst v2;
	v2 =	vadd.f32 v4, v5;
	v4 =	vsub.f32 v5, v4;
	v5 =	vld [tilespmem:$0x1FCC0];
	_ =	sdelay $0x1  }
0x339: {  	[tilespmem:s9+$0x210] =	vst v56;
	v56 =	vld [tilespmem:$0x1FC00];
	_ =	sdelay $0x1  }
0x33a: {  	v8 =	vld [tilespmem:$0x1FCA0]  }
0x33b: {  	[tilespmem:s9+$0xB0] =	vst v5;
	v5 =	vadd.f32 v6, v3;
	v3 =	vsub.f32 v3, v6;
	v6 =	vld [tilespmem:$0x1FCD0];
	_ =	sdelay $0x1  }
0x33c: {  	[tilespmem:s9+$0x290] =	vst v56;
	v56 =	vld [tilespmem:$0x1FC10];
	_ =	sdelay $0x1  }
0x33d: {  	[tilespmem:s9+$0x3A0] =	vst v8  }
0x33e: {  	v8 =	vsub.f32 v57, v2;
	[tilespmem:s9+$0x130] =	vst v6;
	v6 =	vadd.f32 v2, v57;
	v2 =	vld [tilespmem:$0x1FCE0];
	_ =	sdelay $0x1  }
0x33f: {  	[tilespmem:s9+$0x310] =	vst v56;
	v56 =	vld [tilespmem:$0x1FC20];
	_ =	sdelay $0x2  }
0x340: {  	v10 =	vsub.f32 v49, v5;
	[tilespmem:s9+$0x1B0] =	vst v2;
	v2 =	vadd.f32 v5, v49;
	v5 =	vld [tilespmem:$0x1FCF0];
	_ =	sdelay $0x1  }
0x341: {  	[tilespmem:s9+$0x390] =	vst v56;
	v56 =	vld [tilespmem:$0x1FC30];
	_ =	sdelay $0x2  }
0x342: {  	[tilespmem:s9+$0x230] =	vst v5;
	v5 =	vadd.f32 v4, v12;
	v12 =	vsub.f32 v12, v4;
	v4 =	vld [tilespmem:$0x1FD00];
	_ =	sdelay $0x1  }
0x343: {  	[tilespmem:s9+$0x20] =	vst v56;
	v56 =	vld [tilespmem:$0x1FC40]  }
0x344: {  	v22 =	vld [tilespmem:$0x1FC50]  }
0x345: {  	v57 =	vld [tilespmem:$0x1FD40]  }
0x346: {  	v49 =	vsub.f32 v0, v3;
	[tilespmem:s9+$0x2B0] =	vst v4;
	v4 =	vadd.f32 v3, v0;
	v0 =	vld [tilespmem:$0x1FD10]  }
0x347: {  	v3 =	vld [tilespmem:$0x1FD20];
	_ =	sdelay $0x1  }
0x348: {  	[tilespmem:s9+$0xA0] =	vst v56  }
0x349: {  	[tilespmem:s9+$0x120] =	vst v22;
	v22 =	vadd.f32 v31, v39  }
0x34a: {  	v56 =	vld [tilespmem:$0x1FC90];
	v31 =	vsub.f32 v39, v31;
	v39 =	vadd.f32 v15, v23;
	[tilespmem:s9+$0x40] =	vst v57  }
0x34b: {  	v15 =	vsub.f32 v23, v15;
	v57 =	vld [tilespmem:$0x1FD70];
	[tilespmem:s9+$0x330] =	vst v0;
	v0 =	vadd.f32 v47, v3  }
0x34c: {  	v23 =	vadd.f32 v6, v9;
	v3 =	vsub.f32 v3, v47  }
0x34d: {  	v6 =	vsub.f32 v9, v6;
	v9 =	vadd.f32 v22, v0  }
0x34e: {  	v0 =	vsub.f32 v0, v22;
	v22 =	vadd.f32 v31, v3  }
0x34f: {  	[tilespmem:s9+$0x320] =	vst v56;
	v56 =	vld [tilespmem:$0x1FD30];
	v3 =	vsub.f32 v3, v31;
	v31 =	vadd.f32 v23, v39  }
0x350: {  	[tilespmem:s9+$0x1C0] =	vst v57;
	v57 =	vadd.f32 v6, v15;
	v6 =	vsub.f32 v15, v6  }
0x351: {  	v15 =	vadd.f32 v31, v9;
	v9 =	vsub.f32 v9, v31  }
0x352: {  	v31 =	vadd.f32 v57, v22;
	v22 =	vsub.f32 v22, v57;
	v57 =	vld [tilespmem:$0x1FDC0];
	_ =	sdelay $0x1  }
0x353: {  	[tilespmem:s9+$0x3B0] =	vst v56;
	v56 =	vld [tilespmem:$0x1FD60];
	_ =	sdelay $0x1  }
0x354: {  	v47 =	vld [tilespmem:$0x1FD50]  }
0x355: {  	[tilespmem:s9+$0x50] =	vst v57;
	v57 =	vld [tilespmem:$0x1FE00];
	_ =	sdelay $0x1  }
0x356: {  	[tilespmem:s9+$0x140] =	vst v56;
	v56 =	vld [tilespmem:$0x1FD90];
	_ =	sdelay $0x1  }
0x357: {  	[tilespmem:s9+$0xC0] =	vst v47;
	v47 =	vld [tilespmem:$0x1FD80]  }
0x358: {  	[tilespmem:s9+$0x1D0] =	vst v57;
	v57 =	vld [tilespmem:$0x1FE20];
	_ =	sdelay $0x1  }
0x359: {  	[tilespmem:s9+$0x2C0] =	vst v56;
	v56 =	vld [tilespmem:$0x1FDB0];
	_ =	sdelay $0x1  }
0x35a: {  	[tilespmem:s9+$0x240] =	vst v47;
	v47 =	vld [tilespmem:$0x1FDA0]  }
0x35b: {  	v23 =	vsub.f32 v39, v23;
	[tilespmem:s9+$0x2D0] =	vst v57;
	v57 =	vld [tilespmem:$0x1FE40];
	_ =	sdelay $0x1  }
0x35c: {  	[tilespmem:s9+$0x3C0] =	vst v56;
	v56 =	vld [tilespmem:$0x1FDF0];
	v39 =	vadd.f32 v23, v0;
	v0 =	vsub.f32 v0, v23  }
0x35d: {  	v23 =	vadd.f32 v6, v3;
	v3 =	vsub.f32 v3, v6;
	v6 =	vld [tilespmem:$0x1FDE0]  }
0x35e: {  	[tilespmem:s9+$0x340] =	vst v47;
	v47 =	vld [tilespmem:$0x1FDD0]  }
0x35f: {  	[tilespmem:s9+$0x3D0] =	vst v57;
	v57 =	vld [tilespmem:$0x1FE60];
	_ =	sdelay $0x2  }
0x360: {  	[tilespmem:s9+$0x150] =	vst v6  }
0x361: {  	v6 =	vadd.f32 v50, v56;
	[tilespmem:s9+$0xD0] =	vst v47;
	v47 =	vsub.f32 v56, v50;
	v56 =	vld [tilespmem:$0x1FE10]  }
0x362: {  	[tilespmem:s9+$0xE0] =	vst v57;
	v57 =	vld [tilespmem:$0x1FE80];
	_ =	sdelay $0x3  }
0x363: {  	[tilespmem:s9+$0x250] =	vst v56;
	v56 =	vld [tilespmem:$0x1FE30]  }
0x364: {  	[tilespmem:s9+$0x1E0] =	vst v57;
	v57 =	vld [tilespmem:$0x1FEA0];
	_ =	sdelay $0x3  }
0x365: {  	[tilespmem:s9+$0x350] =	vst v56;
	v56 =	vld [tilespmem:$0x1FE50]  }
0x366: {  	[tilespmem:s9+$0x2E0] =	vst v57;
	v57 =	vld [tilespmem:$0x1FEE0];
	_ =	sdelay $0x3  }
0x367: {  	[tilespmem:s9+$0x60] =	vst v56;
	v56 =	vld [tilespmem:$0x1FE70]  }
0x368: {  	[tilespmem:s9+$0x70] =	vst v57;
	v57 =	vld [tilespmem:$0x1FEF0];
	_ =	sdelay $0x3  }
0x369: {  	[tilespmem:s9+$0x160] =	vst v56;
	v56 =	vld [tilespmem:$0x1FE90]  }
0x36a: {  	[tilespmem:s9+$0xF0] =	vst v57;
	v57 =	vld [tilespmem:$0x1FF00];
	_ =	sdelay $0x2  }
0x36b: {  	v50 =	vadd.f32 v33, v41;
	v33 =	vsub.f32 v41, v33  }
0x36c: {  	v41 =	vadd.f32 v17, v25;
	v17 =	vsub.f32 v25, v17;
	[tilespmem:s9+$0x260] =	vst v56;
	v56 =	vld [tilespmem:$0x1FEB0]  }
0x36d: {  	v25 =	vadd.f32 v2, v11;
	v2 =	vsub.f32 v11, v2;
	[tilespmem:s9+$0x170] =	vst v57;
	v57 =	vld [tilespmem:$0x1FF20]  }
0x36e: {  	v11 =	vadd.f32 v50, v6;
	v6 =	vsub.f32 v6, v50  }
0x36f: {  	v50 =	vadd.f32 v33, v47;
	v33 =	vsub.f32 v47, v33  }
0x370: {  	v47 =	vadd.f32 v25, v41;
	v25 =	vsub.f32 v41, v25  }
0x371: {  	v41 =	vadd.f32 v2, v17;
	v2 =	vsub.f32 v17, v2;
	[tilespmem:s9+$0x360] =	vst v56;
	v56 =	vld [tilespmem:$0x1FEC0]  }
0x372: {  	v17 =	vadd.f32 v47, v11;
	v11 =	vsub.f32 v11, v47;
	[tilespmem:s9+$0x270] =	vst v57;
	v57 =	vld [tilespmem:$0x1FF30]  }
0x373: {  	v47 =	vadd.f32 v41, v50;
	v41 =	vsub.f32 v50, v41  }
0x374: {  	v50 =	vadd.f32 v25, v6;
	v6 =	vsub.f32 v6, v25  }
0x375: {  	v25 =	vadd.f32 v2, v33;
	v2 =	vsub.f32 v33, v2  }
0x376: {  	v33 =	vadd.f32 v52, v56;
	v52 =	vsub.f32 v56, v52;
	v56 =	vld [tilespmem:$0x1FED0]  }
0x377: {  	[tilespmem:s9+$0x2F0] =	vst v57;
	v57 =	vld [tilespmem:$0x1FF40];
	_ =	sdelay $0x3  }
0x378: {  	[tilespmem:s9+$0x3E0] =	vst v56  }
0x379: {  	v56 =	vadd.f32 v35, v43;
	v35 =	vsub.f32 v43, v35;
	[tilespmem:s9+$0x370] =	vst v57;
	v57 =	vld [tilespmem:$0x1FF50]  }
0x37a: {  	v43 =	vadd.f32 v19, v27;
	v19 =	vsub.f32 v27, v19  }
0x37b: {  	v27 =	vadd.f32 v5, v13;
	v5 =	vsub.f32 v13, v5  }
0x37c: {  	v13 =	vadd.f32 v56, v33;
	v33 =	vsub.f32 v33, v56;
	v56 =	vld [tilespmem:$0x1FF10];
	_ =	sdelay $0x1  }
0x37d: {  	[tilespmem:s9+$0x3F0] =	vst v57;
	v57 =	vld [tilespmem:$0x1FF70];
	_ =	sdelay $0x2  }
0x37e: {  	[tilespmem:s9+$0x1F0] =	vst v56;
	v56 =	vadd.f32 v35, v52;
	v35 =	vsub.f32 v52, v35  }
0x37f: {  	v52 =	vadd.f32 v27, v43;
	v27 =	vsub.f32 v43, v27  }
0x380: {  	v43 =	vadd.f32 v5, v19;
	v5 =	vsub.f32 v19, v5;
	[tilespmem:s9+$0x470] =	vst v57;
	v57 =	vld [tilespmem:$0x1FF80]  }
0x381: {  	v19 =	vadd.f32 v52, v13;
	v13 =	vsub.f32 v13, v52  }
0x382: {  	v52 =	vadd.f32 v43, v56;
	v43 =	vsub.f32 v56, v43;
	v56 =	vld [tilespmem:$0x1FF60]  }
0x383: {  	[tilespmem:s9+$0x400] =	vst v15  }
0x384: {  	v15 =	vadd.f32 v37, v59;
	v37 =	vsub.f32 v59, v37;
	[tilespmem:s9+$0x480] =	vst v31  }
0x385: {  	v31 =	vadd.f32 v21, v29;
	v21 =	vsub.f32 v29, v21;
	[tilespmem:s9+$0x4F0] =	vst v57;
	v57 =	vld [tilespmem:$0x1FF90]  }
0x386: {  	[tilespmem:s9+$0x710] =	vst v6;
	v6 =	vadd.f32 v8, v16;
	v8 =	vsub.f32 v16, v8  }
0x387: {  	[tilespmem:s9+$0x460] =	vst v56;
	v56 =	vadd.f32 v27, v33;
	v27 =	vsub.f32 v33, v27  }
0x388: {  	v33 =	vadd.f32 v5, v35;
	v5 =	vsub.f32 v35, v5  }
0x389: {  	[tilespmem:s9+$0x720] =	vst v27;
	v27 =	vadd.f32 v10, v18;
	v10 =	vsub.f32 v18, v10  }
0x38a: {  	v35 =	vadd.f32 v54, v57;
	v54 =	vsub.f32 v57, v54  }
0x38b: {  	[tilespmem:s9+$0x500] =	vst v39;
	v57 =	vadd.f32 v4, v14;
	v4 =	vsub.f32 v14, v4  }
0x38c: {  	[tilespmem:s9+$0x580] =	vst v23;
	v59 =	vadd.f32 v15, v35;
	v15 =	vsub.f32 v35, v15  }
0x38d: {  	[tilespmem:s9+$0x600] =	vst v9;
	v35 =	vadd.f32 v37, v54;
	v37 =	vsub.f32 v54, v37  }
0x38e: {  	[tilespmem:s9+$0x680] =	vst v22;
	v39 =	vadd.f32 v57, v31;
	v29 =	vsub.f32 v31, v57  }
0x38f: {  	[tilespmem:s9+$0x700] =	vst v0;
	v0 =	vadd.f32 v4, v21;
	v4 =	vsub.f32 v21, v4  }
0x390: {  	[tilespmem:s9+$0x780] =	vst v3;
	v3 =	vadd.f32 v39, v59;
	v14 =	vsub.f32 v59, v39  }
0x391: {  	[tilespmem:s9+$0x410] =	vst v17;
	v17 =	vadd.f32 v0, v35;
	v0 =	vsub.f32 v35, v0  }
0x392: {  	[tilespmem:s9+$0x490] =	vst v47;
	v9 =	vadd.f32 v29, v15;
	v15 =	vsub.f32 v15, v29  }
0x393: {  	[tilespmem:s9+$0x510] =	vst v50;
	v50 =	vld [tilespmem:$0x1FFA0];
	v21 =	vadd.f32 v4, v37;
	v4 =	vsub.f32 v37, v4  }
0x394: {  	[tilespmem:s9+$0x590] =	vst v25;
	v54 =	vld [tilespmem:$0x1FFB0];
	v59 =	vadd.f32 v53, v61;
	v37 =	vadd.f32 v24, v45  }
0x395: {  	[tilespmem:s9+$0x610] =	vst v11;
	v35 =	vsub.f32 v61, v53;
	v24 =	vsub.f32 v45, v24  }
0x396: {  	[tilespmem:s9+$0x690] =	vst v41;
	v61 =	vadd.f32 v40, v46;
	v45 =	vadd.f32 v6, v37  }
0x397: {  	[tilespmem:s9+$0x790] =	vst v2;
	v6 =	vsub.f32 v37, v6;
	v47 =	vadd.f32 v8, v24  }
0x398: {  	v8 =	vsub.f32 v24, v8;
	[tilespmem:s9+$0x430] =	vst v3;
	v3 =	vadd.f32 v55, v62  }
0x399: {  	[tilespmem:s9+$0x6B0] =	vst v0;
	v0 =	vadd.f32 v27, v61;
	v57 =	vadd.f32 v54, v50  }
0x39a: {  	[tilespmem:s9+$0x530] =	vst v9;
	v9 =	vsub.f32 v61, v27;
	v23 =	vsub.f32 v50, v54  }
0x39b: {  	[tilespmem:s9+$0x420] =	vst v19;
	v61 =	vsub.f32 v51, v44;
	v2 =	vadd.f32 v59, v57  }
0x39c: {  	[tilespmem:s9+$0x4A0] =	vst v52;
	v11 =	vsub.f32 v57, v59;
	v39 =	vadd.f32 v35, v23  }
0x39d: {  	[tilespmem:s9+$0x620] =	vst v13;
	v41 =	vsub.f32 v23, v35;
	v59 =	vsub.f32 v62, v55  }
0x39e: {  	[tilespmem:s9+$0x6A0] =	vst v43;
	v62 =	vsub.f32 v46, v40;
	v46 =	vadd.f32 v42, v48  }
0x39f: {  	[tilespmem:s9+$0x520] =	vst v56;
	v50 =	vadd.f32 v45, v2;
	v2 =	vsub.f32 v2, v45  }
0x3a0: {  	[tilespmem:s9+$0x5A0] =	vst v33;
	v56 =	vld [tilespmem:$0x1FFC0];
	v52 =	vadd.f32 v47, v39;
	v16 =	vsub.f32 v39, v47  }
0x3a1: {  	[tilespmem:s9+$0x7A0] =	vst v5;
	v57 =	vld [tilespmem:$0x1FFD0];
	v53 =	vadd.f32 v6, v11;
	v6 =	vsub.f32 v11, v6  }
0x3a2: {  	[tilespmem:s9+$0x4B0] =	vst v17;
	v54 =	vadd.f32 v8, v41;
	v8 =	vsub.f32 v41, v8  }
0x3a3: {  	[tilespmem:s9+$0x5B0] =	vst v21;
	v33 =	vadd.f32 v10, v62;
	v10 =	vsub.f32 v62, v10  }
0x3a4: {  	v45 =	vsub.f32 v63, v58;
	v47 =	vsub.f32 v48, v42;
	[tilespmem:s9+$0x640] =	vst v2  }
0x3a5: {  	v35 =	vld [tilespmem:s9+$0x460];
	v2 =	vadd.f32 v58, v63;
	[tilespmem:s9+$0x740] =	vst v6;
	v6 =	vadd.f32 v12, v20  }
0x3a6: {  	[tilespmem:s9+$0x630] =	vst v14;
	v41 =	vld [tilespmem:$0x1FFE0];
	v12 =	vsub.f32 v20, v12;
	v5 =	vadd.f32 v57, v56  }
0x3a7: {  	[tilespmem:s9+$0x440] =	vst v50;
	v19 =	vsub.f32 v56, v57;
	v50 =	vadd.f32 v6, v46  }
0x3a8: {  	[tilespmem:s9+$0x540] =	vst v53;
	v6 =	vsub.f32 v46, v6;
	v53 =	vadd.f32 v12, v47  }
0x3a9: {  	[tilespmem:s9+$0x730] =	vst v15;
	v12 =	vsub.f32 v47, v12;
	v29 =	vadd.f32 v3, v5  }
0x3aa: {  	[tilespmem:s9+$0x7B0] =	vst v4;
	v3 =	vsub.f32 v5, v3;
	v5 =	vadd.f32 v59, v19  }
0x3ab: {  	[tilespmem:s9+$0x4C0] =	vst v52;
	v31 =	vsub.f32 v19, v59;
	v43 =	vadd.f32 v35, v41  }
0x3ac: {  	[tilespmem:s9+$0x5C0] =	vst v54;
	v52 =	vld [tilespmem:s9+$0x470];
	v14 =	vsub.f32 v35, v41;
	v4 =	vadd.f32 v0, v29  }
0x3ad: {  	[tilespmem:s9+$0x6C0] =	vst v16;
	v54 =	vld [tilespmem:s9+$0x4F0];
	v0 =	vsub.f32 v29, v0;
	v37 =	vadd.f32 v33, v5  }
0x3ae: {  	[tilespmem:s9+$0x7C0] =	vst v8;
	v58 =	vld [tilespmem:$0x1FFF0];
	v5 =	vsub.f32 v5, v33;
	v39 =	vadd.f32 v9, v3  }
0x3af: {  	v3 =	vsub.f32 v3, v9;
	v40 =	vadd.f32 v10, v31;
	[tilespmem:s9+$0x450] =	vst v4  }
0x3b0: {  	v10 =	vsub.f32 v31, v10;
	v8 =	vadd.f32 v43, v2;
	[tilespmem:s9+$0x4D0] =	vst v37  }
0x3b1: {  	v2 =	vsub.f32 v43, v2;
	v48 =	vsub.f32 v14, v45;
	[tilespmem:s9+$0x550] =	vst v39  }
0x3b2: {  	v56 =	vadd.f32 v54, v52;
	v57 =	vsub.f32 v52, v54;
	[tilespmem:s9+$0x5D0] =	vst v40  }
0x3b3: {  	v59 =	vadd.f32 v60, v58;
	v4 =	vadd.f32 v14, v45;
	[tilespmem:s9+$0x650] =	vst v0  }
0x3b4: {  	v55 =	vadd.f32 v8, v50;
	v8 =	vsub.f32 v8, v50;
	[tilespmem:s9+$0x6D0] =	vst v5  }
0x3b5: {  	v5 =	vadd.f32 v2, v6;
	v2 =	vsub.f32 v2, v6;
	[tilespmem:s9+$0x750] =	vst v3  }
0x3b6: {  	v3 =	vadd.f32 v48, v12;
	v6 =	vsub.f32 v48, v12;
	[tilespmem:s9+$0x7D0] =	vst v10  }
0x3b7: {  	v12 =	vsub.f32 v58, v60;
	v0 =	vadd.f32 v4, v53;
	[tilespmem:s9+$0x560] =	vst v5  }
0x3b8: {  	v4 =	vsub.f32 v4, v53;
	v5 =	vadd.f32 v49, v1;
	[tilespmem:s9+$0x5E0] =	vst v3  }
0x3b9: {  	v1 =	vsub.f32 v1, v49;
	v3 =	vadd.f32 v56, v59;
	[tilespmem:s9+$0x660] =	vst v8  }
0x3ba: {  	v8 =	vadd.f32 v57, v12;
	[tilespmem:s9+$0x4E0] =	vst v0;
	v0 =	vadd.f32 v44, v51  }
0x3bb: {  	[tilespmem:s9+$0x6E0] =	vst v4;
	v4 =	vsub.f32 v57, v12;
	v63 =	vadd.f32 v1, v61  }
0x3bc: {  	[tilespmem:s9+$0x460] =	vst v55;
	v1 =	vsub.f32 v61, v1;
	v62 =	vadd.f32 v5, v0  }
0x3bd: {  	[tilespmem:s9+$0x760] =	vst v2;
	v0 =	vsub.f32 v0, v5;
	v5 =	vadd.f32 v8, v63  }
0x3be: {  	v9 =	vsub.f32 v56, v59;
	[tilespmem:s9+$0x7E0] =	vst v6;
	v2 =	vadd.f32 v3, v62  }
0x3bf: {  	[tilespmem:s9+$0x4F0] =	vst v5;
	v5 =	vadd.f32 v4, v1  }
0x3c0: {  	[tilespmem:s9+$0x470] =	vst v2;
	v2 =	vadd.f32 v9, v0  }
0x3c1: {  	p0 =	slt.u32 s8, $0x1E;
	v3 =	vsub.f32 v3, v62;
	v1 =	vsub.f32 v4, v1;
	[tilespmem:s9+$0x5F0] =	vst v5  }
.Ltmp0:
0x3c2: {  	v0 =	vsub.f32 v9, v0;
	[tilespmem:s9+$0x570] =	vst v2;
	v2 =	vsub.f32 v8, v63;
	(pc) =	sbr.rel @p0 .LBB2_2-.Ltmp0, $4  }
0x3c3: {  	[tilespmem:s9+$0x670] =	vst v3  }
0x3c4: {  	[tilespmem:s9+$0x7F0] =	vst v1  }
0x3c5: {  	v6 =	vmov v26;
	v4 =	vmov v30;
	[tilespmem:s9+$0x770] =	vst v0  }
0x3c6: {  	s8 =	sadd.s32 $0x2, s8;
	v3 =	vmovc v38;
	v5 =	vmovc v28;
	v1 =	vmov v36;
	[tilespmem:s9+$0x6F0] =	vst v2;
	v0 =	vmov v32;
	v2 =	vmov v34  }
0x3c7: {  	s7 =	sadd.s32 $0x1, s7  }
0x3c8: {  	p0 =	sne.s32 s7, s5  }
.Ltmp1:
0x3c9: {  	_ = 	snop;
	(pc) =	sbr.rel @p0 .LBB2_1-.Ltmp1, $4  }
0x3ca: {  	[hbm4b:s4+s2] =	stream.linear.scatter [tilespmem:s2], [sflag:$0x1], $0x8000, $0x38;
	[tilespmem:$0x8000] =	vst v63  }
0x3cb: {  	_ =	swait.ge [sflag:s6], $0x8000  }
0x3cc: {  	[sflag:s6] =	ssyncset.done $0x0  }
0x3cd: {  	[sflag:s6] =	ssyncadd.s32 $0xFFFF8000  }
0x3ce: {  	_ =	sfence.sel $0x180000  }
0x3cf: {  	[bflag:$0x0] =	sbarrier.arrive $0xFFFF  }
0x3d0: {  	p0 =	sne.s32 s1, $0x0;
	_ =	strace $0x90000047  }
0x3d1: {  	s0 =	sadd.s32 @!p0 $0x100000, s0;
	[bflag:$0x2] =	sbarrier.arrive $0xFFFF  }
0x3d2: {  	[sflag:s0] =	ssyncadd.tile.s32 @!p0 $0x1;
	_ =	shalt  }
.Lfunc_end2:
_tile_overlayer_lowered:
.L_overlay_start_2:
0x3d3: {  	(tag) =	ssettag $0x2  }
0x3d4: {  	s0 =	rddreg [dreg:$0x0];
	s2 =	stileid.u32  }
0x3d5: {  	s1 =	rddreg [dreg:$0x1];
	p0 =	sne.s32 s2, $0x0  }
0x3d6: {  	s3 =	rddreg [dreg:$0x2];
	[bflag:$0x3] =	sbarrier.arrive $0xFFFF;
	s2 =	simm.s32 @!p0 $0x1C01  }
0x3d7: {  	[timem:s3], [sflag:s2] =	dma.local @!p0 [hbm:s0], s1  }
0x3d8: {  	s0 =	simm.s32 @!p0 $0x1  }
0x3d9: {  	_ =	swait.ge @!p0 [sflag:s0], s1  }
0x3da: {  	s1 =	ssub.s32 @!p0 $0x0, s1;
	[sflag:s0] =	ssyncset.done @!p0 $0x0  }
0x3db: {  	[sflag:s0] =	ssyncadd.s32 @!p0 s1  }
0x3dc: {  	[bflag:$0x3] =	sbarrier.arrive $0xFFFF  }
0x3dd: {  	_ =	shalt  }

</sc_bundles>
